<compile_context>
chip_gen: v7x
topology: tpu7x:2x2x1
jax: 0.10.2.dev20260603
libtpu: 0.0.44.dev20260713+nightly
codegen_flags: <defaults>
</compile_context>

<pallas_src>
import functools

import jax
import jax.numpy as jnp
from jax import lax
from jax.experimental import pallas as pl
from jax.experimental.pallas import tpu as pltpu
from jax.experimental.pallas import tpu_sc as plsc

N = 10000
E = 320000
D = 128
C = 10
NUM_STEPS = 4

NC = 2
NS = 16
NW = NC * NS
CK = 40
CH = 250
NBUF = 5
NP = 10240
RPT = NP // NS

ROWS_TC = 2000


def _sc_agg(p, e3, zblk):
    mesh = plsc.VectorSubcoreMesh(core_axis_name="c", subcore_axis_name="s")

    @functools.partial(
        pl.kernel,
        out_type=jax.ShapeDtypeStruct((NC, NP, D), jnp.float32),
        mesh=mesh,
        scratch_types=[
            pltpu.VMEM((2, CH, CK), jnp.int32),
            [pltpu.VMEM((CK, D), jnp.float32)] * NBUF,
            pltpu.VMEM_SHARED((NP, D), jnp.float32),
            [pltpu.SemaphoreType.DMA] * NBUF,
        ],
        compiler_params=pltpu.CompilerParams(use_tc_tiling_on_sc=False),
    )
    def k(p_hbm, e_hbm, z_hbm, out_hbm, idx_v, rows, acc_sh, gsem):
        c = lax.axis_index("c")
        s = lax.axis_index("s")
        wid = c * NS + s
        pltpu.async_copy(e_hbm.at[wid], idx_v, gsem[0])
        pltpu.async_copy(z_hbm, acc_sh.at[pl.ds(s * RPT, RPT)], gsem[1])
        pltpu.make_async_copy(e_hbm.at[wid], idx_v, gsem[0]).wait()
        pltpu.make_async_copy(
            z_hbm, acc_sh.at[pl.ds(s * RPT, RPT)], gsem[1]).wait()
        plsc.subcore_barrier()

        gather = lambda i, b: pltpu.async_copy(
            p_hbm.at[idx_v.at[0, i]], rows[b], gsem[b])
        gather_wait = lambda i, b: pltpu.make_async_copy(
            p_hbm.at[idx_v.at[0, i]], rows[b], gsem[b]).wait()
        scatter = lambda i, b: pltpu.sync_copy(
            rows[b], acc_sh.at[idx_v.at[1, i]], add=True)

        for b in range(NBUF):
            gather(b, b)

        def group(g, carry):
            for b in range(NBUF):
                i = g * NBUF + b
                gather_wait(i, b)
                scatter(i, b)
                gather(i + NBUF, b)
            return carry

        G = CH // NBUF
        lax.fori_loop(0, G - 1, group, 0)
        for b in range(NBUF):
            i = (G - 1) * NBUF + b
            gather_wait(i, b)
            scatter(i, b)

        plsc.subcore_barrier()
        pltpu.sync_copy(acc_sh.at[pl.ds(s * RPT, RPT)],
                        out_hbm.at[c, pl.ds(s * RPT, RPT)])

    return k(p, e3, zblk)


def _tc_in(x, W1, b1, W2, b2, Wm, bm):
    def body(x_ref, w1, bb1, w2, bb2, wm, bbm, h_ref, p_ref):
        t = jnp.maximum(x_ref[...] @ w1[...] + bb1[...], 0.0)
        h = t @ w2[...] + bb2[...]
        h_ref[...] = h
        p_ref[...] = jnp.maximum(h @ wm[...] + bbm[...], 0.0)

    full = lambda shape: pl.BlockSpec(shape, lambda i: (0, 0))
    rows = pl.BlockSpec((ROWS_TC, D), lambda i: (i, 0))
    return pl.pallas_call(
        body,
        grid=(N // ROWS_TC,),
        in_specs=[rows, full((D, 2 * D)), full((1, 2 * D)), full((2 * D, D)),
                  full((1, D)), full((D, D)), full((1, D))],
        out_specs=[rows, rows],
        out_shape=[jax.ShapeDtypeStruct((N, D), jnp.float32),
                   jax.ShapeDtypeStruct((N, D), jnp.float32)],
    )(x, W1, b1, W2, b2, Wm, bm)


def _tc_upd(h, aggs, W1h, W1a, b1, W2, b2, g, b, Wp, bp, last):
    def body(h_ref, a0, a1, w1h, w1a, bb1, w2, bb2, gg, bb, wp, bbp,
             hn_ref, p_ref):
        h_blk = h_ref[...]
        agg = a0[...] + a1[...]
        t = jnp.maximum(h_blk @ w1h[...] + agg @ w1a[...] + bb1[...], 0.0)
        z = h_blk + t @ w2[...] + bb2[...]
        mu = jnp.mean(z, axis=-1, keepdims=True)
        zc = z - mu
        var = jnp.mean(zc * zc, axis=-1, keepdims=True)
        hn = zc * lax.rsqrt(var + 1e-5) * gg[...] + bb[...]
        hn_ref[...] = hn
        p_ref[...] = (hn @ wp[...] + bbp[...] if last
                      else jnp.maximum(hn @ wp[...] + bbp[...], 0.0))

    pdim = C if last else D
    full = lambda shape: pl.BlockSpec(shape, lambda i: (0, 0))
    rows = pl.BlockSpec((ROWS_TC, D), lambda i: (i, 0))
    prows = pl.BlockSpec((ROWS_TC, pdim), lambda i: (i, 0))
    return pl.pallas_call(
        body,
        grid=(N // ROWS_TC,),
        in_specs=[rows, rows, rows, full((D, 4 * D)), full((D, 4 * D)),
                  full((1, 4 * D)), full((4 * D, D)), full((1, D)),
                  full((1, D)), full((1, D)), full((D, pdim)),
                  full((1, pdim))],
        out_specs=[rows, prows],
        out_shape=[jax.ShapeDtypeStruct((N, D), jnp.float32),
                   jax.ShapeDtypeStruct((N, pdim), jnp.float32)],
    )(h, aggs[0], aggs[1], W1h, W1a, b1, W2, b2, g, b, Wp, bp)


def kernel(x, edge_index, W_in1, b_in1, W_in2, b_in2, W_msg, b_msg,
           W_c1, b_c1, W_c2, b_c2, ln_g, ln_b, W_out, b_out):
    src3 = edge_index[0].reshape(NW, 1, CH, CK)
    dst3 = edge_index[1].reshape(NW, 1, CH, CK)
    e3 = jnp.concatenate([src3, dst3], axis=1)
    zblk = jnp.zeros((RPT, D), jnp.float32)

    r1 = lambda v: v.reshape(1, -1)
    h, p = _tc_in(x, W_in1, r1(b_in1), W_in2, r1(b_in2), W_msg, r1(b_msg))
    W1h = jax.lax.slice_in_dim(W_c1, 0, D, axis=0)
    W1a = jax.lax.slice_in_dim(W_c1, D, 2 * D, axis=0)
    for step in range(NUM_STEPS):
        aggs = _sc_agg(p, e3, zblk)
        last = step == NUM_STEPS - 1
        Wp, bp = (W_out, b_out) if last else (W_msg, b_msg)
        h, p = _tc_upd(h, aggs, W1h, W1a, r1(b_c1), W_c2, r1(b_c2),
                       r1(ln_g), r1(ln_b), Wp, r1(bp), last)
    return p

# --- scband reference (transcript-rebuilt; emitter-appended) ---
"""Pipeline reference for scband-agent-net-82308753260644 (READ-ONLY COPY).

The authoritative reference and input builder live on the scoring server;
editing this copy changes nothing except your own understanding.
"""

import jax, jax.numpy as jnp
import numpy as np

N = 10000
E = 320000
D = 128
C = 10
NUM_STEPS = 4

def setup_inputs(seed: int = 0) -> dict:
    key = jax.random.key(seed)
    ks = jax.random.split(key, 16)
    def w(k, shape, fan_in):
        return jax.random.normal(k, shape, jnp.float32) / np.sqrt(fan_in)
    inp = {}
    inp["x"] = jax.random.normal(ks[0], (N, D), jnp.float32)
    inp["edge_index"] = jax.random.randint(ks[1], (2, E), 0, N, dtype=jnp.int32)
    # input_proj (use_mlp_input=True): Linear(D, 2D) -> relu -> Linear(2D, D)
    inp["W_in1"] = w(ks[2], (D, 2 * D), D); inp["b_in1"] = jnp.zeros((2 * D,), jnp.float32)
    inp["W_in2"] = w(ks[3], (2 * D, D), 2 * D); inp["b_in2"] = jnp.zeros((D,), jnp.float32)
    # message_val (edge_dim=0): Linear(D, D) -> relu
    inp["W_msg"] = w(ks[4], (D, D), D); inp["b_msg"] = jnp.zeros((D,), jnp.float32)
    # conv_mlp: Linear(2D, 4D) -> relu -> Linear(4D, D) (mlp_width_mult=2)
    inp["W_c1"] = w(ks[5], (2 * D, 4 * D), 2 * D); inp["b_c1"] = jnp.zeros((4 * D,), jnp.float32)
    inp["W_c2"] = w(ks[6], (4 * D, D), 4 * D); inp["b_c2"] = jnp.zeros((D,), jnp.float32)
    # post-LN (conv_ln)
    inp["ln_g"] = jnp.ones((D,), jnp.float32); inp["ln_b"] = jnp.zeros((D,), jnp.float32)
    # readout (node_embedding strategy): Linear(D, C)
    inp["W_out"] = w(ks[7], (D, C), D); inp["b_out"] = jnp.zeros((C,), jnp.float32)
    return inp

def _layernorm(h, g, b):
    mu = jnp.mean(h, axis=-1, keepdims=True)
    var = jnp.var(h, axis=-1, keepdims=True)
    return (h - mu) / jnp.sqrt(var + 1e-5) * g + b

def reference(x, edge_index, W_in1, b_in1, W_in2, b_in2, W_msg, b_msg, W_c1, b_c1, W_c2, b_c2, ln_g, ln_b, W_out, b_out):
    src = edge_index[0]
    dst = edge_index[1]
    # input projection MLP
    h = jax.nn.relu(x @ W_in1 + b_in1) @ W_in2 + b_in2
    # sparse message-passing conv steps (memory-bound gather + segment-sum)
    for _ in range(NUM_STEPS):
        m = jax.nn.relu(jnp.take(h, src, axis=0) @ W_msg + b_msg)
        agg = jax.ops.segment_sum(m, dst, num_segments=N)
        upd = jax.nn.relu(jnp.concatenate([h, agg], axis=-1) @ W_c1 + b_c1) @ W_c2 + b_c2
        h = _layernorm(h + upd, ln_g, ln_b)
    return h @ W_out + b_out

if __name__ == "__main__":
    import jax
    _d = setup_inputs()
    print(jax.jit(kernel)(*tuple(_d.values())))

</pallas_src>

<mosaic_0001>
#map = affine_map<(d0, d1) -> (0, 0)>
#map1 = affine_map<(d0, d1) -> (0, 0, 0, 0)>
#map2 = affine_map<(d0, d1) -> (0, 0, 0)>
module attributes {stable_mosaic.version = 14 : i64} {
  func.func @k(%arg0: i32, %arg1: i32, %arg2: memref<10000x128xf32, #tpu.memory_space<hbm>>, %arg3: memref<32x2x250x40xi32, #tpu.memory_space<hbm>>, %arg4: memref<640x128xf32, #tpu.memory_space<hbm>>, %arg5: memref<2x10240x128xf32, #tpu.memory_space<hbm>>, %arg6: memref<2x250x40xi32, #tpu.memory_space<vmem>>, %arg7: memref<40x128xf32, #tpu.memory_space<vmem>>, %arg8: memref<40x128xf32, #tpu.memory_space<vmem>>, %arg9: memref<40x128xf32, #tpu.memory_space<vmem>>, %arg10: memref<40x128xf32, #tpu.memory_space<vmem>>, %arg11: memref<40x128xf32, #tpu.memory_space<vmem>>, %arg12: memref<10240x128xf32, #tpu.memory_space<vmem_shared>>, %arg13: memref<!tpu.dma_semaphore, #tpu.memory_space<semaphore_mem>>, %arg14: memref<!tpu.dma_semaphore, #tpu.memory_space<semaphore_mem>>, %arg15: memref<!tpu.dma_semaphore, #tpu.memory_space<semaphore_mem>>, %arg16: memref<!tpu.dma_semaphore, #tpu.memory_space<semaphore_mem>>, %arg17: memref<!tpu.dma_semaphore, #tpu.memory_space<semaphore_mem>>) attributes {dimension_semantics = [#tpu.dimension_semantics<core_parallel>, #tpu.dimension_semantics<subcore_parallel>], iteration_bounds = array<i64: 2, 16>, scalar_prefetch = 0 : i64, scratch_operands = 12 : i64, tpu.core_type = #tpu.core_type<sc_vector_subcore>, window_params = [{transform_indices = #map}, {transform_indices = #map1}, {transform_indices = #map}, {transform_indices = #map2}]} {
    %mul3A = arith.constant 16 : i32
    %mul3A_0 = arith.muli %arg0, %mul3A : i32
    %add3A = arith.addi %mul3A_0, %arg1 : i32
    %dma_start3A = arith.constant 0 : i32
    %dma_start3A_1 = arith.constant 0 : i32
    %dma_start3A_2 = arith.constant 0 : i32
    %dma_start3A_3 = tpu.memref_slice %arg3[%add3A, %dma_start3A, %dma_start3A_1, %dma_start3A_2] : memref<32x2x250x40xi32, #tpu.memory_space<hbm>> -> memref<1x2x250x40xi32, #tpu.memory_space<hbm>>
    %dma_start3A_4 = tpu.memref_squeeze %dma_start3A_3 : memref<1x2x250x40xi32, #tpu.memory_space<hbm>> -> memref<2x250x40xi32, #tpu.memory_space<hbm>>
    %dma_start3A_5 = arith.constant 0 : i32
    %dma_start3A_6 = arith.constant 0 : i32
    %dma_start3A_7 = arith.constant 0 : i32
    %dma_start3A_8 = tpu.memref_slice %arg3[%add3A, %dma_start3A_5, %dma_start3A_6, %dma_start3A_7] : memref<32x2x250x40xi32, #tpu.memory_space<hbm>> -> memref<1x2x250x40xi32, #tpu.memory_space<hbm>>
    %dma_start3A_9 = tpu.memref_squeeze %dma_start3A_8 : memref<1x2x250x40xi32, #tpu.memory_space<hbm>> -> memref<2x250x40xi32, #tpu.memory_space<hbm>>
    tpu.enqueue_dma source(%dma_start3A_9 : memref<2x250x40xi32, #tpu.memory_space<hbm>>) target(%arg6 : memref<2x250x40xi32, #tpu.memory_space<vmem>>) target_semaphore(%arg13 : memref<!tpu.dma_semaphore, #tpu.memory_space<semaphore_mem>>)
    %mul3A_10 = arith.constant 640 : i32
    %mul3A_11 = arith.muli %arg1, %mul3A_10 : i32
    %dma_start3A_12 = arith.constant 0 : i32
    %dma_start3A_13 = tpu.memref_slice %arg12[%mul3A_11, %dma_start3A_12] : memref<10240x128xf32, #tpu.memory_space<vmem_shared>> -> memref<640x128xf32, #tpu.memory_space<vmem_shared>>
    tpu.enqueue_dma source(%arg4 : memref<640x128xf32, #tpu.memory_space<hbm>>) target(%dma_start3A_13 : memref<640x128xf32, #tpu.memory_space<vmem_shared>>) target_semaphore(%arg14 : memref<!tpu.dma_semaphore, #tpu.memory_space<semaphore_mem>>)
    %dma_wait3A = arith.constant 0 : i32
    %dma_wait3A_14 = arith.constant 0 : i32
    %dma_wait3A_15 = arith.constant 0 : i32
    %dma_wait3A_16 = tpu.memref_slice %arg3[%add3A, %dma_wait3A, %dma_wait3A_14, %dma_wait3A_15] : memref<32x2x250x40xi32, #tpu.memory_space<hbm>> -> memref<1x2x250x40xi32, #tpu.memory_space<hbm>>
    %dma_wait3A_17 = tpu.memref_squeeze %dma_wait3A_16 : memref<1x2x250x40xi32, #tpu.memory_space<hbm>> -> memref<2x250x40xi32, #tpu.memory_space<hbm>>
    %dma_wait3A_18 = arith.constant 0 : i32
    %dma_wait3A_19 = arith.constant 0 : i32
    %dma_wait3A_20 = arith.constant 0 : i32
    %dma_wait3A_21 = tpu.memref_slice %arg3[%add3A, %dma_wait3A_18, %dma_wait3A_19, %dma_wait3A_20] : memref<32x2x250x40xi32, #tpu.memory_space<hbm>> -> memref<1x2x250x40xi32, #tpu.memory_space<hbm>>
    %dma_wait3A_22 = tpu.memref_squeeze %dma_wait3A_21 : memref<1x2x250x40xi32, #tpu.memory_space<hbm>> -> memref<2x250x40xi32, #tpu.memory_space<hbm>>
    tpu.wait_dma2 semaphore(%arg13 : memref<!tpu.dma_semaphore, #tpu.memory_space<semaphore_mem>>) src(%dma_wait3A_22 : memref<2x250x40xi32, #tpu.memory_space<hbm>>) dst(%arg6 : memref<2x250x40xi32, #tpu.memory_space<vmem>>)
    %mul3A_23 = arith.constant 640 : i32
    %mul3A_24 = arith.muli %arg1, %mul3A_23 : i32
    %dma_wait3A_25 = arith.constant 0 : i32
    %dma_wait3A_26 = tpu.memref_slice %arg12[%mul3A_24, %dma_wait3A_25] : memref<10240x128xf32, #tpu.memory_space<vmem_shared>> -> memref<640x128xf32, #tpu.memory_space<vmem_shared>>
    tpu.wait_dma2 semaphore(%arg14 : memref<!tpu.dma_semaphore, #tpu.memory_space<semaphore_mem>>) src(%arg4 : memref<640x128xf32, #tpu.memory_space<hbm>>) dst(%dma_wait3A_26 : memref<640x128xf32, #tpu.memory_space<vmem_shared>>)
    %barrier3A = arith.constant 0 : index
    tpu.barrier barrier_id(%barrier3A)
    %dma_start3A_27 = arith.constant 0 : i32
    %dma_start3A_28 = arith.constant 0 : i32
    %dma_start3A_29 = arith.constant 0 : i32
    %dma_start3A_30 = tpu.memref_slice %arg6[%dma_start3A_27, %dma_start3A_28, %dma_start3A_29] : memref<2x250x40xi32, #tpu.memory_space<vmem>> -> memref<1x1x40xi32, #tpu.memory_space<vmem>>
    %dma_start3A_31 = tpu.memref_squeeze %dma_start3A_30 : memref<1x1x40xi32, #tpu.memory_space<vmem>> -> memref<40xi32, #tpu.memory_space<vmem>>
    %dma_start3A_32 = arith.constant 0 : i32
    %dma_start3A_33 = arith.constant 0 : i32
    %dma_start3A_34 = tpu.memref_slice %arg2[%dma_start3A_32, %dma_start3A_33] : memref<10000x128xf32, #tpu.memory_space<hbm>> -> memref<10000x128xf32, #tpu.memory_space<hbm>>
    tpu.enqueue_indirect_dma source(%dma_start3A_34 : memref<10000x128xf32, #tpu.memory_space<hbm>>) target(%arg7 : memref<40x128xf32, #tpu.memory_space<vmem>>) offsets(%dma_start3A_31 : memref<40xi32, #tpu.memory_space<vmem>>) semaphore(%arg13 : memref<!tpu.dma_semaphore, #tpu.memory_space<semaphore_mem>>)
    %dma_start3A_35 = arith.constant 0 : i32
    %dma_start3A_36 = arith.constant 1 : i32
    %dma_start3A_37 = arith.constant 0 : i32
    %dma_start3A_38 = tpu.memref_slice %arg6[%dma_start3A_35, %dma_start3A_36, %dma_start3A_37] : memref<2x250x40xi32, #tpu.memory_space<vmem>> -> memref<1x1x40xi32, #tpu.memory_space<vmem>>
    %dma_start3A_39 = tpu.memref_squeeze %dma_start3A_38 : memref<1x1x40xi32, #tpu.memory_space<vmem>> -> memref<40xi32, #tpu.memory_space<vmem>>
    %dma_start3A_40 = arith.constant 0 : i32
    %dma_start3A_41 = arith.constant 0 : i32
    %dma_start3A_42 = tpu.memref_slice %arg2[%dma_start3A_40, %dma_start3A_41] : memref<10000x128xf32, #tpu.memory_space<hbm>> -> memref<10000x128xf32, #tpu.memory_space<hbm>>
    tpu.enqueue_indirect_dma source(%dma_start3A_42 : memref<10000x128xf32, #tpu.memory_space<hbm>>) target(%arg8 : memref<40x128xf32, #tpu.memory_space<vmem>>) offsets(%dma_start3A_39 : memref<40xi32, #tpu.memory_space<vmem>>) semaphore(%arg14 : memref<!tpu.dma_semaphore, #tpu.memory_space<semaphore_mem>>)
    %dma_start3A_43 = arith.constant 0 : i32
    %dma_start3A_44 = arith.constant 2 : i32
    %dma_start3A_45 = arith.constant 0 : i32
    %dma_start3A_46 = tpu.memref_slice %arg6[%dma_start3A_43, %dma_start3A_44, %dma_start3A_45] : memref<2x250x40xi32, #tpu.memory_space<vmem>> -> memref<1x1x40xi32, #tpu.memory_space<vmem>>
    %dma_start3A_47 = tpu.memref_squeeze %dma_start3A_46 : memref<1x1x40xi32, #tpu.memory_space<vmem>> -> memref<40xi32, #tpu.memory_space<vmem>>
    %dma_start3A_48 = arith.constant 0 : i32
    %dma_start3A_49 = arith.constant 0 : i32
    %dma_start3A_50 = tpu.memref_slice %arg2[%dma_start3A_48, %dma_start3A_49] : memref<10000x128xf32, #tpu.memory_space<hbm>> -> memref<10000x128xf32, #tpu.memory_space<hbm>>
    tpu.enqueue_indirect_dma source(%dma_start3A_50 : memref<10000x128xf32, #tpu.memory_space<hbm>>) target(%arg9 : memref<40x128xf32, #tpu.memory_space<vmem>>) offsets(%dma_start3A_47 : memref<40xi32, #tpu.memory_space<vmem>>) semaphore(%arg15 : memref<!tpu.dma_semaphore, #tpu.memory_space<semaphore_mem>>)
    %dma_start3A_51 = arith.constant 0 : i32
    %dma_start3A_52 = arith.constant 3 : i32
    %dma_start3A_53 = arith.constant 0 : i32
    %dma_start3A_54 = tpu.memref_slice %arg6[%dma_start3A_51, %dma_start3A_52, %dma_start3A_53] : memref<2x250x40xi32, #tpu.memory_space<vmem>> -> memref<1x1x40xi32, #tpu.memory_space<vmem>>
    %dma_start3A_55 = tpu.memref_squeeze %dma_start3A_54 : memref<1x1x40xi32, #tpu.memory_space<vmem>> -> memref<40xi32, #tpu.memory_space<vmem>>
    %dma_start3A_56 = arith.constant 0 : i32
    %dma_start3A_57 = arith.constant 0 : i32
    %dma_start3A_58 = tpu.memref_slice %arg2[%dma_start3A_56, %dma_start3A_57] : memref<10000x128xf32, #tpu.memory_space<hbm>> -> memref<10000x128xf32, #tpu.memory_space<hbm>>
    tpu.enqueue_indirect_dma source(%dma_start3A_58 : memref<10000x128xf32, #tpu.memory_space<hbm>>) target(%arg10 : memref<40x128xf32, #tpu.memory_space<vmem>>) offsets(%dma_start3A_55 : memref<40xi32, #tpu.memory_space<vmem>>) semaphore(%arg16 : memref<!tpu.dma_semaphore, #tpu.memory_space<semaphore_mem>>)
    %dma_start3A_59 = arith.constant 0 : i32
    %dma_start3A_60 = arith.constant 4 : i32
    %dma_start3A_61 = arith.constant 0 : i32
    %dma_start3A_62 = tpu.memref_slice %arg6[%dma_start3A_59, %dma_start3A_60, %dma_start3A_61] : memref<2x250x40xi32, #tpu.memory_space<vmem>> -> memref<1x1x40xi32, #tpu.memory_space<vmem>>
    %dma_start3A_63 = tpu.memref_squeeze %dma_start3A_62 : memref<1x1x40xi32, #tpu.memory_space<vmem>> -> memref<40xi32, #tpu.memory_space<vmem>>
    %dma_start3A_64 = arith.constant 0 : i32
    %dma_start3A_65 = arith.constant 0 : i32
    %dma_start3A_66 = tpu.memref_slice %arg2[%dma_start3A_64, %dma_start3A_65] : memref<10000x128xf32, #tpu.memory_space<hbm>> -> memref<10000x128xf32, #tpu.memory_space<hbm>>
    tpu.enqueue_indirect_dma source(%dma_start3A_66 : memref<10000x128xf32, #tpu.memory_space<hbm>>) target(%arg11 : memref<40x128xf32, #tpu.memory_space<vmem>>) offsets(%dma_start3A_63 : memref<40xi32, #tpu.memory_space<vmem>>) semaphore(%arg17 : memref<!tpu.dma_semaphore, #tpu.memory_space<semaphore_mem>>)
    %scan3A = arith.constant 0 : i32
    %scan3A_67 = arith.constant 0 : i32
    %scan3A_68 = arith.constant 49 : i32
    %scan3A_69 = arith.addi %scan3A_67, %scan3A_68 : i32
    %scan3A_70 = arith.constant 1 : i32
    scf.for %scan3A_126 = %scan3A_67 to %scan3A_69 step %scan3A_70  : i32 {
      %mul3A_127 = arith.constant 5 : i32
      %mul3A_128 = arith.muli %scan3A_126, %mul3A_127 : i32
      %add3A_129 = arith.constant 0 : i32
      %add3A_130 = arith.addi %mul3A_128, %add3A_129 : i32
      %dma_wait3A_131 = arith.constant 0 : i32
      %dma_wait3A_132 = arith.constant 0 : i32
      %dma_wait3A_133 = tpu.memref_slice %arg6[%dma_wait3A_131, %add3A_130, %dma_wait3A_132] : memref<2x250x40xi32, #tpu.memory_space<vmem>> -> memref<1x1x40xi32, #tpu.memory_space<vmem>>
      %dma_wait3A_134 = tpu.memref_squeeze %dma_wait3A_133 : memref<1x1x40xi32, #tpu.memory_space<vmem>> -> memref<40xi32, #tpu.memory_space<vmem>>
      %dma_wait3A_135 = arith.constant 0 : i32
      %dma_wait3A_136 = arith.constant 0 : i32
      %dma_wait3A_137 = tpu.memref_slice %arg2[%dma_wait3A_135, %dma_wait3A_136] : memref<10000x128xf32, #tpu.memory_space<hbm>> -> memref<10000x128xf32, #tpu.memory_space<hbm>>
      tpu.wait_indirect_dma semaphore(%arg13 : memref<!tpu.dma_semaphore, #tpu.memory_space<semaphore_mem>>) src(%dma_wait3A_137 : memref<10000x128xf32, #tpu.memory_space<hbm>>) dst(%arg7 : memref<40x128xf32, #tpu.memory_space<vmem>>)
      %run_scoped3A_138 = arith.constant 1 : i32
      "tpu.region"() ({
        %run_scoped3A_232 = tpu.sem_alloc : memref<!tpu.dma_semaphore, #tpu.memory_space<semaphore_mem>>
        %dma_start3A_233 = arith.constant 0 : i32
        %dma_start3A_234 = tpu.memref_slice %arg6[%run_scoped3A_138, %add3A_130, %dma_start3A_233] : memref<2x250x40xi32, #tpu.memory_space<vmem>> -> memref<1x1x40xi32, #tpu.memory_space<vmem>>
        %dma_start3A_235 = tpu.memref_squeeze %dma_start3A_234 : memref<1x1x40xi32, #tpu.memory_space<vmem>> -> memref<40xi32, #tpu.memory_space<vmem>>
        %dma_start3A_236 = arith.constant 0 : i32
        %dma_start3A_237 = arith.constant 0 : i32
        %dma_start3A_238 = tpu.memref_slice %arg12[%dma_start3A_236, %dma_start3A_237] : memref<10240x128xf32, #tpu.memory_space<vmem_shared>> -> memref<10240x128xf32, #tpu.memory_space<vmem_shared>>
        tpu.enqueue_indirect_dma source(%arg7 : memref<40x128xf32, #tpu.memory_space<vmem>>) target(%dma_start3A_238 : memref<10240x128xf32, #tpu.memory_space<vmem_shared>>) offsets(%dma_start3A_235 : memref<40xi32, #tpu.memory_space<vmem>>) semaphore(%run_scoped3A_232 : memref<!tpu.dma_semaphore, #tpu.memory_space<semaphore_mem>>) {add = true}
        %dma_wait3A_239 = arith.constant 0 : i32
        %dma_wait3A_240 = tpu.memref_slice %arg6[%run_scoped3A_138, %add3A_130, %dma_wait3A_239] : memref<2x250x40xi32, #tpu.memory_space<vmem>> -> memref<1x1x40xi32, #tpu.memory_space<vmem>>
        %dma_wait3A_241 = tpu.memref_squeeze %dma_wait3A_240 : memref<1x1x40xi32, #tpu.memory_space<vmem>> -> memref<40xi32, #tpu.memory_space<vmem>>
        %dma_wait3A_242 = arith.constant 0 : i32
        %dma_wait3A_243 = arith.constant 0 : i32
        %dma_wait3A_244 = tpu.memref_slice %arg12[%dma_wait3A_242, %dma_wait3A_243] : memref<10240x128xf32, #tpu.memory_space<vmem_shared>> -> memref<10240x128xf32, #tpu.memory_space<vmem_shared>>
        tpu.wait_indirect_dma semaphore(%run_scoped3A_232 : memref<!tpu.dma_semaphore, #tpu.memory_space<semaphore_mem>>) src(%arg7 : memref<40x128xf32, #tpu.memory_space<vmem>>) dst(%dma_wait3A_244 : memref<10240x128xf32, #tpu.memory_space<vmem_shared>>)
        tpu.yield
      }) : () -> ()
      %add3A_139 = arith.constant 5 : i32
      %add3A_140 = arith.addi %add3A_130, %add3A_139 : i32
      %dma_start3A_141 = arith.constant 0 : i32
      %dma_start3A_142 = arith.constant 0 : i32
      %dma_start3A_143 = tpu.memref_slice %arg6[%dma_start3A_141, %add3A_140, %dma_start3A_142] : memref<2x250x40xi32, #tpu.memory_space<vmem>> -> memref<1x1x40xi32, #tpu.memory_space<vmem>>
      %dma_start3A_144 = tpu.memref_squeeze %dma_start3A_143 : memref<1x1x40xi32, #tpu.memory_space<vmem>> -> memref<40xi32, #tpu.memory_space<vmem>>
      %dma_start3A_145 = arith.constant 0 : i32
      %dma_start3A_146 = arith.constant 0 : i32
      %dma_start3A_147 = tpu.memref_slice %arg2[%dma_start3A_145, %dma_start3A_146] : memref<10000x128xf32, #tpu.memory_space<hbm>> -> memref<10000x128xf32, #tpu.memory_space<hbm>>
      tpu.enqueue_indirect_dma source(%dma_start3A_147 : memref<10000x128xf32, #tpu.memory_space<hbm>>) target(%arg7 : memref<40x128xf32, #tpu.memory_space<vmem>>) offsets(%dma_start3A_144 : memref<40xi32, #tpu.memory_space<vmem>>) semaphore(%arg13 : memref<!tpu.dma_semaphore, #tpu.memory_space<semaphore_mem>>)
      %mul3A_148 = arith.constant 5 : i32
      %mul3A_149 = arith.muli %scan3A_126, %mul3A_148 : i32
      %add3A_150 = arith.constant 1 : i32
      %add3A_151 = arith.addi %mul3A_149, %add3A_150 : i32
      %dma_wait3A_152 = arith.constant 0 : i32
      %dma_wait3A_153 = arith.constant 0 : i32
      %dma_wait3A_154 = tpu.memref_slice %arg6[%dma_wait3A_152, %add3A_151, %dma_wait3A_153] : memref<2x250x40xi32, #tpu.memory_space<vmem>> -> memref<1x1x40xi32, #tpu.memory_space<vmem>>
      %dma_wait3A_155 = tpu.memref_squeeze %dma_wait3A_154 : memref<1x1x40xi32, #tpu.memory_space<vmem>> -> memref<40xi32, #tpu.memory_space<vmem>>
      %dma_wait3A_156 = arith.constant 0 : i32
      %dma_wait3A_157 = arith.constant 0 : i32
      %dma_wait3A_158 = tpu.memref_slice %arg2[%dma_wait3A_156, %dma_wait3A_157] : memref<10000x128xf32, #tpu.memory_space<hbm>> -> memref<10000x128xf32, #tpu.memory_space<hbm>>
      tpu.wait_indirect_dma semaphore(%arg14 : memref<!tpu.dma_semaphore, #tpu.memory_space<semaphore_mem>>) src(%dma_wait3A_158 : memref<10000x128xf32, #tpu.memory_space<hbm>>) dst(%arg8 : memref<40x128xf32, #tpu.memory_space<vmem>>)
      %run_scoped3A_159 = arith.constant 1 : i32
      "tpu.region"() ({
        %run_scoped3A_232 = tpu.sem_alloc : memref<!tpu.dma_semaphore, #tpu.memory_space<semaphore_mem>>
        %dma_start3A_233 = arith.constant 0 : i32
        %dma_start3A_234 = tpu.memref_slice %arg6[%run_scoped3A_159, %add3A_151, %dma_start3A_233] : memref<2x250x40xi32, #tpu.memory_space<vmem>> -> memref<1x1x40xi32, #tpu.memory_space<vmem>>
        %dma_start3A_235 = tpu.memref_squeeze %dma_start3A_234 : memref<1x1x40xi32, #tpu.memory_space<vmem>> -> memref<40xi32, #tpu.memory_space<vmem>>
        %dma_start3A_236 = arith.constant 0 : i32
        %dma_start3A_237 = arith.constant 0 : i32
        %dma_start3A_238 = tpu.memref_slice %arg12[%dma_start3A_236, %dma_start3A_237] : memref<10240x128xf32, #tpu.memory_space<vmem_shared>> -> memref<10240x128xf32, #tpu.memory_space<vmem_shared>>
        tpu.enqueue_indirect_dma source(%arg8 : memref<40x128xf32, #tpu.memory_space<vmem>>) target(%dma_start3A_238 : memref<10240x128xf32, #tpu.memory_space<vmem_shared>>) offsets(%dma_start3A_235 : memref<40xi32, #tpu.memory_space<vmem>>) semaphore(%run_scoped3A_232 : memref<!tpu.dma_semaphore, #tpu.memory_space<semaphore_mem>>) {add = true}
        %dma_wait3A_239 = arith.constant 0 : i32
        %dma_wait3A_240 = tpu.memref_slice %arg6[%run_scoped3A_159, %add3A_151, %dma_wait3A_239] : memref<2x250x40xi32, #tpu.memory_space<vmem>> -> memref<1x1x40xi32, #tpu.memory_space<vmem>>
        %dma_wait3A_241 = tpu.memref_squeeze %dma_wait3A_240 : memref<1x1x40xi32, #tpu.memory_space<vmem>> -> memref<40xi32, #tpu.memory_space<vmem>>
        %dma_wait3A_242 = arith.constant 0 : i32
        %dma_wait3A_243 = arith.constant 0 : i32
        %dma_wait3A_244 = tpu.memref_slice %arg12[%dma_wait3A_242, %dma_wait3A_243] : memref<10240x128xf32, #tpu.memory_space<vmem_shared>> -> memref<10240x128xf32, #tpu.memory_space<vmem_shared>>
        tpu.wait_indirect_dma semaphore(%run_scoped3A_232 : memref<!tpu.dma_semaphore, #tpu.memory_space<semaphore_mem>>) src(%arg8 : memref<40x128xf32, #tpu.memory_space<vmem>>) dst(%dma_wait3A_244 : memref<10240x128xf32, #tpu.memory_space<vmem_shared>>)
        tpu.yield
      }) : () -> ()
      %add3A_160 = arith.constant 5 : i32
      %add3A_161 = arith.addi %add3A_151, %add3A_160 : i32
      %dma_start3A_162 = arith.constant 0 : i32
      %dma_start3A_163 = arith.constant 0 : i32
      %dma_start3A_164 = tpu.memref_slice %arg6[%dma_start3A_162, %add3A_161, %dma_start3A_163] : memref<2x250x40xi32, #tpu.memory_space<vmem>> -> memref<1x1x40xi32, #tpu.memory_space<vmem>>
      %dma_start3A_165 = tpu.memref_squeeze %dma_start3A_164 : memref<1x1x40xi32, #tpu.memory_space<vmem>> -> memref<40xi32, #tpu.memory_space<vmem>>
      %dma_start3A_166 = arith.constant 0 : i32
      %dma_start3A_167 = arith.constant 0 : i32
      %dma_start3A_168 = tpu.memref_slice %arg2[%dma_start3A_166, %dma_start3A_167] : memref<10000x128xf32, #tpu.memory_space<hbm>> -> memref<10000x128xf32, #tpu.memory_space<hbm>>
      tpu.enqueue_indirect_dma source(%dma_start3A_168 : memref<10000x128xf32, #tpu.memory_space<hbm>>) target(%arg8 : memref<40x128xf32, #tpu.memory_space<vmem>>) offsets(%dma_start3A_165 : memref<40xi32, #tpu.memory_space<vmem>>) semaphore(%arg14 : memref<!tpu.dma_semaphore, #tpu.memory_space<semaphore_mem>>)
      %mul3A_169 = arith.constant 5 : i32
      %mul3A_170 = arith.muli %scan3A_126, %mul3A_169 : i32
      %add3A_171 = arith.constant 2 : i32
      %add3A_172 = arith.addi %mul3A_170, %add3A_171 : i32
      %dma_wait3A_173 = arith.constant 0 : i32
      %dma_wait3A_174 = arith.constant 0 : i32
      %dma_wait3A_175 = tpu.memref_slice %arg6[%dma_wait3A_173, %add3A_172, %dma_wait3A_174] : memref<2x250x40xi32, #tpu.memory_space<vmem>> -> memref<1x1x40xi32, #tpu.memory_space<vmem>>
      %dma_wait3A_176 = tpu.memref_squeeze %dma_wait3A_175 : memref<1x1x40xi32, #tpu.memory_space<vmem>> -> memref<40xi32, #tpu.memory_space<vmem>>
      %dma_wait3A_177 = arith.constant 0 : i32
      %dma_wait3A_178 = arith.constant 0 : i32
      %dma_wait3A_179 = tpu.memref_slice %arg2[%dma_wait3A_177, %dma_wait3A_178] : memref<10000x128xf32, #tpu.memory_space<hbm>> -> memref<10000x128xf32, #tpu.memory_space<hbm>>
      tpu.wait_indirect_dma semaphore(%arg15 : memref<!tpu.dma_semaphore, #tpu.memory_space<semaphore_mem>>) src(%dma_wait3A_179 : memref<10000x128xf32, #tpu.memory_space<hbm>>) dst(%arg9 : memref<40x128xf32, #tpu.memory_space<vmem>>)
      %run_scoped3A_180 = arith.constant 1 : i32
      "tpu.region"() ({
        %run_scoped3A_232 = tpu.sem_alloc : memref<!tpu.dma_semaphore, #tpu.memory_space<semaphore_mem>>
        %dma_start3A_233 = arith.constant 0 : i32
        %dma_start3A_234 = tpu.memref_slice %arg6[%run_scoped3A_180, %add3A_172, %dma_start3A_233] : memref<2x250x40xi32, #tpu.memory_space<vmem>> -> memref<1x1x40xi32, #tpu.memory_space<vmem>>
        %dma_start3A_235 = tpu.memref_squeeze %dma_start3A_234 : memref<1x1x40xi32, #tpu.memory_space<vmem>> -> memref<40xi32, #tpu.memory_space<vmem>>
        %dma_start3A_236 = arith.constant 0 : i32
        %dma_start3A_237 = arith.constant 0 : i32
        %dma_start3A_238 = tpu.memref_slice %arg12[%dma_start3A_236, %dma_start3A_237] : memref<10240x128xf32, #tpu.memory_space<vmem_shared>> -> memref<10240x128xf32, #tpu.memory_space<vmem_shared>>
        tpu.enqueue_indirect_dma source(%arg9 : memref<40x128xf32, #tpu.memory_space<vmem>>) target(%dma_start3A_238 : memref<10240x128xf32, #tpu.memory_space<vmem_shared>>) offsets(%dma_start3A_235 : memref<40xi32, #tpu.memory_space<vmem>>) semaphore(%run_scoped3A_232 : memref<!tpu.dma_semaphore, #tpu.memory_space<semaphore_mem>>) {add = true}
        %dma_wait3A_239 = arith.constant 0 : i32
        %dma_wait3A_240 = tpu.memref_slice %arg6[%run_scoped3A_180, %add3A_172, %dma_wait3A_239] : memref<2x250x40xi32, #tpu.memory_space<vmem>> -> memref<1x1x40xi32, #tpu.memory_space<vmem>>
        %dma_wait3A_241 = tpu.memref_squeeze %dma_wait3A_240 : memref<1x1x40xi32, #tpu.memory_space<vmem>> -> memref<40xi32, #tpu.memory_space<vmem>>
        %dma_wait3A_242 = arith.constant 0 : i32
        %dma_wait3A_243 = arith.constant 0 : i32
        %dma_wait3A_244 = tpu.memref_slice %arg12[%dma_wait3A_242, %dma_wait3A_243] : memref<10240x128xf32, #tpu.memory_space<vmem_shared>> -> memref<10240x128xf32, #tpu.memory_space<vmem_shared>>
        tpu.wait_indirect_dma semaphore(%run_scoped3A_232 : memref<!tpu.dma_semaphore, #tpu.memory_space<semaphore_mem>>) src(%arg9 : memref<40x128xf32, #tpu.memory_space<vmem>>) dst(%dma_wait3A_244 : memref<10240x128xf32, #tpu.memory_space<vmem_shared>>)
        tpu.yield
      }) : () -> ()
      %add3A_181 = arith.constant 5 : i32
      %add3A_182 = arith.addi %add3A_172, %add3A_181 : i32
      %dma_start3A_183 = arith.constant 0 : i32
      %dma_start3A_184 = arith.constant 0 : i32
      %dma_start3A_185 = tpu.memref_slice %arg6[%dma_start3A_183, %add3A_182, %dma_start3A_184] : memref<2x250x40xi32, #tpu.memory_space<vmem>> -> memref<1x1x40xi32, #tpu.memory_space<vmem>>
      %dma_start3A_186 = tpu.memref_squeeze %dma_start3A_185 : memref<1x1x40xi32, #tpu.memory_space<vmem>> -> memref<40xi32, #tpu.memory_space<vmem>>
      %dma_start3A_187 = arith.constant 0 : i32
      %dma_start3A_188 = arith.constant 0 : i32
      %dma_start3A_189 = tpu.memref_slice %arg2[%dma_start3A_187, %dma_start3A_188] : memref<10000x128xf32, #tpu.memory_space<hbm>> -> memref<10000x128xf32, #tpu.memory_space<hbm>>
      tpu.enqueue_indirect_dma source(%dma_start3A_189 : memref<10000x128xf32, #tpu.memory_space<hbm>>) target(%arg9 : memref<40x128xf32, #tpu.memory_space<vmem>>) offsets(%dma_start3A_186 : memref<40xi32, #tpu.memory_space<vmem>>) semaphore(%arg15 : memref<!tpu.dma_semaphore, #tpu.memory_space<semaphore_mem>>)
      %mul3A_190 = arith.constant 5 : i32
      %mul3A_191 = arith.muli %scan3A_126, %mul3A_190 : i32
      %add3A_192 = arith.constant 3 : i32
      %add3A_193 = arith.addi %mul3A_191, %add3A_192 : i32
      %dma_wait3A_194 = arith.constant 0 : i32
      %dma_wait3A_195 = arith.constant 0 : i32
      %dma_wait3A_196 = tpu.memref_slice %arg6[%dma_wait3A_194, %add3A_193, %dma_wait3A_195] : memref<2x250x40xi32, #tpu.memory_space<vmem>> -> memref<1x1x40xi32, #tpu.memory_space<vmem>>
      %dma_wait3A_197 = tpu.memref_squeeze %dma_wait3A_196 : memref<1x1x40xi32, #tpu.memory_space<vmem>> -> memref<40xi32, #tpu.memory_space<vmem>>
      %dma_wait3A_198 = arith.constant 0 : i32
      %dma_wait3A_199 = arith.constant 0 : i32
      %dma_wait3A_200 = tpu.memref_slice %arg2[%dma_wait3A_198, %dma_wait3A_199] : memref<10000x128xf32, #tpu.memory_space<hbm>> -> memref<10000x128xf32, #tpu.memory_space<hbm>>
      tpu.wait_indirect_dma semaphore(%arg16 : memref<!tpu.dma_semaphore, #tpu.memory_space<semaphore_mem>>) src(%dma_wait3A_200 : memref<10000x128xf32, #tpu.memory_space<hbm>>) dst(%arg10 : memref<40x128xf32, #tpu.memory_space<vmem>>)
      %run_scoped3A_201 = arith.constant 1 : i32
      "tpu.region"() ({
        %run_scoped3A_232 = tpu.sem_alloc : memref<!tpu.dma_semaphore, #tpu.memory_space<semaphore_mem>>
        %dma_start3A_233 = arith.constant 0 : i32
        %dma_start3A_234 = tpu.memref_slice %arg6[%run_scoped3A_201, %add3A_193, %dma_start3A_233] : memref<2x250x40xi32, #tpu.memory_space<vmem>> -> memref<1x1x40xi32, #tpu.memory_space<vmem>>
        %dma_start3A_235 = tpu.memref_squeeze %dma_start3A_234 : memref<1x1x40xi32, #tpu.memory_space<vmem>> -> memref<40xi32, #tpu.memory_space<vmem>>
        %dma_start3A_236 = arith.constant 0 : i32
        %dma_start3A_237 = arith.constant 0 : i32
        %dma_start3A_238 = tpu.memref_slice %arg12[%dma_start3A_236, %dma_start3A_237] : memref<10240x128xf32, #tpu.memory_space<vmem_shared>> -> memref<10240x128xf32, #tpu.memory_space<vmem_shared>>
        tpu.enqueue_indirect_dma source(%arg10 : memref<40x128xf32, #tpu.memory_space<vmem>>) target(%dma_start3A_238 : memref<10240x128xf32, #tpu.memory_space<vmem_shared>>) offsets(%dma_start3A_235 : memref<40xi32, #tpu.memory_space<vmem>>) semaphore(%run_scoped3A_232 : memref<!tpu.dma_semaphore, #tpu.memory_space<semaphore_mem>>) {add = true}
        %dma_wait3A_239 = arith.constant 0 : i32
        %dma_wait3A_240 = tpu.memref_slice %arg6[%run_scoped3A_201, %add3A_193, %dma_wait3A_239] : memref<2x250x40xi32, #tpu.memory_space<vmem>> -> memref<1x1x40xi32, #tpu.memory_space<vmem>>
        %dma_wait3A_241 = tpu.memref_squeeze %dma_wait3A_240 : memref<1x1x40xi32, #tpu.memory_space<vmem>> -> memref<40xi32, #tpu.memory_space<vmem>>
        %dma_wait3A_242 = arith.constant 0 : i32
        %dma_wait3A_243 = arith.constant 0 : i32
        %dma_wait3A_244 = tpu.memref_slice %arg12[%dma_wait3A_242, %dma_wait3A_243] : memref<10240x128xf32, #tpu.memory_space<vmem_shared>> -> memref<10240x128xf32, #tpu.memory_space<vmem_shared>>
        tpu.wait_indirect_dma semaphore(%run_scoped3A_232 : memref<!tpu.dma_semaphore, #tpu.memory_space<semaphore_mem>>) src(%arg10 : memref<40x128xf32, #tpu.memory_space<vmem>>) dst(%dma_wait3A_244 : memref<10240x128xf32, #tpu.memory_space<vmem_shared>>)
        tpu.yield
      }) : () -> ()
      %add3A_202 = arith.constant 5 : i32
      %add3A_203 = arith.addi %add3A_193, %add3A_202 : i32
      %dma_start3A_204 = arith.constant 0 : i32
      %dma_start3A_205 = arith.constant 0 : i32
      %dma_start3A_206 = tpu.memref_slice %arg6[%dma_start3A_204, %add3A_203, %dma_start3A_205] : memref<2x250x40xi32, #tpu.memory_space<vmem>> -> memref<1x1x40xi32, #tpu.memory_space<vmem>>
      %dma_start3A_207 = tpu.memref_squeeze %dma_start3A_206 : memref<1x1x40xi32, #tpu.memory_space<vmem>> -> memref<40xi32, #tpu.memory_space<vmem>>
      %dma_start3A_208 = arith.constant 0 : i32
      %dma_start3A_209 = arith.constant 0 : i32
      %dma_start3A_210 = tpu.memref_slice %arg2[%dma_start3A_208, %dma_start3A_209] : memref<10000x128xf32, #tpu.memory_space<hbm>> -> memref<10000x128xf32, #tpu.memory_space<hbm>>
      tpu.enqueue_indirect_dma source(%dma_start3A_210 : memref<10000x128xf32, #tpu.memory_space<hbm>>) target(%arg10 : memref<40x128xf32, #tpu.memory_space<vmem>>) offsets(%dma_start3A_207 : memref<40xi32, #tpu.memory_space<vmem>>) semaphore(%arg16 : memref<!tpu.dma_semaphore, #tpu.memory_space<semaphore_mem>>)
      %mul3A_211 = arith.constant 5 : i32
      %mul3A_212 = arith.muli %scan3A_126, %mul3A_211 : i32
      %add3A_213 = arith.constant 4 : i32
      %add3A_214 = arith.addi %mul3A_212, %add3A_213 : i32
      %dma_wait3A_215 = arith.constant 0 : i32
      %dma_wait3A_216 = arith.constant 0 : i32
      %dma_wait3A_217 = tpu.memref_slice %arg6[%dma_wait3A_215, %add3A_214, %dma_wait3A_216] : memref<2x250x40xi32, #tpu.memory_space<vmem>> -> memref<1x1x40xi32, #tpu.memory_space<vmem>>
      %dma_wait3A_218 = tpu.memref_squeeze %dma_wait3A_217 : memref<1x1x40xi32, #tpu.memory_space<vmem>> -> memref<40xi32, #tpu.memory_space<vmem>>
      %dma_wait3A_219 = arith.constant 0 : i32
      %dma_wait3A_220 = arith.constant 0 : i32
      %dma_wait3A_221 = tpu.memref_slice %arg2[%dma_wait3A_219, %dma_wait3A_220] : memref<10000x128xf32, #tpu.memory_space<hbm>> -> memref<10000x128xf32, #tpu.memory_space<hbm>>
      tpu.wait_indirect_dma semaphore(%arg17 : memref<!tpu.dma_semaphore, #tpu.memory_space<semaphore_mem>>) src(%dma_wait3A_221 : memref<10000x128xf32, #tpu.memory_space<hbm>>) dst(%arg11 : memref<40x128xf32, #tpu.memory_space<vmem>>)
      %run_scoped3A_222 = arith.constant 1 : i32
      "tpu.region"() ({
        %run_scoped3A_232 = tpu.sem_alloc : memref<!tpu.dma_semaphore, #tpu.memory_space<semaphore_mem>>
        %dma_start3A_233 = arith.constant 0 : i32
        %dma_start3A_234 = tpu.memref_slice %arg6[%run_scoped3A_222, %add3A_214, %dma_start3A_233] : memref<2x250x40xi32, #tpu.memory_space<vmem>> -> memref<1x1x40xi32, #tpu.memory_space<vmem>>
        %dma_start3A_235 = tpu.memref_squeeze %dma_start3A_234 : memref<1x1x40xi32, #tpu.memory_space<vmem>> -> memref<40xi32, #tpu.memory_space<vmem>>
        %dma_start3A_236 = arith.constant 0 : i32
        %dma_start3A_237 = arith.constant 0 : i32
        %dma_start3A_238 = tpu.memref_slice %arg12[%dma_start3A_236, %dma_start3A_237] : memref<10240x128xf32, #tpu.memory_space<vmem_shared>> -> memref<10240x128xf32, #tpu.memory_space<vmem_shared>>
        tpu.enqueue_indirect_dma source(%arg11 : memref<40x128xf32, #tpu.memory_space<vmem>>) target(%dma_start3A_238 : memref<10240x128xf32, #tpu.memory_space<vmem_shared>>) offsets(%dma_start3A_235 : memref<40xi32, #tpu.memory_space<vmem>>) semaphore(%run_scoped3A_232 : memref<!tpu.dma_semaphore, #tpu.memory_space<semaphore_mem>>) {add = true}
        %dma_wait3A_239 = arith.constant 0 : i32
        %dma_wait3A_240 = tpu.memref_slice %arg6[%run_scoped3A_222, %add3A_214, %dma_wait3A_239] : memref<2x250x40xi32, #tpu.memory_space<vmem>> -> memref<1x1x40xi32, #tpu.memory_space<vmem>>
        %dma_wait3A_241 = tpu.memref_squeeze %dma_wait3A_240 : memref<1x1x40xi32, #tpu.memory_space<vmem>> -> memref<40xi32, #tpu.memory_space<vmem>>
        %dma_wait3A_242 = arith.constant 0 : i32
        %dma_wait3A_243 = arith.constant 0 : i32
        %dma_wait3A_244 = tpu.memref_slice %arg12[%dma_wait3A_242, %dma_wait3A_243] : memref<10240x128xf32, #tpu.memory_space<vmem_shared>> -> memref<10240x128xf32, #tpu.memory_space<vmem_shared>>
        tpu.wait_indirect_dma semaphore(%run_scoped3A_232 : memref<!tpu.dma_semaphore, #tpu.memory_space<semaphore_mem>>) src(%arg11 : memref<40x128xf32, #tpu.memory_space<vmem>>) dst(%dma_wait3A_244 : memref<10240x128xf32, #tpu.memory_space<vmem_shared>>)
        tpu.yield
      }) : () -> ()
      %add3A_223 = arith.constant 5 : i32
      %add3A_224 = arith.addi %add3A_214, %add3A_223 : i32
      %dma_start3A_225 = arith.constant 0 : i32
      %dma_start3A_226 = arith.constant 0 : i32
      %dma_start3A_227 = tpu.memref_slice %arg6[%dma_start3A_225, %add3A_224, %dma_start3A_226] : memref<2x250x40xi32, #tpu.memory_space<vmem>> -> memref<1x1x40xi32, #tpu.memory_space<vmem>>
      %dma_start3A_228 = tpu.memref_squeeze %dma_start3A_227 : memref<1x1x40xi32, #tpu.memory_space<vmem>> -> memref<40xi32, #tpu.memory_space<vmem>>
      %dma_start3A_229 = arith.constant 0 : i32
      %dma_start3A_230 = arith.constant 0 : i32
      %dma_start3A_231 = tpu.memref_slice %arg2[%dma_start3A_229, %dma_start3A_230] : memref<10000x128xf32, #tpu.memory_space<hbm>> -> memref<10000x128xf32, #tpu.memory_space<hbm>>
      tpu.enqueue_indirect_dma source(%dma_start3A_231 : memref<10000x128xf32, #tpu.memory_space<hbm>>) target(%arg11 : memref<40x128xf32, #tpu.memory_space<vmem>>) offsets(%dma_start3A_228 : memref<40xi32, #tpu.memory_space<vmem>>) semaphore(%arg17 : memref<!tpu.dma_semaphore, #tpu.memory_space<semaphore_mem>>)
    }
    %scan3A_71 = arith.constant 49 : i32
    %dma_wait3A_72 = arith.constant 0 : i32
    %dma_wait3A_73 = arith.constant 245 : i32
    %dma_wait3A_74 = arith.constant 0 : i32
    %dma_wait3A_75 = tpu.memref_slice %arg6[%dma_wait3A_72, %dma_wait3A_73, %dma_wait3A_74] : memref<2x250x40xi32, #tpu.memory_space<vmem>> -> memref<1x1x40xi32, #tpu.memory_space<vmem>>
    %dma_wait3A_76 = tpu.memref_squeeze %dma_wait3A_75 : memref<1x1x40xi32, #tpu.memory_space<vmem>> -> memref<40xi32, #tpu.memory_space<vmem>>
    %dma_wait3A_77 = arith.constant 0 : i32
    %dma_wait3A_78 = arith.constant 0 : i32
    %dma_wait3A_79 = tpu.memref_slice %arg2[%dma_wait3A_77, %dma_wait3A_78] : memref<10000x128xf32, #tpu.memory_space<hbm>> -> memref<10000x128xf32, #tpu.memory_space<hbm>>
    tpu.wait_indirect_dma semaphore(%arg13 : memref<!tpu.dma_semaphore, #tpu.memory_space<semaphore_mem>>) src(%dma_wait3A_79 : memref<10000x128xf32, #tpu.memory_space<hbm>>) dst(%arg7 : memref<40x128xf32, #tpu.memory_space<vmem>>)
    %run_scoped3A = arith.constant 1 : i32
    %run_scoped3A_80 = arith.constant 245 : i32
    "tpu.region"() ({
      %run_scoped3A_126 = tpu.sem_alloc : memref<!tpu.dma_semaphore, #tpu.memory_space<semaphore_mem>>
      %dma_start3A_127 = arith.constant 0 : i32
      %dma_start3A_128 = tpu.memref_slice %arg6[%run_scoped3A, %run_scoped3A_80, %dma_start3A_127] : memref<2x250x40xi32, #tpu.memory_space<vmem>> -> memref<1x1x40xi32, #tpu.memory_space<vmem>>
      %dma_start3A_129 = tpu.memref_squeeze %dma_start3A_128 : memref<1x1x40xi32, #tpu.memory_space<vmem>> -> memref<40xi32, #tpu.memory_space<vmem>>
      %dma_start3A_130 = arith.constant 0 : i32
      %dma_start3A_131 = arith.constant 0 : i32
      %dma_start3A_132 = tpu.memref_slice %arg12[%dma_start3A_130, %dma_start3A_131] : memref<10240x128xf32, #tpu.memory_space<vmem_shared>> -> memref<10240x128xf32, #tpu.memory_space<vmem_shared>>
      tpu.enqueue_indirect_dma source(%arg7 : memref<40x128xf32, #tpu.memory_space<vmem>>) target(%dma_start3A_132 : memref<10240x128xf32, #tpu.memory_space<vmem_shared>>) offsets(%dma_start3A_129 : memref<40xi32, #tpu.memory_space<vmem>>) semaphore(%run_scoped3A_126 : memref<!tpu.dma_semaphore, #tpu.memory_space<semaphore_mem>>) {add = true}
      %dma_wait3A_133 = arith.constant 0 : i32
      %dma_wait3A_134 = tpu.memref_slice %arg6[%run_scoped3A, %run_scoped3A_80, %dma_wait3A_133] : memref<2x250x40xi32, #tpu.memory_space<vmem>> -> memref<1x1x40xi32, #tpu.memory_space<vmem>>
      %dma_wait3A_135 = tpu.memref_squeeze %dma_wait3A_134 : memref<1x1x40xi32, #tpu.memory_space<vmem>> -> memref<40xi32, #tpu.memory_space<vmem>>
      %dma_wait3A_136 = arith.constant 0 : i32
      %dma_wait3A_137 = arith.constant 0 : i32
      %dma_wait3A_138 = tpu.memref_slice %arg12[%dma_wait3A_136, %dma_wait3A_137] : memref<10240x128xf32, #tpu.memory_space<vmem_shared>> -> memref<10240x128xf32, #tpu.memory_space<vmem_shared>>
      tpu.wait_indirect_dma semaphore(%run_scoped3A_126 : memref<!tpu.dma_semaphore, #tpu.memory_space<semaphore_mem>>) src(%arg7 : memref<40x128xf32, #tpu.memory_space<vmem>>) dst(%dma_wait3A_138 : memref<10240x128xf32, #tpu.memory_space<vmem_shared>>)
      tpu.yield
    }) : () -> ()
    %dma_wait3A_81 = arith.constant 0 : i32
    %dma_wait3A_82 = arith.constant 246 : i32
    %dma_wait3A_83 = arith.constant 0 : i32
    %dma_wait3A_84 = tpu.memref_slice %arg6[%dma_wait3A_81, %dma_wait3A_82, %dma_wait3A_83] : memref<2x250x40xi32, #tpu.memory_space<vmem>> -> memref<1x1x40xi32, #tpu.memory_space<vmem>>
    %dma_wait3A_85 = tpu.memref_squeeze %dma_wait3A_84 : memref<1x1x40xi32, #tpu.memory_space<vmem>> -> memref<40xi32, #tpu.memory_space<vmem>>
    %dma_wait3A_86 = arith.constant 0 : i32
    %dma_wait3A_87 = arith.constant 0 : i32
    %dma_wait3A_88 = tpu.memref_slice %arg2[%dma_wait3A_86, %dma_wait3A_87] : memref<10000x128xf32, #tpu.memory_space<hbm>> -> memref<10000x128xf32, #tpu.memory_space<hbm>>
    tpu.wait_indirect_dma semaphore(%arg14 : memref<!tpu.dma_semaphore, #tpu.memory_space<semaphore_mem>>) src(%dma_wait3A_88 : memref<10000x128xf32, #tpu.memory_space<hbm>>) dst(%arg8 : memref<40x128xf32, #tpu.memory_space<vmem>>)
    %run_scoped3A_89 = arith.constant 1 : i32
    %run_scoped3A_90 = arith.constant 246 : i32
    "tpu.region"() ({
      %run_scoped3A_126 = tpu.sem_alloc : memref<!tpu.dma_semaphore, #tpu.memory_space<semaphore_mem>>
      %dma_start3A_127 = arith.constant 0 : i32
      %dma_start3A_128 = tpu.memref_slice %arg6[%run_scoped3A_89, %run_scoped3A_90, %dma_start3A_127] : memref<2x250x40xi32, #tpu.memory_space<vmem>> -> memref<1x1x40xi32, #tpu.memory_space<vmem>>
      %dma_start3A_129 = tpu.memref_squeeze %dma_start3A_128 : memref<1x1x40xi32, #tpu.memory_space<vmem>> -> memref<40xi32, #tpu.memory_space<vmem>>
      %dma_start3A_130 = arith.constant 0 : i32
      %dma_start3A_131 = arith.constant 0 : i32
      %dma_start3A_132 = tpu.memref_slice %arg12[%dma_start3A_130, %dma_start3A_131] : memref<10240x128xf32, #tpu.memory_space<vmem_shared>> -> memref<10240x128xf32, #tpu.memory_space<vmem_shared>>
      tpu.enqueue_indirect_dma source(%arg8 : memref<40x128xf32, #tpu.memory_space<vmem>>) target(%dma_start3A_132 : memref<10240x128xf32, #tpu.memory_space<vmem_shared>>) offsets(%dma_start3A_129 : memref<40xi32, #tpu.memory_space<vmem>>) semaphore(%run_scoped3A_126 : memref<!tpu.dma_semaphore, #tpu.memory_space<semaphore_mem>>) {add = true}
      %dma_wait3A_133 = arith.constant 0 : i32
      %dma_wait3A_134 = tpu.memref_slice %arg6[%run_scoped3A_89, %run_scoped3A_90, %dma_wait3A_133] : memref<2x250x40xi32, #tpu.memory_space<vmem>> -> memref<1x1x40xi32, #tpu.memory_space<vmem>>
      %dma_wait3A_135 = tpu.memref_squeeze %dma_wait3A_134 : memref<1x1x40xi32, #tpu.memory_space<vmem>> -> memref<40xi32, #tpu.memory_space<vmem>>
      %dma_wait3A_136 = arith.constant 0 : i32
      %dma_wait3A_137 = arith.constant 0 : i32
      %dma_wait3A_138 = tpu.memref_slice %arg12[%dma_wait3A_136, %dma_wait3A_137] : memref<10240x128xf32, #tpu.memory_space<vmem_shared>> -> memref<10240x128xf32, #tpu.memory_space<vmem_shared>>
      tpu.wait_indirect_dma semaphore(%run_scoped3A_126 : memref<!tpu.dma_semaphore, #tpu.memory_space<semaphore_mem>>) src(%arg8 : memref<40x128xf32, #tpu.memory_space<vmem>>) dst(%dma_wait3A_138 : memref<10240x128xf32, #tpu.memory_space<vmem_shared>>)
      tpu.yield
    }) : () -> ()
    %dma_wait3A_91 = arith.constant 0 : i32
    %dma_wait3A_92 = arith.constant 247 : i32
    %dma_wait3A_93 = arith.constant 0 : i32
    %dma_wait3A_94 = tpu.memref_slice %arg6[%dma_wait3A_91, %dma_wait3A_92, %dma_wait3A_93] : memref<2x250x40xi32, #tpu.memory_space<vmem>> -> memref<1x1x40xi32, #tpu.memory_space<vmem>>
    %dma_wait3A_95 = tpu.memref_squeeze %dma_wait3A_94 : memref<1x1x40xi32, #tpu.memory_space<vmem>> -> memref<40xi32, #tpu.memory_space<vmem>>
    %dma_wait3A_96 = arith.constant 0 : i32
    %dma_wait3A_97 = arith.constant 0 : i32
    %dma_wait3A_98 = tpu.memref_slice %arg2[%dma_wait3A_96, %dma_wait3A_97] : memref<10000x128xf32, #tpu.memory_space<hbm>> -> memref<10000x128xf32, #tpu.memory_space<hbm>>
    tpu.wait_indirect_dma semaphore(%arg15 : memref<!tpu.dma_semaphore, #tpu.memory_space<semaphore_mem>>) src(%dma_wait3A_98 : memref<10000x128xf32, #tpu.memory_space<hbm>>) dst(%arg9 : memref<40x128xf32, #tpu.memory_space<vmem>>)
    %run_scoped3A_99 = arith.constant 1 : i32
    %run_scoped3A_100 = arith.constant 247 : i32
    "tpu.region"() ({
      %run_scoped3A_126 = tpu.sem_alloc : memref<!tpu.dma_semaphore, #tpu.memory_space<semaphore_mem>>
      %dma_start3A_127 = arith.constant 0 : i32
      %dma_start3A_128 = tpu.memref_slice %arg6[%run_scoped3A_99, %run_scoped3A_100, %dma_start3A_127] : memref<2x250x40xi32, #tpu.memory_space<vmem>> -> memref<1x1x40xi32, #tpu.memory_space<vmem>>
      %dma_start3A_129 = tpu.memref_squeeze %dma_start3A_128 : memref<1x1x40xi32, #tpu.memory_space<vmem>> -> memref<40xi32, #tpu.memory_space<vmem>>
      %dma_start3A_130 = arith.constant 0 : i32
      %dma_start3A_131 = arith.constant 0 : i32
      %dma_start3A_132 = tpu.memref_slice %arg12[%dma_start3A_130, %dma_start3A_131] : memref<10240x128xf32, #tpu.memory_space<vmem_shared>> -> memref<10240x128xf32, #tpu.memory_space<vmem_shared>>
      tpu.enqueue_indirect_dma source(%arg9 : memref<40x128xf32, #tpu.memory_space<vmem>>) target(%dma_start3A_132 : memref<10240x128xf32, #tpu.memory_space<vmem_shared>>) offsets(%dma_start3A_129 : memref<40xi32, #tpu.memory_space<vmem>>) semaphore(%run_scoped3A_126 : memref<!tpu.dma_semaphore, #tpu.memory_space<semaphore_mem>>) {add = true}
      %dma_wait3A_133 = arith.constant 0 : i32
      %dma_wait3A_134 = tpu.memref_slice %arg6[%run_scoped3A_99, %run_scoped3A_100, %dma_wait3A_133] : memref<2x250x40xi32, #tpu.memory_space<vmem>> -> memref<1x1x40xi32, #tpu.memory_space<vmem>>
      %dma_wait3A_135 = tpu.memref_squeeze %dma_wait3A_134 : memref<1x1x40xi32, #tpu.memory_space<vmem>> -> memref<40xi32, #tpu.memory_space<vmem>>
      %dma_wait3A_136 = arith.constant 0 : i32
      %dma_wait3A_137 = arith.constant 0 : i32
      %dma_wait3A_138 = tpu.memref_slice %arg12[%dma_wait3A_136, %dma_wait3A_137] : memref<10240x128xf32, #tpu.memory_space<vmem_shared>> -> memref<10240x128xf32, #tpu.memory_space<vmem_shared>>
      tpu.wait_indirect_dma semaphore(%run_scoped3A_126 : memref<!tpu.dma_semaphore, #tpu.memory_space<semaphore_mem>>) src(%arg9 : memref<40x128xf32, #tpu.memory_space<vmem>>) dst(%dma_wait3A_138 : memref<10240x128xf32, #tpu.memory_space<vmem_shared>>)
      tpu.yield
    }) : () -> ()
    %dma_wait3A_101 = arith.constant 0 : i32
    %dma_wait3A_102 = arith.constant 248 : i32
    %dma_wait3A_103 = arith.constant 0 : i32
    %dma_wait3A_104 = tpu.memref_slice %arg6[%dma_wait3A_101, %dma_wait3A_102, %dma_wait3A_103] : memref<2x250x40xi32, #tpu.memory_space<vmem>> -> memref<1x1x40xi32, #tpu.memory_space<vmem>>
    %dma_wait3A_105 = tpu.memref_squeeze %dma_wait3A_104 : memref<1x1x40xi32, #tpu.memory_space<vmem>> -> memref<40xi32, #tpu.memory_space<vmem>>
    %dma_wait3A_106 = arith.constant 0 : i32
    %dma_wait3A_107 = arith.constant 0 : i32
    %dma_wait3A_108 = tpu.memref_slice %arg2[%dma_wait3A_106, %dma_wait3A_107] : memref<10000x128xf32, #tpu.memory_space<hbm>> -> memref<10000x128xf32, #tpu.memory_space<hbm>>
    tpu.wait_indirect_dma semaphore(%arg16 : memref<!tpu.dma_semaphore, #tpu.memory_space<semaphore_mem>>) src(%dma_wait3A_108 : memref<10000x128xf32, #tpu.memory_space<hbm>>) dst(%arg10 : memref<40x128xf32, #tpu.memory_space<vmem>>)
    %run_scoped3A_109 = arith.constant 1 : i32
    %run_scoped3A_110 = arith.constant 248 : i32
    "tpu.region"() ({
      %run_scoped3A_126 = tpu.sem_alloc : memref<!tpu.dma_semaphore, #tpu.memory_space<semaphore_mem>>
      %dma_start3A_127 = arith.constant 0 : i32
      %dma_start3A_128 = tpu.memref_slice %arg6[%run_scoped3A_109, %run_scoped3A_110, %dma_start3A_127] : memref<2x250x40xi32, #tpu.memory_space<vmem>> -> memref<1x1x40xi32, #tpu.memory_space<vmem>>
      %dma_start3A_129 = tpu.memref_squeeze %dma_start3A_128 : memref<1x1x40xi32, #tpu.memory_space<vmem>> -> memref<40xi32, #tpu.memory_space<vmem>>
      %dma_start3A_130 = arith.constant 0 : i32
      %dma_start3A_131 = arith.constant 0 : i32
      %dma_start3A_132 = tpu.memref_slice %arg12[%dma_start3A_130, %dma_start3A_131] : memref<10240x128xf32, #tpu.memory_space<vmem_shared>> -> memref<10240x128xf32, #tpu.memory_space<vmem_shared>>
      tpu.enqueue_indirect_dma source(%arg10 : memref<40x128xf32, #tpu.memory_space<vmem>>) target(%dma_start3A_132 : memref<10240x128xf32, #tpu.memory_space<vmem_shared>>) offsets(%dma_start3A_129 : memref<40xi32, #tpu.memory_space<vmem>>) semaphore(%run_scoped3A_126 : memref<!tpu.dma_semaphore, #tpu.memory_space<semaphore_mem>>) {add = true}
      %dma_wait3A_133 = arith.constant 0 : i32
      %dma_wait3A_134 = tpu.memref_slice %arg6[%run_scoped3A_109, %run_scoped3A_110, %dma_wait3A_133] : memref<2x250x40xi32, #tpu.memory_space<vmem>> -> memref<1x1x40xi32, #tpu.memory_space<vmem>>
      %dma_wait3A_135 = tpu.memref_squeeze %dma_wait3A_134 : memref<1x1x40xi32, #tpu.memory_space<vmem>> -> memref<40xi32, #tpu.memory_space<vmem>>
      %dma_wait3A_136 = arith.constant 0 : i32
      %dma_wait3A_137 = arith.constant 0 : i32
      %dma_wait3A_138 = tpu.memref_slice %arg12[%dma_wait3A_136, %dma_wait3A_137] : memref<10240x128xf32, #tpu.memory_space<vmem_shared>> -> memref<10240x128xf32, #tpu.memory_space<vmem_shared>>
      tpu.wait_indirect_dma semaphore(%run_scoped3A_126 : memref<!tpu.dma_semaphore, #tpu.memory_space<semaphore_mem>>) src(%arg10 : memref<40x128xf32, #tpu.memory_space<vmem>>) dst(%dma_wait3A_138 : memref<10240x128xf32, #tpu.memory_space<vmem_shared>>)
      tpu.yield
    }) : () -> ()
    %dma_wait3A_111 = arith.constant 0 : i32
    %dma_wait3A_112 = arith.constant 249 : i32
    %dma_wait3A_113 = arith.constant 0 : i32
    %dma_wait3A_114 = tpu.memref_slice %arg6[%dma_wait3A_111, %dma_wait3A_112, %dma_wait3A_113] : memref<2x250x40xi32, #tpu.memory_space<vmem>> -> memref<1x1x40xi32, #tpu.memory_space<vmem>>
    %dma_wait3A_115 = tpu.memref_squeeze %dma_wait3A_114 : memref<1x1x40xi32, #tpu.memory_space<vmem>> -> memref<40xi32, #tpu.memory_space<vmem>>
    %dma_wait3A_116 = arith.constant 0 : i32
    %dma_wait3A_117 = arith.constant 0 : i32
    %dma_wait3A_118 = tpu.memref_slice %arg2[%dma_wait3A_116, %dma_wait3A_117] : memref<10000x128xf32, #tpu.memory_space<hbm>> -> memref<10000x128xf32, #tpu.memory_space<hbm>>
    tpu.wait_indirect_dma semaphore(%arg17 : memref<!tpu.dma_semaphore, #tpu.memory_space<semaphore_mem>>) src(%dma_wait3A_118 : memref<10000x128xf32, #tpu.memory_space<hbm>>) dst(%arg11 : memref<40x128xf32, #tpu.memory_space<vmem>>)
    %run_scoped3A_119 = arith.constant 1 : i32
    %run_scoped3A_120 = arith.constant 249 : i32
    "tpu.region"() ({
      %run_scoped3A_126 = tpu.sem_alloc : memref<!tpu.dma_semaphore, #tpu.memory_space<semaphore_mem>>
      %dma_start3A_127 = arith.constant 0 : i32
      %dma_start3A_128 = tpu.memref_slice %arg6[%run_scoped3A_119, %run_scoped3A_120, %dma_start3A_127] : memref<2x250x40xi32, #tpu.memory_space<vmem>> -> memref<1x1x40xi32, #tpu.memory_space<vmem>>
      %dma_start3A_129 = tpu.memref_squeeze %dma_start3A_128 : memref<1x1x40xi32, #tpu.memory_space<vmem>> -> memref<40xi32, #tpu.memory_space<vmem>>
      %dma_start3A_130 = arith.constant 0 : i32
      %dma_start3A_131 = arith.constant 0 : i32
      %dma_start3A_132 = tpu.memref_slice %arg12[%dma_start3A_130, %dma_start3A_131] : memref<10240x128xf32, #tpu.memory_space<vmem_shared>> -> memref<10240x128xf32, #tpu.memory_space<vmem_shared>>
      tpu.enqueue_indirect_dma source(%arg11 : memref<40x128xf32, #tpu.memory_space<vmem>>) target(%dma_start3A_132 : memref<10240x128xf32, #tpu.memory_space<vmem_shared>>) offsets(%dma_start3A_129 : memref<40xi32, #tpu.memory_space<vmem>>) semaphore(%run_scoped3A_126 : memref<!tpu.dma_semaphore, #tpu.memory_space<semaphore_mem>>) {add = true}
      %dma_wait3A_133 = arith.constant 0 : i32
      %dma_wait3A_134 = tpu.memref_slice %arg6[%run_scoped3A_119, %run_scoped3A_120, %dma_wait3A_133] : memref<2x250x40xi32, #tpu.memory_space<vmem>> -> memref<1x1x40xi32, #tpu.memory_space<vmem>>
      %dma_wait3A_135 = tpu.memref_squeeze %dma_wait3A_134 : memref<1x1x40xi32, #tpu.memory_space<vmem>> -> memref<40xi32, #tpu.memory_space<vmem>>
      %dma_wait3A_136 = arith.constant 0 : i32
      %dma_wait3A_137 = arith.constant 0 : i32
      %dma_wait3A_138 = tpu.memref_slice %arg12[%dma_wait3A_136, %dma_wait3A_137] : memref<10240x128xf32, #tpu.memory_space<vmem_shared>> -> memref<10240x128xf32, #tpu.memory_space<vmem_shared>>
      tpu.wait_indirect_dma semaphore(%run_scoped3A_126 : memref<!tpu.dma_semaphore, #tpu.memory_space<semaphore_mem>>) src(%arg11 : memref<40x128xf32, #tpu.memory_space<vmem>>) dst(%dma_wait3A_138 : memref<10240x128xf32, #tpu.memory_space<vmem_shared>>)
      tpu.yield
    }) : () -> ()
    %barrier3A_121 = arith.constant 0 : index
    tpu.barrier barrier_id(%barrier3A_121)
    %mul3A_122 = arith.constant 640 : i32
    %mul3A_123 = arith.muli %arg1, %mul3A_122 : i32
    %mul3A_124 = arith.constant 640 : i32
    %mul3A_125 = arith.muli %arg1, %mul3A_124 : i32
    "tpu.region"() ({
      %run_scoped3A_126 = tpu.sem_alloc : memref<!tpu.dma_semaphore, #tpu.memory_space<semaphore_mem>>
      %dma_start3A_127 = arith.constant 0 : i32
      %dma_start3A_128 = tpu.memref_slice %arg5[%arg0, %mul3A_125, %dma_start3A_127] : memref<2x10240x128xf32, #tpu.memory_space<hbm>> -> memref<1x640x128xf32, #tpu.memory_space<hbm>>
      %dma_start3A_129 = tpu.memref_squeeze %dma_start3A_128 : memref<1x640x128xf32, #tpu.memory_space<hbm>> -> memref<640x128xf32, #tpu.memory_space<hbm>>
      %dma_start3A_130 = arith.constant 0 : i32
      %dma_start3A_131 = tpu.memref_slice %arg12[%mul3A_123, %dma_start3A_130] : memref<10240x128xf32, #tpu.memory_space<vmem_shared>> -> memref<640x128xf32, #tpu.memory_space<vmem_shared>>
      tpu.enqueue_dma source(%dma_start3A_131 : memref<640x128xf32, #tpu.memory_space<vmem_shared>>) target(%dma_start3A_129 : memref<640x128xf32, #tpu.memory_space<hbm>>) target_semaphore(%run_scoped3A_126 : memref<!tpu.dma_semaphore, #tpu.memory_space<semaphore_mem>>)
      %dma_wait3A_132 = arith.constant 0 : i32
      %dma_wait3A_133 = tpu.memref_slice %arg5[%arg0, %mul3A_125, %dma_wait3A_132] : memref<2x10240x128xf32, #tpu.memory_space<hbm>> -> memref<1x640x128xf32, #tpu.memory_space<hbm>>
      %dma_wait3A_134 = tpu.memref_squeeze %dma_wait3A_133 : memref<1x640x128xf32, #tpu.memory_space<hbm>> -> memref<640x128xf32, #tpu.memory_space<hbm>>
      %dma_wait3A_135 = arith.constant 0 : i32
      %dma_wait3A_136 = tpu.memref_slice %arg12[%mul3A_123, %dma_wait3A_135] : memref<10240x128xf32, #tpu.memory_space<vmem_shared>> -> memref<640x128xf32, #tpu.memory_space<vmem_shared>>
      tpu.wait_dma2 semaphore(%run_scoped3A_126 : memref<!tpu.dma_semaphore, #tpu.memory_space<semaphore_mem>>) src(%dma_wait3A_136 : memref<640x128xf32, #tpu.memory_space<vmem_shared>>) dst(%dma_wait3A_134 : memref<640x128xf32, #tpu.memory_space<hbm>>)
      tpu.yield
    }) : () -> ()
    return
  }
}

#map = affine_map<(d0, d1) -> (0, 0)>
#map1 = affine_map<(d0, d1) -> (0, 0, 0, 0)>
#map2 = affine_map<(d0, d1) -> (0, 0, 0)>
module attributes {stable_mosaic.version = 14 : i64} {
  func.func @k(%arg0: i32, %arg1: i32, %arg2: memref<10000x128xf32, #tpu.memory_space<hbm>>, %arg3: memref<32x2x250x40xi32, #tpu.memory_space<hbm>>, %arg4: memref<640x128xf32, #tpu.memory_space<hbm>>, %arg5: memref<2x10240x128xf32, #tpu.memory_space<hbm>>, %arg6: memref<2x250x40xi32, #tpu.memory_space<vmem>>, %arg7: memref<40x128xf32, #tpu.memory_space<vmem>>, %arg8: memref<40x128xf32, #tpu.memory_space<vmem>>, %arg9: memref<40x128xf32, #tpu.memory_space<vmem>>, %arg10: memref<40x128xf32, #tpu.memory_space<vmem>>, %arg11: memref<40x128xf32, #tpu.memory_space<vmem>>, %arg12: memref<10240x128xf32, #tpu.memory_space<vmem_shared>>, %arg13: memref<!tpu.dma_semaphore, #tpu.memory_space<semaphore_mem>>, %arg14: memref<!tpu.dma_semaphore, #tpu.memory_space<semaphore_mem>>, %arg15: memref<!tpu.dma_semaphore, #tpu.memory_space<semaphore_mem>>, %arg16: memref<!tpu.dma_semaphore, #tpu.memory_space<semaphore_mem>>, %arg17: memref<!tpu.dma_semaphore, #tpu.memory_space<semaphore_mem>>) attributes {dimension_semantics = [#tpu.dimension_semantics<core_parallel>, #tpu.dimension_semantics<subcore_parallel>], iteration_bounds = array<i64: 2, 16>, scalar_prefetch = 0 : i64, scratch_operands = 12 : i64, tpu.core_type = #tpu.core_type<sc_vector_subcore>, window_params = [{transform_indices = #map}, {transform_indices = #map1}, {transform_indices = #map}, {transform_indices = #map2}]} {
    %mul3A = arith.constant 16 : i32
    %mul3A_0 = arith.muli %arg0, %mul3A : i32
    %add3A = arith.addi %mul3A_0, %arg1 : i32
    %dma_start3A = arith.constant 0 : i32
    %dma_start3A_1 = arith.constant 0 : i32
    %dma_start3A_2 = arith.constant 0 : i32
    %dma_start3A_3 = tpu.memref_slice %arg3[%add3A, %dma_start3A, %dma_start3A_1, %dma_start3A_2] : memref<32x2x250x40xi32, #tpu.memory_space<hbm>> -> memref<1x2x250x40xi32, #tpu.memory_space<hbm>>
    %dma_start3A_4 = tpu.memref_squeeze %dma_start3A_3 : memref<1x2x250x40xi32, #tpu.memory_space<hbm>> -> memref<2x250x40xi32, #tpu.memory_space<hbm>>
    %dma_start3A_5 = arith.constant 0 : i32
    %dma_start3A_6 = arith.constant 0 : i32
    %dma_start3A_7 = arith.constant 0 : i32
    %dma_start3A_8 = tpu.memref_slice %arg3[%add3A, %dma_start3A_5, %dma_start3A_6, %dma_start3A_7] : memref<32x2x250x40xi32, #tpu.memory_space<hbm>> -> memref<1x2x250x40xi32, #tpu.memory_space<hbm>>
    %dma_start3A_9 = tpu.memref_squeeze %dma_start3A_8 : memref<1x2x250x40xi32, #tpu.memory_space<hbm>> -> memref<2x250x40xi32, #tpu.memory_space<hbm>>
    tpu.enqueue_dma source(%dma_start3A_9 : memref<2x250x40xi32, #tpu.memory_space<hbm>>) target(%arg6 : memref<2x250x40xi32, #tpu.memory_space<vmem>>) target_semaphore(%arg13 : memref<!tpu.dma_semaphore, #tpu.memory_space<semaphore_mem>>)
    %mul3A_10 = arith.constant 640 : i32
    %mul3A_11 = arith.muli %arg1, %mul3A_10 : i32
    %dma_start3A_12 = arith.constant 0 : i32
    %dma_start3A_13 = tpu.memref_slice %arg12[%mul3A_11, %dma_start3A_12] : memref<10240x128xf32, #tpu.memory_space<vmem_shared>> -> memref<640x128xf32, #tpu.memory_space<vmem_shared>>
    tpu.enqueue_dma source(%arg4 : memref<640x128xf32, #tpu.memory_space<hbm>>) target(%dma_start3A_13 : memref<640x128xf32, #tpu.memory_space<vmem_shared>>) target_semaphore(%arg14 : memref<!tpu.dma_semaphore, #tpu.memory_space<semaphore_mem>>)
    %dma_wait3A = arith.constant 0 : i32
    %dma_wait3A_14 = arith.constant 0 : i32
    %dma_wait3A_15 = arith.constant 0 : i32
    %dma_wait3A_16 = tpu.memref_slice %arg3[%add3A, %dma_wait3A, %dma_wait3A_14, %dma_wait3A_15] : memref<32x2x250x40xi32, #tpu.memory_space<hbm>> -> memref<1x2x250x40xi32, #tpu.memory_space<hbm>>
    %dma_wait3A_17 = tpu.memref_squeeze %dma_wait3A_16 : memref<1x2x250x40xi32, #tpu.memory_space<hbm>> -> memref<2x250x40xi32, #tpu.memory_space<hbm>>
    %dma_wait3A_18 = arith.constant 0 : i32
    %dma_wait3A_19 = arith.constant 0 : i32
    %dma_wait3A_20 = arith.constant 0 : i32
    %dma_wait3A_21 = tpu.memref_slice %arg3[%add3A, %dma_wait3A_18, %dma_wait3A_19, %dma_wait3A_20] : memref<32x2x250x40xi32, #tpu.memory_space<hbm>> -> memref<1x2x250x40xi32, #tpu.memory_space<hbm>>
    %dma_wait3A_22 = tpu.memref_squeeze %dma_wait3A_21 : memref<1x2x250x40xi32, #tpu.memory_space<hbm>> -> memref<2x250x40xi32, #tpu.memory_space<hbm>>
    tpu.wait_dma2 semaphore(%arg13 : memref<!tpu.dma_semaphore, #tpu.memory_space<semaphore_mem>>) src(%dma_wait3A_22 : memref<2x250x40xi32, #tpu.memory_space<hbm>>) dst(%arg6 : memref<2x250x40xi32, #tpu.memory_space<vmem>>)
    %mul3A_23 = arith.constant 640 : i32
    %mul3A_24 = arith.muli %arg1, %mul3A_23 : i32
    %dma_wait3A_25 = arith.constant 0 : i32
    %dma_wait3A_26 = tpu.memref_slice %arg12[%mul3A_24, %dma_wait3A_25] : memref<10240x128xf32, #tpu.memory_space<vmem_shared>> -> memref<640x128xf32, #tpu.memory_space<vmem_shared>>
    tpu.wait_dma2 semaphore(%arg14 : memref<!tpu.dma_semaphore, #tpu.memory_space<semaphore_mem>>) src(%arg4 : memref<640x128xf32, #tpu.memory_space<hbm>>) dst(%dma_wait3A_26 : memref<640x128xf32, #tpu.memory_space<vmem_shared>>)
    %barrier3A = arith.constant 0 : index
    tpu.barrier barrier_id(%barrier3A)
    %dma_start3A_27 = arith.constant 0 : i32
    %dma_start3A_28 = arith.constant 0 : i32
    %dma_start3A_29 = arith.constant 0 : i32
    %dma_start3A_30 = tpu.memref_slice %arg6[%dma_start3A_27, %dma_start3A_28, %dma_start3A_29] : memref<2x250x40xi32, #tpu.memory_space<vmem>> -> memref<1x1x40xi32, #tpu.memory_space<vmem>>
    %dma_start3A_31 = tpu.memref_squeeze %dma_start3A_30 : memref<1x1x40xi32, #tpu.memory_space<vmem>> -> memref<40xi32, #tpu.memory_space<vmem>>
    %dma_start3A_32 = arith.constant 0 : i32
    %dma_start3A_33 = arith.constant 0 : i32
    %dma_start3A_34 = tpu.memref_slice %arg2[%dma_start3A_32, %dma_start3A_33] : memref<10000x128xf32, #tpu.memory_space<hbm>> -> memref<10000x128xf32, #tpu.memory_space<hbm>>
    tpu.enqueue_indirect_dma source(%dma_start3A_34 : memref<10000x128xf32, #tpu.memory_space<hbm>>) target(%arg7 : memref<40x128xf32, #tpu.memory_space<vmem>>) offsets(%dma_start3A_31 : memref<40xi32, #tpu.memory_space<vmem>>) semaphore(%arg13 : memref<!tpu.dma_semaphore, #tpu.memory_space<semaphore_mem>>)
    %dma_start3A_35 = arith.constant 0 : i32
    %dma_start3A_36 = arith.constant 1 : i32
    %dma_start3A_37 = arith.constant 0 : i32
    %dma_start3A_38 = tpu.memref_slice %arg6[%dma_start3A_35, %dma_start3A_36, %dma_start3A_37] : memref<2x250x40xi32, #tpu.memory_space<vmem>> -> memref<1x1x40xi32, #tpu.memory_space<vmem>>
    %dma_start3A_39 = tpu.memref_squeeze %dma_start3A_38 : memref<1x1x40xi32, #tpu.memory_space<vmem>> -> memref<40xi32, #tpu.memory_space<vmem>>
    %dma_start3A_40 = arith.constant 0 : i32
    %dma_start3A_41 = arith.constant 0 : i32
    %dma_start3A_42 = tpu.memref_slice %arg2[%dma_start3A_40, %dma_start3A_41] : memref<10000x128xf32, #tpu.memory_space<hbm>> -> memref<10000x128xf32, #tpu.memory_space<hbm>>
    tpu.enqueue_indirect_dma source(%dma_start3A_42 : memref<10000x128xf32, #tpu.memory_space<hbm>>) target(%arg8 : memref<40x128xf32, #tpu.memory_space<vmem>>) offsets(%dma_start3A_39 : memref<40xi32, #tpu.memory_space<vmem>>) semaphore(%arg14 : memref<!tpu.dma_semaphore, #tpu.memory_space<semaphore_mem>>)
    %dma_start3A_43 = arith.constant 0 : i32
    %dma_start3A_44 = arith.constant 2 : i32
    %dma_start3A_45 = arith.constant 0 : i32
    %dma_start3A_46 = tpu.memref_slice %arg6[%dma_start3A_43, %dma_start3A_44, %dma_start3A_45] : memref<2x250x40xi32, #tpu.memory_space<vmem>> -> memref<1x1x40xi32, #tpu.memory_space<vmem>>
    %dma_start3A_47 = tpu.memref_squeeze %dma_start3A_46 : memref<1x1x40xi32, #tpu.memory_space<vmem>> -> memref<40xi32, #tpu.memory_space<vmem>>
    %dma_start3A_48 = arith.constant 0 : i32
    %dma_start3A_49 = arith.constant 0 : i32
    %dma_start3A_50 = tpu.memref_slice %arg2[%dma_start3A_48, %dma_start3A_49] : memref<10000x128xf32, #tpu.memory_space<hbm>> -> memref<10000x128xf32, #tpu.memory_space<hbm>>
    tpu.enqueue_indirect_dma source(%dma_start3A_50 : memref<10000x128xf32, #tpu.memory_space<hbm>>) target(%arg9 : memref<40x128xf32, #tpu.memory_space<vmem>>) offsets(%dma_start3A_47 : memref<40xi32, #tpu.memory_space<vmem>>) semaphore(%arg15 : memref<!tpu.dma_semaphore, #tpu.memory_space<semaphore_mem>>)
    %dma_start3A_51 = arith.constant 0 : i32
    %dma_start3A_52 = arith.constant 3 : i32
    %dma_start3A_53 = arith.constant 0 : i32
    %dma_start3A_54 = tpu.memref_slice %arg6[%dma_start3A_51, %dma_start3A_52, %dma_start3A_53] : memref<2x250x40xi32, #tpu.memory_space<vmem>> -> memref<1x1x40xi32, #tpu.memory_space<vmem>>
    %dma_start3A_55 = tpu.memref_squeeze %dma_start3A_54 : memref<1x1x40xi32, #tpu.memory_space<vmem>> -> memref<40xi32, #tpu.memory_space<vmem>>
    %dma_start3A_56 = arith.constant 0 : i32
    %dma_start3A_57 = arith.constant 0 : i32
    %dma_start3A_58 = tpu.memref_slice %arg2[%dma_start3A_56, %dma_start3A_57] : memref<10000x128xf32, #tpu.memory_space<hbm>> -> memref<10000x128xf32, #tpu.memory_space<hbm>>
    tpu.enqueue_indirect_dma source(%dma_start3A_58 : memref<10000x128xf32, #tpu.memory_space<hbm>>) target(%arg10 : memref<40x128xf32, #tpu.memory_space<vmem>>) offsets(%dma_start3A_55 : memref<40xi32, #tpu.memory_space<vmem>>) semaphore(%arg16 : memref<!tpu.dma_semaphore, #tpu.memory_space<semaphore_mem>>)
    %dma_start3A_59 = arith.constant 0 : i32
    %dma_start3A_60 = arith.constant 4 : i32
    %dma_start3A_61 = arith.constant 0 : i32
    %dma_start3A_62 = tpu.memref_slice %arg6[%dma_start3A_59, %dma_start3A_60, %dma_start3A_61] : memref<2x250x40xi32, #tpu.memory_space<vmem>> -> memref<1x1x40xi32, #tpu.memory_space<vmem>>
    %dma_start3A_63 = tpu.memref_squeeze %dma_start3A_62 : memref<1x1x40xi32, #tpu.memory_space<vmem>> -> memref<40xi32, #tpu.memory_space<vmem>>
    %dma_start3A_64 = arith.constant 0 : i32
    %dma_start3A_65 = arith.constant 0 : i32
    %dma_start3A_66 = tpu.memref_slice %arg2[%dma_start3A_64, %dma_start3A_65] : memref<10000x128xf32, #tpu.memory_space<hbm>> -> memref<10000x128xf32, #tpu.memory_space<hbm>>
    tpu.enqueue_indirect_dma source(%dma_start3A_66 : memref<10000x128xf32, #tpu.memory_space<hbm>>) target(%arg11 : memref<40x128xf32, #tpu.memory_space<vmem>>) offsets(%dma_start3A_63 : memref<40xi32, #tpu.memory_space<vmem>>) semaphore(%arg17 : memref<!tpu.dma_semaphore, #tpu.memory_space<semaphore_mem>>)
    %scan3A = arith.constant 0 : i32
    %scan3A_67 = arith.constant 0 : i32
    %scan3A_68 = arith.constant 49 : i32
    %scan3A_69 = arith.addi %scan3A_67, %scan3A_68 : i32
    %scan3A_70 = arith.constant 1 : i32
    scf.for %scan3A_126 = %scan3A_67 to %scan3A_69 step %scan3A_70  : i32 {
      %mul3A_127 = arith.constant 5 : i32
      %mul3A_128 = arith.muli %scan3A_126, %mul3A_127 : i32
      %add3A_129 = arith.constant 0 : i32
      %add3A_130 = arith.addi %mul3A_128, %add3A_129 : i32
      %dma_wait3A_131 = arith.constant 0 : i32
      %dma_wait3A_132 = arith.constant 0 : i32
      %dma_wait3A_133 = tpu.memref_slice %arg6[%dma_wait3A_131, %add3A_130, %dma_wait3A_132] : memref<2x250x40xi32, #tpu.memory_space<vmem>> -> memref<1x1x40xi32, #tpu.memory_space<vmem>>
      %dma_wait3A_134 = tpu.memref_squeeze %dma_wait3A_133 : memref<1x1x40xi32, #tpu.memory_space<vmem>> -> memref<40xi32, #tpu.memory_space<vmem>>
      %dma_wait3A_135 = arith.constant 0 : i32
      %dma_wait3A_136 = arith.constant 0 : i32
      %dma_wait3A_137 = tpu.memref_slice %arg2[%dma_wait3A_135, %dma_wait3A_136] : memref<10000x128xf32, #tpu.memory_space<hbm>> -> memref<10000x128xf32, #tpu.memory_space<hbm>>
      tpu.wait_indirect_dma semaphore(%arg13 : memref<!tpu.dma_semaphore, #tpu.memory_space<semaphore_mem>>) src(%dma_wait3A_137 : memref<10000x128xf32, #tpu.memory_space<hbm>>) dst(%arg7 : memref<40x128xf32, #tpu.memory_space<vmem>>)
      %run_scoped3A_138 = arith.constant 1 : i32
      "tpu.region"() ({
        %run_scoped3A_232 = tpu.sem_alloc : memref<!tpu.dma_semaphore, #tpu.memory_space<semaphore_mem>>
        %dma_start3A_233 = arith.constant 0 : i32
        %dma_start3A_234 = tpu.memref_slice %arg6[%run_scoped3A_138, %add3A_130, %dma_start3A_233] : memref<2x250x40xi32, #tpu.memory_space<vmem>> -> memref<1x1x40xi32, #tpu.memory_space<vmem>>
        %dma_start3A_235 = tpu.memref_squeeze %dma_start3A_234 : memref<1x1x40xi32, #tpu.memory_space<vmem>> -> memref<40xi32, #tpu.memory_space<vmem>>
        %dma_start3A_236 = arith.constant 0 : i32
        %dma_start3A_237 = arith.constant 0 : i32
        %dma_start3A_238 = tpu.memref_slice %arg12[%dma_start3A_236, %dma_start3A_237] : memref<10240x128xf32, #tpu.memory_space<vmem_shared>> -> memref<10240x128xf32, #tpu.memory_space<vmem_shared>>
        tpu.enqueue_indirect_dma source(%arg7 : memref<40x128xf32, #tpu.memory_space<vmem>>) target(%dma_start3A_238 : memref<10240x128xf32, #tpu.memory_space<vmem_shared>>) offsets(%dma_start3A_235 : memref<40xi32, #tpu.memory_space<vmem>>) semaphore(%run_scoped3A_232 : memref<!tpu.dma_semaphore, #tpu.memory_space<semaphore_mem>>) {add = true}
        %dma_wait3A_239 = arith.constant 0 : i32
        %dma_wait3A_240 = tpu.memref_slice %arg6[%run_scoped3A_138, %add3A_130, %dma_wait3A_239] : memref<2x250x40xi32, #tpu.memory_space<vmem>> -> memref<1x1x40xi32, #tpu.memory_space<vmem>>
        %dma_wait3A_241 = tpu.memref_squeeze %dma_wait3A_240 : memref<1x1x40xi32, #tpu.memory_space<vmem>> -> memref<40xi32, #tpu.memory_space<vmem>>
        %dma_wait3A_242 = arith.constant 0 : i32
        %dma_wait3A_243 = arith.constant 0 : i32
        %dma_wait3A_244 = tpu.memref_slice %arg12[%dma_wait3A_242, %dma_wait3A_243] : memref<10240x128xf32, #tpu.memory_space<vmem_shared>> -> memref<10240x128xf32, #tpu.memory_space<vmem_shared>>
        tpu.wait_indirect_dma semaphore(%run_scoped3A_232 : memref<!tpu.dma_semaphore, #tpu.memory_space<semaphore_mem>>) src(%arg7 : memref<40x128xf32, #tpu.memory_space<vmem>>) dst(%dma_wait3A_244 : memref<10240x128xf32, #tpu.memory_space<vmem_shared>>)
        tpu.yield
      }) : () -> ()
      %add3A_139 = arith.constant 5 : i32
      %add3A_140 = arith.addi %add3A_130, %add3A_139 : i32
      %dma_start3A_141 = arith.constant 0 : i32
      %dma_start3A_142 = arith.constant 0 : i32
      %dma_start3A_143 = tpu.memref_slice %arg6[%dma_start3A_141, %add3A_140, %dma_start3A_142] : memref<2x250x40xi32, #tpu.memory_space<vmem>> -> memref<1x1x40xi32, #tpu.memory_space<vmem>>
      %dma_start3A_144 = tpu.memref_squeeze %dma_start3A_143 : memref<1x1x40xi32, #tpu.memory_space<vmem>> -> memref<40xi32, #tpu.memory_space<vmem>>
      %dma_start3A_145 = arith.constant 0 : i32
      %dma_start3A_146 = arith.constant 0 : i32
      %dma_start3A_147 = tpu.memref_slice %arg2[%dma_start3A_145, %dma_start3A_146] : memref<10000x128xf32, #tpu.memory_space<hbm>> -> memref<10000x128xf32, #tpu.memory_space<hbm>>
      tpu.enqueue_indirect_dma source(%dma_start3A_147 : memref<10000x128xf32, #tpu.memory_space<hbm>>) target(%arg7 : memref<40x128xf32, #tpu.memory_space<vmem>>) offsets(%dma_start3A_144 : memref<40xi32, #tpu.memory_space<vmem>>) semaphore(%arg13 : memref<!tpu.dma_semaphore, #tpu.memory_space<semaphore_mem>>)
      %mul3A_148 = arith.constant 5 : i32
      %mul3A_149 = arith.muli %scan3A_126, %mul3A_148 : i32
      %add3A_150 = arith.constant 1 : i32
      %add3A_151 = arith.addi %mul3A_149, %add3A_150 : i32
      %dma_wait3A_152 = arith.constant 0 : i32
      %dma_wait3A_153 = arith.constant 0 : i32
      %dma_wait3A_154 = tpu.memref_slice %arg6[%dma_wait3A_152, %add3A_151, %dma_wait3A_153] : memref<2x250x40xi32, #tpu.memory_space<vmem>> -> memref<1x1x40xi32, #tpu.memory_space<vmem>>
      %dma_wait3A_155 = tpu.memref_squeeze %dma_wait3A_154 : memref<1x1x40xi32, #tpu.memory_space<vmem>> -> memref<40xi32, #tpu.memory_space<vmem>>
      %dma_wait3A_156 = arith.constant 0 : i32
      %dma_wait3A_157 = arith.constant 0 : i32
      %dma_wait3A_158 = tpu.memref_slice %arg2[%dma_wait3A_156, %dma_wait3A_157] : memref<10000x128xf32, #tpu.memory_space<hbm>> -> memref<10000x128xf32, #tpu.memory_space<hbm>>
      tpu.wait_indirect_dma semaphore(%arg14 : memref<!tpu.dma_semaphore, #tpu.memory_space<semaphore_mem>>) src(%dma_wait3A_158 : memref<10000x128xf32, #tpu.memory_space<hbm>>) dst(%arg8 : memref<40x128xf32, #tpu.memory_space<vmem>>)
      %run_scoped3A_159 = arith.constant 1 : i32
      "tpu.region"() ({
        %run_scoped3A_232 = tpu.sem_alloc : memref<!tpu.dma_semaphore, #tpu.memory_space<semaphore_mem>>
        %dma_start3A_233 = arith.constant 0 : i32
        %dma_start3A_234 = tpu.memref_slice %arg6[%run_scoped3A_159, %add3A_151, %dma_start3A_233] : memref<2x250x40xi32, #tpu.memory_space<vmem>> -> memref<1x1x40xi32, #tpu.memory_space<vmem>>
        %dma_start3A_235 = tpu.memref_squeeze %dma_start3A_234 : memref<1x1x40xi32, #tpu.memory_space<vmem>> -> memref<40xi32, #tpu.memory_space<vmem>>
        %dma_start3A_236 = arith.constant 0 : i32
        %dma_start3A_237 = arith.constant 0 : i32
        %dma_start3A_238 = tpu.memref_slice %arg12[%dma_start3A_236, %dma_start3A_237] : memref<10240x128xf32, #tpu.memory_space<vmem_shared>> -> memref<10240x128xf32, #tpu.memory_space<vmem_shared>>
        tpu.enqueue_indirect_dma source(%arg8 : memref<40x128xf32, #tpu.memory_space<vmem>>) target(%dma_start3A_238 : memref<10240x128xf32, #tpu.memory_space<vmem_shared>>) offsets(%dma_start3A_235 : memref<40xi32, #tpu.memory_space<vmem>>) semaphore(%run_scoped3A_232 : memref<!tpu.dma_semaphore, #tpu.memory_space<semaphore_mem>>) {add = true}
        %dma_wait3A_239 = arith.constant 0 : i32
        %dma_wait3A_240 = tpu.memref_slice %arg6[%run_scoped3A_159, %add3A_151, %dma_wait3A_239] : memref<2x250x40xi32, #tpu.memory_space<vmem>> -> memref<1x1x40xi32, #tpu.memory_space<vmem>>
        %dma_wait3A_241 = tpu.memref_squeeze %dma_wait3A_240 : memref<1x1x40xi32, #tpu.memory_space<vmem>> -> memref<40xi32, #tpu.memory_space<vmem>>
        %dma_wait3A_242 = arith.constant 0 : i32
        %dma_wait3A_243 = arith.constant 0 : i32
        %dma_wait3A_244 = tpu.memref_slice %arg12[%dma_wait3A_242, %dma_wait3A_243] : memref<10240x128xf32, #tpu.memory_space<vmem_shared>> -> memref<10240x128xf32, #tpu.memory_space<vmem_shared>>
        tpu.wait_indirect_dma semaphore(%run_scoped3A_232 : memref<!tpu.dma_semaphore, #tpu.memory_space<semaphore_mem>>) src(%arg8 : memref<40x128xf32, #tpu.memory_space<vmem>>) dst(%dma_wait3A_244 : memref<10240x128xf32, #tpu.memory_space<vmem_shared>>)
        tpu.yield
      }) : () -> ()
      %add3A_160 = arith.constant 5 : i32
      %add3A_161 = arith.addi %add3A_151, %add3A_160 : i32
      %dma_start3A_162 = arith.constant 0 : i32
      %dma_start3A_163 = arith.constant 0 : i32
      %dma_start3A_164 = tpu.memref_slice %arg6[%dma_start3A_162, %add3A_161, %dma_start3A_163] : memref<2x250x40xi32, #tpu.memory_space<vmem>> -> memref<1x1x40xi32, #tpu.memory_space<vmem>>
      %dma_start3A_165 = tpu.memref_squeeze %dma_start3A_164 : memref<1x1x40xi32, #tpu.memory_space<vmem>> -> memref<40xi32, #tpu.memory_space<vmem>>
      %dma_start3A_166 = arith.constant 0 : i32
      %dma_start3A_167 = arith.constant 0 : i32
      %dma_start3A_168 = tpu.memref_slice %arg2[%dma_start3A_166, %dma_start3A_167] : memref<10000x128xf32, #tpu.memory_space<hbm>> -> memref<10000x128xf32, #tpu.memory_space<hbm>>
      tpu.enqueue_indirect_dma source(%dma_start3A_168 : memref<10000x128xf32, #tpu.memory_space<hbm>>) target(%arg8 : memref<40x128xf32, #tpu.memory_space<vmem>>) offsets(%dma_start3A_165 : memref<40xi32, #tpu.memory_space<vmem>>) semaphore(%arg14 : memref<!tpu.dma_semaphore, #tpu.memory_space<semaphore_mem>>)
      %mul3A_169 = arith.constant 5 : i32
      %mul3A_170 = arith.muli %scan3A_126, %mul3A_169 : i32
      %add3A_171 = arith.constant 2 : i32
      %add3A_172 = arith.addi %mul3A_170, %add3A_171 : i32
      %dma_wait3A_173 = arith.constant 0 : i32
      %dma_wait3A_174 = arith.constant 0 : i32
      %dma_wait3A_175 = tpu.memref_slice %arg6[%dma_wait3A_173, %add3A_172, %dma_wait3A_174] : memref<2x250x40xi32, #tpu.memory_space<vmem>> -> memref<1x1x40xi32, #tpu.memory_space<vmem>>
      %dma_wait3A_176 = tpu.memref_squeeze %dma_wait3A_175 : memref<1x1x40xi32, #tpu.memory_space<vmem>> -> memref<40xi32, #tpu.memory_space<vmem>>
      %dma_wait3A_177 = arith.constant 0 : i32
      %dma_wait3A_178 = arith.constant 0 : i32
      %dma_wait3A_179 = tpu.memref_slice %arg2[%dma_wait3A_177, %dma_wait3A_178] : memref<10000x128xf32, #tpu.memory_space<hbm>> -> memref<10000x128xf32, #tpu.memory_space<hbm>>
      tpu.wait_indirect_dma semaphore(%arg15 : memref<!tpu.dma_semaphore, #tpu.memory_space<semaphore_mem>>) src(%dma_wait3A_179 : memref<10000x128xf32, #tpu.memory_space<hbm>>) dst(%arg9 : memref<40x128xf32, #tpu.memory_space<vmem>>)
      %run_scoped3A_180 = arith.constant 1 : i32
      "tpu.region"() ({
        %run_scoped3A_232 = tpu.sem_alloc : memref<!tpu.dma_semaphore, #tpu.memory_space<semaphore_mem>>
        %dma_start3A_233 = arith.constant 0 : i32
        %dma_start3A_234 = tpu.memref_slice %arg6[%run_scoped3A_180, %add3A_172, %dma_start3A_233] : memref<2x250x40xi32, #tpu.memory_space<vmem>> -> memref<1x1x40xi32, #tpu.memory_space<vmem>>
        %dma_start3A_235 = tpu.memref_squeeze %dma_start3A_234 : memref<1x1x40xi32, #tpu.memory_space<vmem>> -> memref<40xi32, #tpu.memory_space<vmem>>
        %dma_start3A_236 = arith.constant 0 : i32
        %dma_start3A_237 = arith.constant 0 : i32
        %dma_start3A_238 = tpu.memref_slice %arg12[%dma_start3A_236, %dma_start3A_237] : memref<10240x128xf32, #tpu.memory_space<vmem_shared>> -> memref<10240x128xf32, #tpu.memory_space<vmem_shared>>
        tpu.enqueue_indirect_dma source(%arg9 : memref<40x128xf32, #tpu.memory_space<vmem>>) target(%dma_start3A_238 : memref<10240x128xf32, #tpu.memory_space<vmem_shared>>) offsets(%dma_start3A_235 : memref<40xi32, #tpu.memory_space<vmem>>) semaphore(%run_scoped3A_232 : memref<!tpu.dma_semaphore, #tpu.memory_space<semaphore_mem>>) {add = true}
        %dma_wait3A_239 = arith.constant 0 : i32
        %dma_wait3A_240 = tpu.memref_slice %arg6[%run_scoped3A_180, %add3A_172, %dma_wait3A_239] : memref<2x250x40xi32, #tpu.memory_space<vmem>> -> memref<1x1x40xi32, #tpu.memory_space<vmem>>
        %dma_wait3A_241 = tpu.memref_squeeze %dma_wait3A_240 : memref<1x1x40xi32, #tpu.memory_space<vmem>> -> memref<40xi32, #tpu.memory_space<vmem>>
        %dma_wait3A_242 = arith.constant 0 : i32
        %dma_wait3A_243 = arith.constant 0 : i32
        %dma_wait3A_244 = tpu.memref_slice %arg12[%dma_wait3A_242, %dma_wait3A_243] : memref<10240x128xf32, #tpu.memory_space<vmem_shared>> -> memref<10240x128xf32, #tpu.memory_space<vmem_shared>>
        tpu.wait_indirect_dma semaphore(%run_scoped3A_232 : memref<!tpu.dma_semaphore, #tpu.memory_space<semaphore_mem>>) src(%arg9 : memref<40x128xf32, #tpu.memory_space<vmem>>) dst(%dma_wait3A_244 : memref<10240x128xf32, #tpu.memory_space<vmem_shared>>)
        tpu.yield
      }) : () -> ()
      %add3A_181 = arith.constant 5 : i32
      %add3A_182 = arith.addi %add3A_172, %add3A_181 : i32
      %dma_start3A_183 = arith.constant 0 : i32
      %dma_start3A_184 = arith.constant 0 : i32
      %dma_start3A_185 = tpu.memref_slice %arg6[%dma_start3A_183, %add3A_182, %dma_start3A_184] : memref<2x250x40xi32, #tpu.memory_space<vmem>> -> memref<1x1x40xi32, #tpu.memory_space<vmem>>
      %dma_start3A_186 = tpu.memref_squeeze %dma_start3A_185 : memref<1x1x40xi32, #tpu.memory_space<vmem>> -> memref<40xi32, #tpu.memory_space<vmem>>
      %dma_start3A_187 = arith.constant 0 : i32
      %dma_start3A_188 = arith.constant 0 : i32
      %dma_start3A_189 = tpu.memref_slice %arg2[%dma_start3A_187, %dma_start3A_188] : memref<10000x128xf32, #tpu.memory_space<hbm>> -> memref<10000x128xf32, #tpu.memory_space<hbm>>
      tpu.enqueue_indirect_dma source(%dma_start3A_189 : memref<10000x128xf32, #tpu.memory_space<hbm>>) target(%arg9 : memref<40x128xf32, #tpu.memory_space<vmem>>) offsets(%dma_start3A_186 : memref<40xi32, #tpu.memory_space<vmem>>) semaphore(%arg15 : memref<!tpu.dma_semaphore, #tpu.memory_space<semaphore_mem>>)
      %mul3A_190 = arith.constant 5 : i32
      %mul3A_191 = arith.muli %scan3A_126, %mul3A_190 : i32
      %add3A_192 = arith.constant 3 : i32
      %add3A_193 = arith.addi %mul3A_191, %add3A_192 : i32
      %dma_wait3A_194 = arith.constant 0 : i32
      %dma_wait3A_195 = arith.constant 0 : i32
      %dma_wait3A_196 = tpu.memref_slice %arg6[%dma_wait3A_194, %add3A_193, %dma_wait3A_195] : memref<2x250x40xi32, #tpu.memory_space<vmem>> -> memref<1x1x40xi32, #tpu.memory_space<vmem>>
      %dma_wait3A_197 = tpu.memref_squeeze %dma_wait3A_196 : memref<1x1x40xi32, #tpu.memory_space<vmem>> -> memref<40xi32, #tpu.memory_space<vmem>>
      %dma_wait3A_198 = arith.constant 0 : i32
      %dma_wait3A_199 = arith.constant 0 : i32
      %dma_wait3A_200 = tpu.memref_slice %arg2[%dma_wait3A_198, %dma_wait3A_199] : memref<10000x128xf32, #tpu.memory_space<hbm>> -> memref<10000x128xf32, #tpu.memory_space<hbm>>
      tpu.wait_indirect_dma semaphore(%arg16 : memref<!tpu.dma_semaphore, #tpu.memory_space<semaphore_mem>>) src(%dma_wait3A_200 : memref<10000x128xf32, #tpu.memory_space<hbm>>) dst(%arg10 : memref<40x128xf32, #tpu.memory_space<vmem>>)
      %run_scoped3A_201 = arith.constant 1 : i32
      "tpu.region"() ({
        %run_scoped3A_232 = tpu.sem_alloc : memref<!tpu.dma_semaphore, #tpu.memory_space<semaphore_mem>>
        %dma_start3A_233 = arith.constant 0 : i32
        %dma_start3A_234 = tpu.memref_slice %arg6[%run_scoped3A_201, %add3A_193, %dma_start3A_233] : memref<2x250x40xi32, #tpu.memory_space<vmem>> -> memref<1x1x40xi32, #tpu.memory_space<vmem>>
        %dma_start3A_235 = tpu.memref_squeeze %dma_start3A_234 : memref<1x1x40xi32, #tpu.memory_space<vmem>> -> memref<40xi32, #tpu.memory_space<vmem>>
        %dma_start3A_236 = arith.constant 0 : i32
        %dma_start3A_237 = arith.constant 0 : i32
        %dma_start3A_238 = tpu.memref_slice %arg12[%dma_start3A_236, %dma_start3A_237] : memref<10240x128xf32, #tpu.memory_space<vmem_shared>> -> memref<10240x128xf32, #tpu.memory_space<vmem_shared>>
        tpu.enqueue_indirect_dma source(%arg10 : memref<40x128xf32, #tpu.memory_space<vmem>>) target(%dma_start3A_238 : memref<10240x128xf32, #tpu.memory_space<vmem_shared>>) offsets(%dma_start3A_235 : memref<40xi32, #tpu.memory_space<vmem>>) semaphore(%run_scoped3A_232 : memref<!tpu.dma_semaphore, #tpu.memory_space<semaphore_mem>>) {add = true}
        %dma_wait3A_239 = arith.constant 0 : i32
        %dma_wait3A_240 = tpu.memref_slice %arg6[%run_scoped3A_201, %add3A_193, %dma_wait3A_239] : memref<2x250x40xi32, #tpu.memory_space<vmem>> -> memref<1x1x40xi32, #tpu.memory_space<vmem>>
        %dma_wait3A_241 = tpu.memref_squeeze %dma_wait3A_240 : memref<1x1x40xi32, #tpu.memory_space<vmem>> -> memref<40xi32, #tpu.memory_space<vmem>>
        %dma_wait3A_242 = arith.constant 0 : i32
        %dma_wait3A_243 = arith.constant 0 : i32
        %dma_wait3A_244 = tpu.memref_slice %arg12[%dma_wait3A_242, %dma_wait3A_243] : memref<10240x128xf32, #tpu.memory_space<vmem_shared>> -> memref<10240x128xf32, #tpu.memory_space<vmem_shared>>
        tpu.wait_indirect_dma semaphore(%run_scoped3A_232 : memref<!tpu.dma_semaphore, #tpu.memory_space<semaphore_mem>>) src(%arg10 : memref<40x128xf32, #tpu.memory_space<vmem>>) dst(%dma_wait3A_244 : memref<10240x128xf32, #tpu.memory_space<vmem_shared>>)
        tpu.yield
      }) : () -> ()
      %add3A_202 = arith.constant 5 : i32
      %add3A_203 = arith.addi %add3A_193, %add3A_202 : i32
      %dma_start3A_204 = arith.constant 0 : i32
      %dma_start3A_205 = arith.constant 0 : i32
      %dma_start3A_206 = tpu.memref_slice %arg6[%dma_start3A_204, %add3A_203, %dma_start3A_205] : memref<2x250x40xi32, #tpu.memory_space<vmem>> -> memref<1x1x40xi32, #tpu.memory_space<vmem>>
      %dma_start3A_207 = tpu.memref_squeeze %dma_start3A_206 : memref<1x1x40xi32, #tpu.memory_space<vmem>> -> memref<40xi32, #tpu.memory_space<vmem>>
      %dma_start3A_208 = arith.constant 0 : i32
      %dma_start3A_209 = arith.constant 0 : i32
      %dma_start3A_210 = tpu.memref_slice %arg2[%dma_start3A_208, %dma_start3A_209] : memref<10000x128xf32, #tpu.memory_space<hbm>> -> memref<10000x128xf32, #tpu.memory_space<hbm>>
      tpu.enqueue_indirect_dma source(%dma_start3A_210 : memref<10000x128xf32, #tpu.memory_space<hbm>>) target(%arg10 : memref<40x128xf32, #tpu.memory_space<vmem>>) offsets(%dma_start3A_207 : memref<40xi32, #tpu.memory_space<vmem>>) semaphore(%arg16 : memref<!tpu.dma_semaphore, #tpu.memory_space<semaphore_mem>>)
      %mul3A_211 = arith.constant 5 : i32
      %mul3A_212 = arith.muli %scan3A_126, %mul3A_211 : i32
      %add3A_213 = arith.constant 4 : i32
      %add3A_214 = arith.addi %mul3A_212, %add3A_213 : i32
      %dma_wait3A_215 = arith.constant 0 : i32
      %dma_wait3A_216 = arith.constant 0 : i32
      %dma_wait3A_217 = tpu.memref_slice %arg6[%dma_wait3A_215, %add3A_214, %dma_wait3A_216] : memref<2x250x40xi32, #tpu.memory_space<vmem>> -> memref<1x1x40xi32, #tpu.memory_space<vmem>>
      %dma_wait3A_218 = tpu.memref_squeeze %dma_wait3A_217 : memref<1x1x40xi32, #tpu.memory_space<vmem>> -> memref<40xi32, #tpu.memory_space<vmem>>
      %dma_wait3A_219 = arith.constant 0 : i32
      %dma_wait3A_220 = arith.constant 0 : i32
      %dma_wait3A_221 = tpu.memref_slice %arg2[%dma_wait3A_219, %dma_wait3A_220] : memref<10000x128xf32, #tpu.memory_space<hbm>> -> memref<10000x128xf32, #tpu.memory_space<hbm>>
      tpu.wait_indirect_dma semaphore(%arg17 : memref<!tpu.dma_semaphore, #tpu.memory_space<semaphore_mem>>) src(%dma_wait3A_221 : memref<10000x128xf32, #tpu.memory_space<hbm>>) dst(%arg11 : memref<40x128xf32, #tpu.memory_space<vmem>>)
      %run_scoped3A_222 = arith.constant 1 : i32
      "tpu.region"() ({
        %run_scoped3A_232 = tpu.sem_alloc : memref<!tpu.dma_semaphore, #tpu.memory_space<semaphore_mem>>
        %dma_start3A_233 = arith.constant 0 : i32
        %dma_start3A_234 = tpu.memref_slice %arg6[%run_scoped3A_222, %add3A_214, %dma_start3A_233] : memref<2x250x40xi32, #tpu.memory_space<vmem>> -> memref<1x1x40xi32, #tpu.memory_space<vmem>>
        %dma_start3A_235 = tpu.memref_squeeze %dma_start3A_234 : memref<1x1x40xi32, #tpu.memory_space<vmem>> -> memref<40xi32, #tpu.memory_space<vmem>>
        %dma_start3A_236 = arith.constant 0 : i32
        %dma_start3A_237 = arith.constant 0 : i32
        %dma_start3A_238 = tpu.memref_slice %arg12[%dma_start3A_236, %dma_start3A_237] : memref<10240x128xf32, #tpu.memory_space<vmem_shared>> -> memref<10240x128xf32, #tpu.memory_space<vmem_shared>>
        tpu.enqueue_indirect_dma source(%arg11 : memref<40x128xf32, #tpu.memory_space<vmem>>) target(%dma_start3A_238 : memref<10240x128xf32, #tpu.memory_space<vmem_shared>>) offsets(%dma_start3A_235 : memref<40xi32, #tpu.memory_space<vmem>>) semaphore(%run_scoped3A_232 : memref<!tpu.dma_semaphore, #tpu.memory_space<semaphore_mem>>) {add = true}
        %dma_wait3A_239 = arith.constant 0 : i32
        %dma_wait3A_240 = tpu.memref_slice %arg6[%run_scoped3A_222, %add3A_214, %dma_wait3A_239] : memref<2x250x40xi32, #tpu.memory_space<vmem>> -> memref<1x1x40xi32, #tpu.memory_space<vmem>>
        %dma_wait3A_241 = tpu.memref_squeeze %dma_wait3A_240 : memref<1x1x40xi32, #tpu.memory_space<vmem>> -> memref<40xi32, #tpu.memory_space<vmem>>
        %dma_wait3A_242 = arith.constant 0 : i32
        %dma_wait3A_243 = arith.constant 0 : i32
        %dma_wait3A_244 = tpu.memref_slice %arg12[%dma_wait3A_242, %dma_wait3A_243] : memref<10240x128xf32, #tpu.memory_space<vmem_shared>> -> memref<10240x128xf32, #tpu.memory_space<vmem_shared>>
        tpu.wait_indirect_dma semaphore(%run_scoped3A_232 : memref<!tpu.dma_semaphore, #tpu.memory_space<semaphore_mem>>) src(%arg11 : memref<40x128xf32, #tpu.memory_space<vmem>>) dst(%dma_wait3A_244 : memref<10240x128xf32, #tpu.memory_space<vmem_shared>>)
        tpu.yield
      }) : () -> ()
      %add3A_223 = arith.constant 5 : i32
      %add3A_224 = arith.addi %add3A_214, %add3A_223 : i32
      %dma_start3A_225 = arith.constant 0 : i32
      %dma_start3A_226 = arith.constant 0 : i32
      %dma_start3A_227 = tpu.memref_slice %arg6[%dma_start3A_225, %add3A_224, %dma_start3A_226] : memref<2x250x40xi32, #tpu.memory_space<vmem>> -> memref<1x1x40xi32, #tpu.memory_space<vmem>>
      %dma_start3A_228 = tpu.memref_squeeze %dma_start3A_227 : memref<1x1x40xi32, #tpu.memory_space<vmem>> -> memref<40xi32, #tpu.memory_space<vmem>>
      %dma_start3A_229 = arith.constant 0 : i32
      %dma_start3A_230 = arith.constant 0 : i32
      %dma_start3A_231 = tpu.memref_slice %arg2[%dma_start3A_229, %dma_start3A_230] : memref<10000x128xf32, #tpu.memory_space<hbm>> -> memref<10000x128xf32, #tpu.memory_space<hbm>>
      tpu.enqueue_indirect_dma source(%dma_start3A_231 : memref<10000x128xf32, #tpu.memory_space<hbm>>) target(%arg11 : memref<40x128xf32, #tpu.memory_space<vmem>>) offsets(%dma_start3A_228 : memref<40xi32, #tpu.memory_space<vmem>>) semaphore(%arg17 : memref<!tpu.dma_semaphore, #tpu.memory_space<semaphore_mem>>)
    }
    %scan3A_71 = arith.constant 49 : i32
    %dma_wait3A_72 = arith.constant 0 : i32
    %dma_wait3A_73 = arith.constant 245 : i32
    %dma_wait3A_74 = arith.constant 0 : i32
    %dma_wait3A_75 = tpu.memref_slice %arg6[%dma_wait3A_72, %dma_wait3A_73, %dma_wait3A_74] : memref<2x250x40xi32, #tpu.memory_space<vmem>> -> memref<1x1x40xi32, #tpu.memory_space<vmem>>
    %dma_wait3A_76 = tpu.memref_squeeze %dma_wait3A_75 : memref<1x1x40xi32, #tpu.memory_space<vmem>> -> memref<40xi32, #tpu.memory_space<vmem>>
    %dma_wait3A_77 = arith.constant 0 : i32
    %dma_wait3A_78 = arith.constant 0 : i32
    %dma_wait3A_79 = tpu.memref_slice %arg2[%dma_wait3A_77, %dma_wait3A_78] : memref<10000x128xf32, #tpu.memory_space<hbm>> -> memref<10000x128xf32, #tpu.memory_space<hbm>>
    tpu.wait_indirect_dma semaphore(%arg13 : memref<!tpu.dma_semaphore, #tpu.memory_space<semaphore_mem>>) src(%dma_wait3A_79 : memref<10000x128xf32, #tpu.memory_space<hbm>>) dst(%arg7 : memref<40x128xf32, #tpu.memory_space<vmem>>)
    %run_scoped3A = arith.constant 1 : i32
    %run_scoped3A_80 = arith.constant 245 : i32
    "tpu.region"() ({
      %run_scoped3A_126 = tpu.sem_alloc : memref<!tpu.dma_semaphore, #tpu.memory_space<semaphore_mem>>
      %dma_start3A_127 = arith.constant 0 : i32
      %dma_start3A_128 = tpu.memref_slice %arg6[%run_scoped3A, %run_scoped3A_80, %dma_start3A_127] : memref<2x250x40xi32, #tpu.memory_space<vmem>> -> memref<1x1x40xi32, #tpu.memory_space<vmem>>
      %dma_start3A_129 = tpu.memref_squeeze %dma_start3A_128 : memref<1x1x40xi32, #tpu.memory_space<vmem>> -> memref<40xi32, #tpu.memory_space<vmem>>
      %dma_start3A_130 = arith.constant 0 : i32
      %dma_start3A_131 = arith.constant 0 : i32
      %dma_start3A_132 = tpu.memref_slice %arg12[%dma_start3A_130, %dma_start3A_131] : memref<10240x128xf32, #tpu.memory_space<vmem_shared>> -> memref<10240x128xf32, #tpu.memory_space<vmem_shared>>
      tpu.enqueue_indirect_dma source(%arg7 : memref<40x128xf32, #tpu.memory_space<vmem>>) target(%dma_start3A_132 : memref<10240x128xf32, #tpu.memory_space<vmem_shared>>) offsets(%dma_start3A_129 : memref<40xi32, #tpu.memory_space<vmem>>) semaphore(%run_scoped3A_126 : memref<!tpu.dma_semaphore, #tpu.memory_space<semaphore_mem>>) {add = true}
      %dma_wait3A_133 = arith.constant 0 : i32
      %dma_wait3A_134 = tpu.memref_slice %arg6[%run_scoped3A, %run_scoped3A_80, %dma_wait3A_133] : memref<2x250x40xi32, #tpu.memory_space<vmem>> -> memref<1x1x40xi32, #tpu.memory_space<vmem>>
      %dma_wait3A_135 = tpu.memref_squeeze %dma_wait3A_134 : memref<1x1x40xi32, #tpu.memory_space<vmem>> -> memref<40xi32, #tpu.memory_space<vmem>>
      %dma_wait3A_136 = arith.constant 0 : i32
      %dma_wait3A_137 = arith.constant 0 : i32
      %dma_wait3A_138 = tpu.memref_slice %arg12[%dma_wait3A_136, %dma_wait3A_137] : memref<10240x128xf32, #tpu.memory_space<vmem_shared>> -> memref<10240x128xf32, #tpu.memory_space<vmem_shared>>
      tpu.wait_indirect_dma semaphore(%run_scoped3A_126 : memref<!tpu.dma_semaphore, #tpu.memory_space<semaphore_mem>>) src(%arg7 : memref<40x128xf32, #tpu.memory_space<vmem>>) dst(%dma_wait3A_138 : memref<10240x128xf32, #tpu.memory_space<vmem_shared>>)
      tpu.yield
    }) : () -> ()
    %dma_wait3A_81 = arith.constant 0 : i32
    %dma_wait3A_82 = arith.constant 246 : i32
    %dma_wait3A_83 = arith.constant 0 : i32
    %dma_wait3A_84 = tpu.memref_slice %arg6[%dma_wait3A_81, %dma_wait3A_82, %dma_wait3A_83] : memref<2x250x40xi32, #tpu.memory_space<vmem>> -> memref<1x1x40xi32, #tpu.memory_space<vmem>>
    %dma_wait3A_85 = tpu.memref_squeeze %dma_wait3A_84 : memref<1x1x40xi32, #tpu.memory_space<vmem>> -> memref<40xi32, #tpu.memory_space<vmem>>
    %dma_wait3A_86 = arith.constant 0 : i32
    %dma_wait3A_87 = arith.constant 0 : i32
    %dma_wait3A_88 = tpu.memref_slice %arg2[%dma_wait3A_86, %dma_wait3A_87] : memref<10000x128xf32, #tpu.memory_space<hbm>> -> memref<10000x128xf32, #tpu.memory_space<hbm>>
    tpu.wait_indirect_dma semaphore(%arg14 : memref<!tpu.dma_semaphore, #tpu.memory_space<semaphore_mem>>) src(%dma_wait3A_88 : memref<10000x128xf32, #tpu.memory_space<hbm>>) dst(%arg8 : memref<40x128xf32, #tpu.memory_space<vmem>>)
    %run_scoped3A_89 = arith.constant 1 : i32
    %run_scoped3A_90 = arith.constant 246 : i32
    "tpu.region"() ({
      %run_scoped3A_126 = tpu.sem_alloc : memref<!tpu.dma_semaphore, #tpu.memory_space<semaphore_mem>>
      %dma_start3A_127 = arith.constant 0 : i32
      %dma_start3A_128 = tpu.memref_slice %arg6[%run_scoped3A_89, %run_scoped3A_90, %dma_start3A_127] : memref<2x250x40xi32, #tpu.memory_space<vmem>> -> memref<1x1x40xi32, #tpu.memory_space<vmem>>
      %dma_start3A_129 = tpu.memref_squeeze %dma_start3A_128 : memref<1x1x40xi32, #tpu.memory_space<vmem>> -> memref<40xi32, #tpu.memory_space<vmem>>
      %dma_start3A_130 = arith.constant 0 : i32
      %dma_start3A_131 = arith.constant 0 : i32
      %dma_start3A_132 = tpu.memref_slice %arg12[%dma_start3A_130, %dma_start3A_131] : memref<10240x128xf32, #tpu.memory_space<vmem_shared>> -> memref<10240x128xf32, #tpu.memory_space<vmem_shared>>
      tpu.enqueue_indirect_dma source(%arg8 : memref<40x128xf32, #tpu.memory_space<vmem>>) target(%dma_start3A_132 : memref<10240x128xf32, #tpu.memory_space<vmem_shared>>) offsets(%dma_start3A_129 : memref<40xi32, #tpu.memory_space<vmem>>) semaphore(%run_scoped3A_126 : memref<!tpu.dma_semaphore, #tpu.memory_space<semaphore_mem>>) {add = true}
      %dma_wait3A_133 = arith.constant 0 : i32
      %dma_wait3A_134 = tpu.memref_slice %arg6[%run_scoped3A_89, %run_scoped3A_90, %dma_wait3A_133] : memref<2x250x40xi32, #tpu.memory_space<vmem>> -> memref<1x1x40xi32, #tpu.memory_space<vmem>>
      %dma_wait3A_135 = tpu.memref_squeeze %dma_wait3A_134 : memref<1x1x40xi32, #tpu.memory_space<vmem>> -> memref<40xi32, #tpu.memory_space<vmem>>
      %dma_wait3A_136 = arith.constant 0 : i32
      %dma_wait3A_137 = arith.constant 0 : i32
      %dma_wait3A_138 = tpu.memref_slice %arg12[%dma_wait3A_136, %dma_wait3A_137] : memref<10240x128xf32, #tpu.memory_space<vmem_shared>> -> memref<10240x128xf32, #tpu.memory_space<vmem_shared>>
      tpu.wait_indirect_dma semaphore(%run_scoped3A_126 : memref<!tpu.dma_semaphore, #tpu.memory_space<semaphore_mem>>) src(%arg8 : memref<40x128xf32, #tpu.memory_space<vmem>>) dst(%dma_wait3A_138 : memref<10240x128xf32, #tpu.memory_space<vmem_shared>>)
      tpu.yield
    }) : () -> ()
    %dma_wait3A_91 = arith.constant 0 : i32
    %dma_wait3A_92 = arith.constant 247 : i32
    %dma_wait3A_93 = arith.constant 0 : i32
    %dma_wait3A_94 = tpu.memref_slice %arg6[%dma_wait3A_91, %dma_wait3A_92, %dma_wait3A_93] : memref<2x250x40xi32, #tpu.memory_space<vmem>> -> memref<1x1x40xi32, #tpu.memory_space<vmem>>
    %dma_wait3A_95 = tpu.memref_squeeze %dma_wait3A_94 : memref<1x1x40xi32, #tpu.memory_space<vmem>> -> memref<40xi32, #tpu.memory_space<vmem>>
    %dma_wait3A_96 = arith.constant 0 : i32
    %dma_wait3A_97 = arith.constant 0 : i32
    %dma_wait3A_98 = tpu.memref_slice %arg2[%dma_wait3A_96, %dma_wait3A_97] : memref<10000x128xf32, #tpu.memory_space<hbm>> -> memref<10000x128xf32, #tpu.memory_space<hbm>>
    tpu.wait_indirect_dma semaphore(%arg15 : memref<!tpu.dma_semaphore, #tpu.memory_space<semaphore_mem>>) src(%dma_wait3A_98 : memref<10000x128xf32, #tpu.memory_space<hbm>>) dst(%arg9 : memref<40x128xf32, #tpu.memory_space<vmem>>)
    %run_scoped3A_99 = arith.constant 1 : i32
    %run_scoped3A_100 = arith.constant 247 : i32
    "tpu.region"() ({
      %run_scoped3A_126 = tpu.sem_alloc : memref<!tpu.dma_semaphore, #tpu.memory_space<semaphore_mem>>
      %dma_start3A_127 = arith.constant 0 : i32
      %dma_start3A_128 = tpu.memref_slice %arg6[%run_scoped3A_99, %run_scoped3A_100, %dma_start3A_127] : memref<2x250x40xi32, #tpu.memory_space<vmem>> -> memref<1x1x40xi32, #tpu.memory_space<vmem>>
      %dma_start3A_129 = tpu.memref_squeeze %dma_start3A_128 : memref<1x1x40xi32, #tpu.memory_space<vmem>> -> memref<40xi32, #tpu.memory_space<vmem>>
      %dma_start3A_130 = arith.constant 0 : i32
      %dma_start3A_131 = arith.constant 0 : i32
      %dma_start3A_132 = tpu.memref_slice %arg12[%dma_start3A_130, %dma_start3A_131] : memref<10240x128xf32, #tpu.memory_space<vmem_shared>> -> memref<10240x128xf32, #tpu.memory_space<vmem_shared>>
      tpu.enqueue_indirect_dma source(%arg9 : memref<40x128xf32, #tpu.memory_space<vmem>>) target(%dma_start3A_132 : memref<10240x128xf32, #tpu.memory_space<vmem_shared>>) offsets(%dma_start3A_129 : memref<40xi32, #tpu.memory_space<vmem>>) semaphore(%run_scoped3A_126 : memref<!tpu.dma_semaphore, #tpu.memory_space<semaphore_mem>>) {add = true}
      %dma_wait3A_133 = arith.constant 0 : i32
      %dma_wait3A_134 = tpu.memref_slice %arg6[%run_scoped3A_99, %run_scoped3A_100, %dma_wait3A_133] : memref<2x250x40xi32, #tpu.memory_space<vmem>> -> memref<1x1x40xi32, #tpu.memory_space<vmem>>
      %dma_wait3A_135 = tpu.memref_squeeze %dma_wait3A_134 : memref<1x1x40xi32, #tpu.memory_space<vmem>> -> memref<40xi32, #tpu.memory_space<vmem>>
      %dma_wait3A_136 = arith.constant 0 : i32
      %dma_wait3A_137 = arith.constant 0 : i32
      %dma_wait3A_138 = tpu.memref_slice %arg12[%dma_wait3A_136, %dma_wait3A_137] : memref<10240x128xf32, #tpu.memory_space<vmem_shared>> -> memref<10240x128xf32, #tpu.memory_space<vmem_shared>>
      tpu.wait_indirect_dma semaphore(%run_scoped3A_126 : memref<!tpu.dma_semaphore, #tpu.memory_space<semaphore_mem>>) src(%arg9 : memref<40x128xf32, #tpu.memory_space<vmem>>) dst(%dma_wait3A_138 : memref<10240x128xf32, #tpu.memory_space<vmem_shared>>)
      tpu.yield
    }) : () -> ()
    %dma_wait3A_101 = arith.constant 0 : i32
    %dma_wait3A_102 = arith.constant 248 : i32
    %dma_wait3A_103 = arith.constant 0 : i32
    %dma_wait3A_104 = tpu.memref_slice %arg6[%dma_wait3A_101, %dma_wait3A_102, %dma_wait3A_103] : memref<2x250x40xi32, #tpu.memory_space<vmem>> -> memref<1x1x40xi32, #tpu.memory_space<vmem>>
    %dma_wait3A_105 = tpu.memref_squeeze %dma_wait3A_104 : memref<1x1x40xi32, #tpu.memory_space<vmem>> -> memref<40xi32, #tpu.memory_space<vmem>>
    %dma_wait3A_106 = arith.constant 0 : i32
    %dma_wait3A_107 = arith.constant 0 : i32
    %dma_wait3A_108 = tpu.memref_slice %arg2[%dma_wait3A_106, %dma_wait3A_107] : memref<10000x128xf32, #tpu.memory_space<hbm>> -> memref<10000x128xf32, #tpu.memory_space<hbm>>
    tpu.wait_indirect_dma semaphore(%arg16 : memref<!tpu.dma_semaphore, #tpu.memory_space<semaphore_mem>>) src(%dma_wait3A_108 : memref<10000x128xf32, #tpu.memory_space<hbm>>) dst(%arg10 : memref<40x128xf32, #tpu.memory_space<vmem>>)
    %run_scoped3A_109 = arith.constant 1 : i32
    %run_scoped3A_110 = arith.constant 248 : i32
    "tpu.region"() ({
      %run_scoped3A_126 = tpu.sem_alloc : memref<!tpu.dma_semaphore, #tpu.memory_space<semaphore_mem>>
      %dma_start3A_127 = arith.constant 0 : i32
      %dma_start3A_128 = tpu.memref_slice %arg6[%run_scoped3A_109, %run_scoped3A_110, %dma_start3A_127] : memref<2x250x40xi32, #tpu.memory_space<vmem>> -> memref<1x1x40xi32, #tpu.memory_space<vmem>>
      %dma_start3A_129 = tpu.memref_squeeze %dma_start3A_128 : memref<1x1x40xi32, #tpu.memory_space<vmem>> -> memref<40xi32, #tpu.memory_space<vmem>>
      %dma_start3A_130 = arith.constant 0 : i32
      %dma_start3A_131 = arith.constant 0 : i32
      %dma_start3A_132 = tpu.memref_slice %arg12[%dma_start3A_130, %dma_start3A_131] : memref<10240x128xf32, #tpu.memory_space<vmem_shared>> -> memref<10240x128xf32, #tpu.memory_space<vmem_shared>>
      tpu.enqueue_indirect_dma source(%arg10 : memref<40x128xf32, #tpu.memory_space<vmem>>) target(%dma_start3A_132 : memref<10240x128xf32, #tpu.memory_space<vmem_shared>>) offsets(%dma_start3A_129 : memref<40xi32, #tpu.memory_space<vmem>>) semaphore(%run_scoped3A_126 : memref<!tpu.dma_semaphore, #tpu.memory_space<semaphore_mem>>) {add = true}
      %dma_wait3A_133 = arith.constant 0 : i32
      %dma_wait3A_134 = tpu.memref_slice %arg6[%run_scoped3A_109, %run_scoped3A_110, %dma_wait3A_133] : memref<2x250x40xi32, #tpu.memory_space<vmem>> -> memref<1x1x40xi32, #tpu.memory_space<vmem>>
      %dma_wait3A_135 = tpu.memref_squeeze %dma_wait3A_134 : memref<1x1x40xi32, #tpu.memory_space<vmem>> -> memref<40xi32, #tpu.memory_space<vmem>>
      %dma_wait3A_136 = arith.constant 0 : i32
      %dma_wait3A_137 = arith.constant 0 : i32
      %dma_wait3A_138 = tpu.memref_slice %arg12[%dma_wait3A_136, %dma_wait3A_137] : memref<10240x128xf32, #tpu.memory_space<vmem_shared>> -> memref<10240x128xf32, #tpu.memory_space<vmem_shared>>
      tpu.wait_indirect_dma semaphore(%run_scoped3A_126 : memref<!tpu.dma_semaphore, #tpu.memory_space<semaphore_mem>>) src(%arg10 : memref<40x128xf32, #tpu.memory_space<vmem>>) dst(%dma_wait3A_138 : memref<10240x128xf32, #tpu.memory_space<vmem_shared>>)
      tpu.yield
    }) : () -> ()
    %dma_wait3A_111 = arith.constant 0 : i32
    %dma_wait3A_112 = arith.constant 249 : i32
    %dma_wait3A_113 = arith.constant 0 : i32
    %dma_wait3A_114 = tpu.memref_slice %arg6[%dma_wait3A_111, %dma_wait3A_112, %dma_wait3A_113] : memref<2x250x40xi32, #tpu.memory_space<vmem>> -> memref<1x1x40xi32, #tpu.memory_space<vmem>>
    %dma_wait3A_115 = tpu.memref_squeeze %dma_wait3A_114 : memref<1x1x40xi32, #tpu.memory_space<vmem>> -> memref<40xi32, #tpu.memory_space<vmem>>
    %dma_wait3A_116 = arith.constant 0 : i32
    %dma_wait3A_117 = arith.constant 0 : i32
    %dma_wait3A_118 = tpu.memref_slice %arg2[%dma_wait3A_116, %dma_wait3A_117] : memref<10000x128xf32, #tpu.memory_space<hbm>> -> memref<10000x128xf32, #tpu.memory_space<hbm>>
    tpu.wait_indirect_dma semaphore(%arg17 : memref<!tpu.dma_semaphore, #tpu.memory_space<semaphore_mem>>) src(%dma_wait3A_118 : memref<10000x128xf32, #tpu.memory_space<hbm>>) dst(%arg11 : memref<40x128xf32, #tpu.memory_space<vmem>>)
    %run_scoped3A_119 = arith.constant 1 : i32
    %run_scoped3A_120 = arith.constant 249 : i32
    "tpu.region"() ({
      %run_scoped3A_126 = tpu.sem_alloc : memref<!tpu.dma_semaphore, #tpu.memory_space<semaphore_mem>>
      %dma_start3A_127 = arith.constant 0 : i32
      %dma_start3A_128 = tpu.memref_slice %arg6[%run_scoped3A_119, %run_scoped3A_120, %dma_start3A_127] : memref<2x250x40xi32, #tpu.memory_space<vmem>> -> memref<1x1x40xi32, #tpu.memory_space<vmem>>
      %dma_start3A_129 = tpu.memref_squeeze %dma_start3A_128 : memref<1x1x40xi32, #tpu.memory_space<vmem>> -> memref<40xi32, #tpu.memory_space<vmem>>
      %dma_start3A_130 = arith.constant 0 : i32
      %dma_start3A_131 = arith.constant 0 : i32
      %dma_start3A_132 = tpu.memref_slice %arg12[%dma_start3A_130, %dma_start3A_131] : memref<10240x128xf32, #tpu.memory_space<vmem_shared>> -> memref<10240x128xf32, #tpu.memory_space<vmem_shared>>
      tpu.enqueue_indirect_dma source(%arg11 : memref<40x128xf32, #tpu.memory_space<vmem>>) target(%dma_start3A_132 : memref<10240x128xf32, #tpu.memory_space<vmem_shared>>) offsets(%dma_start3A_129 : memref<40xi32, #tpu.memory_space<vmem>>) semaphore(%run_scoped3A_126 : memref<!tpu.dma_semaphore, #tpu.memory_space<semaphore_mem>>) {add = true}
      %dma_wait3A_133 = arith.constant 0 : i32
      %dma_wait3A_134 = tpu.memref_slice %arg6[%run_scoped3A_119, %run_scoped3A_120, %dma_wait3A_133] : memref<2x250x40xi32, #tpu.memory_space<vmem>> -> memref<1x1x40xi32, #tpu.memory_space<vmem>>
      %dma_wait3A_135 = tpu.memref_squeeze %dma_wait3A_134 : memref<1x1x40xi32, #tpu.memory_space<vmem>> -> memref<40xi32, #tpu.memory_space<vmem>>
      %dma_wait3A_136 = arith.constant 0 : i32
      %dma_wait3A_137 = arith.constant 0 : i32
      %dma_wait3A_138 = tpu.memref_slice %arg12[%dma_wait3A_136, %dma_wait3A_137] : memref<10240x128xf32, #tpu.memory_space<vmem_shared>> -> memref<10240x128xf32, #tpu.memory_space<vmem_shared>>
      tpu.wait_indirect_dma semaphore(%run_scoped3A_126 : memref<!tpu.dma_semaphore, #tpu.memory_space<semaphore_mem>>) src(%arg11 : memref<40x128xf32, #tpu.memory_space<vmem>>) dst(%dma_wait3A_138 : memref<10240x128xf32, #tpu.memory_space<vmem_shared>>)
      tpu.yield
    }) : () -> ()
    %barrier3A_121 = arith.constant 0 : index
    tpu.barrier barrier_id(%barrier3A_121)
    %mul3A_122 = arith.constant 640 : i32
    %mul3A_123 = arith.muli %arg1, %mul3A_122 : i32
    %mul3A_124 = arith.constant 640 : i32
    %mul3A_125 = arith.muli %arg1, %mul3A_124 : i32
    "tpu.region"() ({
      %run_scoped3A_126 = tpu.sem_alloc : memref<!tpu.dma_semaphore, #tpu.memory_space<semaphore_mem>>
      %dma_start3A_127 = arith.constant 0 : i32
      %dma_start3A_128 = tpu.memref_slice %arg5[%arg0, %mul3A_125, %dma_start3A_127] : memref<2x10240x128xf32, #tpu.memory_space<hbm>> -> memref<1x640x128xf32, #tpu.memory_space<hbm>>
      %dma_start3A_129 = tpu.memref_squeeze %dma_start3A_128 : memref<1x640x128xf32, #tpu.memory_space<hbm>> -> memref<640x128xf32, #tpu.memory_space<hbm>>
      %dma_start3A_130 = arith.constant 0 : i32
      %dma_start3A_131 = tpu.memref_slice %arg12[%mul3A_123, %dma_start3A_130] : memref<10240x128xf32, #tpu.memory_space<vmem_shared>> -> memref<640x128xf32, #tpu.memory_space<vmem_shared>>
      tpu.enqueue_dma source(%dma_start3A_131 : memref<640x128xf32, #tpu.memory_space<vmem_shared>>) target(%dma_start3A_129 : memref<640x128xf32, #tpu.memory_space<hbm>>) target_semaphore(%run_scoped3A_126 : memref<!tpu.dma_semaphore, #tpu.memory_space<semaphore_mem>>)
      %dma_wait3A_132 = arith.constant 0 : i32
      %dma_wait3A_133 = tpu.memref_slice %arg5[%arg0, %mul3A_125, %dma_wait3A_132] : memref<2x10240x128xf32, #tpu.memory_space<hbm>> -> memref<1x640x128xf32, #tpu.memory_space<hbm>>
      %dma_wait3A_134 = tpu.memref_squeeze %dma_wait3A_133 : memref<1x640x128xf32, #tpu.memory_space<hbm>> -> memref<640x128xf32, #tpu.memory_space<hbm>>
      %dma_wait3A_135 = arith.constant 0 : i32
      %dma_wait3A_136 = tpu.memref_slice %arg12[%mul3A_123, %dma_wait3A_135] : memref<10240x128xf32, #tpu.memory_space<vmem_shared>> -> memref<640x128xf32, #tpu.memory_space<vmem_shared>>
      tpu.wait_dma2 semaphore(%run_scoped3A_126 : memref<!tpu.dma_semaphore, #tpu.memory_space<semaphore_mem>>) src(%dma_wait3A_136 : memref<640x128xf32, #tpu.memory_space<vmem_shared>>) dst(%dma_wait3A_134 : memref<640x128xf32, #tpu.memory_space<hbm>>)
      tpu.yield
    }) : () -> ()
    return
  }
}

#map = affine_map<(d0, d1) -> (0, 0)>
#map1 = affine_map<(d0, d1) -> (0, 0, 0, 0)>
#map2 = affine_map<(d0, d1) -> (0, 0, 0)>
module attributes {stable_mosaic.version = 14 : i64} {
  func.func @k(%arg0: i32, %arg1: i32, %arg2: memref<10000x128xf32, #tpu.memory_space<hbm>>, %arg3: memref<32x2x250x40xi32, #tpu.memory_space<hbm>>, %arg4: memref<640x128xf32, #tpu.memory_space<hbm>>, %arg5: memref<2x10240x128xf32, #tpu.memory_space<hbm>>, %arg6: memref<2x250x40xi32, #tpu.memory_space<vmem>>, %arg7: memref<40x128xf32, #tpu.memory_space<vmem>>, %arg8: memref<40x128xf32, #tpu.memory_space<vmem>>, %arg9: memref<40x128xf32, #tpu.memory_space<vmem>>, %arg10: memref<40x128xf32, #tpu.memory_space<vmem>>, %arg11: memref<40x128xf32, #tpu.memory_space<vmem>>, %arg12: memref<10240x128xf32, #tpu.memory_space<vmem_shared>>, %arg13: memref<!tpu.dma_semaphore, #tpu.memory_space<semaphore_mem>>, %arg14: memref<!tpu.dma_semaphore, #tpu.memory_space<semaphore_mem>>, %arg15: memref<!tpu.dma_semaphore, #tpu.memory_space<semaphore_mem>>, %arg16: memref<!tpu.dma_semaphore, #tpu.memory_space<semaphore_mem>>, %arg17: memref<!tpu.dma_semaphore, #tpu.memory_space<semaphore_mem>>) attributes {dimension_semantics = [#tpu.dimension_semantics<core_parallel>, #tpu.dimension_semantics<subcore_parallel>], iteration_bounds = array<i64: 2, 16>, scalar_prefetch = 0 : i64, scratch_operands = 12 : i64, tpu.core_type = #tpu.core_type<sc_vector_subcore>, window_params = [{transform_indices = #map}, {transform_indices = #map1}, {transform_indices = #map}, {transform_indices = #map2}]} {
    %mul3A = arith.constant 16 : i32
    %mul3A_0 = arith.muli %arg0, %mul3A : i32
    %add3A = arith.addi %mul3A_0, %arg1 : i32
    %dma_start3A = arith.constant 0 : i32
    %dma_start3A_1 = arith.constant 0 : i32
    %dma_start3A_2 = arith.constant 0 : i32
    %dma_start3A_3 = tpu.memref_slice %arg3[%add3A, %dma_start3A, %dma_start3A_1, %dma_start3A_2] : memref<32x2x250x40xi32, #tpu.memory_space<hbm>> -> memref<1x2x250x40xi32, #tpu.memory_space<hbm>>
    %dma_start3A_4 = tpu.memref_squeeze %dma_start3A_3 : memref<1x2x250x40xi32, #tpu.memory_space<hbm>> -> memref<2x250x40xi32, #tpu.memory_space<hbm>>
    %dma_start3A_5 = arith.constant 0 : i32
    %dma_start3A_6 = arith.constant 0 : i32
    %dma_start3A_7 = arith.constant 0 : i32
    %dma_start3A_8 = tpu.memref_slice %arg3[%add3A, %dma_start3A_5, %dma_start3A_6, %dma_start3A_7] : memref<32x2x250x40xi32, #tpu.memory_space<hbm>> -> memref<1x2x250x40xi32, #tpu.memory_space<hbm>>
    %dma_start3A_9 = tpu.memref_squeeze %dma_start3A_8 : memref<1x2x250x40xi32, #tpu.memory_space<hbm>> -> memref<2x250x40xi32, #tpu.memory_space<hbm>>
    tpu.enqueue_dma source(%dma_start3A_9 : memref<2x250x40xi32, #tpu.memory_space<hbm>>) target(%arg6 : memref<2x250x40xi32, #tpu.memory_space<vmem>>) target_semaphore(%arg13 : memref<!tpu.dma_semaphore, #tpu.memory_space<semaphore_mem>>)
    %mul3A_10 = arith.constant 640 : i32
    %mul3A_11 = arith.muli %arg1, %mul3A_10 : i32
    %dma_start3A_12 = arith.constant 0 : i32
    %dma_start3A_13 = tpu.memref_slice %arg12[%mul3A_11, %dma_start3A_12] : memref<10240x128xf32, #tpu.memory_space<vmem_shared>> -> memref<640x128xf32, #tpu.memory_space<vmem_shared>>
    tpu.enqueue_dma source(%arg4 : memref<640x128xf32, #tpu.memory_space<hbm>>) target(%dma_start3A_13 : memref<640x128xf32, #tpu.memory_space<vmem_shared>>) target_semaphore(%arg14 : memref<!tpu.dma_semaphore, #tpu.memory_space<semaphore_mem>>)
    %dma_wait3A = arith.constant 0 : i32
    %dma_wait3A_14 = arith.constant 0 : i32
    %dma_wait3A_15 = arith.constant 0 : i32
    %dma_wait3A_16 = tpu.memref_slice %arg3[%add3A, %dma_wait3A, %dma_wait3A_14, %dma_wait3A_15] : memref<32x2x250x40xi32, #tpu.memory_space<hbm>> -> memref<1x2x250x40xi32, #tpu.memory_space<hbm>>
    %dma_wait3A_17 = tpu.memref_squeeze %dma_wait3A_16 : memref<1x2x250x40xi32, #tpu.memory_space<hbm>> -> memref<2x250x40xi32, #tpu.memory_space<hbm>>
    %dma_wait3A_18 = arith.constant 0 : i32
    %dma_wait3A_19 = arith.constant 0 : i32
    %dma_wait3A_20 = arith.constant 0 : i32
    %dma_wait3A_21 = tpu.memref_slice %arg3[%add3A, %dma_wait3A_18, %dma_wait3A_19, %dma_wait3A_20] : memref<32x2x250x40xi32, #tpu.memory_space<hbm>> -> memref<1x2x250x40xi32, #tpu.memory_space<hbm>>
    %dma_wait3A_22 = tpu.memref_squeeze %dma_wait3A_21 : memref<1x2x250x40xi32, #tpu.memory_space<hbm>> -> memref<2x250x40xi32, #tpu.memory_space<hbm>>
    tpu.wait_dma2 semaphore(%arg13 : memref<!tpu.dma_semaphore, #tpu.memory_space<semaphore_mem>>) src(%dma_wait3A_22 : memref<2x250x40xi32, #tpu.memory_space<hbm>>) dst(%arg6 : memref<2x250x40xi32, #tpu.memory_space<vmem>>)
    %mul3A_23 = arith.constant 640 : i32
    %mul3A_24 = arith.muli %arg1, %mul3A_23 : i32
    %dma_wait3A_25 = arith.constant 0 : i32
    %dma_wait3A_26 = tpu.memref_slice %arg12[%mul3A_24, %dma_wait3A_25] : memref<10240x128xf32, #tpu.memory_space<vmem_shared>> -> memref<640x128xf32, #tpu.memory_space<vmem_shared>>
    tpu.wait_dma2 semaphore(%arg14 : memref<!tpu.dma_semaphore, #tpu.memory_space<semaphore_mem>>) src(%arg4 : memref<640x128xf32, #tpu.memory_space<hbm>>) dst(%dma_wait3A_26 : memref<640x128xf32, #tpu.memory_space<vmem_shared>>)
    %barrier3A = arith.constant 0 : index
    tpu.barrier barrier_id(%barrier3A)
    %dma_start3A_27 = arith.constant 0 : i32
    %dma_start3A_28 = arith.constant 0 : i32
    %dma_start3A_29 = arith.constant 0 : i32
    %dma_start3A_30 = tpu.memref_slice %arg6[%dma_start3A_27, %dma_start3A_28, %dma_start3A_29] : memref<2x250x40xi32, #tpu.memory_space<vmem>> -> memref<1x1x40xi32, #tpu.memory_space<vmem>>
    %dma_start3A_31 = tpu.memref_squeeze %dma_start3A_30 : memref<1x1x40xi32, #tpu.memory_space<vmem>> -> memref<40xi32, #tpu.memory_space<vmem>>
    %dma_start3A_32 = arith.constant 0 : i32
    %dma_start3A_33 = arith.constant 0 : i32
    %dma_start3A_34 = tpu.memref_slice %arg2[%dma_start3A_32, %dma_start3A_33] : memref<10000x128xf32, #tpu.memory_space<hbm>> -> memref<10000x128xf32, #tpu.memory_space<hbm>>
    tpu.enqueue_indirect_dma source(%dma_start3A_34 : memref<10000x128xf32, #tpu.memory_space<hbm>>) target(%arg7 : memref<40x128xf32, #tpu.memory_space<vmem>>) offsets(%dma_start3A_31 : memref<40xi32, #tpu.memory_space<vmem>>) semaphore(%arg13 : memref<!tpu.dma_semaphore, #tpu.memory_space<semaphore_mem>>)
    %dma_start3A_35 = arith.constant 0 : i32
    %dma_start3A_36 = arith.constant 1 : i32
    %dma_start3A_37 = arith.constant 0 : i32
    %dma_start3A_38 = tpu.memref_slice %arg6[%dma_start3A_35, %dma_start3A_36, %dma_start3A_37] : memref<2x250x40xi32, #tpu.memory_space<vmem>> -> memref<1x1x40xi32, #tpu.memory_space<vmem>>
    %dma_start3A_39 = tpu.memref_squeeze %dma_start3A_38 : memref<1x1x40xi32, #tpu.memory_space<vmem>> -> memref<40xi32, #tpu.memory_space<vmem>>
    %dma_start3A_40 = arith.constant 0 : i32
    %dma_start3A_41 = arith.constant 0 : i32
    %dma_start3A_42 = tpu.memref_slice %arg2[%dma_start3A_40, %dma_start3A_41] : memref<10000x128xf32, #tpu.memory_space<hbm>> -> memref<10000x128xf32, #tpu.memory_space<hbm>>
    tpu.enqueue_indirect_dma source(%dma_start3A_42 : memref<10000x128xf32, #tpu.memory_space<hbm>>) target(%arg8 : memref<40x128xf32, #tpu.memory_space<vmem>>) offsets(%dma_start3A_39 : memref<40xi32, #tpu.memory_space<vmem>>) semaphore(%arg14 : memref<!tpu.dma_semaphore, #tpu.memory_space<semaphore_mem>>)
    %dma_start3A_43 = arith.constant 0 : i32
    %dma_start3A_44 = arith.constant 2 : i32
    %dma_start3A_45 = arith.constant 0 : i32
    %dma_start3A_46 = tpu.memref_slice %arg6[%dma_start3A_43, %dma_start3A_44, %dma_start3A_45] : memref<2x250x40xi32, #tpu.memory_space<vmem>> -> memref<1x1x40xi32, #tpu.memory_space<vmem>>
    %dma_start3A_47 = tpu.memref_squeeze %dma_start3A_46 : memref<1x1x40xi32, #tpu.memory_space<vmem>> -> memref<40xi32, #tpu.memory_space<vmem>>
    %dma_start3A_48 = arith.constant 0 : i32
    %dma_start3A_49 = arith.constant 0 : i32
    %dma_start3A_50 = tpu.memref_slice %arg2[%dma_start3A_48, %dma_start3A_49] : memref<10000x128xf32, #tpu.memory_space<hbm>> -> memref<10000x128xf32, #tpu.memory_space<hbm>>
    tpu.enqueue_indirect_dma source(%dma_start3A_50 : memref<10000x128xf32, #tpu.memory_space<hbm>>) target(%arg9 : memref<40x128xf32, #tpu.memory_space<vmem>>) offsets(%dma_start3A_47 : memref<40xi32, #tpu.memory_space<vmem>>) semaphore(%arg15 : memref<!tpu.dma_semaphore, #tpu.memory_space<semaphore_mem>>)
    %dma_start3A_51 = arith.constant 0 : i32
    %dma_start3A_52 = arith.constant 3 : i32
    %dma_start3A_53 = arith.constant 0 : i32
    %dma_start3A_54 = tpu.memref_slice %arg6[%dma_start3A_51, %dma_start3A_52, %dma_start3A_53] : memref<2x250x40xi32, #tpu.memory_space<vmem>> -> memref<1x1x40xi32, #tpu.memory_space<vmem>>
    %dma_start3A_55 = tpu.memref_squeeze %dma_start3A_54 : memref<1x1x40xi32, #tpu.memory_space<vmem>> -> memref<40xi32, #tpu.memory_space<vmem>>
    %dma_start3A_56 = arith.constant 0 : i32
    %dma_start3A_57 = arith.constant 0 : i32
    %dma_start3A_58 = tpu.memref_slice %arg2[%dma_start3A_56, %dma_start3A_57] : memref<10000x128xf32, #tpu.memory_space<hbm>> -> memref<10000x128xf32, #tpu.memory_space<hbm>>
    tpu.enqueue_indirect_dma source(%dma_start3A_58 : memref<10000x128xf32, #tpu.memory_space<hbm>>) target(%arg10 : memref<40x128xf32, #tpu.memory_space<vmem>>) offsets(%dma_start3A_55 : memref<40xi32, #tpu.memory_space<vmem>>) semaphore(%arg16 : memref<!tpu.dma_semaphore, #tpu.memory_space<semaphore_mem>>)
    %dma_start3A_59 = arith.constant 0 : i32
    %dma_start3A_60 = arith.constant 4 : i32
    %dma_start3A_61 = arith.constant 0 : i32
    %dma_start3A_62 = tpu.memref_slice %arg6[%dma_start3A_59, %dma_start3A_60, %dma_start3A_61] : memref<2x250x40xi32, #tpu.memory_space<vmem>> -> memref<1x1x40xi32, #tpu.memory_space<vmem>>
    %dma_start3A_63 = tpu.memref_squeeze %dma_start3A_62 : memref<1x1x40xi32, #tpu.memory_space<vmem>> -> memref<40xi32, #tpu.memory_space<vmem>>
    %dma_start3A_64 = arith.constant 0 : i32
    %dma_start3A_65 = arith.constant 0 : i32
    %dma_start3A_66 = tpu.memref_slice %arg2[%dma_start3A_64, %dma_start3A_65] : memref<10000x128xf32, #tpu.memory_space<hbm>> -> memref<10000x128xf32, #tpu.memory_space<hbm>>
    tpu.enqueue_indirect_dma source(%dma_start3A_66 : memref<10000x128xf32, #tpu.memory_space<hbm>>) target(%arg11 : memref<40x128xf32, #tpu.memory_space<vmem>>) offsets(%dma_start3A_63 : memref<40xi32, #tpu.memory_space<vmem>>) semaphore(%arg17 : memref<!tpu.dma_semaphore, #tpu.memory_space<semaphore_mem>>)
    %scan3A = arith.constant 0 : i32
    %scan3A_67 = arith.constant 0 : i32
    %scan3A_68 = arith.constant 49 : i32
    %scan3A_69 = arith.addi %scan3A_67, %scan3A_68 : i32
    %scan3A_70 = arith.constant 1 : i32
    scf.for %scan3A_126 = %scan3A_67 to %scan3A_69 step %scan3A_70  : i32 {
      %mul3A_127 = arith.constant 5 : i32
      %mul3A_128 = arith.muli %scan3A_126, %mul3A_127 : i32
      %add3A_129 = arith.constant 0 : i32
      %add3A_130 = arith.addi %mul3A_128, %add3A_129 : i32
      %dma_wait3A_131 = arith.constant 0 : i32
      %dma_wait3A_132 = arith.constant 0 : i32
      %dma_wait3A_133 = tpu.memref_slice %arg6[%dma_wait3A_131, %add3A_130, %dma_wait3A_132] : memref<2x250x40xi32, #tpu.memory_space<vmem>> -> memref<1x1x40xi32, #tpu.memory_space<vmem>>
      %dma_wait3A_134 = tpu.memref_squeeze %dma_wait3A_133 : memref<1x1x40xi32, #tpu.memory_space<vmem>> -> memref<40xi32, #tpu.memory_space<vmem>>
      %dma_wait3A_135 = arith.constant 0 : i32
      %dma_wait3A_136 = arith.constant 0 : i32
      %dma_wait3A_137 = tpu.memref_slice %arg2[%dma_wait3A_135, %dma_wait3A_136] : memref<10000x128xf32, #tpu.memory_space<hbm>> -> memref<10000x128xf32, #tpu.memory_space<hbm>>
      tpu.wait_indirect_dma semaphore(%arg13 : memref<!tpu.dma_semaphore, #tpu.memory_space<semaphore_mem>>) src(%dma_wait3A_137 : memref<10000x128xf32, #tpu.memory_space<hbm>>) dst(%arg7 : memref<40x128xf32, #tpu.memory_space<vmem>>)
      %run_scoped3A_138 = arith.constant 1 : i32
      "tpu.region"() ({
        %run_scoped3A_232 = tpu.sem_alloc : memref<!tpu.dma_semaphore, #tpu.memory_space<semaphore_mem>>
        %dma_start3A_233 = arith.constant 0 : i32
        %dma_start3A_234 = tpu.memref_slice %arg6[%run_scoped3A_138, %add3A_130, %dma_start3A_233] : memref<2x250x40xi32, #tpu.memory_space<vmem>> -> memref<1x1x40xi32, #tpu.memory_space<vmem>>
        %dma_start3A_235 = tpu.memref_squeeze %dma_start3A_234 : memref<1x1x40xi32, #tpu.memory_space<vmem>> -> memref<40xi32, #tpu.memory_space<vmem>>
        %dma_start3A_236 = arith.constant 0 : i32
        %dma_start3A_237 = arith.constant 0 : i32
        %dma_start3A_238 = tpu.memref_slice %arg12[%dma_start3A_236, %dma_start3A_237] : memref<10240x128xf32, #tpu.memory_space<vmem_shared>> -> memref<10240x128xf32, #tpu.memory_space<vmem_shared>>
        tpu.enqueue_indirect_dma source(%arg7 : memref<40x128xf32, #tpu.memory_space<vmem>>) target(%dma_start3A_238 : memref<10240x128xf32, #tpu.memory_space<vmem_shared>>) offsets(%dma_start3A_235 : memref<40xi32, #tpu.memory_space<vmem>>) semaphore(%run_scoped3A_232 : memref<!tpu.dma_semaphore, #tpu.memory_space<semaphore_mem>>) {add = true}
        %dma_wait3A_239 = arith.constant 0 : i32
        %dma_wait3A_240 = tpu.memref_slice %arg6[%run_scoped3A_138, %add3A_130, %dma_wait3A_239] : memref<2x250x40xi32, #tpu.memory_space<vmem>> -> memref<1x1x40xi32, #tpu.memory_space<vmem>>
        %dma_wait3A_241 = tpu.memref_squeeze %dma_wait3A_240 : memref<1x1x40xi32, #tpu.memory_space<vmem>> -> memref<40xi32, #tpu.memory_space<vmem>>
        %dma_wait3A_242 = arith.constant 0 : i32
        %dma_wait3A_243 = arith.constant 0 : i32
        %dma_wait3A_244 = tpu.memref_slice %arg12[%dma_wait3A_242, %dma_wait3A_243] : memref<10240x128xf32, #tpu.memory_space<vmem_shared>> -> memref<10240x128xf32, #tpu.memory_space<vmem_shared>>
        tpu.wait_indirect_dma semaphore(%run_scoped3A_232 : memref<!tpu.dma_semaphore, #tpu.memory_space<semaphore_mem>>) src(%arg7 : memref<40x128xf32, #tpu.memory_space<vmem>>) dst(%dma_wait3A_244 : memref<10240x128xf32, #tpu.memory_space<vmem_shared>>)
        tpu.yield
      }) : () -> ()
      %add3A_139 = arith.constant 5 : i32
      %add3A_140 = arith.addi %add3A_130, %add3A_139 : i32
      %dma_start3A_141 = arith.constant 0 : i32
      %dma_start3A_142 = arith.constant 0 : i32
      %dma_start3A_143 = tpu.memref_slice %arg6[%dma_start3A_141, %add3A_140, %dma_start3A_142] : memref<2x250x40xi32, #tpu.memory_space<vmem>> -> memref<1x1x40xi32, #tpu.memory_space<vmem>>
      %dma_start3A_144 = tpu.memref_squeeze %dma_start3A_143 : memref<1x1x40xi32, #tpu.memory_space<vmem>> -> memref<40xi32, #tpu.memory_space<vmem>>
      %dma_start3A_145 = arith.constant 0 : i32
      %dma_start3A_146 = arith.constant 0 : i32
      %dma_start3A_147 = tpu.memref_slice %arg2[%dma_start3A_145, %dma_start3A_146] : memref<10000x128xf32, #tpu.memory_space<hbm>> -> memref<10000x128xf32, #tpu.memory_space<hbm>>
      tpu.enqueue_indirect_dma source(%dma_start3A_147 : memref<10000x128xf32, #tpu.memory_space<hbm>>) target(%arg7 : memref<40x128xf32, #tpu.memory_space<vmem>>) offsets(%dma_start3A_144 : memref<40xi32, #tpu.memory_space<vmem>>) semaphore(%arg13 : memref<!tpu.dma_semaphore, #tpu.memory_space<semaphore_mem>>)
      %mul3A_148 = arith.constant 5 : i32
      %mul3A_149 = arith.muli %scan3A_126, %mul3A_148 : i32
      %add3A_150 = arith.constant 1 : i32
      %add3A_151 = arith.addi %mul3A_149, %add3A_150 : i32
      %dma_wait3A_152 = arith.constant 0 : i32
      %dma_wait3A_153 = arith.constant 0 : i32
      %dma_wait3A_154 = tpu.memref_slice %arg6[%dma_wait3A_152, %add3A_151, %dma_wait3A_153] : memref<2x250x40xi32, #tpu.memory_space<vmem>> -> memref<1x1x40xi32, #tpu.memory_space<vmem>>
      %dma_wait3A_155 = tpu.memref_squeeze %dma_wait3A_154 : memref<1x1x40xi32, #tpu.memory_space<vmem>> -> memref<40xi32, #tpu.memory_space<vmem>>
      %dma_wait3A_156 = arith.constant 0 : i32
      %dma_wait3A_157 = arith.constant 0 : i32
      %dma_wait3A_158 = tpu.memref_slice %arg2[%dma_wait3A_156, %dma_wait3A_157] : memref<10000x128xf32, #tpu.memory_space<hbm>> -> memref<10000x128xf32, #tpu.memory_space<hbm>>
      tpu.wait_indirect_dma semaphore(%arg14 : memref<!tpu.dma_semaphore, #tpu.memory_space<semaphore_mem>>) src(%dma_wait3A_158 : memref<10000x128xf32, #tpu.memory_space<hbm>>) dst(%arg8 : memref<40x128xf32, #tpu.memory_space<vmem>>)
      %run_scoped3A_159 = arith.constant 1 : i32
      "tpu.region"() ({
        %run_scoped3A_232 = tpu.sem_alloc : memref<!tpu.dma_semaphore, #tpu.memory_space<semaphore_mem>>
        %dma_start3A_233 = arith.constant 0 : i32
        %dma_start3A_234 = tpu.memref_slice %arg6[%run_scoped3A_159, %add3A_151, %dma_start3A_233] : memref<2x250x40xi32, #tpu.memory_space<vmem>> -> memref<1x1x40xi32, #tpu.memory_space<vmem>>
        %dma_start3A_235 = tpu.memref_squeeze %dma_start3A_234 : memref<1x1x40xi32, #tpu.memory_space<vmem>> -> memref<40xi32, #tpu.memory_space<vmem>>
        %dma_start3A_236 = arith.constant 0 : i32
        %dma_start3A_237 = arith.constant 0 : i32
        %dma_start3A_238 = tpu.memref_slice %arg12[%dma_start3A_236, %dma_start3A_237] : memref<10240x128xf32, #tpu.memory_space<vmem_shared>> -> memref<10240x128xf32, #tpu.memory_space<vmem_shared>>
        tpu.enqueue_indirect_dma source(%arg8 : memref<40x128xf32, #tpu.memory_space<vmem>>) target(%dma_start3A_238 : memref<10240x128xf32, #tpu.memory_space<vmem_shared>>) offsets(%dma_start3A_235 : memref<40xi32, #tpu.memory_space<vmem>>) semaphore(%run_scoped3A_232 : memref<!tpu.dma_semaphore, #tpu.memory_space<semaphore_mem>>) {add = true}
        %dma_wait3A_239 = arith.constant 0 : i32
        %dma_wait3A_240 = tpu.memref_slice %arg6[%run_scoped3A_159, %add3A_151, %dma_wait3A_239] : memref<2x250x40xi32, #tpu.memory_space<vmem>> -> memref<1x1x40xi32, #tpu.memory_space<vmem>>
        %dma_wait3A_241 = tpu.memref_squeeze %dma_wait3A_240 : memref<1x1x40xi32, #tpu.memory_space<vmem>> -> memref<40xi32, #tpu.memory_space<vmem>>
        %dma_wait3A_242 = arith.constant 0 : i32
        %dma_wait3A_243 = arith.constant 0 : i32
        %dma_wait3A_244 = tpu.memref_slice %arg12[%dma_wait3A_242, %dma_wait3A_243] : memref<10240x128xf32, #tpu.memory_space<vmem_shared>> -> memref<10240x128xf32, #tpu.memory_space<vmem_shared>>
        tpu.wait_indirect_dma semaphore(%run_scoped3A_232 : memref<!tpu.dma_semaphore, #tpu.memory_space<semaphore_mem>>) src(%arg8 : memref<40x128xf32, #tpu.memory_space<vmem>>) dst(%dma_wait3A_244 : memref<10240x128xf32, #tpu.memory_space<vmem_shared>>)
        tpu.yield
      }) : () -> ()
      %add3A_160 = arith.constant 5 : i32
      %add3A_161 = arith.addi %add3A_151, %add3A_160 : i32
      %dma_start3A_162 = arith.constant 0 : i32
      %dma_start3A_163 = arith.constant 0 : i32
      %dma_start3A_164 = tpu.memref_slice %arg6[%dma_start3A_162, %add3A_161, %dma_start3A_163] : memref<2x250x40xi32, #tpu.memory_space<vmem>> -> memref<1x1x40xi32, #tpu.memory_space<vmem>>
      %dma_start3A_165 = tpu.memref_squeeze %dma_start3A_164 : memref<1x1x40xi32, #tpu.memory_space<vmem>> -> memref<40xi32, #tpu.memory_space<vmem>>
      %dma_start3A_166 = arith.constant 0 : i32
      %dma_start3A_167 = arith.constant 0 : i32
      %dma_start3A_168 = tpu.memref_slice %arg2[%dma_start3A_166, %dma_start3A_167] : memref<10000x128xf32, #tpu.memory_space<hbm>> -> memref<10000x128xf32, #tpu.memory_space<hbm>>
      tpu.enqueue_indirect_dma source(%dma_start3A_168 : memref<10000x128xf32, #tpu.memory_space<hbm>>) target(%arg8 : memref<40x128xf32, #tpu.memory_space<vmem>>) offsets(%dma_start3A_165 : memref<40xi32, #tpu.memory_space<vmem>>) semaphore(%arg14 : memref<!tpu.dma_semaphore, #tpu.memory_space<semaphore_mem>>)
      %mul3A_169 = arith.constant 5 : i32
      %mul3A_170 = arith.muli %scan3A_126, %mul3A_169 : i32
      %add3A_171 = arith.constant 2 : i32
      %add3A_172 = arith.addi %mul3A_170, %add3A_171 : i32
      %dma_wait3A_173 = arith.constant 0 : i32
      %dma_wait3A_174 = arith.constant 0 : i32
      %dma_wait3A_175 = tpu.memref_slice %arg6[%dma_wait3A_173, %add3A_172, %dma_wait3A_174] : memref<2x250x40xi32, #tpu.memory_space<vmem>> -> memref<1x1x40xi32, #tpu.memory_space<vmem>>
      %dma_wait3A_176 = tpu.memref_squeeze %dma_wait3A_175 : memref<1x1x40xi32, #tpu.memory_space<vmem>> -> memref<40xi32, #tpu.memory_space<vmem>>
      %dma_wait3A_177 = arith.constant 0 : i32
      %dma_wait3A_178 = arith.constant 0 : i32
      %dma_wait3A_179 = tpu.memref_slice %arg2[%dma_wait3A_177, %dma_wait3A_178] : memref<10000x128xf32, #tpu.memory_space<hbm>> -> memref<10000x128xf32, #tpu.memory_space<hbm>>
      tpu.wait_indirect_dma semaphore(%arg15 : memref<!tpu.dma_semaphore, #tpu.memory_space<semaphore_mem>>) src(%dma_wait3A_179 : memref<10000x128xf32, #tpu.memory_space<hbm>>) dst(%arg9 : memref<40x128xf32, #tpu.memory_space<vmem>>)
      %run_scoped3A_180 = arith.constant 1 : i32
      "tpu.region"() ({
        %run_scoped3A_232 = tpu.sem_alloc : memref<!tpu.dma_semaphore, #tpu.memory_space<semaphore_mem>>
        %dma_start3A_233 = arith.constant 0 : i32
        %dma_start3A_234 = tpu.memref_slice %arg6[%run_scoped3A_180, %add3A_172, %dma_start3A_233] : memref<2x250x40xi32, #tpu.memory_space<vmem>> -> memref<1x1x40xi32, #tpu.memory_space<vmem>>
        %dma_start3A_235 = tpu.memref_squeeze %dma_start3A_234 : memref<1x1x40xi32, #tpu.memory_space<vmem>> -> memref<40xi32, #tpu.memory_space<vmem>>
        %dma_start3A_236 = arith.constant 0 : i32
        %dma_start3A_237 = arith.constant 0 : i32
        %dma_start3A_238 = tpu.memref_slice %arg12[%dma_start3A_236, %dma_start3A_237] : memref<10240x128xf32, #tpu.memory_space<vmem_shared>> -> memref<10240x128xf32, #tpu.memory_space<vmem_shared>>
        tpu.enqueue_indirect_dma source(%arg9 : memref<40x128xf32, #tpu.memory_space<vmem>>) target(%dma_start3A_238 : memref<10240x128xf32, #tpu.memory_space<vmem_shared>>) offsets(%dma_start3A_235 : memref<40xi32, #tpu.memory_space<vmem>>) semaphore(%run_scoped3A_232 : memref<!tpu.dma_semaphore, #tpu.memory_space<semaphore_mem>>) {add = true}
        %dma_wait3A_239 = arith.constant 0 : i32
        %dma_wait3A_240 = tpu.memref_slice %arg6[%run_scoped3A_180, %add3A_172, %dma_wait3A_239] : memref<2x250x40xi32, #tpu.memory_space<vmem>> -> memref<1x1x40xi32, #tpu.memory_space<vmem>>
        %dma_wait3A_241 = tpu.memref_squeeze %dma_wait3A_240 : memref<1x1x40xi32, #tpu.memory_space<vmem>> -> memref<40xi32, #tpu.memory_space<vmem>>
        %dma_wait3A_242 = arith.constant 0 : i32
        %dma_wait3A_243 = arith.constant 0 : i32
        %dma_wait3A_244 = tpu.memref_slice %arg12[%dma_wait3A_242, %dma_wait3A_243] : memref<10240x128xf32, #tpu.memory_space<vmem_shared>> -> memref<10240x128xf32, #tpu.memory_space<vmem_shared>>
        tpu.wait_indirect_dma semaphore(%run_scoped3A_232 : memref<!tpu.dma_semaphore, #tpu.memory_space<semaphore_mem>>) src(%arg9 : memref<40x128xf32, #tpu.memory_space<vmem>>) dst(%dma_wait3A_244 : memref<10240x128xf32, #tpu.memory_space<vmem_shared>>)
        tpu.yield
      }) : () -> ()
      %add3A_181 = arith.constant 5 : i32
      %add3A_182 = arith.addi %add3A_172, %add3A_181 : i32
      %dma_start3A_183 = arith.constant 0 : i32
      %dma_start3A_184 = arith.constant 0 : i32
      %dma_start3A_185 = tpu.memref_slice %arg6[%dma_start3A_183, %add3A_182, %dma_start3A_184] : memref<2x250x40xi32, #tpu.memory_space<vmem>> -> memref<1x1x40xi32, #tpu.memory_space<vmem>>
      %dma_start3A_186 = tpu.memref_squeeze %dma_start3A_185 : memref<1x1x40xi32, #tpu.memory_space<vmem>> -> memref<40xi32, #tpu.memory_space<vmem>>
      %dma_start3A_187 = arith.constant 0 : i32
      %dma_start3A_188 = arith.constant 0 : i32
      %dma_start3A_189 = tpu.memref_slice %arg2[%dma_start3A_187, %dma_start3A_188] : memref<10000x128xf32, #tpu.memory_space<hbm>> -> memref<10000x128xf32, #tpu.memory_space<hbm>>
      tpu.enqueue_indirect_dma source(%dma_start3A_189 : memref<10000x128xf32, #tpu.memory_space<hbm>>) target(%arg9 : memref<40x128xf32, #tpu.memory_space<vmem>>) offsets(%dma_start3A_186 : memref<40xi32, #tpu.memory_space<vmem>>) semaphore(%arg15 : memref<!tpu.dma_semaphore, #tpu.memory_space<semaphore_mem>>)
      %mul3A_190 = arith.constant 5 : i32
      %mul3A_191 = arith.muli %scan3A_126, %mul3A_190 : i32
      %add3A_192 = arith.constant 3 : i32
      %add3A_193 = arith.addi %mul3A_191, %add3A_192 : i32
      %dma_wait3A_194 = arith.constant 0 : i32
      %dma_wait3A_195 = arith.constant 0 : i32
      %dma_wait3A_196 = tpu.memref_slice %arg6[%dma_wait3A_194, %add3A_193, %dma_wait3A_195] : memref<2x250x40xi32, #tpu.memory_space<vmem>> -> memref<1x1x40xi32, #tpu.memory_space<vmem>>
      %dma_wait3A_197 = tpu.memref_squeeze %dma_wait3A_196 : memref<1x1x40xi32, #tpu.memory_space<vmem>> -> memref<40xi32, #tpu.memory_space<vmem>>
      %dma_wait3A_198 = arith.constant 0 : i32
      %dma_wait3A_199 = arith.constant 0 : i32
      %dma_wait3A_200 = tpu.memref_slice %arg2[%dma_wait3A_198, %dma_wait3A_199] : memref<10000x128xf32, #tpu.memory_space<hbm>> -> memref<10000x128xf32, #tpu.memory_space<hbm>>
      tpu.wait_indirect_dma semaphore(%arg16 : memref<!tpu.dma_semaphore, #tpu.memory_space<semaphore_mem>>) src(%dma_wait3A_200 : memref<10000x128xf32, #tpu.memory_space<hbm>>) dst(%arg10 : memref<40x128xf32, #tpu.memory_space<vmem>>)
      %run_scoped3A_201 = arith.constant 1 : i32
      "tpu.region"() ({
        %run_scoped3A_232 = tpu.sem_alloc : memref<!tpu.dma_semaphore, #tpu.memory_space<semaphore_mem>>
        %dma_start3A_233 = arith.constant 0 : i32
        %dma_start3A_234 = tpu.memref_slice %arg6[%run_scoped3A_201, %add3A_193, %dma_start3A_233] : memref<2x250x40xi32, #tpu.memory_space<vmem>> -> memref<1x1x40xi32, #tpu.memory_space<vmem>>
        %dma_start3A_235 = tpu.memref_squeeze %dma_start3A_234 : memref<1x1x40xi32, #tpu.memory_space<vmem>> -> memref<40xi32, #tpu.memory_space<vmem>>
        %dma_start3A_236 = arith.constant 0 : i32
        %dma_start3A_237 = arith.constant 0 : i32
        %dma_start3A_238 = tpu.memref_slice %arg12[%dma_start3A_236, %dma_start3A_237] : memref<10240x128xf32, #tpu.memory_space<vmem_shared>> -> memref<10240x128xf32, #tpu.memory_space<vmem_shared>>
        tpu.enqueue_indirect_dma source(%arg10 : memref<40x128xf32, #tpu.memory_space<vmem>>) target(%dma_start3A_238 : memref<10240x128xf32, #tpu.memory_space<vmem_shared>>) offsets(%dma_start3A_235 : memref<40xi32, #tpu.memory_space<vmem>>) semaphore(%run_scoped3A_232 : memref<!tpu.dma_semaphore, #tpu.memory_space<semaphore_mem>>) {add = true}
        %dma_wait3A_239 = arith.constant 0 : i32
        %dma_wait3A_240 = tpu.memref_slice %arg6[%run_scoped3A_201, %add3A_193, %dma_wait3A_239] : memref<2x250x40xi32, #tpu.memory_space<vmem>> -> memref<1x1x40xi32, #tpu.memory_space<vmem>>
        %dma_wait3A_241 = tpu.memref_squeeze %dma_wait3A_240 : memref<1x1x40xi32, #tpu.memory_space<vmem>> -> memref<40xi32, #tpu.memory_space<vmem>>
        %dma_wait3A_242 = arith.constant 0 : i32
        %dma_wait3A_243 = arith.constant 0 : i32
        %dma_wait3A_244 = tpu.memref_slice %arg12[%dma_wait3A_242, %dma_wait3A_243] : memref<10240x128xf32, #tpu.memory_space<vmem_shared>> -> memref<10240x128xf32, #tpu.memory_space<vmem_shared>>
        tpu.wait_indirect_dma semaphore(%run_scoped3A_232 : memref<!tpu.dma_semaphore, #tpu.memory_space<semaphore_mem>>) src(%arg10 : memref<40x128xf32, #tpu.memory_space<vmem>>) dst(%dma_wait3A_244 : memref<10240x128xf32, #tpu.memory_space<vmem_shared>>)
        tpu.yield
      }) : () -> ()
      %add3A_202 = arith.constant 5 : i32
      %add3A_203 = arith.addi %add3A_193, %add3A_202 : i32
      %dma_start3A_204 = arith.constant 0 : i32
      %dma_start3A_205 = arith.constant 0 : i32
      %dma_start3A_206 = tpu.memref_slice %arg6[%dma_start3A_204, %add3A_203, %dma_start3A_205] : memref<2x250x40xi32, #tpu.memory_space<vmem>> -> memref<1x1x40xi32, #tpu.memory_space<vmem>>
      %dma_start3A_207 = tpu.memref_squeeze %dma_start3A_206 : memref<1x1x40xi32, #tpu.memory_space<vmem>> -> memref<40xi32, #tpu.memory_space<vmem>>
      %dma_start3A_208 = arith.constant 0 : i32
      %dma_start3A_209 = arith.constant 0 : i32
      %dma_start3A_210 = tpu.memref_slice %arg2[%dma_start3A_208, %dma_start3A_209] : memref<10000x128xf32, #tpu.memory_space<hbm>> -> memref<10000x128xf32, #tpu.memory_space<hbm>>
      tpu.enqueue_indirect_dma source(%dma_start3A_210 : memref<10000x128xf32, #tpu.memory_space<hbm>>) target(%arg10 : memref<40x128xf32, #tpu.memory_space<vmem>>) offsets(%dma_start3A_207 : memref<40xi32, #tpu.memory_space<vmem>>) semaphore(%arg16 : memref<!tpu.dma_semaphore, #tpu.memory_space<semaphore_mem>>)
      %mul3A_211 = arith.constant 5 : i32
      %mul3A_212 = arith.muli %scan3A_126, %mul3A_211 : i32
      %add3A_213 = arith.constant 4 : i32
      %add3A_214 = arith.addi %mul3A_212, %add3A_213 : i32
      %dma_wait3A_215 = arith.constant 0 : i32
      %dma_wait3A_216 = arith.constant 0 : i32
      %dma_wait3A_217 = tpu.memref_slice %arg6[%dma_wait3A_215, %add3A_214, %dma_wait3A_216] : memref<2x250x40xi32, #tpu.memory_space<vmem>> -> memref<1x1x40xi32, #tpu.memory_space<vmem>>
      %dma_wait3A_218 = tpu.memref_squeeze %dma_wait3A_217 : memref<1x1x40xi32, #tpu.memory_space<vmem>> -> memref<40xi32, #tpu.memory_space<vmem>>
      %dma_wait3A_219 = arith.constant 0 : i32
      %dma_wait3A_220 = arith.constant 0 : i32
      %dma_wait3A_221 = tpu.memref_slice %arg2[%dma_wait3A_219, %dma_wait3A_220] : memref<10000x128xf32, #tpu.memory_space<hbm>> -> memref<10000x128xf32, #tpu.memory_space<hbm>>
      tpu.wait_indirect_dma semaphore(%arg17 : memref<!tpu.dma_semaphore, #tpu.memory_space<semaphore_mem>>) src(%dma_wait3A_221 : memref<10000x128xf32, #tpu.memory_space<hbm>>) dst(%arg11 : memref<40x128xf32, #tpu.memory_space<vmem>>)
      %run_scoped3A_222 = arith.constant 1 : i32
      "tpu.region"() ({
        %run_scoped3A_232 = tpu.sem_alloc : memref<!tpu.dma_semaphore, #tpu.memory_space<semaphore_mem>>
        %dma_start3A_233 = arith.constant 0 : i32
        %dma_start3A_234 = tpu.memref_slice %arg6[%run_scoped3A_222, %add3A_214, %dma_start3A_233] : memref<2x250x40xi32, #tpu.memory_space<vmem>> -> memref<1x1x40xi32, #tpu.memory_space<vmem>>
        %dma_start3A_235 = tpu.memref_squeeze %dma_start3A_234 : memref<1x1x40xi32, #tpu.memory_space<vmem>> -> memref<40xi32, #tpu.memory_space<vmem>>
        %dma_start3A_236 = arith.constant 0 : i32
        %dma_start3A_237 = arith.constant 0 : i32
        %dma_start3A_238 = tpu.memref_slice %arg12[%dma_start3A_236, %dma_start3A_237] : memref<10240x128xf32, #tpu.memory_space<vmem_shared>> -> memref<10240x128xf32, #tpu.memory_space<vmem_shared>>
        tpu.enqueue_indirect_dma source(%arg11 : memref<40x128xf32, #tpu.memory_space<vmem>>) target(%dma_start3A_238 : memref<10240x128xf32, #tpu.memory_space<vmem_shared>>) offsets(%dma_start3A_235 : memref<40xi32, #tpu.memory_space<vmem>>) semaphore(%run_scoped3A_232 : memref<!tpu.dma_semaphore, #tpu.memory_space<semaphore_mem>>) {add = true}
        %dma_wait3A_239 = arith.constant 0 : i32
        %dma_wait3A_240 = tpu.memref_slice %arg6[%run_scoped3A_222, %add3A_214, %dma_wait3A_239] : memref<2x250x40xi32, #tpu.memory_space<vmem>> -> memref<1x1x40xi32, #tpu.memory_space<vmem>>
        %dma_wait3A_241 = tpu.memref_squeeze %dma_wait3A_240 : memref<1x1x40xi32, #tpu.memory_space<vmem>> -> memref<40xi32, #tpu.memory_space<vmem>>
        %dma_wait3A_242 = arith.constant 0 : i32
        %dma_wait3A_243 = arith.constant 0 : i32
        %dma_wait3A_244 = tpu.memref_slice %arg12[%dma_wait3A_242, %dma_wait3A_243] : memref<10240x128xf32, #tpu.memory_space<vmem_shared>> -> memref<10240x128xf32, #tpu.memory_space<vmem_shared>>
        tpu.wait_indirect_dma semaphore(%run_scoped3A_232 : memref<!tpu.dma_semaphore, #tpu.memory_space<semaphore_mem>>) src(%arg11 : memref<40x128xf32, #tpu.memory_space<vmem>>) dst(%dma_wait3A_244 : memref<10240x128xf32, #tpu.memory_space<vmem_shared>>)
        tpu.yield
      }) : () -> ()
      %add3A_223 = arith.constant 5 : i32
      %add3A_224 = arith.addi %add3A_214, %add3A_223 : i32
      %dma_start3A_225 = arith.constant 0 : i32
      %dma_start3A_226 = arith.constant 0 : i32
      %dma_start3A_227 = tpu.memref_slice %arg6[%dma_start3A_225, %add3A_224, %dma_start3A_226] : memref<2x250x40xi32, #tpu.memory_space<vmem>> -> memref<1x1x40xi32, #tpu.memory_space<vmem>>
      %dma_start3A_228 = tpu.memref_squeeze %dma_start3A_227 : memref<1x1x40xi32, #tpu.memory_space<vmem>> -> memref<40xi32, #tpu.memory_space<vmem>>
      %dma_start3A_229 = arith.constant 0 : i32
      %dma_start3A_230 = arith.constant 0 : i32
      %dma_start3A_231 = tpu.memref_slice %arg2[%dma_start3A_229, %dma_start3A_230] : memref<10000x128xf32, #tpu.memory_space<hbm>> -> memref<10000x128xf32, #tpu.memory_space<hbm>>
      tpu.enqueue_indirect_dma source(%dma_start3A_231 : memref<10000x128xf32, #tpu.memory_space<hbm>>) target(%arg11 : memref<40x128xf32, #tpu.memory_space<vmem>>) offsets(%dma_start3A_228 : memref<40xi32, #tpu.memory_space<vmem>>) semaphore(%arg17 : memref<!tpu.dma_semaphore, #tpu.memory_space<semaphore_mem>>)
    }
    %scan3A_71 = arith.constant 49 : i32
    %dma_wait3A_72 = arith.constant 0 : i32
    %dma_wait3A_73 = arith.constant 245 : i32
    %dma_wait3A_74 = arith.constant 0 : i32
    %dma_wait3A_75 = tpu.memref_slice %arg6[%dma_wait3A_72, %dma_wait3A_73, %dma_wait3A_74] : memref<2x250x40xi32, #tpu.memory_space<vmem>> -> memref<1x1x40xi32, #tpu.memory_space<vmem>>
    %dma_wait3A_76 = tpu.memref_squeeze %dma_wait3A_75 : memref<1x1x40xi32, #tpu.memory_space<vmem>> -> memref<40xi32, #tpu.memory_space<vmem>>
    %dma_wait3A_77 = arith.constant 0 : i32
    %dma_wait3A_78 = arith.constant 0 : i32
    %dma_wait3A_79 = tpu.memref_slice %arg2[%dma_wait3A_77, %dma_wait3A_78] : memref<10000x128xf32, #tpu.memory_space<hbm>> -> memref<10000x128xf32, #tpu.memory_space<hbm>>
    tpu.wait_indirect_dma semaphore(%arg13 : memref<!tpu.dma_semaphore, #tpu.memory_space<semaphore_mem>>) src(%dma_wait3A_79 : memref<10000x128xf32, #tpu.memory_space<hbm>>) dst(%arg7 : memref<40x128xf32, #tpu.memory_space<vmem>>)
    %run_scoped3A = arith.constant 1 : i32
    %run_scoped3A_80 = arith.constant 245 : i32
    "tpu.region"() ({
      %run_scoped3A_126 = tpu.sem_alloc : memref<!tpu.dma_semaphore, #tpu.memory_space<semaphore_mem>>
      %dma_start3A_127 = arith.constant 0 : i32
      %dma_start3A_128 = tpu.memref_slice %arg6[%run_scoped3A, %run_scoped3A_80, %dma_start3A_127] : memref<2x250x40xi32, #tpu.memory_space<vmem>> -> memref<1x1x40xi32, #tpu.memory_space<vmem>>
      %dma_start3A_129 = tpu.memref_squeeze %dma_start3A_128 : memref<1x1x40xi32, #tpu.memory_space<vmem>> -> memref<40xi32, #tpu.memory_space<vmem>>
      %dma_start3A_130 = arith.constant 0 : i32
      %dma_start3A_131 = arith.constant 0 : i32
      %dma_start3A_132 = tpu.memref_slice %arg12[%dma_start3A_130, %dma_start3A_131] : memref<10240x128xf32, #tpu.memory_space<vmem_shared>> -> memref<10240x128xf32, #tpu.memory_space<vmem_shared>>
      tpu.enqueue_indirect_dma source(%arg7 : memref<40x128xf32, #tpu.memory_space<vmem>>) target(%dma_start3A_132 : memref<10240x128xf32, #tpu.memory_space<vmem_shared>>) offsets(%dma_start3A_129 : memref<40xi32, #tpu.memory_space<vmem>>) semaphore(%run_scoped3A_126 : memref<!tpu.dma_semaphore, #tpu.memory_space<semaphore_mem>>) {add = true}
      %dma_wait3A_133 = arith.constant 0 : i32
      %dma_wait3A_134 = tpu.memref_slice %arg6[%run_scoped3A, %run_scoped3A_80, %dma_wait3A_133] : memref<2x250x40xi32, #tpu.memory_space<vmem>> -> memref<1x1x40xi32, #tpu.memory_space<vmem>>
      %dma_wait3A_135 = tpu.memref_squeeze %dma_wait3A_134 : memref<1x1x40xi32, #tpu.memory_space<vmem>> -> memref<40xi32, #tpu.memory_space<vmem>>
      %dma_wait3A_136 = arith.constant 0 : i32
      %dma_wait3A_137 = arith.constant 0 : i32
      %dma_wait3A_138 = tpu.memref_slice %arg12[%dma_wait3A_136, %dma_wait3A_137] : memref<10240x128xf32, #tpu.memory_space<vmem_shared>> -> memref<10240x128xf32, #tpu.memory_space<vmem_shared>>
      tpu.wait_indirect_dma semaphore(%run_scoped3A_126 : memref<!tpu.dma_semaphore, #tpu.memory_space<semaphore_mem>>) src(%arg7 : memref<40x128xf32, #tpu.memory_space<vmem>>) dst(%dma_wait3A_138 : memref<10240x128xf32, #tpu.memory_space<vmem_shared>>)
      tpu.yield
    }) : () -> ()
    %dma_wait3A_81 = arith.constant 0 : i32
    %dma_wait3A_82 = arith.constant 246 : i32
    %dma_wait3A_83 = arith.constant 0 : i32
    %dma_wait3A_84 = tpu.memref_slice %arg6[%dma_wait3A_81, %dma_wait3A_82, %dma_wait3A_83] : memref<2x250x40xi32, #tpu.memory_space<vmem>> -> memref<1x1x40xi32, #tpu.memory_space<vmem>>
    %dma_wait3A_85 = tpu.memref_squeeze %dma_wait3A_84 : memref<1x1x40xi32, #tpu.memory_space<vmem>> -> memref<40xi32, #tpu.memory_space<vmem>>
    %dma_wait3A_86 = arith.constant 0 : i32
    %dma_wait3A_87 = arith.constant 0 : i32
    %dma_wait3A_88 = tpu.memref_slice %arg2[%dma_wait3A_86, %dma_wait3A_87] : memref<10000x128xf32, #tpu.memory_space<hbm>> -> memref<10000x128xf32, #tpu.memory_space<hbm>>
    tpu.wait_indirect_dma semaphore(%arg14 : memref<!tpu.dma_semaphore, #tpu.memory_space<semaphore_mem>>) src(%dma_wait3A_88 : memref<10000x128xf32, #tpu.memory_space<hbm>>) dst(%arg8 : memref<40x128xf32, #tpu.memory_space<vmem>>)
    %run_scoped3A_89 = arith.constant 1 : i32
    %run_scoped3A_90 = arith.constant 246 : i32
    "tpu.region"() ({
      %run_scoped3A_126 = tpu.sem_alloc : memref<!tpu.dma_semaphore, #tpu.memory_space<semaphore_mem>>
      %dma_start3A_127 = arith.constant 0 : i32
      %dma_start3A_128 = tpu.memref_slice %arg6[%run_scoped3A_89, %run_scoped3A_90, %dma_start3A_127] : memref<2x250x40xi32, #tpu.memory_space<vmem>> -> memref<1x1x40xi32, #tpu.memory_space<vmem>>
      %dma_start3A_129 = tpu.memref_squeeze %dma_start3A_128 : memref<1x1x40xi32, #tpu.memory_space<vmem>> -> memref<40xi32, #tpu.memory_space<vmem>>
      %dma_start3A_130 = arith.constant 0 : i32
      %dma_start3A_131 = arith.constant 0 : i32
      %dma_start3A_132 = tpu.memref_slice %arg12[%dma_start3A_130, %dma_start3A_131] : memref<10240x128xf32, #tpu.memory_space<vmem_shared>> -> memref<10240x128xf32, #tpu.memory_space<vmem_shared>>
      tpu.enqueue_indirect_dma source(%arg8 : memref<40x128xf32, #tpu.memory_space<vmem>>) target(%dma_start3A_132 : memref<10240x128xf32, #tpu.memory_space<vmem_shared>>) offsets(%dma_start3A_129 : memref<40xi32, #tpu.memory_space<vmem>>) semaphore(%run_scoped3A_126 : memref<!tpu.dma_semaphore, #tpu.memory_space<semaphore_mem>>) {add = true}
      %dma_wait3A_133 = arith.constant 0 : i32
      %dma_wait3A_134 = tpu.memref_slice %arg6[%run_scoped3A_89, %run_scoped3A_90, %dma_wait3A_133] : memref<2x250x40xi32, #tpu.memory_space<vmem>> -> memref<1x1x40xi32, #tpu.memory_space<vmem>>
      %dma_wait3A_135 = tpu.memref_squeeze %dma_wait3A_134 : memref<1x1x40xi32, #tpu.memory_space<vmem>> -> memref<40xi32, #tpu.memory_space<vmem>>
      %dma_wait3A_136 = arith.constant 0 : i32
      %dma_wait3A_137 = arith.constant 0 : i32
      %dma_wait3A_138 = tpu.memref_slice %arg12[%dma_wait3A_136, %dma_wait3A_137] : memref<10240x128xf32, #tpu.memory_space<vmem_shared>> -> memref<10240x128xf32, #tpu.memory_space<vmem_shared>>
      tpu.wait_indirect_dma semaphore(%run_scoped3A_126 : memref<!tpu.dma_semaphore, #tpu.memory_space<semaphore_mem>>) src(%arg8 : memref<40x128xf32, #tpu.memory_space<vmem>>) dst(%dma_wait3A_138 : memref<10240x128xf32, #tpu.memory_space<vmem_shared>>)
      tpu.yield
    }) : () -> ()
    %dma_wait3A_91 = arith.constant 0 : i32
    %dma_wait3A_92 = arith.constant 247 : i32
    %dma_wait3A_93 = arith.constant 0 : i32
    %dma_wait3A_94 = tpu.memref_slice %arg6[%dma_wait3A_91, %dma_wait3A_92, %dma_wait3A_93] : memref<2x250x40xi32, #tpu.memory_space<vmem>> -> memref<1x1x40xi32, #tpu.memory_space<vmem>>
    %dma_wait3A_95 = tpu.memref_squeeze %dma_wait3A_94 : memref<1x1x40xi32, #tpu.memory_space<vmem>> -> memref<40xi32, #tpu.memory_space<vmem>>
    %dma_wait3A_96 = arith.constant 0 : i32
    %dma_wait3A_97 = arith.constant 0 : i32
    %dma_wait3A_98 = tpu.memref_slice %arg2[%dma_wait3A_96, %dma_wait3A_97] : memref<10000x128xf32, #tpu.memory_space<hbm>> -> memref<10000x128xf32, #tpu.memory_space<hbm>>
    tpu.wait_indirect_dma semaphore(%arg15 : memref<!tpu.dma_semaphore, #tpu.memory_space<semaphore_mem>>) src(%dma_wait3A_98 : memref<10000x128xf32, #tpu.memory_space<hbm>>) dst(%arg9 : memref<40x128xf32, #tpu.memory_space<vmem>>)
    %run_scoped3A_99 = arith.constant 1 : i32
    %run_scoped3A_100 = arith.constant 247 : i32
    "tpu.region"() ({
      %run_scoped3A_126 = tpu.sem_alloc : memref<!tpu.dma_semaphore, #tpu.memory_space<semaphore_mem>>
      %dma_start3A_127 = arith.constant 0 : i32
      %dma_start3A_128 = tpu.memref_slice %arg6[%run_scoped3A_99, %run_scoped3A_100, %dma_start3A_127] : memref<2x250x40xi32, #tpu.memory_space<vmem>> -> memref<1x1x40xi32, #tpu.memory_space<vmem>>
      %dma_start3A_129 = tpu.memref_squeeze %dma_start3A_128 : memref<1x1x40xi32, #tpu.memory_space<vmem>> -> memref<40xi32, #tpu.memory_space<vmem>>
      %dma_start3A_130 = arith.constant 0 : i32
      %dma_start3A_131 = arith.constant 0 : i32
      %dma_start3A_132 = tpu.memref_slice %arg12[%dma_start3A_130, %dma_start3A_131] : memref<10240x128xf32, #tpu.memory_space<vmem_shared>> -> memref<10240x128xf32, #tpu.memory_space<vmem_shared>>
      tpu.enqueue_indirect_dma source(%arg9 : memref<40x128xf32, #tpu.memory_space<vmem>>) target(%dma_start3A_132 : memref<10240x128xf32, #tpu.memory_space<vmem_shared>>) offsets(%dma_start3A_129 : memref<40xi32, #tpu.memory_space<vmem>>) semaphore(%run_scoped3A_126 : memref<!tpu.dma_semaphore, #tpu.memory_space<semaphore_mem>>) {add = true}
      %dma_wait3A_133 = arith.constant 0 : i32
      %dma_wait3A_134 = tpu.memref_slice %arg6[%run_scoped3A_99, %run_scoped3A_100, %dma_wait3A_133] : memref<2x250x40xi32, #tpu.memory_space<vmem>> -> memref<1x1x40xi32, #tpu.memory_space<vmem>>
      %dma_wait3A_135 = tpu.memref_squeeze %dma_wait3A_134 : memref<1x1x40xi32, #tpu.memory_space<vmem>> -> memref<40xi32, #tpu.memory_space<vmem>>
      %dma_wait3A_136 = arith.constant 0 : i32
      %dma_wait3A_137 = arith.constant 0 : i32
      %dma_wait3A_138 = tpu.memref_slice %arg12[%dma_wait3A_136, %dma_wait3A_137] : memref<10240x128xf32, #tpu.memory_space<vmem_shared>> -> memref<10240x128xf32, #tpu.memory_space<vmem_shared>>
      tpu.wait_indirect_dma semaphore(%run_scoped3A_126 : memref<!tpu.dma_semaphore, #tpu.memory_space<semaphore_mem>>) src(%arg9 : memref<40x128xf32, #tpu.memory_space<vmem>>) dst(%dma_wait3A_138 : memref<10240x128xf32, #tpu.memory_space<vmem_shared>>)
      tpu.yield
    }) : () -> ()
    %dma_wait3A_101 = arith.constant 0 : i32
    %dma_wait3A_102 = arith.constant 248 : i32
    %dma_wait3A_103 = arith.constant 0 : i32
    %dma_wait3A_104 = tpu.memref_slice %arg6[%dma_wait3A_101, %dma_wait3A_102, %dma_wait3A_103] : memref<2x250x40xi32, #tpu.memory_space<vmem>> -> memref<1x1x40xi32, #tpu.memory_space<vmem>>
    %dma_wait3A_105 = tpu.memref_squeeze %dma_wait3A_104 : memref<1x1x40xi32, #tpu.memory_space<vmem>> -> memref<40xi32, #tpu.memory_space<vmem>>
    %dma_wait3A_106 = arith.constant 0 : i32
    %dma_wait3A_107 = arith.constant 0 : i32
    %dma_wait3A_108 = tpu.memref_slice %arg2[%dma_wait3A_106, %dma_wait3A_107] : memref<10000x128xf32, #tpu.memory_space<hbm>> -> memref<10000x128xf32, #tpu.memory_space<hbm>>
    tpu.wait_indirect_dma semaphore(%arg16 : memref<!tpu.dma_semaphore, #tpu.memory_space<semaphore_mem>>) src(%dma_wait3A_108 : memref<10000x128xf32, #tpu.memory_space<hbm>>) dst(%arg10 : memref<40x128xf32, #tpu.memory_space<vmem>>)
    %run_scoped3A_109 = arith.constant 1 : i32
    %run_scoped3A_110 = arith.constant 248 : i32
    "tpu.region"() ({
      %run_scoped3A_126 = tpu.sem_alloc : memref<!tpu.dma_semaphore, #tpu.memory_space<semaphore_mem>>
      %dma_start3A_127 = arith.constant 0 : i32
      %dma_start3A_128 = tpu.memref_slice %arg6[%run_scoped3A_109, %run_scoped3A_110, %dma_start3A_127] : memref<2x250x40xi32, #tpu.memory_space<vmem>> -> memref<1x1x40xi32, #tpu.memory_space<vmem>>
      %dma_start3A_129 = tpu.memref_squeeze %dma_start3A_128 : memref<1x1x40xi32, #tpu.memory_space<vmem>> -> memref<40xi32, #tpu.memory_space<vmem>>
      %dma_start3A_130 = arith.constant 0 : i32
      %dma_start3A_131 = arith.constant 0 : i32
      %dma_start3A_132 = tpu.memref_slice %arg12[%dma_start3A_130, %dma_start3A_131] : memref<10240x128xf32, #tpu.memory_space<vmem_shared>> -> memref<10240x128xf32, #tpu.memory_space<vmem_shared>>
      tpu.enqueue_indirect_dma source(%arg10 : memref<40x128xf32, #tpu.memory_space<vmem>>) target(%dma_start3A_132 : memref<10240x128xf32, #tpu.memory_space<vmem_shared>>) offsets(%dma_start3A_129 : memref<40xi32, #tpu.memory_space<vmem>>) semaphore(%run_scoped3A_126 : memref<!tpu.dma_semaphore, #tpu.memory_space<semaphore_mem>>) {add = true}
      %dma_wait3A_133 = arith.constant 0 : i32
      %dma_wait3A_134 = tpu.memref_slice %arg6[%run_scoped3A_109, %run_scoped3A_110, %dma_wait3A_133] : memref<2x250x40xi32, #tpu.memory_space<vmem>> -> memref<1x1x40xi32, #tpu.memory_space<vmem>>
      %dma_wait3A_135 = tpu.memref_squeeze %dma_wait3A_134 : memref<1x1x40xi32, #tpu.memory_space<vmem>> -> memref<40xi32, #tpu.memory_space<vmem>>
      %dma_wait3A_136 = arith.constant 0 : i32
      %dma_wait3A_137 = arith.constant 0 : i32
      %dma_wait3A_138 = tpu.memref_slice %arg12[%dma_wait3A_136, %dma_wait3A_137] : memref<10240x128xf32, #tpu.memory_space<vmem_shared>> -> memref<10240x128xf32, #tpu.memory_space<vmem_shared>>
      tpu.wait_indirect_dma semaphore(%run_scoped3A_126 : memref<!tpu.dma_semaphore, #tpu.memory_space<semaphore_mem>>) src(%arg10 : memref<40x128xf32, #tpu.memory_space<vmem>>) dst(%dma_wait3A_138 : memref<10240x128xf32, #tpu.memory_space<vmem_shared>>)
      tpu.yield
    }) : () -> ()
    %dma_wait3A_111 = arith.constant 0 : i32
    %dma_wait3A_112 = arith.constant 249 : i32
    %dma_wait3A_113 = arith.constant 0 : i32
    %dma_wait3A_114 = tpu.memref_slice %arg6[%dma_wait3A_111, %dma_wait3A_112, %dma_wait3A_113] : memref<2x250x40xi32, #tpu.memory_space<vmem>> -> memref<1x1x40xi32, #tpu.memory_space<vmem>>
    %dma_wait3A_115 = tpu.memref_squeeze %dma_wait3A_114 : memref<1x1x40xi32, #tpu.memory_space<vmem>> -> memref<40xi32, #tpu.memory_space<vmem>>
    %dma_wait3A_116 = arith.constant 0 : i32
    %dma_wait3A_117 = arith.constant 0 : i32
    %dma_wait3A_118 = tpu.memref_slice %arg2[%dma_wait3A_116, %dma_wait3A_117] : memref<10000x128xf32, #tpu.memory_space<hbm>> -> memref<10000x128xf32, #tpu.memory_space<hbm>>
    tpu.wait_indirect_dma semaphore(%arg17 : memref<!tpu.dma_semaphore, #tpu.memory_space<semaphore_mem>>) src(%dma_wait3A_118 : memref<10000x128xf32, #tpu.memory_space<hbm>>) dst(%arg11 : memref<40x128xf32, #tpu.memory_space<vmem>>)
    %run_scoped3A_119 = arith.constant 1 : i32
    %run_scoped3A_120 = arith.constant 249 : i32
    "tpu.region"() ({
      %run_scoped3A_126 = tpu.sem_alloc : memref<!tpu.dma_semaphore, #tpu.memory_space<semaphore_mem>>
      %dma_start3A_127 = arith.constant 0 : i32
      %dma_start3A_128 = tpu.memref_slice %arg6[%run_scoped3A_119, %run_scoped3A_120, %dma_start3A_127] : memref<2x250x40xi32, #tpu.memory_space<vmem>> -> memref<1x1x40xi32, #tpu.memory_space<vmem>>
      %dma_start3A_129 = tpu.memref_squeeze %dma_start3A_128 : memref<1x1x40xi32, #tpu.memory_space<vmem>> -> memref<40xi32, #tpu.memory_space<vmem>>
      %dma_start3A_130 = arith.constant 0 : i32
      %dma_start3A_131 = arith.constant 0 : i32
      %dma_start3A_132 = tpu.memref_slice %arg12[%dma_start3A_130, %dma_start3A_131] : memref<10240x128xf32, #tpu.memory_space<vmem_shared>> -> memref<10240x128xf32, #tpu.memory_space<vmem_shared>>
      tpu.enqueue_indirect_dma source(%arg11 : memref<40x128xf32, #tpu.memory_space<vmem>>) target(%dma_start3A_132 : memref<10240x128xf32, #tpu.memory_space<vmem_shared>>) offsets(%dma_start3A_129 : memref<40xi32, #tpu.memory_space<vmem>>) semaphore(%run_scoped3A_126 : memref<!tpu.dma_semaphore, #tpu.memory_space<semaphore_mem>>) {add = true}
      %dma_wait3A_133 = arith.constant 0 : i32
      %dma_wait3A_134 = tpu.memref_slice %arg6[%run_scoped3A_119, %run_scoped3A_120, %dma_wait3A_133] : memref<2x250x40xi32, #tpu.memory_space<vmem>> -> memref<1x1x40xi32, #tpu.memory_space<vmem>>
      %dma_wait3A_135 = tpu.memref_squeeze %dma_wait3A_134 : memref<1x1x40xi32, #tpu.memory_space<vmem>> -> memref<40xi32, #tpu.memory_space<vmem>>
      %dma_wait3A_136 = arith.constant 0 : i32
      %dma_wait3A_137 = arith.constant 0 : i32
      %dma_wait3A_138 = tpu.memref_slice %arg12[%dma_wait3A_136, %dma_wait3A_137] : memref<10240x128xf32, #tpu.memory_space<vmem_shared>> -> memref<10240x128xf32, #tpu.memory_space<vmem_shared>>
      tpu.wait_indirect_dma semaphore(%run_scoped3A_126 : memref<!tpu.dma_semaphore, #tpu.memory_space<semaphore_mem>>) src(%arg11 : memref<40x128xf32, #tpu.memory_space<vmem>>) dst(%dma_wait3A_138 : memref<10240x128xf32, #tpu.memory_space<vmem_shared>>)
      tpu.yield
    }) : () -> ()
    %barrier3A_121 = arith.constant 0 : index
    tpu.barrier barrier_id(%barrier3A_121)
    %mul3A_122 = arith.constant 640 : i32
    %mul3A_123 = arith.muli %arg1, %mul3A_122 : i32
    %mul3A_124 = arith.constant 640 : i32
    %mul3A_125 = arith.muli %arg1, %mul3A_124 : i32
    "tpu.region"() ({
      %run_scoped3A_126 = tpu.sem_alloc : memref<!tpu.dma_semaphore, #tpu.memory_space<semaphore_mem>>
      %dma_start3A_127 = arith.constant 0 : i32
      %dma_start3A_128 = tpu.memref_slice %arg5[%arg0, %mul3A_125, %dma_start3A_127] : memref<2x10240x128xf32, #tpu.memory_space<hbm>> -> memref<1x640x128xf32, #tpu.memory_space<hbm>>
      %dma_start3A_129 = tpu.memref_squeeze %dma_start3A_128 : memref<1x640x128xf32, #tpu.memory_space<hbm>> -> memref<640x128xf32, #tpu.memory_space<hbm>>
      %dma_start3A_130 = arith.constant 0 : i32
      %dma_start3A_131 = tpu.memref_slice %arg12[%mul3A_123, %dma_start3A_130] : memref<10240x128xf32, #tpu.memory_space<vmem_shared>> -> memref<640x128xf32, #tpu.memory_space<vmem_shared>>
      tpu.enqueue_dma source(%dma_start3A_131 : memref<640x128xf32, #tpu.memory_space<vmem_shared>>) target(%dma_start3A_129 : memref<640x128xf32, #tpu.memory_space<hbm>>) target_semaphore(%run_scoped3A_126 : memref<!tpu.dma_semaphore, #tpu.memory_space<semaphore_mem>>)
      %dma_wait3A_132 = arith.constant 0 : i32
      %dma_wait3A_133 = tpu.memref_slice %arg5[%arg0, %mul3A_125, %dma_wait3A_132] : memref<2x10240x128xf32, #tpu.memory_space<hbm>> -> memref<1x640x128xf32, #tpu.memory_space<hbm>>
      %dma_wait3A_134 = tpu.memref_squeeze %dma_wait3A_133 : memref<1x640x128xf32, #tpu.memory_space<hbm>> -> memref<640x128xf32, #tpu.memory_space<hbm>>
      %dma_wait3A_135 = arith.constant 0 : i32
      %dma_wait3A_136 = tpu.memref_slice %arg12[%mul3A_123, %dma_wait3A_135] : memref<10240x128xf32, #tpu.memory_space<vmem_shared>> -> memref<640x128xf32, #tpu.memory_space<vmem_shared>>
      tpu.wait_dma2 semaphore(%run_scoped3A_126 : memref<!tpu.dma_semaphore, #tpu.memory_space<semaphore_mem>>) src(%dma_wait3A_136 : memref<640x128xf32, #tpu.memory_space<vmem_shared>>) dst(%dma_wait3A_134 : memref<640x128xf32, #tpu.memory_space<hbm>>)
      tpu.yield
    }) : () -> ()
    return
  }
}

#map = affine_map<(d0, d1) -> (0, 0)>
#map1 = affine_map<(d0, d1) -> (0, 0, 0, 0)>
#map2 = affine_map<(d0, d1) -> (0, 0, 0)>
module attributes {stable_mosaic.version = 14 : i64} {
  func.func @k(%arg0: i32, %arg1: i32, %arg2: memref<10000x128xf32, #tpu.memory_space<hbm>>, %arg3: memref<32x2x250x40xi32, #tpu.memory_space<hbm>>, %arg4: memref<640x128xf32, #tpu.memory_space<hbm>>, %arg5: memref<2x10240x128xf32, #tpu.memory_space<hbm>>, %arg6: memref<2x250x40xi32, #tpu.memory_space<vmem>>, %arg7: memref<40x128xf32, #tpu.memory_space<vmem>>, %arg8: memref<40x128xf32, #tpu.memory_space<vmem>>, %arg9: memref<40x128xf32, #tpu.memory_space<vmem>>, %arg10: memref<40x128xf32, #tpu.memory_space<vmem>>, %arg11: memref<40x128xf32, #tpu.memory_space<vmem>>, %arg12: memref<10240x128xf32, #tpu.memory_space<vmem_shared>>, %arg13: memref<!tpu.dma_semaphore, #tpu.memory_space<semaphore_mem>>, %arg14: memref<!tpu.dma_semaphore, #tpu.memory_space<semaphore_mem>>, %arg15: memref<!tpu.dma_semaphore, #tpu.memory_space<semaphore_mem>>, %arg16: memref<!tpu.dma_semaphore, #tpu.memory_space<semaphore_mem>>, %arg17: memref<!tpu.dma_semaphore, #tpu.memory_space<semaphore_mem>>) attributes {dimension_semantics = [#tpu.dimension_semantics<core_parallel>, #tpu.dimension_semantics<subcore_parallel>], iteration_bounds = array<i64: 2, 16>, scalar_prefetch = 0 : i64, scratch_operands = 12 : i64, tpu.core_type = #tpu.core_type<sc_vector_subcore>, window_params = [{transform_indices = #map}, {transform_indices = #map1}, {transform_indices = #map}, {transform_indices = #map2}]} {
    %mul3A = arith.constant 16 : i32
    %mul3A_0 = arith.muli %arg0, %mul3A : i32
    %add3A = arith.addi %mul3A_0, %arg1 : i32
    %dma_start3A = arith.constant 0 : i32
    %dma_start3A_1 = arith.constant 0 : i32
    %dma_start3A_2 = arith.constant 0 : i32
    %dma_start3A_3 = tpu.memref_slice %arg3[%add3A, %dma_start3A, %dma_start3A_1, %dma_start3A_2] : memref<32x2x250x40xi32, #tpu.memory_space<hbm>> -> memref<1x2x250x40xi32, #tpu.memory_space<hbm>>
    %dma_start3A_4 = tpu.memref_squeeze %dma_start3A_3 : memref<1x2x250x40xi32, #tpu.memory_space<hbm>> -> memref<2x250x40xi32, #tpu.memory_space<hbm>>
    %dma_start3A_5 = arith.constant 0 : i32
    %dma_start3A_6 = arith.constant 0 : i32
    %dma_start3A_7 = arith.constant 0 : i32
    %dma_start3A_8 = tpu.memref_slice %arg3[%add3A, %dma_start3A_5, %dma_start3A_6, %dma_start3A_7] : memref<32x2x250x40xi32, #tpu.memory_space<hbm>> -> memref<1x2x250x40xi32, #tpu.memory_space<hbm>>
    %dma_start3A_9 = tpu.memref_squeeze %dma_start3A_8 : memref<1x2x250x40xi32, #tpu.memory_space<hbm>> -> memref<2x250x40xi32, #tpu.memory_space<hbm>>
    tpu.enqueue_dma source(%dma_start3A_9 : memref<2x250x40xi32, #tpu.memory_space<hbm>>) target(%arg6 : memref<2x250x40xi32, #tpu.memory_space<vmem>>) target_semaphore(%arg13 : memref<!tpu.dma_semaphore, #tpu.memory_space<semaphore_mem>>)
    %mul3A_10 = arith.constant 640 : i32
    %mul3A_11 = arith.muli %arg1, %mul3A_10 : i32
    %dma_start3A_12 = arith.constant 0 : i32
    %dma_start3A_13 = tpu.memref_slice %arg12[%mul3A_11, %dma_start3A_12] : memref<10240x128xf32, #tpu.memory_space<vmem_shared>> -> memref<640x128xf32, #tpu.memory_space<vmem_shared>>
    tpu.enqueue_dma source(%arg4 : memref<640x128xf32, #tpu.memory_space<hbm>>) target(%dma_start3A_13 : memref<640x128xf32, #tpu.memory_space<vmem_shared>>) target_semaphore(%arg14 : memref<!tpu.dma_semaphore, #tpu.memory_space<semaphore_mem>>)
    %dma_wait3A = arith.constant 0 : i32
    %dma_wait3A_14 = arith.constant 0 : i32
    %dma_wait3A_15 = arith.constant 0 : i32
    %dma_wait3A_16 = tpu.memref_slice %arg3[%add3A, %dma_wait3A, %dma_wait3A_14, %dma_wait3A_15] : memref<32x2x250x40xi32, #tpu.memory_space<hbm>> -> memref<1x2x250x40xi32, #tpu.memory_space<hbm>>
    %dma_wait3A_17 = tpu.memref_squeeze %dma_wait3A_16 : memref<1x2x250x40xi32, #tpu.memory_space<hbm>> -> memref<2x250x40xi32, #tpu.memory_space<hbm>>
    %dma_wait3A_18 = arith.constant 0 : i32
    %dma_wait3A_19 = arith.constant 0 : i32
    %dma_wait3A_20 = arith.constant 0 : i32
    %dma_wait3A_21 = tpu.memref_slice %arg3[%add3A, %dma_wait3A_18, %dma_wait3A_19, %dma_wait3A_20] : memref<32x2x250x40xi32, #tpu.memory_space<hbm>> -> memref<1x2x250x40xi32, #tpu.memory_space<hbm>>
    %dma_wait3A_22 = tpu.memref_squeeze %dma_wait3A_21 : memref<1x2x250x40xi32, #tpu.memory_space<hbm>> -> memref<2x250x40xi32, #tpu.memory_space<hbm>>
    tpu.wait_dma2 semaphore(%arg13 : memref<!tpu.dma_semaphore, #tpu.memory_space<semaphore_mem>>) src(%dma_wait3A_22 : memref<2x250x40xi32, #tpu.memory_space<hbm>>) dst(%arg6 : memref<2x250x40xi32, #tpu.memory_space<vmem>>)
    %mul3A_23 = arith.constant 640 : i32
    %mul3A_24 = arith.muli %arg1, %mul3A_23 : i32
    %dma_wait3A_25 = arith.constant 0 : i32
    %dma_wait3A_26 = tpu.memref_slice %arg12[%mul3A_24, %dma_wait3A_25] : memref<10240x128xf32, #tpu.memory_space<vmem_shared>> -> memref<640x128xf32, #tpu.memory_space<vmem_shared>>
    tpu.wait_dma2 semaphore(%arg14 : memref<!tpu.dma_semaphore, #tpu.memory_space<semaphore_mem>>) src(%arg4 : memref<640x128xf32, #tpu.memory_space<hbm>>) dst(%dma_wait3A_26 : memref<640x128xf32, #tpu.memory_space<vmem_shared>>)
    %barrier3A = arith.constant 0 : index
    tpu.barrier barrier_id(%barrier3A)
    %dma_start3A_27 = arith.constant 0 : i32
    %dma_start3A_28 = arith.constant 0 : i32
    %dma_start3A_29 = arith.constant 0 : i32
    %dma_start3A_30 = tpu.memref_slice %arg6[%dma_start3A_27, %dma_start3A_28, %dma_start3A_29] : memref<2x250x40xi32, #tpu.memory_space<vmem>> -> memref<1x1x40xi32, #tpu.memory_space<vmem>>
    %dma_start3A_31 = tpu.memref_squeeze %dma_start3A_30 : memref<1x1x40xi32, #tpu.memory_space<vmem>> -> memref<40xi32, #tpu.memory_space<vmem>>
    %dma_start3A_32 = arith.constant 0 : i32
    %dma_start3A_33 = arith.constant 0 : i32
    %dma_start3A_34 = tpu.memref_slice %arg2[%dma_start3A_32, %dma_start3A_33] : memref<10000x128xf32, #tpu.memory_space<hbm>> -> memref<10000x128xf32, #tpu.memory_space<hbm>>
    tpu.enqueue_indirect_dma source(%dma_start3A_34 : memref<10000x128xf32, #tpu.memory_space<hbm>>) target(%arg7 : memref<40x128xf32, #tpu.memory_space<vmem>>) offsets(%dma_start3A_31 : memref<40xi32, #tpu.memory_space<vmem>>) semaphore(%arg13 : memref<!tpu.dma_semaphore, #tpu.memory_space<semaphore_mem>>)
    %dma_start3A_35 = arith.constant 0 : i32
    %dma_start3A_36 = arith.constant 1 : i32
    %dma_start3A_37 = arith.constant 0 : i32
    %dma_start3A_38 = tpu.memref_slice %arg6[%dma_start3A_35, %dma_start3A_36, %dma_start3A_37] : memref<2x250x40xi32, #tpu.memory_space<vmem>> -> memref<1x1x40xi32, #tpu.memory_space<vmem>>
    %dma_start3A_39 = tpu.memref_squeeze %dma_start3A_38 : memref<1x1x40xi32, #tpu.memory_space<vmem>> -> memref<40xi32, #tpu.memory_space<vmem>>
    %dma_start3A_40 = arith.constant 0 : i32
    %dma_start3A_41 = arith.constant 0 : i32
    %dma_start3A_42 = tpu.memref_slice %arg2[%dma_start3A_40, %dma_start3A_41] : memref<10000x128xf32, #tpu.memory_space<hbm>> -> memref<10000x128xf32, #tpu.memory_space<hbm>>
    tpu.enqueue_indirect_dma source(%dma_start3A_42 : memref<10000x128xf32, #tpu.memory_space<hbm>>) target(%arg8 : memref<40x128xf32, #tpu.memory_space<vmem>>) offsets(%dma_start3A_39 : memref<40xi32, #tpu.memory_space<vmem>>) semaphore(%arg14 : memref<!tpu.dma_semaphore, #tpu.memory_space<semaphore_mem>>)
    %dma_start3A_43 = arith.constant 0 : i32
    %dma_start3A_44 = arith.constant 2 : i32
    %dma_start3A_45 = arith.constant 0 : i32
    %dma_start3A_46 = tpu.memref_slice %arg6[%dma_start3A_43, %dma_start3A_44, %dma_start3A_45] : memref<2x250x40xi32, #tpu.memory_space<vmem>> -> memref<1x1x40xi32, #tpu.memory_space<vmem>>
    %dma_start3A_47 = tpu.memref_squeeze %dma_start3A_46 : memref<1x1x40xi32, #tpu.memory_space<vmem>> -> memref<40xi32, #tpu.memory_space<vmem>>
    %dma_start3A_48 = arith.constant 0 : i32
    %dma_start3A_49 = arith.constant 0 : i32
    %dma_start3A_50 = tpu.memref_slice %arg2[%dma_start3A_48, %dma_start3A_49] : memref<10000x128xf32, #tpu.memory_space<hbm>> -> memref<10000x128xf32, #tpu.memory_space<hbm>>
    tpu.enqueue_indirect_dma source(%dma_start3A_50 : memref<10000x128xf32, #tpu.memory_space<hbm>>) target(%arg9 : memref<40x128xf32, #tpu.memory_space<vmem>>) offsets(%dma_start3A_47 : memref<40xi32, #tpu.memory_space<vmem>>) semaphore(%arg15 : memref<!tpu.dma_semaphore, #tpu.memory_space<semaphore_mem>>)
    %dma_start3A_51 = arith.constant 0 : i32
    %dma_start3A_52 = arith.constant 3 : i32
    %dma_start3A_53 = arith.constant 0 : i32
    %dma_start3A_54 = tpu.memref_slice %arg6[%dma_start3A_51, %dma_start3A_52, %dma_start3A_53] : memref<2x250x40xi32, #tpu.memory_space<vmem>> -> memref<1x1x40xi32, #tpu.memory_space<vmem>>
    %dma_start3A_55 = tpu.memref_squeeze %dma_start3A_54 : memref<1x1x40xi32, #tpu.memory_space<vmem>> -> memref<40xi32, #tpu.memory_space<vmem>>
    %dma_start3A_56 = arith.constant 0 : i32
    %dma_start3A_57 = arith.constant 0 : i32
    %dma_start3A_58 = tpu.memref_slice %arg2[%dma_start3A_56, %dma_start3A_57] : memref<10000x128xf32, #tpu.memory_space<hbm>> -> memref<10000x128xf32, #tpu.memory_space<hbm>>
    tpu.enqueue_indirect_dma source(%dma_start3A_58 : memref<10000x128xf32, #tpu.memory_space<hbm>>) target(%arg10 : memref<40x128xf32, #tpu.memory_space<vmem>>) offsets(%dma_start3A_55 : memref<40xi32, #tpu.memory_space<vmem>>) semaphore(%arg16 : memref<!tpu.dma_semaphore, #tpu.memory_space<semaphore_mem>>)
    %dma_start3A_59 = arith.constant 0 : i32
    %dma_start3A_60 = arith.constant 4 : i32
    %dma_start3A_61 = arith.constant 0 : i32
    %dma_start3A_62 = tpu.memref_slice %arg6[%dma_start3A_59, %dma_start3A_60, %dma_start3A_61] : memref<2x250x40xi32, #tpu.memory_space<vmem>> -> memref<1x1x40xi32, #tpu.memory_space<vmem>>
    %dma_start3A_63 = tpu.memref_squeeze %dma_start3A_62 : memref<1x1x40xi32, #tpu.memory_space<vmem>> -> memref<40xi32, #tpu.memory_space<vmem>>
    %dma_start3A_64 = arith.constant 0 : i32
    %dma_start3A_65 = arith.constant 0 : i32
    %dma_start3A_66 = tpu.memref_slice %arg2[%dma_start3A_64, %dma_start3A_65] : memref<10000x128xf32, #tpu.memory_space<hbm>> -> memref<10000x128xf32, #tpu.memory_space<hbm>>
    tpu.enqueue_indirect_dma source(%dma_start3A_66 : memref<10000x128xf32, #tpu.memory_space<hbm>>) target(%arg11 : memref<40x128xf32, #tpu.memory_space<vmem>>) offsets(%dma_start3A_63 : memref<40xi32, #tpu.memory_space<vmem>>) semaphore(%arg17 : memref<!tpu.dma_semaphore, #tpu.memory_space<semaphore_mem>>)
    %scan3A = arith.constant 0 : i32
    %scan3A_67 = arith.constant 0 : i32
    %scan3A_68 = arith.constant 49 : i32
    %scan3A_69 = arith.addi %scan3A_67, %scan3A_68 : i32
    %scan3A_70 = arith.constant 1 : i32
    scf.for %scan3A_126 = %scan3A_67 to %scan3A_69 step %scan3A_70  : i32 {
      %mul3A_127 = arith.constant 5 : i32
      %mul3A_128 = arith.muli %scan3A_126, %mul3A_127 : i32
      %add3A_129 = arith.constant 0 : i32
      %add3A_130 = arith.addi %mul3A_128, %add3A_129 : i32
      %dma_wait3A_131 = arith.constant 0 : i32
      %dma_wait3A_132 = arith.constant 0 : i32
      %dma_wait3A_133 = tpu.memref_slice %arg6[%dma_wait3A_131, %add3A_130, %dma_wait3A_132] : memref<2x250x40xi32, #tpu.memory_space<vmem>> -> memref<1x1x40xi32, #tpu.memory_space<vmem>>
      %dma_wait3A_134 = tpu.memref_squeeze %dma_wait3A_133 : memref<1x1x40xi32, #tpu.memory_space<vmem>> -> memref<40xi32, #tpu.memory_space<vmem>>
      %dma_wait3A_135 = arith.constant 0 : i32
      %dma_wait3A_136 = arith.constant 0 : i32
      %dma_wait3A_137 = tpu.memref_slice %arg2[%dma_wait3A_135, %dma_wait3A_136] : memref<10000x128xf32, #tpu.memory_space<hbm>> -> memref<10000x128xf32, #tpu.memory_space<hbm>>
      tpu.wait_indirect_dma semaphore(%arg13 : memref<!tpu.dma_semaphore, #tpu.memory_space<semaphore_mem>>) src(%dma_wait3A_137 : memref<10000x128xf32, #tpu.memory_space<hbm>>) dst(%arg7 : memref<40x128xf32, #tpu.memory_space<vmem>>)
      %run_scoped3A_138 = arith.constant 1 : i32
      "tpu.region"() ({
        %run_scoped3A_232 = tpu.sem_alloc : memref<!tpu.dma_semaphore, #tpu.memory_space<semaphore_mem>>
        %dma_start3A_233 = arith.constant 0 : i32
        %dma_start3A_234 = tpu.memref_slice %arg6[%run_scoped3A_138, %add3A_130, %dma_start3A_233] : memref<2x250x40xi32, #tpu.memory_space<vmem>> -> memref<1x1x40xi32, #tpu.memory_space<vmem>>
        %dma_start3A_235 = tpu.memref_squeeze %dma_start3A_234 : memref<1x1x40xi32, #tpu.memory_space<vmem>> -> memref<40xi32, #tpu.memory_space<vmem>>
        %dma_start3A_236 = arith.constant 0 : i32
        %dma_start3A_237 = arith.constant 0 : i32
        %dma_start3A_238 = tpu.memref_slice %arg12[%dma_start3A_236, %dma_start3A_237] : memref<10240x128xf32, #tpu.memory_space<vmem_shared>> -> memref<10240x128xf32, #tpu.memory_space<vmem_shared>>
        tpu.enqueue_indirect_dma source(%arg7 : memref<40x128xf32, #tpu.memory_space<vmem>>) target(%dma_start3A_238 : memref<10240x128xf32, #tpu.memory_space<vmem_shared>>) offsets(%dma_start3A_235 : memref<40xi32, #tpu.memory_space<vmem>>) semaphore(%run_scoped3A_232 : memref<!tpu.dma_semaphore, #tpu.memory_space<semaphore_mem>>) {add = true}
        %dma_wait3A_239 = arith.constant 0 : i32
        %dma_wait3A_240 = tpu.memref_slice %arg6[%run_scoped3A_138, %add3A_130, %dma_wait3A_239] : memref<2x250x40xi32, #tpu.memory_space<vmem>> -> memref<1x1x40xi32, #tpu.memory_space<vmem>>
        %dma_wait3A_241 = tpu.memref_squeeze %dma_wait3A_240 : memref<1x1x40xi32, #tpu.memory_space<vmem>> -> memref<40xi32, #tpu.memory_space<vmem>>
        %dma_wait3A_242 = arith.constant 0 : i32
        %dma_wait3A_243 = arith.constant 0 : i32
        %dma_wait3A_244 = tpu.memref_slice %arg12[%dma_wait3A_242, %dma_wait3A_243] : memref<10240x128xf32, #tpu.memory_space<vmem_shared>> -> memref<10240x128xf32, #tpu.memory_space<vmem_shared>>
        tpu.wait_indirect_dma semaphore(%run_scoped3A_232 : memref<!tpu.dma_semaphore, #tpu.memory_space<semaphore_mem>>) src(%arg7 : memref<40x128xf32, #tpu.memory_space<vmem>>) dst(%dma_wait3A_244 : memref<10240x128xf32, #tpu.memory_space<vmem_shared>>)
        tpu.yield
      }) : () -> ()
      %add3A_139 = arith.constant 5 : i32
      %add3A_140 = arith.addi %add3A_130, %add3A_139 : i32
      %dma_start3A_141 = arith.constant 0 : i32
      %dma_start3A_142 = arith.constant 0 : i32
      %dma_start3A_143 = tpu.memref_slice %arg6[%dma_start3A_141, %add3A_140, %dma_start3A_142] : memref<2x250x40xi32, #tpu.memory_space<vmem>> -> memref<1x1x40xi32, #tpu.memory_space<vmem>>
      %dma_start3A_144 = tpu.memref_squeeze %dma_start3A_143 : memref<1x1x40xi32, #tpu.memory_space<vmem>> -> memref<40xi32, #tpu.memory_space<vmem>>
      %dma_start3A_145 = arith.constant 0 : i32
      %dma_start3A_146 = arith.constant 0 : i32
      %dma_start3A_147 = tpu.memref_slice %arg2[%dma_start3A_145, %dma_start3A_146] : memref<10000x128xf32, #tpu.memory_space<hbm>> -> memref<10000x128xf32, #tpu.memory_space<hbm>>
      tpu.enqueue_indirect_dma source(%dma_start3A_147 : memref<10000x128xf32, #tpu.memory_space<hbm>>) target(%arg7 : memref<40x128xf32, #tpu.memory_space<vmem>>) offsets(%dma_start3A_144 : memref<40xi32, #tpu.memory_space<vmem>>) semaphore(%arg13 : memref<!tpu.dma_semaphore, #tpu.memory_space<semaphore_mem>>)
      %mul3A_148 = arith.constant 5 : i32
      %mul3A_149 = arith.muli %scan3A_126, %mul3A_148 : i32
      %add3A_150 = arith.constant 1 : i32
      %add3A_151 = arith.addi %mul3A_149, %add3A_150 : i32
      %dma_wait3A_152 = arith.constant 0 : i32
      %dma_wait3A_153 = arith.constant 0 : i32
      %dma_wait3A_154 = tpu.memref_slice %arg6[%dma_wait3A_152, %add3A_151, %dma_wait3A_153] : memref<2x250x40xi32, #tpu.memory_space<vmem>> -> memref<1x1x40xi32, #tpu.memory_space<vmem>>
      %dma_wait3A_155 = tpu.memref_squeeze %dma_wait3A_154 : memref<1x1x40xi32, #tpu.memory_space<vmem>> -> memref<40xi32, #tpu.memory_space<vmem>>
      %dma_wait3A_156 = arith.constant 0 : i32
      %dma_wait3A_157 = arith.constant 0 : i32
      %dma_wait3A_158 = tpu.memref_slice %arg2[%dma_wait3A_156, %dma_wait3A_157] : memref<10000x128xf32, #tpu.memory_space<hbm>> -> memref<10000x128xf32, #tpu.memory_space<hbm>>
      tpu.wait_indirect_dma semaphore(%arg14 : memref<!tpu.dma_semaphore, #tpu.memory_space<semaphore_mem>>) src(%dma_wait3A_158 : memref<10000x128xf32, #tpu.memory_space<hbm>>) dst(%arg8 : memref<40x128xf32, #tpu.memory_space<vmem>>)
      %run_scoped3A_159 = arith.constant 1 : i32
      "tpu.region"() ({
        %run_scoped3A_232 = tpu.sem_alloc : memref<!tpu.dma_semaphore, #tpu.memory_space<semaphore_mem>>
        %dma_start3A_233 = arith.constant 0 : i32
        %dma_start3A_234 = tpu.memref_slice %arg6[%run_scoped3A_159, %add3A_151, %dma_start3A_233] : memref<2x250x40xi32, #tpu.memory_space<vmem>> -> memref<1x1x40xi32, #tpu.memory_space<vmem>>
        %dma_start3A_235 = tpu.memref_squeeze %dma_start3A_234 : memref<1x1x40xi32, #tpu.memory_space<vmem>> -> memref<40xi32, #tpu.memory_space<vmem>>
        %dma_start3A_236 = arith.constant 0 : i32
        %dma_start3A_237 = arith.constant 0 : i32
        %dma_start3A_238 = tpu.memref_slice %arg12[%dma_start3A_236, %dma_start3A_237] : memref<10240x128xf32, #tpu.memory_space<vmem_shared>> -> memref<10240x128xf32, #tpu.memory_space<vmem_shared>>
        tpu.enqueue_indirect_dma source(%arg8 : memref<40x128xf32, #tpu.memory_space<vmem>>) target(%dma_start3A_238 : memref<10240x128xf32, #tpu.memory_space<vmem_shared>>) offsets(%dma_start3A_235 : memref<40xi32, #tpu.memory_space<vmem>>) semaphore(%run_scoped3A_232 : memref<!tpu.dma_semaphore, #tpu.memory_space<semaphore_mem>>) {add = true}
        %dma_wait3A_239 = arith.constant 0 : i32
        %dma_wait3A_240 = tpu.memref_slice %arg6[%run_scoped3A_159, %add3A_151, %dma_wait3A_239] : memref<2x250x40xi32, #tpu.memory_space<vmem>> -> memref<1x1x40xi32, #tpu.memory_space<vmem>>
        %dma_wait3A_241 = tpu.memref_squeeze %dma_wait3A_240 : memref<1x1x40xi32, #tpu.memory_space<vmem>> -> memref<40xi32, #tpu.memory_space<vmem>>
        %dma_wait3A_242 = arith.constant 0 : i32
        %dma_wait3A_243 = arith.constant 0 : i32
        %dma_wait3A_244 = tpu.memref_slice %arg12[%dma_wait3A_242, %dma_wait3A_243] : memref<10240x128xf32, #tpu.memory_space<vmem_shared>> -> memref<10240x128xf32, #tpu.memory_space<vmem_shared>>
        tpu.wait_indirect_dma semaphore(%run_scoped3A_232 : memref<!tpu.dma_semaphore, #tpu.memory_space<semaphore_mem>>) src(%arg8 : memref<40x128xf32, #tpu.memory_space<vmem>>) dst(%dma_wait3A_244 : memref<10240x128xf32, #tpu.memory_space<vmem_shared>>)
        tpu.yield
      }) : () -> ()
      %add3A_160 = arith.constant 5 : i32
      %add3A_161 = arith.addi %add3A_151, %add3A_160 : i32
      %dma_start3A_162 = arith.constant 0 : i32
      %dma_start3A_163 = arith.constant 0 : i32
      %dma_start3A_164 = tpu.memref_slice %arg6[%dma_start3A_162, %add3A_161, %dma_start3A_163] : memref<2x250x40xi32, #tpu.memory_space<vmem>> -> memref<1x1x40xi32, #tpu.memory_space<vmem>>
      %dma_start3A_165 = tpu.memref_squeeze %dma_start3A_164 : memref<1x1x40xi32, #tpu.memory_space<vmem>> -> memref<40xi32, #tpu.memory_space<vmem>>
      %dma_start3A_166 = arith.constant 0 : i32
      %dma_start3A_167 = arith.constant 0 : i32
      %dma_start3A_168 = tpu.memref_slice %arg2[%dma_start3A_166, %dma_start3A_167] : memref<10000x128xf32, #tpu.memory_space<hbm>> -> memref<10000x128xf32, #tpu.memory_space<hbm>>
      tpu.enqueue_indirect_dma source(%dma_start3A_168 : memref<10000x128xf32, #tpu.memory_space<hbm>>) target(%arg8 : memref<40x128xf32, #tpu.memory_space<vmem>>) offsets(%dma_start3A_165 : memref<40xi32, #tpu.memory_space<vmem>>) semaphore(%arg14 : memref<!tpu.dma_semaphore, #tpu.memory_space<semaphore_mem>>)
      %mul3A_169 = arith.constant 5 : i32
      %mul3A_170 = arith.muli %scan3A_126, %mul3A_169 : i32
      %add3A_171 = arith.constant 2 : i32
      %add3A_172 = arith.addi %mul3A_170, %add3A_171 : i32
      %dma_wait3A_173 = arith.constant 0 : i32
      %dma_wait3A_174 = arith.constant 0 : i32
      %dma_wait3A_175 = tpu.memref_slice %arg6[%dma_wait3A_173, %add3A_172, %dma_wait3A_174] : memref<2x250x40xi32, #tpu.memory_space<vmem>> -> memref<1x1x40xi32, #tpu.memory_space<vmem>>
      %dma_wait3A_176 = tpu.memref_squeeze %dma_wait3A_175 : memref<1x1x40xi32, #tpu.memory_space<vmem>> -> memref<40xi32, #tpu.memory_space<vmem>>
      %dma_wait3A_177 = arith.constant 0 : i32
      %dma_wait3A_178 = arith.constant 0 : i32
      %dma_wait3A_179 = tpu.memref_slice %arg2[%dma_wait3A_177, %dma_wait3A_178] : memref<10000x128xf32, #tpu.memory_space<hbm>> -> memref<10000x128xf32, #tpu.memory_space<hbm>>
      tpu.wait_indirect_dma semaphore(%arg15 : memref<!tpu.dma_semaphore, #tpu.memory_space<semaphore_mem>>) src(%dma_wait3A_179 : memref<10000x128xf32, #tpu.memory_space<hbm>>) dst(%arg9 : memref<40x128xf32, #tpu.memory_space<vmem>>)
      %run_scoped3A_180 = arith.constant 1 : i32
      "tpu.region"() ({
        %run_scoped3A_232 = tpu.sem_alloc : memref<!tpu.dma_semaphore, #tpu.memory_space<semaphore_mem>>
        %dma_start3A_233 = arith.constant 0 : i32
        %dma_start3A_234 = tpu.memref_slice %arg6[%run_scoped3A_180, %add3A_172, %dma_start3A_233] : memref<2x250x40xi32, #tpu.memory_space<vmem>> -> memref<1x1x40xi32, #tpu.memory_space<vmem>>
        %dma_start3A_235 = tpu.memref_squeeze %dma_start3A_234 : memref<1x1x40xi32, #tpu.memory_space<vmem>> -> memref<40xi32, #tpu.memory_space<vmem>>
        %dma_start3A_236 = arith.constant 0 : i32
        %dma_start3A_237 = arith.constant 0 : i32
        %dma_start3A_238 = tpu.memref_slice %arg12[%dma_start3A_236, %dma_start3A_237] : memref<10240x128xf32, #tpu.memory_space<vmem_shared>> -> memref<10240x128xf32, #tpu.memory_space<vmem_shared>>
        tpu.enqueue_indirect_dma source(%arg9 : memref<40x128xf32, #tpu.memory_space<vmem>>) target(%dma_start3A_238 : memref<10240x128xf32, #tpu.memory_space<vmem_shared>>) offsets(%dma_start3A_235 : memref<40xi32, #tpu.memory_space<vmem>>) semaphore(%run_scoped3A_232 : memref<!tpu.dma_semaphore, #tpu.memory_space<semaphore_mem>>) {add = true}
        %dma_wait3A_239 = arith.constant 0 : i32
        %dma_wait3A_240 = tpu.memref_slice %arg6[%run_scoped3A_180, %add3A_172, %dma_wait3A_239] : memref<2x250x40xi32, #tpu.memory_space<vmem>> -> memref<1x1x40xi32, #tpu.memory_space<vmem>>
        %dma_wait3A_241 = tpu.memref_squeeze %dma_wait3A_240 : memref<1x1x40xi32, #tpu.memory_space<vmem>> -> memref<40xi32, #tpu.memory_space<vmem>>
        %dma_wait3A_242 = arith.constant 0 : i32
        %dma_wait3A_243 = arith.constant 0 : i32
        %dma_wait3A_244 = tpu.memref_slice %arg12[%dma_wait3A_242, %dma_wait3A_243] : memref<10240x128xf32, #tpu.memory_space<vmem_shared>> -> memref<10240x128xf32, #tpu.memory_space<vmem_shared>>
        tpu.wait_indirect_dma semaphore(%run_scoped3A_232 : memref<!tpu.dma_semaphore, #tpu.memory_space<semaphore_mem>>) src(%arg9 : memref<40x128xf32, #tpu.memory_space<vmem>>) dst(%dma_wait3A_244 : memref<10240x128xf32, #tpu.memory_space<vmem_shared>>)
        tpu.yield
      }) : () -> ()
      %add3A_181 = arith.constant 5 : i32
      %add3A_182 = arith.addi %add3A_172, %add3A_181 : i32
      %dma_start3A_183 = arith.constant 0 : i32
      %dma_start3A_184 = arith.constant 0 : i32
      %dma_start3A_185 = tpu.memref_slice %arg6[%dma_start3A_183, %add3A_182, %dma_start3A_184] : memref<2x250x40xi32, #tpu.memory_space<vmem>> -> memref<1x1x40xi32, #tpu.memory_space<vmem>>
      %dma_start3A_186 = tpu.memref_squeeze %dma_start3A_185 : memref<1x1x40xi32, #tpu.memory_space<vmem>> -> memref<40xi32, #tpu.memory_space<vmem>>
      %dma_start3A_187 = arith.constant 0 : i32
      %dma_start3A_188 = arith.constant 0 : i32
      %dma_start3A_189 = tpu.memref_slice %arg2[%dma_start3A_187, %dma_start3A_188] : memref<10000x128xf32, #tpu.memory_space<hbm>> -> memref<10000x128xf32, #tpu.memory_space<hbm>>
      tpu.enqueue_indirect_dma source(%dma_start3A_189 : memref<10000x128xf32, #tpu.memory_space<hbm>>) target(%arg9 : memref<40x128xf32, #tpu.memory_space<vmem>>) offsets(%dma_start3A_186 : memref<40xi32, #tpu.memory_space<vmem>>) semaphore(%arg15 : memref<!tpu.dma_semaphore, #tpu.memory_space<semaphore_mem>>)
      %mul3A_190 = arith.constant 5 : i32
      %mul3A_191 = arith.muli %scan3A_126, %mul3A_190 : i32
      %add3A_192 = arith.constant 3 : i32
      %add3A_193 = arith.addi %mul3A_191, %add3A_192 : i32
      %dma_wait3A_194 = arith.constant 0 : i32
      %dma_wait3A_195 = arith.constant 0 : i32
      %dma_wait3A_196 = tpu.memref_slice %arg6[%dma_wait3A_194, %add3A_193, %dma_wait3A_195] : memref<2x250x40xi32, #tpu.memory_space<vmem>> -> memref<1x1x40xi32, #tpu.memory_space<vmem>>
      %dma_wait3A_197 = tpu.memref_squeeze %dma_wait3A_196 : memref<1x1x40xi32, #tpu.memory_space<vmem>> -> memref<40xi32, #tpu.memory_space<vmem>>
      %dma_wait3A_198 = arith.constant 0 : i32
      %dma_wait3A_199 = arith.constant 0 : i32
      %dma_wait3A_200 = tpu.memref_slice %arg2[%dma_wait3A_198, %dma_wait3A_199] : memref<10000x128xf32, #tpu.memory_space<hbm>> -> memref<10000x128xf32, #tpu.memory_space<hbm>>
      tpu.wait_indirect_dma semaphore(%arg16 : memref<!tpu.dma_semaphore, #tpu.memory_space<semaphore_mem>>) src(%dma_wait3A_200 : memref<10000x128xf32, #tpu.memory_space<hbm>>) dst(%arg10 : memref<40x128xf32, #tpu.memory_space<vmem>>)
      %run_scoped3A_201 = arith.constant 1 : i32
      "tpu.region"() ({
        %run_scoped3A_232 = tpu.sem_alloc : memref<!tpu.dma_semaphore, #tpu.memory_space<semaphore_mem>>
        %dma_start3A_233 = arith.constant 0 : i32
        %dma_start3A_234 = tpu.memref_slice %arg6[%run_scoped3A_201, %add3A_193, %dma_start3A_233] : memref<2x250x40xi32, #tpu.memory_space<vmem>> -> memref<1x1x40xi32, #tpu.memory_space<vmem>>
        %dma_start3A_235 = tpu.memref_squeeze %dma_start3A_234 : memref<1x1x40xi32, #tpu.memory_space<vmem>> -> memref<40xi32, #tpu.memory_space<vmem>>
        %dma_start3A_236 = arith.constant 0 : i32
        %dma_start3A_237 = arith.constant 0 : i32
        %dma_start3A_238 = tpu.memref_slice %arg12[%dma_start3A_236, %dma_start3A_237] : memref<10240x128xf32, #tpu.memory_space<vmem_shared>> -> memref<10240x128xf32, #tpu.memory_space<vmem_shared>>
        tpu.enqueue_indirect_dma source(%arg10 : memref<40x128xf32, #tpu.memory_space<vmem>>) target(%dma_start3A_238 : memref<10240x128xf32, #tpu.memory_space<vmem_shared>>) offsets(%dma_start3A_235 : memref<40xi32, #tpu.memory_space<vmem>>) semaphore(%run_scoped3A_232 : memref<!tpu.dma_semaphore, #tpu.memory_space<semaphore_mem>>) {add = true}
        %dma_wait3A_239 = arith.constant 0 : i32
        %dma_wait3A_240 = tpu.memref_slice %arg6[%run_scoped3A_201, %add3A_193, %dma_wait3A_239] : memref<2x250x40xi32, #tpu.memory_space<vmem>> -> memref<1x1x40xi32, #tpu.memory_space<vmem>>
        %dma_wait3A_241 = tpu.memref_squeeze %dma_wait3A_240 : memref<1x1x40xi32, #tpu.memory_space<vmem>> -> memref<40xi32, #tpu.memory_space<vmem>>
        %dma_wait3A_242 = arith.constant 0 : i32
        %dma_wait3A_243 = arith.constant 0 : i32
        %dma_wait3A_244 = tpu.memref_slice %arg12[%dma_wait3A_242, %dma_wait3A_243] : memref<10240x128xf32, #tpu.memory_space<vmem_shared>> -> memref<10240x128xf32, #tpu.memory_space<vmem_shared>>
        tpu.wait_indirect_dma semaphore(%run_scoped3A_232 : memref<!tpu.dma_semaphore, #tpu.memory_space<semaphore_mem>>) src(%arg10 : memref<40x128xf32, #tpu.memory_space<vmem>>) dst(%dma_wait3A_244 : memref<10240x128xf32, #tpu.memory_space<vmem_shared>>)
        tpu.yield
      }) : () -> ()
      %add3A_202 = arith.constant 5 : i32
      %add3A_203 = arith.addi %add3A_193, %add3A_202 : i32
      %dma_start3A_204 = arith.constant 0 : i32
      %dma_start3A_205 = arith.constant 0 : i32
      %dma_start3A_206 = tpu.memref_slice %arg6[%dma_start3A_204, %add3A_203, %dma_start3A_205] : memref<2x250x40xi32, #tpu.memory_space<vmem>> -> memref<1x1x40xi32, #tpu.memory_space<vmem>>
      %dma_start3A_207 = tpu.memref_squeeze %dma_start3A_206 : memref<1x1x40xi32, #tpu.memory_space<vmem>> -> memref<40xi32, #tpu.memory_space<vmem>>
      %dma_start3A_208 = arith.constant 0 : i32
      %dma_start3A_209 = arith.constant 0 : i32
      %dma_start3A_210 = tpu.memref_slice %arg2[%dma_start3A_208, %dma_start3A_209] : memref<10000x128xf32, #tpu.memory_space<hbm>> -> memref<10000x128xf32, #tpu.memory_space<hbm>>
      tpu.enqueue_indirect_dma source(%dma_start3A_210 : memref<10000x128xf32, #tpu.memory_space<hbm>>) target(%arg10 : memref<40x128xf32, #tpu.memory_space<vmem>>) offsets(%dma_start3A_207 : memref<40xi32, #tpu.memory_space<vmem>>) semaphore(%arg16 : memref<!tpu.dma_semaphore, #tpu.memory_space<semaphore_mem>>)
      %mul3A_211 = arith.constant 5 : i32
      %mul3A_212 = arith.muli %scan3A_126, %mul3A_211 : i32
      %add3A_213 = arith.constant 4 : i32
      %add3A_214 = arith.addi %mul3A_212, %add3A_213 : i32
      %dma_wait3A_215 = arith.constant 0 : i32
      %dma_wait3A_216 = arith.constant 0 : i32
      %dma_wait3A_217 = tpu.memref_slice %arg6[%dma_wait3A_215, %add3A_214, %dma_wait3A_216] : memref<2x250x40xi32, #tpu.memory_space<vmem>> -> memref<1x1x40xi32, #tpu.memory_space<vmem>>
      %dma_wait3A_218 = tpu.memref_squeeze %dma_wait3A_217 : memref<1x1x40xi32, #tpu.memory_space<vmem>> -> memref<40xi32, #tpu.memory_space<vmem>>
      %dma_wait3A_219 = arith.constant 0 : i32
      %dma_wait3A_220 = arith.constant 0 : i32
      %dma_wait3A_221 = tpu.memref_slice %arg2[%dma_wait3A_219, %dma_wait3A_220] : memref<10000x128xf32, #tpu.memory_space<hbm>> -> memref<10000x128xf32, #tpu.memory_space<hbm>>
      tpu.wait_indirect_dma semaphore(%arg17 : memref<!tpu.dma_semaphore, #tpu.memory_space<semaphore_mem>>) src(%dma_wait3A_221 : memref<10000x128xf32, #tpu.memory_space<hbm>>) dst(%arg11 : memref<40x128xf32, #tpu.memory_space<vmem>>)
      %run_scoped3A_222 = arith.constant 1 : i32
      "tpu.region"() ({
        %run_scoped3A_232 = tpu.sem_alloc : memref<!tpu.dma_semaphore, #tpu.memory_space<semaphore_mem>>
        %dma_start3A_233 = arith.constant 0 : i32
        %dma_start3A_234 = tpu.memref_slice %arg6[%run_scoped3A_222, %add3A_214, %dma_start3A_233] : memref<2x250x40xi32, #tpu.memory_space<vmem>> -> memref<1x1x40xi32, #tpu.memory_space<vmem>>
        %dma_start3A_235 = tpu.memref_squeeze %dma_start3A_234 : memref<1x1x40xi32, #tpu.memory_space<vmem>> -> memref<40xi32, #tpu.memory_space<vmem>>
        %dma_start3A_236 = arith.constant 0 : i32
        %dma_start3A_237 = arith.constant 0 : i32
        %dma_start3A_238 = tpu.memref_slice %arg12[%dma_start3A_236, %dma_start3A_237] : memref<10240x128xf32, #tpu.memory_space<vmem_shared>> -> memref<10240x128xf32, #tpu.memory_space<vmem_shared>>
        tpu.enqueue_indirect_dma source(%arg11 : memref<40x128xf32, #tpu.memory_space<vmem>>) target(%dma_start3A_238 : memref<10240x128xf32, #tpu.memory_space<vmem_shared>>) offsets(%dma_start3A_235 : memref<40xi32, #tpu.memory_space<vmem>>) semaphore(%run_scoped3A_232 : memref<!tpu.dma_semaphore, #tpu.memory_space<semaphore_mem>>) {add = true}
        %dma_wait3A_239 = arith.constant 0 : i32
        %dma_wait3A_240 = tpu.memref_slice %arg6[%run_scoped3A_222, %add3A_214, %dma_wait3A_239] : memref<2x250x40xi32, #tpu.memory_space<vmem>> -> memref<1x1x40xi32, #tpu.memory_space<vmem>>
        %dma_wait3A_241 = tpu.memref_squeeze %dma_wait3A_240 : memref<1x1x40xi32, #tpu.memory_space<vmem>> -> memref<40xi32, #tpu.memory_space<vmem>>
        %dma_wait3A_242 = arith.constant 0 : i32
        %dma_wait3A_243 = arith.constant 0 : i32
        %dma_wait3A_244 = tpu.memref_slice %arg12[%dma_wait3A_242, %dma_wait3A_243] : memref<10240x128xf32, #tpu.memory_space<vmem_shared>> -> memref<10240x128xf32, #tpu.memory_space<vmem_shared>>
        tpu.wait_indirect_dma semaphore(%run_scoped3A_232 : memref<!tpu.dma_semaphore, #tpu.memory_space<semaphore_mem>>) src(%arg11 : memref<40x128xf32, #tpu.memory_space<vmem>>) dst(%dma_wait3A_244 : memref<10240x128xf32, #tpu.memory_space<vmem_shared>>)
        tpu.yield
      }) : () -> ()
      %add3A_223 = arith.constant 5 : i32
      %add3A_224 = arith.addi %add3A_214, %add3A_223 : i32
      %dma_start3A_225 = arith.constant 0 : i32
      %dma_start3A_226 = arith.constant 0 : i32
      %dma_start3A_227 = tpu.memref_slice %arg6[%dma_start3A_225, %add3A_224, %dma_start3A_226] : memref<2x250x40xi32, #tpu.memory_space<vmem>> -> memref<1x1x40xi32, #tpu.memory_space<vmem>>
      %dma_start3A_228 = tpu.memref_squeeze %dma_start3A_227 : memref<1x1x40xi32, #tpu.memory_space<vmem>> -> memref<40xi32, #tpu.memory_space<vmem>>
      %dma_start3A_229 = arith.constant 0 : i32
      %dma_start3A_230 = arith.constant 0 : i32
      %dma_start3A_231 = tpu.memref_slice %arg2[%dma_start3A_229, %dma_start3A_230] : memref<10000x128xf32, #tpu.memory_space<hbm>> -> memref<10000x128xf32, #tpu.memory_space<hbm>>
      tpu.enqueue_indirect_dma source(%dma_start3A_231 : memref<10000x128xf32, #tpu.memory_space<hbm>>) target(%arg11 : memref<40x128xf32, #tpu.memory_space<vmem>>) offsets(%dma_start3A_228 : memref<40xi32, #tpu.memory_space<vmem>>) semaphore(%arg17 : memref<!tpu.dma_semaphore, #tpu.memory_space<semaphore_mem>>)
    }
    %scan3A_71 = arith.constant 49 : i32
    %dma_wait3A_72 = arith.constant 0 : i32
    %dma_wait3A_73 = arith.constant 245 : i32
    %dma_wait3A_74 = arith.constant 0 : i32
    %dma_wait3A_75 = tpu.memref_slice %arg6[%dma_wait3A_72, %dma_wait3A_73, %dma_wait3A_74] : memref<2x250x40xi32, #tpu.memory_space<vmem>> -> memref<1x1x40xi32, #tpu.memory_space<vmem>>
    %dma_wait3A_76 = tpu.memref_squeeze %dma_wait3A_75 : memref<1x1x40xi32, #tpu.memory_space<vmem>> -> memref<40xi32, #tpu.memory_space<vmem>>
    %dma_wait3A_77 = arith.constant 0 : i32
    %dma_wait3A_78 = arith.constant 0 : i32
    %dma_wait3A_79 = tpu.memref_slice %arg2[%dma_wait3A_77, %dma_wait3A_78] : memref<10000x128xf32, #tpu.memory_space<hbm>> -> memref<10000x128xf32, #tpu.memory_space<hbm>>
    tpu.wait_indirect_dma semaphore(%arg13 : memref<!tpu.dma_semaphore, #tpu.memory_space<semaphore_mem>>) src(%dma_wait3A_79 : memref<10000x128xf32, #tpu.memory_space<hbm>>) dst(%arg7 : memref<40x128xf32, #tpu.memory_space<vmem>>)
    %run_scoped3A = arith.constant 1 : i32
    %run_scoped3A_80 = arith.constant 245 : i32
    "tpu.region"() ({
      %run_scoped3A_126 = tpu.sem_alloc : memref<!tpu.dma_semaphore, #tpu.memory_space<semaphore_mem>>
      %dma_start3A_127 = arith.constant 0 : i32
      %dma_start3A_128 = tpu.memref_slice %arg6[%run_scoped3A, %run_scoped3A_80, %dma_start3A_127] : memref<2x250x40xi32, #tpu.memory_space<vmem>> -> memref<1x1x40xi32, #tpu.memory_space<vmem>>
      %dma_start3A_129 = tpu.memref_squeeze %dma_start3A_128 : memref<1x1x40xi32, #tpu.memory_space<vmem>> -> memref<40xi32, #tpu.memory_space<vmem>>
      %dma_start3A_130 = arith.constant 0 : i32
      %dma_start3A_131 = arith.constant 0 : i32
      %dma_start3A_132 = tpu.memref_slice %arg12[%dma_start3A_130, %dma_start3A_131] : memref<10240x128xf32, #tpu.memory_space<vmem_shared>> -> memref<10240x128xf32, #tpu.memory_space<vmem_shared>>
      tpu.enqueue_indirect_dma source(%arg7 : memref<40x128xf32, #tpu.memory_space<vmem>>) target(%dma_start3A_132 : memref<10240x128xf32, #tpu.memory_space<vmem_shared>>) offsets(%dma_start3A_129 : memref<40xi32, #tpu.memory_space<vmem>>) semaphore(%run_scoped3A_126 : memref<!tpu.dma_semaphore, #tpu.memory_space<semaphore_mem>>) {add = true}
      %dma_wait3A_133 = arith.constant 0 : i32
      %dma_wait3A_134 = tpu.memref_slice %arg6[%run_scoped3A, %run_scoped3A_80, %dma_wait3A_133] : memref<2x250x40xi32, #tpu.memory_space<vmem>> -> memref<1x1x40xi32, #tpu.memory_space<vmem>>
      %dma_wait3A_135 = tpu.memref_squeeze %dma_wait3A_134 : memref<1x1x40xi32, #tpu.memory_space<vmem>> -> memref<40xi32, #tpu.memory_space<vmem>>
      %dma_wait3A_136 = arith.constant 0 : i32
      %dma_wait3A_137 = arith.constant 0 : i32
      %dma_wait3A_138 = tpu.memref_slice %arg12[%dma_wait3A_136, %dma_wait3A_137] : memref<10240x128xf32, #tpu.memory_space<vmem_shared>> -> memref<10240x128xf32, #tpu.memory_space<vmem_shared>>
      tpu.wait_indirect_dma semaphore(%run_scoped3A_126 : memref<!tpu.dma_semaphore, #tpu.memory_space<semaphore_mem>>) src(%arg7 : memref<40x128xf32, #tpu.memory_space<vmem>>) dst(%dma_wait3A_138 : memref<10240x128xf32, #tpu.memory_space<vmem_shared>>)
      tpu.yield
    }) : () -> ()
    %dma_wait3A_81 = arith.constant 0 : i32
    %dma_wait3A_82 = arith.constant 246 : i32
    %dma_wait3A_83 = arith.constant 0 : i32
    %dma_wait3A_84 = tpu.memref_slice %arg6[%dma_wait3A_81, %dma_wait3A_82, %dma_wait3A_83] : memref<2x250x40xi32, #tpu.memory_space<vmem>> -> memref<1x1x40xi32, #tpu.memory_space<vmem>>
    %dma_wait3A_85 = tpu.memref_squeeze %dma_wait3A_84 : memref<1x1x40xi32, #tpu.memory_space<vmem>> -> memref<40xi32, #tpu.memory_space<vmem>>
    %dma_wait3A_86 = arith.constant 0 : i32
    %dma_wait3A_87 = arith.constant 0 : i32
    %dma_wait3A_88 = tpu.memref_slice %arg2[%dma_wait3A_86, %dma_wait3A_87] : memref<10000x128xf32, #tpu.memory_space<hbm>> -> memref<10000x128xf32, #tpu.memory_space<hbm>>
    tpu.wait_indirect_dma semaphore(%arg14 : memref<!tpu.dma_semaphore, #tpu.memory_space<semaphore_mem>>) src(%dma_wait3A_88 : memref<10000x128xf32, #tpu.memory_space<hbm>>) dst(%arg8 : memref<40x128xf32, #tpu.memory_space<vmem>>)
    %run_scoped3A_89 = arith.constant 1 : i32
    %run_scoped3A_90 = arith.constant 246 : i32
    "tpu.region"() ({
      %run_scoped3A_126 = tpu.sem_alloc : memref<!tpu.dma_semaphore, #tpu.memory_space<semaphore_mem>>
      %dma_start3A_127 = arith.constant 0 : i32
      %dma_start3A_128 = tpu.memref_slice %arg6[%run_scoped3A_89, %run_scoped3A_90, %dma_start3A_127] : memref<2x250x40xi32, #tpu.memory_space<vmem>> -> memref<1x1x40xi32, #tpu.memory_space<vmem>>
      %dma_start3A_129 = tpu.memref_squeeze %dma_start3A_128 : memref<1x1x40xi32, #tpu.memory_space<vmem>> -> memref<40xi32, #tpu.memory_space<vmem>>
      %dma_start3A_130 = arith.constant 0 : i32
      %dma_start3A_131 = arith.constant 0 : i32
      %dma_start3A_132 = tpu.memref_slice %arg12[%dma_start3A_130, %dma_start3A_131] : memref<10240x128xf32, #tpu.memory_space<vmem_shared>> -> memref<10240x128xf32, #tpu.memory_space<vmem_shared>>
      tpu.enqueue_indirect_dma source(%arg8 : memref<40x128xf32, #tpu.memory_space<vmem>>) target(%dma_start3A_132 : memref<10240x128xf32, #tpu.memory_space<vmem_shared>>) offsets(%dma_start3A_129 : memref<40xi32, #tpu.memory_space<vmem>>) semaphore(%run_scoped3A_126 : memref<!tpu.dma_semaphore, #tpu.memory_space<semaphore_mem>>) {add = true}
      %dma_wait3A_133 = arith.constant 0 : i32
      %dma_wait3A_134 = tpu.memref_slice %arg6[%run_scoped3A_89, %run_scoped3A_90, %dma_wait3A_133] : memref<2x250x40xi32, #tpu.memory_space<vmem>> -> memref<1x1x40xi32, #tpu.memory_space<vmem>>
      %dma_wait3A_135 = tpu.memref_squeeze %dma_wait3A_134 : memref<1x1x40xi32, #tpu.memory_space<vmem>> -> memref<40xi32, #tpu.memory_space<vmem>>
      %dma_wait3A_136 = arith.constant 0 : i32
      %dma_wait3A_137 = arith.constant 0 : i32
      %dma_wait3A_138 = tpu.memref_slice %arg12[%dma_wait3A_136, %dma_wait3A_137] : memref<10240x128xf32, #tpu.memory_space<vmem_shared>> -> memref<10240x128xf32, #tpu.memory_space<vmem_shared>>
      tpu.wait_indirect_dma semaphore(%run_scoped3A_126 : memref<!tpu.dma_semaphore, #tpu.memory_space<semaphore_mem>>) src(%arg8 : memref<40x128xf32, #tpu.memory_space<vmem>>) dst(%dma_wait3A_138 : memref<10240x128xf32, #tpu.memory_space<vmem_shared>>)
      tpu.yield
    }) : () -> ()
    %dma_wait3A_91 = arith.constant 0 : i32
    %dma_wait3A_92 = arith.constant 247 : i32
    %dma_wait3A_93 = arith.constant 0 : i32
    %dma_wait3A_94 = tpu.memref_slice %arg6[%dma_wait3A_91, %dma_wait3A_92, %dma_wait3A_93] : memref<2x250x40xi32, #tpu.memory_space<vmem>> -> memref<1x1x40xi32, #tpu.memory_space<vmem>>
    %dma_wait3A_95 = tpu.memref_squeeze %dma_wait3A_94 : memref<1x1x40xi32, #tpu.memory_space<vmem>> -> memref<40xi32, #tpu.memory_space<vmem>>
    %dma_wait3A_96 = arith.constant 0 : i32
    %dma_wait3A_97 = arith.constant 0 : i32
    %dma_wait3A_98 = tpu.memref_slice %arg2[%dma_wait3A_96, %dma_wait3A_97] : memref<10000x128xf32, #tpu.memory_space<hbm>> -> memref<10000x128xf32, #tpu.memory_space<hbm>>
    tpu.wait_indirect_dma semaphore(%arg15 : memref<!tpu.dma_semaphore, #tpu.memory_space<semaphore_mem>>) src(%dma_wait3A_98 : memref<10000x128xf32, #tpu.memory_space<hbm>>) dst(%arg9 : memref<40x128xf32, #tpu.memory_space<vmem>>)
    %run_scoped3A_99 = arith.constant 1 : i32
    %run_scoped3A_100 = arith.constant 247 : i32
    "tpu.region"() ({
      %run_scoped3A_126 = tpu.sem_alloc : memref<!tpu.dma_semaphore, #tpu.memory_space<semaphore_mem>>
      %dma_start3A_127 = arith.constant 0 : i32
      %dma_start3A_128 = tpu.memref_slice %arg6[%run_scoped3A_99, %run_scoped3A_100, %dma_start3A_127] : memref<2x250x40xi32, #tpu.memory_space<vmem>> -> memref<1x1x40xi32, #tpu.memory_space<vmem>>
      %dma_start3A_129 = tpu.memref_squeeze %dma_start3A_128 : memref<1x1x40xi32, #tpu.memory_space<vmem>> -> memref<40xi32, #tpu.memory_space<vmem>>
      %dma_start3A_130 = arith.constant 0 : i32
      %dma_start3A_131 = arith.constant 0 : i32
      %dma_start3A_132 = tpu.memref_slice %arg12[%dma_start3A_130, %dma_start3A_131] : memref<10240x128xf32, #tpu.memory_space<vmem_shared>> -> memref<10240x128xf32, #tpu.memory_space<vmem_shared>>
      tpu.enqueue_indirect_dma source(%arg9 : memref<40x128xf32, #tpu.memory_space<vmem>>) target(%dma_start3A_132 : memref<10240x128xf32, #tpu.memory_space<vmem_shared>>) offsets(%dma_start3A_129 : memref<40xi32, #tpu.memory_space<vmem>>) semaphore(%run_scoped3A_126 : memref<!tpu.dma_semaphore, #tpu.memory_space<semaphore_mem>>) {add = true}
      %dma_wait3A_133 = arith.constant 0 : i32
      %dma_wait3A_134 = tpu.memref_slice %arg6[%run_scoped3A_99, %run_scoped3A_100, %dma_wait3A_133] : memref<2x250x40xi32, #tpu.memory_space<vmem>> -> memref<1x1x40xi32, #tpu.memory_space<vmem>>
      %dma_wait3A_135 = tpu.memref_squeeze %dma_wait3A_134 : memref<1x1x40xi32, #tpu.memory_space<vmem>> -> memref<40xi32, #tpu.memory_space<vmem>>
      %dma_wait3A_136 = arith.constant 0 : i32
      %dma_wait3A_137 = arith.constant 0 : i32
      %dma_wait3A_138 = tpu.memref_slice %arg12[%dma_wait3A_136, %dma_wait3A_137] : memref<10240x128xf32, #tpu.memory_space<vmem_shared>> -> memref<10240x128xf32, #tpu.memory_space<vmem_shared>>
      tpu.wait_indirect_dma semaphore(%run_scoped3A_126 : memref<!tpu.dma_semaphore, #tpu.memory_space<semaphore_mem>>) src(%arg9 : memref<40x128xf32, #tpu.memory_space<vmem>>) dst(%dma_wait3A_138 : memref<10240x128xf32, #tpu.memory_space<vmem_shared>>)
      tpu.yield
    }) : () -> ()
    %dma_wait3A_101 = arith.constant 0 : i32
    %dma_wait3A_102 = arith.constant 248 : i32
    %dma_wait3A_103 = arith.constant 0 : i32
    %dma_wait3A_104 = tpu.memref_slice %arg6[%dma_wait3A_101, %dma_wait3A_102, %dma_wait3A_103] : memref<2x250x40xi32, #tpu.memory_space<vmem>> -> memref<1x1x40xi32, #tpu.memory_space<vmem>>
    %dma_wait3A_105 = tpu.memref_squeeze %dma_wait3A_104 : memref<1x1x40xi32, #tpu.memory_space<vmem>> -> memref<40xi32, #tpu.memory_space<vmem>>
    %dma_wait3A_106 = arith.constant 0 : i32
    %dma_wait3A_107 = arith.constant 0 : i32
    %dma_wait3A_108 = tpu.memref_slice %arg2[%dma_wait3A_106, %dma_wait3A_107] : memref<10000x128xf32, #tpu.memory_space<hbm>> -> memref<10000x128xf32, #tpu.memory_space<hbm>>
    tpu.wait_indirect_dma semaphore(%arg16 : memref<!tpu.dma_semaphore, #tpu.memory_space<semaphore_mem>>) src(%dma_wait3A_108 : memref<10000x128xf32, #tpu.memory_space<hbm>>) dst(%arg10 : memref<40x128xf32, #tpu.memory_space<vmem>>)
    %run_scoped3A_109 = arith.constant 1 : i32
    %run_scoped3A_110 = arith.constant 248 : i32
    "tpu.region"() ({
      %run_scoped3A_126 = tpu.sem_alloc : memref<!tpu.dma_semaphore, #tpu.memory_space<semaphore_mem>>
      %dma_start3A_127 = arith.constant 0 : i32
      %dma_start3A_128 = tpu.memref_slice %arg6[%run_scoped3A_109, %run_scoped3A_110, %dma_start3A_127] : memref<2x250x40xi32, #tpu.memory_space<vmem>> -> memref<1x1x40xi32, #tpu.memory_space<vmem>>
      %dma_start3A_129 = tpu.memref_squeeze %dma_start3A_128 : memref<1x1x40xi32, #tpu.memory_space<vmem>> -> memref<40xi32, #tpu.memory_space<vmem>>
      %dma_start3A_130 = arith.constant 0 : i32
      %dma_start3A_131 = arith.constant 0 : i32
      %dma_start3A_132 = tpu.memref_slice %arg12[%dma_start3A_130, %dma_start3A_131] : memref<10240x128xf32, #tpu.memory_space<vmem_shared>> -> memref<10240x128xf32, #tpu.memory_space<vmem_shared>>
      tpu.enqueue_indirect_dma source(%arg10 : memref<40x128xf32, #tpu.memory_space<vmem>>) target(%dma_start3A_132 : memref<10240x128xf32, #tpu.memory_space<vmem_shared>>) offsets(%dma_start3A_129 : memref<40xi32, #tpu.memory_space<vmem>>) semaphore(%run_scoped3A_126 : memref<!tpu.dma_semaphore, #tpu.memory_space<semaphore_mem>>) {add = true}
      %dma_wait3A_133 = arith.constant 0 : i32
      %dma_wait3A_134 = tpu.memref_slice %arg6[%run_scoped3A_109, %run_scoped3A_110, %dma_wait3A_133] : memref<2x250x40xi32, #tpu.memory_space<vmem>> -> memref<1x1x40xi32, #tpu.memory_space<vmem>>
      %dma_wait3A_135 = tpu.memref_squeeze %dma_wait3A_134 : memref<1x1x40xi32, #tpu.memory_space<vmem>> -> memref<40xi32, #tpu.memory_space<vmem>>
      %dma_wait3A_136 = arith.constant 0 : i32
      %dma_wait3A_137 = arith.constant 0 : i32
      %dma_wait3A_138 = tpu.memref_slice %arg12[%dma_wait3A_136, %dma_wait3A_137] : memref<10240x128xf32, #tpu.memory_space<vmem_shared>> -> memref<10240x128xf32, #tpu.memory_space<vmem_shared>>
      tpu.wait_indirect_dma semaphore(%run_scoped3A_126 : memref<!tpu.dma_semaphore, #tpu.memory_space<semaphore_mem>>) src(%arg10 : memref<40x128xf32, #tpu.memory_space<vmem>>) dst(%dma_wait3A_138 : memref<10240x128xf32, #tpu.memory_space<vmem_shared>>)
      tpu.yield
    }) : () -> ()
    %dma_wait3A_111 = arith.constant 0 : i32
    %dma_wait3A_112 = arith.constant 249 : i32
    %dma_wait3A_113 = arith.constant 0 : i32
    %dma_wait3A_114 = tpu.memref_slice %arg6[%dma_wait3A_111, %dma_wait3A_112, %dma_wait3A_113] : memref<2x250x40xi32, #tpu.memory_space<vmem>> -> memref<1x1x40xi32, #tpu.memory_space<vmem>>
    %dma_wait3A_115 = tpu.memref_squeeze %dma_wait3A_114 : memref<1x1x40xi32, #tpu.memory_space<vmem>> -> memref<40xi32, #tpu.memory_space<vmem>>
    %dma_wait3A_116 = arith.constant 0 : i32
    %dma_wait3A_117 = arith.constant 0 : i32
    %dma_wait3A_118 = tpu.memref_slice %arg2[%dma_wait3A_116, %dma_wait3A_117] : memref<10000x128xf32, #tpu.memory_space<hbm>> -> memref<10000x128xf32, #tpu.memory_space<hbm>>
    tpu.wait_indirect_dma semaphore(%arg17 : memref<!tpu.dma_semaphore, #tpu.memory_space<semaphore_mem>>) src(%dma_wait3A_118 : memref<10000x128xf32, #tpu.memory_space<hbm>>) dst(%arg11 : memref<40x128xf32, #tpu.memory_space<vmem>>)
    %run_scoped3A_119 = arith.constant 1 : i32
    %run_scoped3A_120 = arith.constant 249 : i32
    "tpu.region"() ({
      %run_scoped3A_126 = tpu.sem_alloc : memref<!tpu.dma_semaphore, #tpu.memory_space<semaphore_mem>>
      %dma_start3A_127 = arith.constant 0 : i32
      %dma_start3A_128 = tpu.memref_slice %arg6[%run_scoped3A_119, %run_scoped3A_120, %dma_start3A_127] : memref<2x250x40xi32, #tpu.memory_space<vmem>> -> memref<1x1x40xi32, #tpu.memory_space<vmem>>
      %dma_start3A_129 = tpu.memref_squeeze %dma_start3A_128 : memref<1x1x40xi32, #tpu.memory_space<vmem>> -> memref<40xi32, #tpu.memory_space<vmem>>
      %dma_start3A_130 = arith.constant 0 : i32
      %dma_start3A_131 = arith.constant 0 : i32
      %dma_start3A_132 = tpu.memref_slice %arg12[%dma_start3A_130, %dma_start3A_131] : memref<10240x128xf32, #tpu.memory_space<vmem_shared>> -> memref<10240x128xf32, #tpu.memory_space<vmem_shared>>
      tpu.enqueue_indirect_dma source(%arg11 : memref<40x128xf32, #tpu.memory_space<vmem>>) target(%dma_start3A_132 : memref<10240x128xf32, #tpu.memory_space<vmem_shared>>) offsets(%dma_start3A_129 : memref<40xi32, #tpu.memory_space<vmem>>) semaphore(%run_scoped3A_126 : memref<!tpu.dma_semaphore, #tpu.memory_space<semaphore_mem>>) {add = true}
      %dma_wait3A_133 = arith.constant 0 : i32
      %dma_wait3A_134 = tpu.memref_slice %arg6[%run_scoped3A_119, %run_scoped3A_120, %dma_wait3A_133] : memref<2x250x40xi32, #tpu.memory_space<vmem>> -> memref<1x1x40xi32, #tpu.memory_space<vmem>>
      %dma_wait3A_135 = tpu.memref_squeeze %dma_wait3A_134 : memref<1x1x40xi32, #tpu.memory_space<vmem>> -> memref<40xi32, #tpu.memory_space<vmem>>
      %dma_wait3A_136 = arith.constant 0 : i32
      %dma_wait3A_137 = arith.constant 0 : i32
      %dma_wait3A_138 = tpu.memref_slice %arg12[%dma_wait3A_136, %dma_wait3A_137] : memref<10240x128xf32, #tpu.memory_space<vmem_shared>> -> memref<10240x128xf32, #tpu.memory_space<vmem_shared>>
      tpu.wait_indirect_dma semaphore(%run_scoped3A_126 : memref<!tpu.dma_semaphore, #tpu.memory_space<semaphore_mem>>) src(%arg11 : memref<40x128xf32, #tpu.memory_space<vmem>>) dst(%dma_wait3A_138 : memref<10240x128xf32, #tpu.memory_space<vmem_shared>>)
      tpu.yield
    }) : () -> ()
    %barrier3A_121 = arith.constant 0 : index
    tpu.barrier barrier_id(%barrier3A_121)
    %mul3A_122 = arith.constant 640 : i32
    %mul3A_123 = arith.muli %arg1, %mul3A_122 : i32
    %mul3A_124 = arith.constant 640 : i32
    %mul3A_125 = arith.muli %arg1, %mul3A_124 : i32
    "tpu.region"() ({
      %run_scoped3A_126 = tpu.sem_alloc : memref<!tpu.dma_semaphore, #tpu.memory_space<semaphore_mem>>
      %dma_start3A_127 = arith.constant 0 : i32
      %dma_start3A_128 = tpu.memref_slice %arg5[%arg0, %mul3A_125, %dma_start3A_127] : memref<2x10240x128xf32, #tpu.memory_space<hbm>> -> memref<1x640x128xf32, #tpu.memory_space<hbm>>
      %dma_start3A_129 = tpu.memref_squeeze %dma_start3A_128 : memref<1x640x128xf32, #tpu.memory_space<hbm>> -> memref<640x128xf32, #tpu.memory_space<hbm>>
      %dma_start3A_130 = arith.constant 0 : i32
      %dma_start3A_131 = tpu.memref_slice %arg12[%mul3A_123, %dma_start3A_130] : memref<10240x128xf32, #tpu.memory_space<vmem_shared>> -> memref<640x128xf32, #tpu.memory_space<vmem_shared>>
      tpu.enqueue_dma source(%dma_start3A_131 : memref<640x128xf32, #tpu.memory_space<vmem_shared>>) target(%dma_start3A_129 : memref<640x128xf32, #tpu.memory_space<hbm>>) target_semaphore(%run_scoped3A_126 : memref<!tpu.dma_semaphore, #tpu.memory_space<semaphore_mem>>)
      %dma_wait3A_132 = arith.constant 0 : i32
      %dma_wait3A_133 = tpu.memref_slice %arg5[%arg0, %mul3A_125, %dma_wait3A_132] : memref<2x10240x128xf32, #tpu.memory_space<hbm>> -> memref<1x640x128xf32, #tpu.memory_space<hbm>>
      %dma_wait3A_134 = tpu.memref_squeeze %dma_wait3A_133 : memref<1x640x128xf32, #tpu.memory_space<hbm>> -> memref<640x128xf32, #tpu.memory_space<hbm>>
      %dma_wait3A_135 = arith.constant 0 : i32
      %dma_wait3A_136 = tpu.memref_slice %arg12[%mul3A_123, %dma_wait3A_135] : memref<10240x128xf32, #tpu.memory_space<vmem_shared>> -> memref<640x128xf32, #tpu.memory_space<vmem_shared>>
      tpu.wait_dma2 semaphore(%run_scoped3A_126 : memref<!tpu.dma_semaphore, #tpu.memory_space<semaphore_mem>>) src(%dma_wait3A_136 : memref<640x128xf32, #tpu.memory_space<vmem_shared>>) dst(%dma_wait3A_134 : memref<640x128xf32, #tpu.memory_space<hbm>>)
      tpu.yield
    }) : () -> ()
    return
  }
}

module attributes {stable_mosaic.version = 14 : i64} {
  func.func @body(%arg0: i32, %arg1: memref<2000x128xf32, #tpu.memory_space<vmem>>, %arg2: memref<128x256xf32, #tpu.memory_space<vmem>>, %arg3: memref<1x256xf32, #tpu.memory_space<vmem>>, %arg4: memref<256x128xf32, #tpu.memory_space<vmem>>, %arg5: memref<1x128xf32, #tpu.memory_space<vmem>>, %arg6: memref<128x128xf32, #tpu.memory_space<vmem>>, %arg7: memref<1x128xf32, #tpu.memory_space<vmem>>, %arg8: memref<2000x128xf32, #tpu.memory_space<vmem>>, %arg9: memref<2000x128xf32, #tpu.memory_space<vmem>>) attributes {dimension_semantics = [#tpu.dimension_semantics<arbitrary>], iteration_bounds = array<i64: 5>, scalar_prefetch = 0 : i64, scratch_operands = 0 : i64, tpu.core_type = #tpu.core_type<tc>, window_params = [{transform_indices = @transform_0, window_bounds = array<i64: 2000, 128>}, {pipeline_mode = #tpu.pipeline_mode<synchronous>, transform_indices = @transform_1, window_bounds = array<i64: 128, 256>}, {pipeline_mode = #tpu.pipeline_mode<synchronous>, transform_indices = @transform_2, window_bounds = array<i64: 1, 256>}, {pipeline_mode = #tpu.pipeline_mode<synchronous>, transform_indices = @transform_3, window_bounds = array<i64: 256, 128>}, {pipeline_mode = #tpu.pipeline_mode<synchronous>, transform_indices = @transform_4, window_bounds = array<i64: 1, 128>}, {pipeline_mode = #tpu.pipeline_mode<synchronous>, transform_indices = @transform_5, window_bounds = array<i64: 128, 128>}, {pipeline_mode = #tpu.pipeline_mode<synchronous>, transform_indices = @transform_6, window_bounds = array<i64: 1, 128>}, {transform_indices = @transform_7, window_bounds = array<i64: 2000, 128>}, {transform_indices = @transform_8, window_bounds = array<i64: 2000, 128>}]} {
    %get3A = arith.constant 0 : index
    %get3A_0 = arith.constant 0 : index
    %get3A_1 = vector.load %arg1[%get3A, %get3A_0] : memref<2000x128xf32, #tpu.memory_space<vmem>>, vector<2000x128xf32>
    %get3A_2 = arith.constant 0 : index
    %get3A_3 = arith.constant 0 : index
    %get3A_4 = vector.load %arg2[%get3A_2, %get3A_3] : memref<128x256xf32, #tpu.memory_space<vmem>>, vector<128x256xf32>
    %dot_general3A = arith.constant dense<0.000000e+00> : vector<2000x256xf32>
    %dot_general3A_5 = tpu.matmul %get3A_1, %get3A_4, %dot_general3A {dimension_numbers = #tpu.dot_dimension_numbers<[1], [0], [0], [1], [0, 0, 1, 1], [], []>, transpose_lhs_hint = false} : vector<2000x128xf32>, vector<128x256xf32>, vector<2000x256xf32> -> vector<2000x256xf32>
    %get3A_6 = arith.constant 0 : index
    %get3A_7 = arith.constant 0 : index
    %get3A_8 = vector.load %arg3[%get3A_6, %get3A_7] : memref<1x256xf32, #tpu.memory_space<vmem>>, vector<1x256xf32>
    %add3A = vector.broadcast %get3A_8 : vector<1x256xf32> to vector<2000x256xf32>
    %add3A_9 = arith.addf %dot_general3A_5, %add3A : vector<2000x256xf32>
    %max3A = arith.constant 0.000000e+00 : f32
    %max3A_10 = vector.broadcast %max3A : f32 to vector<2000x256xf32>
    %max3A_11 = arith.maximumf %add3A_9, %max3A_10 : vector<2000x256xf32>
    %get3A_12 = arith.constant 0 : index
    %get3A_13 = arith.constant 0 : index
    %get3A_14 = vector.load %arg4[%get3A_12, %get3A_13] : memref<256x128xf32, #tpu.memory_space<vmem>>, vector<256x128xf32>
    %dot_general3A_15 = arith.constant dense<0.000000e+00> : vector<2000x128xf32>
    %dot_general3A_16 = tpu.matmul %max3A_11, %get3A_14, %dot_general3A_15 {dimension_numbers = #tpu.dot_dimension_numbers<[1], [0], [0], [1], [0, 0, 1, 1], [], []>, transpose_lhs_hint = false} : vector<2000x256xf32>, vector<256x128xf32>, vector<2000x128xf32> -> vector<2000x128xf32>
    %get3A_17 = arith.constant 0 : index
    %get3A_18 = arith.constant 0 : index
    %get3A_19 = vector.load %arg5[%get3A_17, %get3A_18] : memref<1x128xf32, #tpu.memory_space<vmem>>, vector<1x128xf32>
    %add3A_20 = vector.broadcast %get3A_19 : vector<1x128xf32> to vector<2000x128xf32>
    %add3A_21 = arith.addf %dot_general3A_16, %add3A_20 : vector<2000x128xf32>
    %swap3A = arith.constant 0 : index
    %swap3A_22 = arith.constant 0 : index
    %swap3A_23 = vector.load %arg8[%swap3A, %swap3A_22] : memref<2000x128xf32, #tpu.memory_space<vmem>>, vector<2000x128xf32>
    tpu.vector_store %arg8[%swap3A, %swap3A_22], %add3A_21 {strides = array<i32>} : memref<2000x128xf32, #tpu.memory_space<vmem>>, vector<2000x128xf32>,
    %get3A_24 = arith.constant 0 : index
    %get3A_25 = arith.constant 0 : index
    %get3A_26 = vector.load %arg6[%get3A_24, %get3A_25] : memref<128x128xf32, #tpu.memory_space<vmem>>, vector<128x128xf32>
    %dot_general3A_27 = arith.constant dense<0.000000e+00> : vector<2000x128xf32>
    %dot_general3A_28 = tpu.matmul %add3A_21, %get3A_26, %dot_general3A_27 {dimension_numbers = #tpu.dot_dimension_numbers<[1], [0], [0], [1], [0, 0, 1, 1], [], []>, transpose_lhs_hint = false} : vector<2000x128xf32>, vector<128x128xf32>, vector<2000x128xf32> -> vector<2000x128xf32>
    %get3A_29 = arith.constant 0 : index
    %get3A_30 = arith.constant 0 : index
    %get3A_31 = vector.load %arg7[%get3A_29, %get3A_30] : memref<1x128xf32, #tpu.memory_space<vmem>>, vector<1x128xf32>
    %add3A_32 = vector.broadcast %get3A_31 : vector<1x128xf32> to vector<2000x128xf32>
    %add3A_33 = arith.addf %dot_general3A_28, %add3A_32 : vector<2000x128xf32>
    %max3A_34 = arith.constant 0.000000e+00 : f32
    %max3A_35 = vector.broadcast %max3A_34 : f32 to vector<2000x128xf32>
    %max3A_36 = arith.maximumf %add3A_33, %max3A_35 : vector<2000x128xf32>
    %swap3A_37 = arith.constant 0 : index
    %swap3A_38 = arith.constant 0 : index
    %swap3A_39 = vector.load %arg9[%swap3A_37, %swap3A_38] : memref<2000x128xf32, #tpu.memory_space<vmem>>, vector<2000x128xf32>
    tpu.vector_store %arg9[%swap3A_37, %swap3A_38], %max3A_36 {strides = array<i32>} : memref<2000x128xf32, #tpu.memory_space<vmem>>, vector<2000x128xf32>,
    return
  }
  func.func @transform_0(%arg0: i32) -> (i32, i32) {
    %c0_i32 = arith.constant 0 : i32
    %c0_i32_0 = arith.constant 0 : i32
    return %arg0, %c0_i32 : i32, i32
  }
  func.func @transform_1(%arg0: i32) -> (i32, i32) {
    %c0_i32 = arith.constant 0 : i32
    %c0_i32_0 = arith.constant 0 : i32
    %c0_i32_1 = arith.constant 0 : i32
    return %c0_i32, %c0_i32_0 : i32, i32
  }
  func.func @transform_2(%arg0: i32) -> (i32, i32) {
    %c0_i32 = arith.constant 0 : i32
    %c0_i32_0 = arith.constant 0 : i32
    %c0_i32_1 = arith.constant 0 : i32
    return %c0_i32, %c0_i32_0 : i32, i32
  }
  func.func @transform_3(%arg0: i32) -> (i32, i32) {
    %c0_i32 = arith.constant 0 : i32
    %c0_i32_0 = arith.constant 0 : i32
    %c0_i32_1 = arith.constant 0 : i32
    return %c0_i32, %c0_i32_0 : i32, i32
  }
  func.func @transform_4(%arg0: i32) -> (i32, i32) {
    %c0_i32 = arith.constant 0 : i32
    %c0_i32_0 = arith.constant 0 : i32
    %c0_i32_1 = arith.constant 0 : i32
    return %c0_i32, %c0_i32_0 : i32, i32
  }
  func.func @transform_5(%arg0: i32) -> (i32, i32) {
    %c0_i32 = arith.constant 0 : i32
    %c0_i32_0 = arith.constant 0 : i32
    %c0_i32_1 = arith.constant 0 : i32
    return %c0_i32, %c0_i32_0 : i32, i32
  }
  func.func @transform_6(%arg0: i32) -> (i32, i32) {
    %c0_i32 = arith.constant 0 : i32
    %c0_i32_0 = arith.constant 0 : i32
    %c0_i32_1 = arith.constant 0 : i32
    return %c0_i32, %c0_i32_0 : i32, i32
  }
  func.func @transform_7(%arg0: i32) -> (i32, i32) {
    %c0_i32 = arith.constant 0 : i32
    %c0_i32_0 = arith.constant 0 : i32
    return %arg0, %c0_i32 : i32, i32
  }
  func.func @transform_8(%arg0: i32) -> (i32, i32) {
    %c0_i32 = arith.constant 0 : i32
    %c0_i32_0 = arith.constant 0 : i32
    return %arg0, %c0_i32 : i32, i32
  }
}

module attributes {stable_mosaic.version = 14 : i64} {
  func.func @body(%arg0: i32, %arg1: memref<2000x128xf32, #tpu.memory_space<vmem>>, %arg2: memref<2000x128xf32, #tpu.memory_space<vmem>>, %arg3: memref<2000x128xf32, #tpu.memory_space<vmem>>, %arg4: memref<128x512xf32, #tpu.memory_space<vmem>>, %arg5: memref<128x512xf32, #tpu.memory_space<vmem>>, %arg6: memref<1x512xf32, #tpu.memory_space<vmem>>, %arg7: memref<512x128xf32, #tpu.memory_space<vmem>>, %arg8: memref<1x128xf32, #tpu.memory_space<vmem>>, %arg9: memref<1x128xf32, #tpu.memory_space<vmem>>, %arg10: memref<1x128xf32, #tpu.memory_space<vmem>>, %arg11: memref<128x128xf32, #tpu.memory_space<vmem>>, %arg12: memref<1x128xf32, #tpu.memory_space<vmem>>, %arg13: memref<2000x128xf32, #tpu.memory_space<vmem>>, %arg14: memref<2000x128xf32, #tpu.memory_space<vmem>>) attributes {dimension_semantics = [#tpu.dimension_semantics<arbitrary>], iteration_bounds = array<i64: 5>, scalar_prefetch = 0 : i64, scratch_operands = 0 : i64, tpu.core_type = #tpu.core_type<tc>, window_params = [{transform_indices = @transform_0, window_bounds = array<i64: 2000, 128>}, {transform_indices = @transform_1, window_bounds = array<i64: 2000, 128>}, {transform_indices = @transform_2, window_bounds = array<i64: 2000, 128>}, {pipeline_mode = #tpu.pipeline_mode<synchronous>, transform_indices = @transform_3, window_bounds = array<i64: 128, 512>}, {pipeline_mode = #tpu.pipeline_mode<synchronous>, transform_indices = @transform_4, window_bounds = array<i64: 128, 512>}, {pipeline_mode = #tpu.pipeline_mode<synchronous>, transform_indices = @transform_5, window_bounds = array<i64: 1, 512>}, {pipeline_mode = #tpu.pipeline_mode<synchronous>, transform_indices = @transform_6, window_bounds = array<i64: 512, 128>}, {pipeline_mode = #tpu.pipeline_mode<synchronous>, transform_indices = @transform_7, window_bounds = array<i64: 1, 128>}, {pipeline_mode = #tpu.pipeline_mode<synchronous>, transform_indices = @transform_8, window_bounds = array<i64: 1, 128>}, {pipeline_mode = #tpu.pipeline_mode<synchronous>, transform_indices = @transform_9, window_bounds = array<i64: 1, 128>}, {pipeline_mode = #tpu.pipeline_mode<synchronous>, transform_indices = @transform_10, window_bounds = array<i64: 128, 128>}, {pipeline_mode = #tpu.pipeline_mode<synchronous>, transform_indices = @transform_11, window_bounds = array<i64: 1, 128>}, {transform_indices = @transform_12, window_bounds = array<i64: 2000, 128>}, {transform_indices = @transform_13, window_bounds = array<i64: 2000, 128>}]} {
    %get3A = arith.constant 0 : index
    %get3A_0 = arith.constant 0 : index
    %get3A_1 = vector.load %arg1[%get3A, %get3A_0] : memref<2000x128xf32, #tpu.memory_space<vmem>>, vector<2000x128xf32>
    %get3A_2 = arith.constant 0 : index
    %get3A_3 = arith.constant 0 : index
    %get3A_4 = vector.load %arg2[%get3A_2, %get3A_3] : memref<2000x128xf32, #tpu.memory_space<vmem>>, vector<2000x128xf32>
    %get3A_5 = arith.constant 0 : index
    %get3A_6 = arith.constant 0 : index
    %get3A_7 = vector.load %arg3[%get3A_5, %get3A_6] : memref<2000x128xf32, #tpu.memory_space<vmem>>, vector<2000x128xf32>
    %add3A = arith.addf %get3A_4, %get3A_7 : vector<2000x128xf32>
    %get3A_8 = arith.constant 0 : index
    %get3A_9 = arith.constant 0 : index
    %get3A_10 = vector.load %arg4[%get3A_8, %get3A_9] : memref<128x512xf32, #tpu.memory_space<vmem>>, vector<128x512xf32>
    %dot_general3A = arith.constant dense<0.000000e+00> : vector<2000x512xf32>
    %dot_general3A_11 = tpu.matmul %get3A_1, %get3A_10, %dot_general3A {dimension_numbers = #tpu.dot_dimension_numbers<[1], [0], [0], [1], [0, 0, 1, 1], [], []>, transpose_lhs_hint = false} : vector<2000x128xf32>, vector<128x512xf32>, vector<2000x512xf32> -> vector<2000x512xf32>
    %get3A_12 = arith.constant 0 : index
    %get3A_13 = arith.constant 0 : index
    %get3A_14 = vector.load %arg5[%get3A_12, %get3A_13] : memref<128x512xf32, #tpu.memory_space<vmem>>, vector<128x512xf32>
    %dot_general3A_15 = arith.constant dense<0.000000e+00> : vector<2000x512xf32>
    %dot_general3A_16 = tpu.matmul %add3A, %get3A_14, %dot_general3A_15 {dimension_numbers = #tpu.dot_dimension_numbers<[1], [0], [0], [1], [0, 0, 1, 1], [], []>, transpose_lhs_hint = false} : vector<2000x128xf32>, vector<128x512xf32>, vector<2000x512xf32> -> vector<2000x512xf32>
    %add3A_17 = arith.addf %dot_general3A_11, %dot_general3A_16 : vector<2000x512xf32>
    %get3A_18 = arith.constant 0 : index
    %get3A_19 = arith.constant 0 : index
    %get3A_20 = vector.load %arg6[%get3A_18, %get3A_19] : memref<1x512xf32, #tpu.memory_space<vmem>>, vector<1x512xf32>
    %add3A_21 = vector.broadcast %get3A_20 : vector<1x512xf32> to vector<2000x512xf32>
    %add3A_22 = arith.addf %add3A_17, %add3A_21 : vector<2000x512xf32>
    %max3A = arith.constant 0.000000e+00 : f32
    %max3A_23 = vector.broadcast %max3A : f32 to vector<2000x512xf32>
    %max3A_24 = arith.maximumf %add3A_22, %max3A_23 : vector<2000x512xf32>
    %get3A_25 = arith.constant 0 : index
    %get3A_26 = arith.constant 0 : index
    %get3A_27 = vector.load %arg7[%get3A_25, %get3A_26] : memref<512x128xf32, #tpu.memory_space<vmem>>, vector<512x128xf32>
    %dot_general3A_28 = arith.constant dense<0.000000e+00> : vector<2000x128xf32>
    %dot_general3A_29 = tpu.matmul %max3A_24, %get3A_27, %dot_general3A_28 {dimension_numbers = #tpu.dot_dimension_numbers<[1], [0], [0], [1], [0, 0, 1, 1], [], []>, transpose_lhs_hint = false} : vector<2000x512xf32>, vector<512x128xf32>, vector<2000x128xf32> -> vector<2000x128xf32>
    %add3A_30 = arith.addf %get3A_1, %dot_general3A_29 : vector<2000x128xf32>
    %get3A_31 = arith.constant 0 : index
    %get3A_32 = arith.constant 0 : index
    %get3A_33 = vector.load %arg8[%get3A_31, %get3A_32] : memref<1x128xf32, #tpu.memory_space<vmem>>, vector<1x128xf32>
    %add3A_34 = vector.broadcast %get3A_33 : vector<1x128xf32> to vector<2000x128xf32>
    %add3A_35 = arith.addf %add3A_30, %add3A_34 : vector<2000x128xf32>
    %reduce_sum3A = arith.constant dense<0.000000e+00> : vector<2000xf32>
    %reduce_sum3A_36 = vector.multi_reduction <add>, %add3A_35, %reduce_sum3A [1] : vector<2000x128xf32> to vector<2000xf32>
    %broadcast_in_dim3A = vector.shape_cast %reduce_sum3A_36 : vector<2000xf32> to vector<2000x1xf32>
    %div3A = arith.constant 1.280000e+02 : f32
    %div3A_37 = vector.broadcast %div3A : f32 to vector<2000x1xf32>
    %div3A_38 = arith.divf %broadcast_in_dim3A, %div3A_37 : vector<2000x1xf32>
    %sub3A = vector.broadcast %div3A_38 : vector<2000x1xf32> to vector<2000x128xf32>
    %sub3A_39 = arith.subf %add3A_35, %sub3A : vector<2000x128xf32>
    %mul3A = arith.mulf %sub3A_39, %sub3A_39 : vector<2000x128xf32>
    %reduce_sum3A_40 = arith.constant dense<0.000000e+00> : vector<2000xf32>
    %reduce_sum3A_41 = vector.multi_reduction <add>, %mul3A, %reduce_sum3A_40 [1] : vector<2000x128xf32> to vector<2000xf32>
    %broadcast_in_dim3A_42 = vector.shape_cast %reduce_sum3A_41 : vector<2000xf32> to vector<2000x1xf32>
    %div3A_43 = arith.constant 1.280000e+02 : f32
    %div3A_44 = vector.broadcast %div3A_43 : f32 to vector<2000x1xf32>
    %div3A_45 = arith.divf %broadcast_in_dim3A_42, %div3A_44 : vector<2000x1xf32>
    %add3A_46 = arith.constant 9.99999974E-6 : f32
    %add3A_47 = vector.broadcast %add3A_46 : f32 to vector<2000x1xf32>
    %add3A_48 = arith.addf %div3A_45, %add3A_47 : vector<2000x1xf32>
    %rsqrt3A = math.rsqrt %add3A_48 : vector<2000x1xf32>
    %mul3A_49 = vector.broadcast %rsqrt3A : vector<2000x1xf32> to vector<2000x128xf32>
    %mul3A_50 = arith.mulf %sub3A_39, %mul3A_49 : vector<2000x128xf32>
    %get3A_51 = arith.constant 0 : index
    %get3A_52 = arith.constant 0 : index
    %get3A_53 = vector.load %arg9[%get3A_51, %get3A_52] : memref<1x128xf32, #tpu.memory_space<vmem>>, vector<1x128xf32>
    %mul3A_54 = vector.broadcast %get3A_53 : vector<1x128xf32> to vector<2000x128xf32>
    %mul3A_55 = arith.mulf %mul3A_50, %mul3A_54 : vector<2000x128xf32>
    %get3A_56 = arith.constant 0 : index
    %get3A_57 = arith.constant 0 : index
    %get3A_58 = vector.load %arg10[%get3A_56, %get3A_57] : memref<1x128xf32, #tpu.memory_space<vmem>>, vector<1x128xf32>
    %add3A_59 = vector.broadcast %get3A_58 : vector<1x128xf32> to vector<2000x128xf32>
    %add3A_60 = arith.addf %mul3A_55, %add3A_59 : vector<2000x128xf32>
    %swap3A = arith.constant 0 : index
    %swap3A_61 = arith.constant 0 : index
    %swap3A_62 = vector.load %arg13[%swap3A, %swap3A_61] : memref<2000x128xf32, #tpu.memory_space<vmem>>, vector<2000x128xf32>
    tpu.vector_store %arg13[%swap3A, %swap3A_61], %add3A_60 {strides = array<i32>} : memref<2000x128xf32, #tpu.memory_space<vmem>>, vector<2000x128xf32>,
    %get3A_63 = arith.constant 0 : index
    %get3A_64 = arith.constant 0 : index
    %get3A_65 = vector.load %arg11[%get3A_63, %get3A_64] : memref<128x128xf32, #tpu.memory_space<vmem>>, vector<128x128xf32>
    %dot_general3A_66 = arith.constant dense<0.000000e+00> : vector<2000x128xf32>
    %dot_general3A_67 = tpu.matmul %add3A_60, %get3A_65, %dot_general3A_66 {dimension_numbers = #tpu.dot_dimension_numbers<[1], [0], [0], [1], [0, 0, 1, 1], [], []>, transpose_lhs_hint = false} : vector<2000x128xf32>, vector<128x128xf32>, vector<2000x128xf32> -> vector<2000x128xf32>
    %get3A_68 = arith.constant 0 : index
    %get3A_69 = arith.constant 0 : index
    %get3A_70 = vector.load %arg12[%get3A_68, %get3A_69] : memref<1x128xf32, #tpu.memory_space<vmem>>, vector<1x128xf32>
    %add3A_71 = vector.broadcast %get3A_70 : vector<1x128xf32> to vector<2000x128xf32>
    %add3A_72 = arith.addf %dot_general3A_67, %add3A_71 : vector<2000x128xf32>
    %max3A_73 = arith.constant 0.000000e+00 : f32
    %max3A_74 = vector.broadcast %max3A_73 : f32 to vector<2000x128xf32>
    %max3A_75 = arith.maximumf %add3A_72, %max3A_74 : vector<2000x128xf32>
    %swap3A_76 = arith.constant 0 : index
    %swap3A_77 = arith.constant 0 : index
    %swap3A_78 = vector.load %arg14[%swap3A_76, %swap3A_77] : memref<2000x128xf32, #tpu.memory_space<vmem>>, vector<2000x128xf32>
    tpu.vector_store %arg14[%swap3A_76, %swap3A_77], %max3A_75 {strides = array<i32>} : memref<2000x128xf32, #tpu.memory_space<vmem>>, vector<2000x128xf32>,
    return
  }
  func.func @transform_0(%arg0: i32) -> (i32, i32) {
    %c0_i32 = arith.constant 0 : i32
    %c0_i32_0 = arith.constant 0 : i32
    return %arg0, %c0_i32 : i32, i32
  }
  func.func @transform_1(%arg0: i32) -> (i32, i32) {
    %c0_i32 = arith.constant 0 : i32
    %c0_i32_0 = arith.constant 0 : i32
    return %arg0, %c0_i32 : i32, i32
  }
  func.func @transform_2(%arg0: i32) -> (i32, i32) {
    %c0_i32 = arith.constant 0 : i32
    %c0_i32_0 = arith.constant 0 : i32
    return %arg0, %c0_i32 : i32, i32
  }
  func.func @transform_3(%arg0: i32) -> (i32, i32) {
    %c0_i32 = arith.constant 0 : i32
    %c0_i32_0 = arith.constant 0 : i32
    %c0_i32_1 = arith.constant 0 : i32
    return %c0_i32, %c0_i32_0 : i32, i32
  }
  func.func @transform_4(%arg0: i32) -> (i32, i32) {
    %c0_i32 = arith.constant 0 : i32
    %c0_i32_0 = arith.constant 0 : i32
    %c0_i32_1 = arith.constant 0 : i32
    return %c0_i32, %c0_i32_0 : i32, i32
  }
  func.func @transform_5(%arg0: i32) -> (i32, i32) {
    %c0_i32 = arith.constant 0 : i32
    %c0_i32_0 = arith.constant 0 : i32
    %c0_i32_1 = arith.constant 0 : i32
    return %c0_i32, %c0_i32_0 : i32, i32
  }
  func.func @transform_6(%arg0: i32) -> (i32, i32) {
    %c0_i32 = arith.constant 0 : i32
    %c0_i32_0 = arith.constant 0 : i32
    %c0_i32_1 = arith.constant 0 : i32
    return %c0_i32, %c0_i32_0 : i32, i32
  }
  func.func @transform_7(%arg0: i32) -> (i32, i32) {
    %c0_i32 = arith.constant 0 : i32
    %c0_i32_0 = arith.constant 0 : i32
    %c0_i32_1 = arith.constant 0 : i32
    return %c0_i32, %c0_i32_0 : i32, i32
  }
  func.func @transform_8(%arg0: i32) -> (i32, i32) {
    %c0_i32 = arith.constant 0 : i32
    %c0_i32_0 = arith.constant 0 : i32
    %c0_i32_1 = arith.constant 0 : i32
    return %c0_i32, %c0_i32_0 : i32, i32
  }
  func.func @transform_9(%arg0: i32) -> (i32, i32) {
    %c0_i32 = arith.constant 0 : i32
    %c0_i32_0 = arith.constant 0 : i32
    %c0_i32_1 = arith.constant 0 : i32
    return %c0_i32, %c0_i32_0 : i32, i32
  }
  func.func @transform_10(%arg0: i32) -> (i32, i32) {
    %c0_i32 = arith.constant 0 : i32
    %c0_i32_0 = arith.constant 0 : i32
    %c0_i32_1 = arith.constant 0 : i32
    return %c0_i32, %c0_i32_0 : i32, i32
  }
  func.func @transform_11(%arg0: i32) -> (i32, i32) {
    %c0_i32 = arith.constant 0 : i32
    %c0_i32_0 = arith.constant 0 : i32
    %c0_i32_1 = arith.constant 0 : i32
    return %c0_i32, %c0_i32_0 : i32, i32
  }
  func.func @transform_12(%arg0: i32) -> (i32, i32) {
    %c0_i32 = arith.constant 0 : i32
    %c0_i32_0 = arith.constant 0 : i32
    return %arg0, %c0_i32 : i32, i32
  }
  func.func @transform_13(%arg0: i32) -> (i32, i32) {
    %c0_i32 = arith.constant 0 : i32
    %c0_i32_0 = arith.constant 0 : i32
    return %arg0, %c0_i32 : i32, i32
  }
}

module attributes {stable_mosaic.version = 14 : i64} {
  func.func @body(%arg0: i32, %arg1: memref<2000x128xf32, #tpu.memory_space<vmem>>, %arg2: memref<2000x128xf32, #tpu.memory_space<vmem>>, %arg3: memref<2000x128xf32, #tpu.memory_space<vmem>>, %arg4: memref<128x512xf32, #tpu.memory_space<vmem>>, %arg5: memref<128x512xf32, #tpu.memory_space<vmem>>, %arg6: memref<1x512xf32, #tpu.memory_space<vmem>>, %arg7: memref<512x128xf32, #tpu.memory_space<vmem>>, %arg8: memref<1x128xf32, #tpu.memory_space<vmem>>, %arg9: memref<1x128xf32, #tpu.memory_space<vmem>>, %arg10: memref<1x128xf32, #tpu.memory_space<vmem>>, %arg11: memref<128x10xf32, #tpu.memory_space<vmem>>, %arg12: memref<1x10xf32, #tpu.memory_space<vmem>>, %arg13: memref<2000x128xf32, #tpu.memory_space<vmem>>, %arg14: memref<2000x10xf32, #tpu.memory_space<vmem>>) attributes {dimension_semantics = [#tpu.dimension_semantics<arbitrary>], iteration_bounds = array<i64: 5>, scalar_prefetch = 0 : i64, scratch_operands = 0 : i64, tpu.core_type = #tpu.core_type<tc>, window_params = [{transform_indices = @transform_0, window_bounds = array<i64: 2000, 128>}, {transform_indices = @transform_1, window_bounds = array<i64: 2000, 128>}, {transform_indices = @transform_2, window_bounds = array<i64: 2000, 128>}, {pipeline_mode = #tpu.pipeline_mode<synchronous>, transform_indices = @transform_3, window_bounds = array<i64: 128, 512>}, {pipeline_mode = #tpu.pipeline_mode<synchronous>, transform_indices = @transform_4, window_bounds = array<i64: 128, 512>}, {pipeline_mode = #tpu.pipeline_mode<synchronous>, transform_indices = @transform_5, window_bounds = array<i64: 1, 512>}, {pipeline_mode = #tpu.pipeline_mode<synchronous>, transform_indices = @transform_6, window_bounds = array<i64: 512, 128>}, {pipeline_mode = #tpu.pipeline_mode<synchronous>, transform_indices = @transform_7, window_bounds = array<i64: 1, 128>}, {pipeline_mode = #tpu.pipeline_mode<synchronous>, transform_indices = @transform_8, window_bounds = array<i64: 1, 128>}, {pipeline_mode = #tpu.pipeline_mode<synchronous>, transform_indices = @transform_9, window_bounds = array<i64: 1, 128>}, {pipeline_mode = #tpu.pipeline_mode<synchronous>, transform_indices = @transform_10, window_bounds = array<i64: 128, 10>}, {pipeline_mode = #tpu.pipeline_mode<synchronous>, transform_indices = @transform_11, window_bounds = array<i64: 1, 10>}, {transform_indices = @transform_12, window_bounds = array<i64: 2000, 128>}, {transform_indices = @transform_13, window_bounds = array<i64: 2000, 10>}]} {
    %get3A = arith.constant 0 : index
    %get3A_0 = arith.constant 0 : index
    %get3A_1 = vector.load %arg1[%get3A, %get3A_0] : memref<2000x128xf32, #tpu.memory_space<vmem>>, vector<2000x128xf32>
    %get3A_2 = arith.constant 0 : index
    %get3A_3 = arith.constant 0 : index
    %get3A_4 = vector.load %arg2[%get3A_2, %get3A_3] : memref<2000x128xf32, #tpu.memory_space<vmem>>, vector<2000x128xf32>
    %get3A_5 = arith.constant 0 : index
    %get3A_6 = arith.constant 0 : index
    %get3A_7 = vector.load %arg3[%get3A_5, %get3A_6] : memref<2000x128xf32, #tpu.memory_space<vmem>>, vector<2000x128xf32>
    %add3A = arith.addf %get3A_4, %get3A_7 : vector<2000x128xf32>
    %get3A_8 = arith.constant 0 : index
    %get3A_9 = arith.constant 0 : index
    %get3A_10 = vector.load %arg4[%get3A_8, %get3A_9] : memref<128x512xf32, #tpu.memory_space<vmem>>, vector<128x512xf32>
    %dot_general3A = arith.constant dense<0.000000e+00> : vector<2000x512xf32>
    %dot_general3A_11 = tpu.matmul %get3A_1, %get3A_10, %dot_general3A {dimension_numbers = #tpu.dot_dimension_numbers<[1], [0], [0], [1], [0, 0, 1, 1], [], []>, transpose_lhs_hint = false} : vector<2000x128xf32>, vector<128x512xf32>, vector<2000x512xf32> -> vector<2000x512xf32>
    %get3A_12 = arith.constant 0 : index
    %get3A_13 = arith.constant 0 : index
    %get3A_14 = vector.load %arg5[%get3A_12, %get3A_13] : memref<128x512xf32, #tpu.memory_space<vmem>>, vector<128x512xf32>
    %dot_general3A_15 = arith.constant dense<0.000000e+00> : vector<2000x512xf32>
    %dot_general3A_16 = tpu.matmul %add3A, %get3A_14, %dot_general3A_15 {dimension_numbers = #tpu.dot_dimension_numbers<[1], [0], [0], [1], [0, 0, 1, 1], [], []>, transpose_lhs_hint = false} : vector<2000x128xf32>, vector<128x512xf32>, vector<2000x512xf32> -> vector<2000x512xf32>
    %add3A_17 = arith.addf %dot_general3A_11, %dot_general3A_16 : vector<2000x512xf32>
    %get3A_18 = arith.constant 0 : index
    %get3A_19 = arith.constant 0 : index
    %get3A_20 = vector.load %arg6[%get3A_18, %get3A_19] : memref<1x512xf32, #tpu.memory_space<vmem>>, vector<1x512xf32>
    %add3A_21 = vector.broadcast %get3A_20 : vector<1x512xf32> to vector<2000x512xf32>
    %add3A_22 = arith.addf %add3A_17, %add3A_21 : vector<2000x512xf32>
    %max3A = arith.constant 0.000000e+00 : f32
    %max3A_23 = vector.broadcast %max3A : f32 to vector<2000x512xf32>
    %max3A_24 = arith.maximumf %add3A_22, %max3A_23 : vector<2000x512xf32>
    %get3A_25 = arith.constant 0 : index
    %get3A_26 = arith.constant 0 : index
    %get3A_27 = vector.load %arg7[%get3A_25, %get3A_26] : memref<512x128xf32, #tpu.memory_space<vmem>>, vector<512x128xf32>
    %dot_general3A_28 = arith.constant dense<0.000000e+00> : vector<2000x128xf32>
    %dot_general3A_29 = tpu.matmul %max3A_24, %get3A_27, %dot_general3A_28 {dimension_numbers = #tpu.dot_dimension_numbers<[1], [0], [0], [1], [0, 0, 1, 1], [], []>, transpose_lhs_hint = false} : vector<2000x512xf32>, vector<512x128xf32>, vector<2000x128xf32> -> vector<2000x128xf32>
    %add3A_30 = arith.addf %get3A_1, %dot_general3A_29 : vector<2000x128xf32>
    %get3A_31 = arith.constant 0 : index
    %get3A_32 = arith.constant 0 : index
    %get3A_33 = vector.load %arg8[%get3A_31, %get3A_32] : memref<1x128xf32, #tpu.memory_space<vmem>>, vector<1x128xf32>
    %add3A_34 = vector.broadcast %get3A_33 : vector<1x128xf32> to vector<2000x128xf32>
    %add3A_35 = arith.addf %add3A_30, %add3A_34 : vector<2000x128xf32>
    %reduce_sum3A = arith.constant dense<0.000000e+00> : vector<2000xf32>
    %reduce_sum3A_36 = vector.multi_reduction <add>, %add3A_35, %reduce_sum3A [1] : vector<2000x128xf32> to vector<2000xf32>
    %broadcast_in_dim3A = vector.shape_cast %reduce_sum3A_36 : vector<2000xf32> to vector<2000x1xf32>
    %div3A = arith.constant 1.280000e+02 : f32
    %div3A_37 = vector.broadcast %div3A : f32 to vector<2000x1xf32>
    %div3A_38 = arith.divf %broadcast_in_dim3A, %div3A_37 : vector<2000x1xf32>
    %sub3A = vector.broadcast %div3A_38 : vector<2000x1xf32> to vector<2000x128xf32>
    %sub3A_39 = arith.subf %add3A_35, %sub3A : vector<2000x128xf32>
    %mul3A = arith.mulf %sub3A_39, %sub3A_39 : vector<2000x128xf32>
    %reduce_sum3A_40 = arith.constant dense<0.000000e+00> : vector<2000xf32>
    %reduce_sum3A_41 = vector.multi_reduction <add>, %mul3A, %reduce_sum3A_40 [1] : vector<2000x128xf32> to vector<2000xf32>
    %broadcast_in_dim3A_42 = vector.shape_cast %reduce_sum3A_41 : vector<2000xf32> to vector<2000x1xf32>
    %div3A_43 = arith.constant 1.280000e+02 : f32
    %div3A_44 = vector.broadcast %div3A_43 : f32 to vector<2000x1xf32>
    %div3A_45 = arith.divf %broadcast_in_dim3A_42, %div3A_44 : vector<2000x1xf32>
    %add3A_46 = arith.constant 9.99999974E-6 : f32
    %add3A_47 = vector.broadcast %add3A_46 : f32 to vector<2000x1xf32>
    %add3A_48 = arith.addf %div3A_45, %add3A_47 : vector<2000x1xf32>
    %rsqrt3A = math.rsqrt %add3A_48 : vector<2000x1xf32>
    %mul3A_49 = vector.broadcast %rsqrt3A : vector<2000x1xf32> to vector<2000x128xf32>
    %mul3A_50 = arith.mulf %sub3A_39, %mul3A_49 : vector<2000x128xf32>
    %get3A_51 = arith.constant 0 : index
    %get3A_52 = arith.constant 0 : index
    %get3A_53 = vector.load %arg9[%get3A_51, %get3A_52] : memref<1x128xf32, #tpu.memory_space<vmem>>, vector<1x128xf32>
    %mul3A_54 = vector.broadcast %get3A_53 : vector<1x128xf32> to vector<2000x128xf32>
    %mul3A_55 = arith.mulf %mul3A_50, %mul3A_54 : vector<2000x128xf32>
    %get3A_56 = arith.constant 0 : index
    %get3A_57 = arith.constant 0 : index
    %get3A_58 = vector.load %arg10[%get3A_56, %get3A_57] : memref<1x128xf32, #tpu.memory_space<vmem>>, vector<1x128xf32>
    %add3A_59 = vector.broadcast %get3A_58 : vector<1x128xf32> to vector<2000x128xf32>
    %add3A_60 = arith.addf %mul3A_55, %add3A_59 : vector<2000x128xf32>
    %swap3A = arith.constant 0 : index
    %swap3A_61 = arith.constant 0 : index
    %swap3A_62 = vector.load %arg13[%swap3A, %swap3A_61] : memref<2000x128xf32, #tpu.memory_space<vmem>>, vector<2000x128xf32>
    tpu.vector_store %arg13[%swap3A, %swap3A_61], %add3A_60 {strides = array<i32>} : memref<2000x128xf32, #tpu.memory_space<vmem>>, vector<2000x128xf32>,
    %get3A_63 = arith.constant 0 : index
    %get3A_64 = arith.constant 0 : index
    %get3A_65 = vector.load %arg11[%get3A_63, %get3A_64] : memref<128x10xf32, #tpu.memory_space<vmem>>, vector<128x10xf32>
    %dot_general3A_66 = arith.constant dense<0.000000e+00> : vector<2000x10xf32>
    %dot_general3A_67 = tpu.matmul %add3A_60, %get3A_65, %dot_general3A_66 {dimension_numbers = #tpu.dot_dimension_numbers<[1], [0], [0], [1], [0, 0, 1, 1], [], []>, transpose_lhs_hint = false} : vector<2000x128xf32>, vector<128x10xf32>, vector<2000x10xf32> -> vector<2000x10xf32>
    %get3A_68 = arith.constant 0 : index
    %get3A_69 = arith.constant 0 : index
    %get3A_70 = vector.load %arg12[%get3A_68, %get3A_69] : memref<1x10xf32, #tpu.memory_space<vmem>>, vector<1x10xf32>
    %add3A_71 = vector.broadcast %get3A_70 : vector<1x10xf32> to vector<2000x10xf32>
    %add3A_72 = arith.addf %dot_general3A_67, %add3A_71 : vector<2000x10xf32>
    %swap3A_73 = arith.constant 0 : index
    %swap3A_74 = arith.constant 0 : index
    %swap3A_75 = vector.load %arg14[%swap3A_73, %swap3A_74] : memref<2000x10xf32, #tpu.memory_space<vmem>>, vector<2000x10xf32>
    tpu.vector_store %arg14[%swap3A_73, %swap3A_74], %add3A_72 {strides = array<i32>} : memref<2000x10xf32, #tpu.memory_space<vmem>>, vector<2000x10xf32>,
    return
  }
  func.func @transform_0(%arg0: i32) -> (i32, i32) {
    %c0_i32 = arith.constant 0 : i32
    %c0_i32_0 = arith.constant 0 : i32
    return %arg0, %c0_i32 : i32, i32
  }
  func.func @transform_1(%arg0: i32) -> (i32, i32) {
    %c0_i32 = arith.constant 0 : i32
    %c0_i32_0 = arith.constant 0 : i32
    return %arg0, %c0_i32 : i32, i32
  }
  func.func @transform_2(%arg0: i32) -> (i32, i32) {
    %c0_i32 = arith.constant 0 : i32
    %c0_i32_0 = arith.constant 0 : i32
    return %arg0, %c0_i32 : i32, i32
  }
  func.func @transform_3(%arg0: i32) -> (i32, i32) {
    %c0_i32 = arith.constant 0 : i32
    %c0_i32_0 = arith.constant 0 : i32
    %c0_i32_1 = arith.constant 0 : i32
    return %c0_i32, %c0_i32_0 : i32, i32
  }
  func.func @transform_4(%arg0: i32) -> (i32, i32) {
    %c0_i32 = arith.constant 0 : i32
    %c0_i32_0 = arith.constant 0 : i32
    %c0_i32_1 = arith.constant 0 : i32
    return %c0_i32, %c0_i32_0 : i32, i32
  }
  func.func @transform_5(%arg0: i32) -> (i32, i32) {
    %c0_i32 = arith.constant 0 : i32
    %c0_i32_0 = arith.constant 0 : i32
    %c0_i32_1 = arith.constant 0 : i32
    return %c0_i32, %c0_i32_0 : i32, i32
  }
  func.func @transform_6(%arg0: i32) -> (i32, i32) {
    %c0_i32 = arith.constant 0 : i32
    %c0_i32_0 = arith.constant 0 : i32
    %c0_i32_1 = arith.constant 0 : i32
    return %c0_i32, %c0_i32_0 : i32, i32
  }
  func.func @transform_7(%arg0: i32) -> (i32, i32) {
    %c0_i32 = arith.constant 0 : i32
    %c0_i32_0 = arith.constant 0 : i32
    %c0_i32_1 = arith.constant 0 : i32
    return %c0_i32, %c0_i32_0 : i32, i32
  }
  func.func @transform_8(%arg0: i32) -> (i32, i32) {
    %c0_i32 = arith.constant 0 : i32
    %c0_i32_0 = arith.constant 0 : i32
    %c0_i32_1 = arith.constant 0 : i32
    return %c0_i32, %c0_i32_0 : i32, i32
  }
  func.func @transform_9(%arg0: i32) -> (i32, i32) {
    %c0_i32 = arith.constant 0 : i32
    %c0_i32_0 = arith.constant 0 : i32
    %c0_i32_1 = arith.constant 0 : i32
    return %c0_i32, %c0_i32_0 : i32, i32
  }
  func.func @transform_10(%arg0: i32) -> (i32, i32) {
    %c0_i32 = arith.constant 0 : i32
    %c0_i32_0 = arith.constant 0 : i32
    %c0_i32_1 = arith.constant 0 : i32
    return %c0_i32, %c0_i32_0 : i32, i32
  }
  func.func @transform_11(%arg0: i32) -> (i32, i32) {
    %c0_i32 = arith.constant 0 : i32
    %c0_i32_0 = arith.constant 0 : i32
    %c0_i32_1 = arith.constant 0 : i32
    return %c0_i32, %c0_i32_0 : i32, i32
  }
  func.func @transform_12(%arg0: i32) -> (i32, i32) {
    %c0_i32 = arith.constant 0 : i32
    %c0_i32_0 = arith.constant 0 : i32
    return %arg0, %c0_i32 : i32, i32
  }
  func.func @transform_13(%arg0: i32) -> (i32, i32) {
    %c0_i32 = arith.constant 0 : i32
    %c0_i32_0 = arith.constant 0 : i32
    return %arg0, %c0_i32 : i32, i32
  }
}

</mosaic_0001>

<sc_bundles>
// kernel: kernel.11.cloned.1.call-start
scs
__scs_entry_jumppad:
0x0: {  	(pc) =	sbr.rel $0x88, $3  }
0x1: {  	(tag) =	ssettag $0x0;
	lr =	simm.s32 $0x1  }
0x2: {  	[smem:$0x3F91] =	sst lr;
	_ =	strace $0xD0000000  }
0x3: {  	_ = 	snop  }
0x4: {  	_ = 	snop  }
0x5: {  	_ = 	snop  }
0x6: {  	_ = 	snop  }
0x7: {  	_ = 	snop  }
__scs_overlays_trampoline_lowered:
0x8: {  	[smem:$0x3FA0] =	sst s0  }
0x9: {  	[smem:$0x3FA1] =	sst s1  }
0xa: {  	[smem:$0x3FA2] =	sst s2  }
0xb: {  	[smem:$0x3FA3] =	sst s3  }
0xc: {  	[smem:$0x3FA4] =	sst s4  }
0xd: {  	[smem:$0x3FA5] =	sst s5  }
0xe: {  	[smem:$0x3FA6] =	sst s6  }
0xf: {  	[smem:$0x3FA7] =	sst s7  }
0x10: {  	[smem:$0x3FA8] =	sst s8  }
0x11: {  	[smem:$0x3FA9] =	sst s9;
	s0 =	simm.s32 @!p0 $0x0  }
0x12: {  	s1 =	sld [smem:$0x3F8F];
	s0 =	simm.s32 @p0 $0x1  }
0x13: {  	[smem:$0x3FAA] =	sst s0;
	s0 =	simm.s32 @!p1 $0x0  }
0x14: {  	s2 =	sld [smem:$0x3F8E];
	s0 =	simm.s32 @p1 $0x1  }
0x15: {  	[smem:$0x3FAB] =	sst s0;
	s0 =	simm.s32 @!p2 $0x0  }
0x16: {  	s3 =	sld [smem:$0x3FDB];
	s0 =	simm.s32 @p2 $0x1  }
0x17: {  	s4 =	simm.s32 $0x1BF5;
	[smem:$0x3FAD] =	sst s0  }
0x18: {  	s0 =	sld [smem:$0x3F90];
	_ =	swait.ge [sflag:s4], $0x0  }
0x19: {  	s7 =	sld [smem:$0x3F91]  }
0x1a: {  	s8 =	sadd.s32 $0xFFFFE003, lr  }
0x1b: {  	s9 =	sadd.s32 $0xFFFFFEF7, lr;
	s5 =	simm.s32 $0xFFFFFFFF;
	p2 =	slt.u32 s8, $0xFFFFF086  }
0x1c: {  	p1 =	slt.u32 s9, $0xF7A;
	s5 =	simm.s32 @!p2 $0x0  }
0x1d: {  	s5 =	simm.s32 @p1 $0x1;
	p0 =	seq.s32 s7, s2  }
0x1e: {  	s7 =	smul.u32 @!p0 $0xF7A, s2;
	p2 =	seq.s32 @!p0 s5, $0x0  }
0x1f: {  	s9 =	smul.u32 $0xF7A, s1;
	s8 =	simm.s32 @!p0 $0x1BF5;
	p2 =	por !p2, p0  }
0x20: {  	[sflag:s8] =	ssyncset.s32 @!p0 $0xFFFFF086;
	s6 =	sadd.s32 @!p0 s3, s7;
	s7 =	simm.s32 @!p0 $0x108  }
0x21: {  	s3 =	sadd.s32 s3, s9;
	s6 =	sadd.s32 @!p0 $0x88, s6;
	s7 =	simm.s32 @p2 $0x1082  }
0x22: {  	[simem:s7], [sflag:s8] =	dma.local @!p0 [hbm:s6], $0xF7A  }
0x23: {  	s9 =	sor.u32 $0xD0000000, s2;
	s6 =	simm.s32 $0x108;
	_ =	swait.ge @!p0 [sflag:s8], $0x0  }
0x24: {  	s3 =	sadd.s32 $0x88, s3;
	s6 =	simm.s32 @!p1 $0x1082;
	[sflag:s4] =	ssyncset.s32 $0xFFFFF086  }
0x25: {  	[simem:s6], [sflag:s4] =	dma.local [hbm:s3], $0xF7A  }
0x26: {  	[smem:$0x3F91] =	sst s1;
	(tag) =	ssettag s2;
	_ =	strace s9  }
0x27: {  	s1 =	sld [smem:$0x3FA1]  }
0x28: {  	s2 =	sld [smem:$0x3FA2]  }
0x29: {  	s4 =	sld [smem:$0x3FA4]  }
0x2a: {  	p0 =	seq.s32 s5, $0x0;
	s5 =	sld [smem:$0x3FA5]  }
0x2b: {  	s6 =	sld [smem:$0x3FA6]  }
0x2c: {  	s7 =	sld [smem:$0x3FA7]  }
0x2d: {  	s3 =	simm.s32 $0x108;
	s8 =	sld [smem:$0x3FA8]  }
0x2e: {  	s3 =	simm.s32 @!p0 $0x1082;
	s9 =	sld [smem:$0x3FA9]  }
0x2f: {  	lr =	sadd.s32 s0, s3;
	s0 =	sld [smem:$0x3FA0]  }
0x30: {  	s3 =	sld [smem:$0x3FA3]  }
0x31: {  	[smem:$0x3FAC] =	sst s10  }
0x32: {  	s10 =	sld [smem:$0x3FAA];
	_ =	sdelay $0x3  }
0x33: {  	p0 =	seq.s32 s10, $0x1;
	s10 =	sld [smem:$0x3FAC];
	_ =	sdelay $0x3  }
0x34: {  	[smem:$0x3FAC] =	sst s10  }
0x35: {  	s10 =	sld [smem:$0x3FAB];
	_ =	sdelay $0x3  }
0x36: {  	p1 =	seq.s32 s10, $0x1;
	s10 =	sld [smem:$0x3FAC];
	_ =	sdelay $0x3  }
0x37: {  	[smem:$0x3FAC] =	sst s10  }
0x38: {  	s10 =	sld [smem:$0x3FAD]  }
0x39: {  	_ = 	snop;
	(pc) =	sbr.ind lr, $3  }
0x3a: {  	_ = 	snop  }
0x3b: {  	_ = 	snop  }
0x3c: {  	p2 =	seq.s32 s10, $0x1;
	s10 =	sld [smem:$0x3FAC]  }
0x3d: {  	_ =	shalt  }
0x3e: {  	_ =	shalt  }
0x3f: {  	_ =	shalt  }
0x40: {  	_ =	shalt  }
0x41: {  	_ =	shalt  }
0x42: {  	_ =	shalt  }
0x43: {  	_ =	shalt  }
0x44: {  	_ =	shalt  }
0x45: {  	_ =	shalt  }
0x46: {  	_ =	shalt  }
0x47: {  	_ =	shalt  }
0x48: {  	_ =	shalt  }
0x49: {  	_ =	shalt  }
0x4a: {  	_ =	shalt  }
0x4b: {  	_ =	shalt  }
0x4c: {  	_ =	shalt  }
0x4d: {  	_ =	shalt  }
0x4e: {  	_ =	shalt  }
0x4f: {  	_ =	shalt  }
0x50: {  	_ =	shalt  }
0x51: {  	_ =	shalt  }
0x52: {  	_ =	shalt  }
0x53: {  	_ =	shalt  }
0x54: {  	_ =	shalt  }
0x55: {  	_ =	shalt  }
0x56: {  	_ =	shalt  }
0x57: {  	_ =	shalt  }
0x58: {  	_ =	shalt  }
0x59: {  	_ =	shalt  }
0x5a: {  	_ =	shalt  }
0x5b: {  	_ =	shalt  }
0x5c: {  	_ =	shalt  }
0x5d: {  	_ =	shalt  }
0x5e: {  	_ =	shalt  }
0x5f: {  	_ =	shalt  }
0x60: {  	_ =	shalt  }
0x61: {  	_ =	shalt  }
0x62: {  	_ =	shalt  }
0x63: {  	_ =	shalt  }
0x64: {  	_ =	shalt  }
0x65: {  	_ =	shalt  }
0x66: {  	_ =	shalt  }
0x67: {  	_ =	shalt  }
0x68: {  	_ =	shalt  }
0x69: {  	_ =	shalt  }
0x6a: {  	_ =	shalt  }
0x6b: {  	_ =	shalt  }
0x6c: {  	_ =	shalt  }
0x6d: {  	_ =	shalt  }
0x6e: {  	_ =	shalt  }
0x6f: {  	_ =	shalt  }
0x70: {  	_ =	shalt  }
0x71: {  	_ =	shalt  }
0x72: {  	_ =	shalt  }
0x73: {  	_ =	shalt  }
0x74: {  	_ =	shalt  }
0x75: {  	_ =	shalt  }
0x76: {  	_ =	shalt  }
0x77: {  	_ =	shalt  }
0x78: {  	_ =	shalt  }
0x79: {  	_ =	shalt  }
0x7a: {  	_ =	shalt  }
0x7b: {  	_ =	shalt  }
0x7c: {  	_ =	shalt  }
0x7d: {  	_ =	shalt  }
0x7e: {  	_ =	shalt  }
0x7f: {  	_ =	shalt  }
0x80: {  	_ =	shalt  }
0x81: {  	_ =	shalt  }
0x82: {  	_ =	shalt  }
0x83: {  	_ =	shalt  }
0x84: {  	_ =	shalt  }
0x85: {  	_ =	shalt  }
0x86: {  	_ =	shalt  }
0x87: {  	_ =	shalt  }
.Lfunc_end0:
.L_simem_size_0:
called_computation_lowered:
.L_overlay_start_0:
0x88: {  	s2 =	sld [smem:$0x3FD9]  }
0x89: {  	s3 =	sld [smem:$0x3FFE];
	_ =	sdelay $0x1  }
0x8a: {  	s1 =	srdreg.scid  }
0x8b: {  	s0 =	sand.u32 $0x1, s1  }
0x8c: {  	s17 =	sshll.u32 s0, $0xA;
	s2 =	sadd.s32 s3, s2  }
0x8d: {  	s2 =	sadd.s32 s2, s17  }
0x8e: {  	[smem:$0x3FB8] =	sst s2  }
0x8f: {  	_ = 	snop  }
0x90: {  	s2 =	sld [smem:$0x3FD0];
	(tm) =	ssettm $0x1  }
0x91: {  	s18 =	sld [smem:$0x3FFB];
	_ =	sdelay $0x3  }
0x92: {  	_ =	strace s18  }
0x93: {  	s3 =	sld [smem:$0x3FFC];
	_ =	sdelay $0x3  }
0x94: {  	_ =	strace s3  }
0x95: {  	s3 =	sld [smem:$0x3FFD];
	_ =	sdelay $0x3  }
0x96: {  	_ =	strace s3  }
0x97: {  	_ =	strace $0x8FFFFFFF  }
0x98: {  	s19 =	sld [smem:$0x3FDB];
	_ =	sdelay $0x1  }
0x99: {  	s4 =	simm.s32 $_scs_section_size  }
0x9a: {  	s5 =	simm.s32 $_size__tile_overlayer_lowered;
	s6 =	simm.s32 $_tile_overlayer_lowered  }
0x9b: {  	s22 =	simm.s32 $0x1BFF;
	s21 =	sshll.u32 s6, $0x1;
	s3 =	sadd.s32 s4, s19  }
0x9c: {  	s7 =	simm.s32 $0x0;
	s20 =	sshll.u32 s5, $0x1;
	s5 =	sadd.s32 s21, s3  }
0x9d: {  	[timem:s7], [sflag:s22] =	dma.local [hbm:s5], s20  }
0x9e: {  	_ =	swait.ge [sflag:s22], s20  }
0x9f: {  	s4 =	ssub.s32 $0x0, s20;
	[sflag:s22] =	ssyncset.done $0x0  }
0xa0: {  	[sflag:s22] =	ssyncadd.s32 s4;
	_ =	sdelay $0x1  }
0xa1: {  	s23 =	simm.s32 $0x1B8B  }
0xa2: {  	_ =	swait.ge [sflag:s23], $0x1  }
0xa3: {  	[sflag:s23] =	ssyncset.done $0x0  }
0xa4: {  	s25 =	simm.s32 $0x1B8E;
	s24 =	sld [smem:$0x3FFE];
	[sflag:s23] =	ssyncadd.s32 $0xFFFFFFFF  }
0xa5: {  	s26 =	simm.s32 $execute0_lowered;
	[smem:$0x3FD2] =	sst s25  }
0xa6: {  	s5 =	sshll.u32 s26, $0x1;
	_ =	strace $0x80000046;
	[dreg:$0x1] =	wrdreg $0xFFFFFFFF  }
0xa7: {  	s28 =	simm.s32 $_size_execute0_lowered;
	s3 =	sadd.s32 s3, s5;
	[dreg:$0x0] =	wrdreg $0x0  }
0xa8: {  	s5 =	sshll.u32 s28, $0x1;
	[dreg:$0x2] =	wrdreg s3  }
0xa9: {  	[dreg:$0x3] =	wrdreg s5  }
0xaa: {  	[dreg:$0x4] =	wrdreg $0xC0  }
0xab: {  	_ =	task [dreg:s7], $0x5FFFF  }
0xac: {  	[dreg:$0x1] =	wrdreg $0xFFFFFFFF  }
0xad: {  	[dreg:$0x0] =	wrdreg $0x60  }
0xae: {  	[dreg:$0x2] =	wrdreg s24  }
0xaf: {  	[dreg:$0x3] =	wrdreg s2  }
0xb0: {  	[dreg:$0x4] =	wrdreg $0xB2200  }
0xb1: {  	[dreg:$0x5] =	wrdreg $0x9  }
0xb2: {  	_ =	task.clear_ibuf [dreg:s7], $0x6FFFF;
	_ =	strace $0x90000046  }
0xb3: {  	s29 =	simm.s32 $0x9;
	_ =	strace $0x80000048  }
0xb4: {  	_ =	swait.ge [sflag:s29], $0x1  }
0xb5: {  	[sflag:s29] =	ssyncadd.s32 $0xFFFFFFFF  }
0xb6: {  	_ =	strace $0x90000048  }
0xb7: {  	_ =	sfence  }
0xb8: {  	s30 =	sld [smem:$0x0];
	_ =	sdelay $0x2  }
0xb9: {  	s31 =	sshll.u32 s1, $0xD;
	s1 =	sshrl.u32 s1, $0x2  }
0xba: {  	s3 =	sand.u32 $0x4000, s31;
	s1 =	sadd.s32 s1, s30  }
0xbb: {  	s0 =	sor.u32 s3, s0;
	s1 =	sshll.u32 s1, $0x11  }
0xbc: {  	s0 =	sor.u32 s1, s0  }
0xbd: {  	s0 =	sadd.s32 $0x8F2B, s0  }
0xbe: {  	[sflag:s0] =	ssyncadd.remote.s32 $0x1  }
0xbf: {  	_ =	sfence.sel $0xFFFF  }
0xc0: {  	[dreg:$0x0] =	wrdreg $0xFFFFFFFF;
	(pc) =	sbr.abs _section_cstart, $3  }
0xc1: {  	[dreg:$0x1] =	wrdreg $0xFFFFFFFF  }
0xc2: {  	_ =	task.clear_ibuf [dreg:s7], $0x2FFFF;
	_ =	strace $0x9FFFFFFF  }
0xc3: {  	(tm) =	ssettm $0x7FFFFFFF  }
tec
execute0_lowered:
.L_overlay_start_1:
0x0: {  	(tag) =	ssettag $0x1  }
0x1: {  	s0 =	rddreg [dreg:$0x0]  }
0x2: {  	s3 =	rddreg [dreg:$0x2]  }
0x3: {  	s1 =	srdreg.scid;
	s9 =	stileid.u32;
	s4 =	simm.s32 $0x0  }
0x4: {  	s12 =	simm.s32 $0x1;
	s13 =	simm.s32 $0x2;
	s14 =	simm.s32 $0x28  }
0x5: {  	s15 =	simm.s32 $0x4E20;
	s16 =	simm.s32 $0x6220;
	s18 =	simm.s32 $0x7620  }
0x6: {  	s20 =	simm.s32 $0x8A20;
	s21 =	simm.s32 $0xA0;
	s22 =	simm.s32 $0x9E20  }
0x7: {  	s23 =	simm.s32 $0x6;
	s24 =	simm.s32 $0x3;
	s25 =	simm.s32 $0x4  }
0x8: {  	s28 =	simm.s32 $0x4D58;
	s29 =	simm.s32 $0x4D80;
	s30 =	simm.s32 $0x4DA8  }
0x9: {  	s31 =	simm.s32 $0x4DD0;
	s1 =	sand.u32 $0x1, s1;
	s8 =	smul.u32 $0x14000, s9  }
0xa: {  	[smem:$0x7FF] =	sst s4;
	s5 =	sadd.s32 $0x18200, s0;
	s2 =	sshll.u32 s1, $0x4  }
0xb: {  	s6 =	smul.u32 $0x140000, s1;
	_ =	strace $0x80000047;
	s1 =	ssub.s32 $0x2, s1  }
0xc: {  	s2 =	sor.u32 s9, s2;
	s7 =	sshrl.u32 s1, $0x1;
	s26 =	sadd.s32 s8, s3  }
0xd: {  	s2 =	smul.u32 $0x9C4, s2;
	s6 =	sadd.s32 s8, s6;
	s1 =	ssub.s32 s1, s7  }
0xe: {  	s11 =	sshrl.u32 s26, $0x3;
	s26 =	simm.s32 $0x5;
	s6 =	sshrl.u32 s6, $0x3  }
0xf: {  	s10 =	smax.u32 s1, $0x1;
	s1 =	simm.s32 $0x0;
	s2 =	sadd.s32 s2, s0  }
0x10: {  	s0 =	sadd.s32 s6, s0;
	s6 =	sshll.u32 s9, $0x6;
	s7 =	sadd.s32 $0x4800, s2  }
0x11: {  	s8 =	sor.u32 $0x1C02, s6;
	s9 =	sadd.s32 $0x3F400, s0;
	s0 =	simm.s32 $0x4DF8  }
.LBB2_1:
0x12: {  	[tilespmem:s4], [sflag:$0x1] =	stream.linear.gather [hbm4b:s7+s4], $0x4E20, $0x38;
	[tilespmem:$0x1F220] =	vst v63  }
0x13: {  	s2 =	rddreg [dreg:$0x1]  }
0x14: {  	[spmem:s11], [sflag:s8] =	dma.local [hbm:s2], $0x2800  }
0x15: {  	_ =	swait.ge [sflag:s12], $0x4E20  }
0x16: {  	[sflag:s12] =	ssyncset.done $0x0  }
0x17: {  	[sflag:s12] =	ssyncadd.s32 $0xFFFFB1E0  }
0x18: {  	_ =	swait.ge [sflag:s13], $0x2800  }
0x19: {  	[sflag:s13] =	ssyncset.done $0x0  }
0x1a: {  	[sflag:s13] =	ssyncadd.s32 $0xFFFFD800  }
0x1b: {  	[bflag:$0x0] =	sbarrier.arrive $0xFFFF  }
0x1c: {  	[tilespmem:s15], [sflag:$0x1] =	stream.indirect.gather [hbm4b:s5+s14], $0x80, s4, s14, $0xb8;
	[tilespmem:$0x1F220] =	vst v63  }
0x1d: {  	_ = 	snop  }
0x1e: {  	[tilespmem:s16], [sflag:$0x2] =	stream.indirect.gather [hbm4b:s5+s14], $0x80, s14, s14, $0xb8;
	[tilespmem:$0x1F220] =	vst v63  }
0x1f: {  	s19 =	simm.s32 $0x50  }
0x20: {  	[tilespmem:s18], [sflag:$0x3] =	stream.indirect.gather [hbm4b:s5+s14], $0x80, s19, s14, $0xb8;
	[tilespmem:$0x1F220] =	vst v63  }
0x21: {  	s17 =	simm.s32 $0x78  }
0x22: {  	[tilespmem:s20], [sflag:$0x4] =	stream.indirect.gather [hbm4b:s5+s14], $0x80, s17, s14, $0xb8;
	[tilespmem:$0x1F220] =	vst v63  }
0x23: {  	_ = 	snop  }
0x24: {  	[tilespmem:s22], [sflag:$0x5] =	stream.indirect.gather [hbm4b:s5+s14], $0x80, s21, s14, $0xb8;
	[tilespmem:$0x1F220] =	vst v63  }
0x25: {  	_ =	swait.ge [sflag:s12], $0x1400  }
0x26: {  	[sflag:s12] =	ssyncset.done $0x0  }
0x27: {  	s19 =	simm.s32 $0x2710;
	[sflag:s12] =	ssyncadd.s32 $0xFFFFEC00  }
0x28: {  	[spmem:s3] =	stream.indirect.scatter.add.f32 [tilespmem:s15], [sflag:$0x6], $0x80, s19, s14, $0xb8;
	[tilespmem:$0x1F220] =	vst v63  }
0x29: {  	_ =	swait.ge [sflag:s23], $0x1400  }
0x2a: {  	[sflag:s23] =	ssyncset.done $0x0  }
0x2b: {  	s17 =	simm.s32 $0xC8;
	[sflag:s23] =	ssyncadd.s32 $0xFFFFEC00  }
0x2c: {  	[tilespmem:s15], [sflag:$0x1] =	stream.indirect.gather [hbm4b:s5+s14], $0x80, s17, s14, $0xb8;
	[tilespmem:$0x1F220] =	vst v63  }
0x2d: {  	_ =	swait.ge [sflag:s13], $0x1400  }
0x2e: {  	[sflag:s13] =	ssyncset.done $0x0  }
0x2f: {  	s19 =	simm.s32 $0x2738;
	[sflag:s13] =	ssyncadd.s32 $0xFFFFEC00  }
0x30: {  	[spmem:s3] =	stream.indirect.scatter.add.f32 [tilespmem:s16], [sflag:$0x6], $0x80, s19, s14, $0xb8;
	[tilespmem:$0x1F220] =	vst v63  }
0x31: {  	_ =	swait.ge [sflag:s23], $0x1400  }
0x32: {  	[sflag:s23] =	ssyncset.done $0x0  }
0x33: {  	s17 =	simm.s32 $0xF0;
	[sflag:s23] =	ssyncadd.s32 $0xFFFFEC00  }
0x34: {  	[tilespmem:s16], [sflag:$0x2] =	stream.indirect.gather [hbm4b:s5+s14], $0x80, s17, s14, $0xb8;
	[tilespmem:$0x1F220] =	vst v63  }
0x35: {  	_ =	swait.ge [sflag:s24], $0x1400  }
0x36: {  	[sflag:s24] =	ssyncset.done $0x0  }
0x37: {  	s19 =	simm.s32 $0x2760;
	[sflag:s24] =	ssyncadd.s32 $0xFFFFEC00  }
0x38: {  	[spmem:s3] =	stream.indirect.scatter.add.f32 [tilespmem:s18], [sflag:$0x6], $0x80, s19, s14, $0xb8;
	[tilespmem:$0x1F220] =	vst v63  }
0x39: {  	_ =	swait.ge [sflag:s23], $0x1400  }
0x3a: {  	[sflag:s23] =	ssyncset.done $0x0  }
0x3b: {  	s17 =	simm.s32 $0x118;
	[sflag:s23] =	ssyncadd.s32 $0xFFFFEC00  }
0x3c: {  	[tilespmem:s18], [sflag:$0x3] =	stream.indirect.gather [hbm4b:s5+s14], $0x80, s17, s14, $0xb8;
	[tilespmem:$0x1F220] =	vst v63  }
0x3d: {  	_ =	swait.ge [sflag:s25], $0x1400  }
0x3e: {  	[sflag:s25] =	ssyncset.done $0x0  }
0x3f: {  	s19 =	simm.s32 $0x2788;
	[sflag:s25] =	ssyncadd.s32 $0xFFFFEC00  }
0x40: {  	[spmem:s3] =	stream.indirect.scatter.add.f32 [tilespmem:s20], [sflag:$0x6], $0x80, s19, s14, $0xb8;
	[tilespmem:$0x1F220] =	vst v63  }
0x41: {  	_ =	swait.ge [sflag:s23], $0x1400  }
0x42: {  	[sflag:s23] =	ssyncset.done $0x0  }
0x43: {  	s17 =	simm.s32 $0x140;
	[sflag:s23] =	ssyncadd.s32 $0xFFFFEC00  }
0x44: {  	[tilespmem:s20], [sflag:$0x4] =	stream.indirect.gather [hbm4b:s5+s14], $0x80, s17, s14, $0xb8;
	[tilespmem:$0x1F220] =	vst v63  }
0x45: {  	_ =	swait.ge [sflag:s26], $0x1400  }
0x46: {  	[sflag:s26] =	ssyncset.done $0x0  }
0x47: {  	s19 =	simm.s32 $0x27B0;
	[sflag:s26] =	ssyncadd.s32 $0xFFFFEC00  }
0x48: {  	[spmem:s3] =	stream.indirect.scatter.add.f32 [tilespmem:s22], [sflag:$0x6], $0x80, s19, s14, $0xb8;
	[tilespmem:$0x1F220] =	vst v63  }
0x49: {  	_ =	swait.ge [sflag:s23], $0x1400  }
0x4a: {  	[sflag:s23] =	ssyncset.done $0x0  }
0x4b: {  	s2 =	simm.s32 $0x320;
	s17 =	simm.s32 $0x168;
	[sflag:s23] =	ssyncadd.s32 $0xFFFFEC00  }
.LBB2_2:
0x4c: {  	[tilespmem:s22], [sflag:$0x5] =	stream.indirect.gather [hbm4b:s5+s14], $0x80, s17, s14, $0xb8;
	[tilespmem:$0x1F220] =	vst v63  }
0x4d: {  	s17 =	smov.u32 s2  }
0x4e: {  	p0 =	sne.s32 s2, $0x9600;
	s2 =	sadd.s32 $0x320, s2;
	_ =	swait.ge [sflag:s12], $0x1400  }
0x4f: {  	s17 =	sshra.s32 s17, $0x2;
	[sflag:s12] =	ssyncset.done $0x0  }
0x50: {  	s19 =	sadd.s32 $0x2710, s17;
	[sflag:s12] =	ssyncadd.s32 $0xFFFFEC00  }
0x51: {  	[spmem:s3] =	stream.indirect.scatter.add.f32 [tilespmem:s15], [sflag:$0x6], $0x80, s19, s14, $0xb8;
	[tilespmem:$0x1F220] =	vst v63  }
0x52: {  	_ =	swait.ge [sflag:s23], $0x1400  }
0x53: {  	[sflag:s23] =	ssyncset.done $0x0  }
0x54: {  	s19 =	sadd.s32 $0xC8, s17;
	[sflag:s23] =	ssyncadd.s32 $0xFFFFEC00  }
0x55: {  	[tilespmem:s15], [sflag:$0x1] =	stream.indirect.gather [hbm4b:s5+s14], $0x80, s19, s14, $0xb8;
	[tilespmem:$0x1F220] =	vst v63  }
0x56: {  	_ =	swait.ge [sflag:s13], $0x1400  }
0x57: {  	[sflag:s13] =	ssyncset.done $0x0  }
0x58: {  	s19 =	sadd.s32 $0x2738, s17;
	[sflag:s13] =	ssyncadd.s32 $0xFFFFEC00  }
0x59: {  	[spmem:s3] =	stream.indirect.scatter.add.f32 [tilespmem:s16], [sflag:$0x6], $0x80, s19, s14, $0xb8;
	[tilespmem:$0x1F220] =	vst v63  }
0x5a: {  	_ =	swait.ge [sflag:s23], $0x1400  }
0x5b: {  	[sflag:s23] =	ssyncset.done $0x0  }
0x5c: {  	s19 =	sadd.s32 $0xF0, s17;
	[sflag:s23] =	ssyncadd.s32 $0xFFFFEC00  }
0x5d: {  	[tilespmem:s16], [sflag:$0x2] =	stream.indirect.gather [hbm4b:s5+s14], $0x80, s19, s14, $0xb8;
	[tilespmem:$0x1F220] =	vst v63  }
0x5e: {  	_ =	swait.ge [sflag:s24], $0x1400  }
0x5f: {  	[sflag:s24] =	ssyncset.done $0x0  }
0x60: {  	s19 =	sadd.s32 $0x2760, s17;
	[sflag:s24] =	ssyncadd.s32 $0xFFFFEC00  }
0x61: {  	[spmem:s3] =	stream.indirect.scatter.add.f32 [tilespmem:s18], [sflag:$0x6], $0x80, s19, s14, $0xb8;
	[tilespmem:$0x1F220] =	vst v63  }
0x62: {  	_ =	swait.ge [sflag:s23], $0x1400  }
0x63: {  	[sflag:s23] =	ssyncset.done $0x0  }
0x64: {  	s19 =	sadd.s32 $0x118, s17;
	[sflag:s23] =	ssyncadd.s32 $0xFFFFEC00  }
0x65: {  	[tilespmem:s18], [sflag:$0x3] =	stream.indirect.gather [hbm4b:s5+s14], $0x80, s19, s14, $0xb8;
	[tilespmem:$0x1F220] =	vst v63  }
0x66: {  	_ =	swait.ge [sflag:s25], $0x1400  }
0x67: {  	[sflag:s25] =	ssyncset.done $0x0  }
0x68: {  	s19 =	sadd.s32 $0x2788, s17;
	[sflag:s25] =	ssyncadd.s32 $0xFFFFEC00  }
0x69: {  	[spmem:s3] =	stream.indirect.scatter.add.f32 [tilespmem:s20], [sflag:$0x6], $0x80, s19, s14, $0xb8;
	[tilespmem:$0x1F220] =	vst v63  }
0x6a: {  	_ =	swait.ge [sflag:s23], $0x1400  }
0x6b: {  	[sflag:s23] =	ssyncset.done $0x0  }
0x6c: {  	s19 =	sadd.s32 $0x140, s17;
	[sflag:s23] =	ssyncadd.s32 $0xFFFFEC00  }
0x6d: {  	[tilespmem:s20], [sflag:$0x4] =	stream.indirect.gather [hbm4b:s5+s14], $0x80, s19, s14, $0xb8;
	[tilespmem:$0x1F220] =	vst v63  }
0x6e: {  	_ =	swait.ge [sflag:s26], $0x1400  }
0x6f: {  	[sflag:s26] =	ssyncset.done $0x0  }
.Ltmp0:
0x70: {  	s19 =	sadd.s32 $0x27B0, s17;
	[sflag:s26] =	ssyncadd.s32 $0xFFFFEC00;
	(pc) =	sbr.rel @p0 .LBB2_2-.Ltmp0, $4  }
0x71: {  	[spmem:s3] =	stream.indirect.scatter.add.f32 [tilespmem:s22], [sflag:$0x6], $0x80, s19, s14, $0xb8;
	[tilespmem:$0x1F220] =	vst v63  }
0x72: {  	_ =	swait.ge [sflag:s23], $0x1400  }
0x73: {  	[sflag:s23] =	ssyncset.done $0x0  }
0x74: {  	s17 =	sadd.s32 $0x168, s17;
	[sflag:s23] =	ssyncadd.s32 $0xFFFFEC00  }
0x75: {  	[tilespmem:s22], [sflag:$0x5] =	stream.indirect.gather [hbm4b:s5+s14], $0x80, s17, s14, $0xb8;
	[tilespmem:$0x1F220] =	vst v63  }
0x76: {  	_ =	swait.ge [sflag:s12], $0x1400  }
0x77: {  	[sflag:s12] =	ssyncset.done $0x0  }
0x78: {  	[sflag:s12] =	ssyncadd.s32 $0xFFFFEC00  }
0x79: {  	[spmem:s3] =	stream.indirect.scatter.add.f32 [tilespmem:s15], [sflag:$0x6], $0x80, s28, s14, $0xb8;
	[tilespmem:$0x1F220] =	vst v63  }
0x7a: {  	_ =	swait.ge [sflag:s23], $0x1400  }
0x7b: {  	[sflag:s23] =	ssyncset.done $0x0  }
0x7c: {  	[sflag:s23] =	ssyncadd.s32 $0xFFFFEC00  }
0x7d: {  	_ =	swait.ge [sflag:s13], $0x1400  }
0x7e: {  	[sflag:s13] =	ssyncset.done $0x0  }
0x7f: {  	[sflag:s13] =	ssyncadd.s32 $0xFFFFEC00  }
0x80: {  	[spmem:s3] =	stream.indirect.scatter.add.f32 [tilespmem:s16], [sflag:$0x6], $0x80, s29, s14, $0xb8;
	[tilespmem:$0x1F220] =	vst v63  }
0x81: {  	_ =	swait.ge [sflag:s23], $0x1400  }
0x82: {  	[sflag:s23] =	ssyncset.done $0x0  }
0x83: {  	[sflag:s23] =	ssyncadd.s32 $0xFFFFEC00  }
0x84: {  	_ =	swait.ge [sflag:s24], $0x1400  }
0x85: {  	[sflag:s24] =	ssyncset.done $0x0  }
0x86: {  	[sflag:s24] =	ssyncadd.s32 $0xFFFFEC00  }
0x87: {  	[spmem:s3] =	stream.indirect.scatter.add.f32 [tilespmem:s18], [sflag:$0x6], $0x80, s30, s14, $0xb8;
	[tilespmem:$0x1F220] =	vst v63  }
0x88: {  	_ =	swait.ge [sflag:s23], $0x1400  }
0x89: {  	[sflag:s23] =	ssyncset.done $0x0  }
0x8a: {  	[sflag:s23] =	ssyncadd.s32 $0xFFFFEC00  }
0x8b: {  	_ =	swait.ge [sflag:s25], $0x1400  }
0x8c: {  	[sflag:s25] =	ssyncset.done $0x0  }
0x8d: {  	[sflag:s25] =	ssyncadd.s32 $0xFFFFEC00  }
0x8e: {  	[spmem:s3] =	stream.indirect.scatter.add.f32 [tilespmem:s20], [sflag:$0x6], $0x80, s31, s14, $0xb8;
	[tilespmem:$0x1F220] =	vst v63  }
0x8f: {  	_ =	swait.ge [sflag:s23], $0x1400  }
0x90: {  	[sflag:s23] =	ssyncset.done $0x0  }
0x91: {  	[sflag:s23] =	ssyncadd.s32 $0xFFFFEC00  }
0x92: {  	_ =	swait.ge [sflag:s26], $0x1400  }
0x93: {  	[sflag:s26] =	ssyncset.done $0x0  }
0x94: {  	[sflag:s26] =	ssyncadd.s32 $0xFFFFEC00  }
0x95: {  	[spmem:s3] =	stream.indirect.scatter.add.f32 [tilespmem:s22], [sflag:$0x6], $0x80, s0, s14, $0xb8;
	[tilespmem:$0x1F220] =	vst v63  }
0x96: {  	_ =	swait.ge [sflag:s23], $0x1400  }
0x97: {  	s1 =	sadd.s32 $0x1, s1;
	[sflag:s23] =	ssyncset.done $0x0  }
0x98: {  	p0 =	sne.s32 s1, s10;
	[sflag:s23] =	ssyncadd.s32 $0xFFFFEC00  }
.Ltmp1:
0x99: {  	s2 =	sor.u32 $0x1C06, s6;
	[bflag:$0x0] =	sbarrier.arrive $0xFFFF;
	(pc) =	sbr.rel @p0 .LBB2_1-.Ltmp1, $4  }
0x9a: {  	[hbm:s9], [sflag:s2] =	dma.local [spmem:s11], $0x2800  }
0x9b: {  	_ =	swait.ge [sflag:s23], $0x2800  }
0x9c: {  	[sflag:s23] =	ssyncset.done $0x0  }
0x9d: {  	[sflag:s23] =	ssyncadd.s32 $0xFFFFD800  }
0x9e: {  	_ =	sfence.sel $0x180000  }
0x9f: {  	[bflag:$0x0] =	sbarrier.arrive $0xFFFF  }
0xa0: {  	_ =	strace $0x90000047  }
0xa1: {  	s0 =	stileid.u32;
	[bflag:$0x2] =	sbarrier.arrive $0xFFFF  }
0xa2: {  	p0 =	sne.s32 s0, $0x0;
	s0 =	rddreg [dreg:$0x3]  }
0xa3: {  	s0 =	sadd.s32 @!p0 $0x100000, s0  }
0xa4: {  	[sflag:s0] =	ssyncadd.tile.s32 @!p0 $0x1;
	_ =	shalt  }
.Lfunc_end2:
_tile_overlayer_lowered:
.L_overlay_start_2:
0xa5: {  	(tag) =	ssettag $0x2  }
0xa6: {  	s0 =	rddreg [dreg:$0x0];
	s2 =	stileid.u32  }
0xa7: {  	s1 =	rddreg [dreg:$0x1];
	p0 =	sne.s32 s2, $0x0  }
0xa8: {  	s3 =	rddreg [dreg:$0x2];
	[bflag:$0x3] =	sbarrier.arrive $0xFFFF;
	s2 =	simm.s32 @!p0 $0x1C06  }
0xa9: {  	[timem:s3], [sflag:s2] =	dma.local @!p0 [hbm:s0], s1  }
0xaa: {  	s0 =	simm.s32 @!p0 $0x6  }
0xab: {  	_ =	swait.ge @!p0 [sflag:s0], s1  }
0xac: {  	s1 =	ssub.s32 @!p0 $0x0, s1;
	[sflag:s0] =	ssyncset.done @!p0 $0x0  }
0xad: {  	[sflag:s0] =	ssyncadd.s32 @!p0 s1  }
0xae: {  	[bflag:$0x3] =	sbarrier.arrive $0xFFFF  }
0xaf: {  	_ =	shalt  }

// kernel: kernel.14.cloned.1.call-start
scs
__scs_entry_jumppad:
0x0: {  	(pc) =	sbr.rel $0x88, $3  }
0x1: {  	(tag) =	ssettag $0x0;
	lr =	simm.s32 $0x1  }
0x2: {  	[smem:$0x3F91] =	sst lr;
	_ =	strace $0xD0000000  }
0x3: {  	_ = 	snop  }
0x4: {  	_ = 	snop  }
0x5: {  	_ = 	snop  }
0x6: {  	_ = 	snop  }
0x7: {  	_ = 	snop  }
__scs_overlays_trampoline_lowered:
0x8: {  	[smem:$0x3FA0] =	sst s0  }
0x9: {  	[smem:$0x3FA1] =	sst s1  }
0xa: {  	[smem:$0x3FA2] =	sst s2  }
0xb: {  	[smem:$0x3FA3] =	sst s3  }
0xc: {  	[smem:$0x3FA4] =	sst s4  }
0xd: {  	[smem:$0x3FA5] =	sst s5  }
0xe: {  	[smem:$0x3FA6] =	sst s6  }
0xf: {  	[smem:$0x3FA7] =	sst s7  }
0x10: {  	[smem:$0x3FA8] =	sst s8  }
0x11: {  	[smem:$0x3FA9] =	sst s9;
	s0 =	simm.s32 @!p0 $0x0  }
0x12: {  	s1 =	sld [smem:$0x3F8F];
	s0 =	simm.s32 @p0 $0x1  }
0x13: {  	[smem:$0x3FAA] =	sst s0;
	s0 =	simm.s32 @!p1 $0x0  }
0x14: {  	s2 =	sld [smem:$0x3F8E];
	s0 =	simm.s32 @p1 $0x1  }
0x15: {  	[smem:$0x3FAB] =	sst s0;
	s0 =	simm.s32 @!p2 $0x0  }
0x16: {  	s3 =	sld [smem:$0x3FDB];
	s0 =	simm.s32 @p2 $0x1  }
0x17: {  	s4 =	simm.s32 $0x1BF5;
	[smem:$0x3FAD] =	sst s0  }
0x18: {  	s0 =	sld [smem:$0x3F90];
	_ =	swait.ge [sflag:s4], $0x0  }
0x19: {  	s7 =	sld [smem:$0x3F91]  }
0x1a: {  	s8 =	sadd.s32 $0xFFFFE003, lr  }
0x1b: {  	s9 =	sadd.s32 $0xFFFFFEF7, lr;
	s5 =	simm.s32 $0xFFFFFFFF;
	p2 =	slt.u32 s8, $0xFFFFF086  }
0x1c: {  	p1 =	slt.u32 s9, $0xF7A;
	s5 =	simm.s32 @!p2 $0x0  }
0x1d: {  	s5 =	simm.s32 @p1 $0x1;
	p0 =	seq.s32 s7, s2  }
0x1e: {  	s7 =	smul.u32 @!p0 $0xF7A, s2;
	p2 =	seq.s32 @!p0 s5, $0x0  }
0x1f: {  	s9 =	smul.u32 $0xF7A, s1;
	s8 =	simm.s32 @!p0 $0x1BF5;
	p2 =	por !p2, p0  }
0x20: {  	[sflag:s8] =	ssyncset.s32 @!p0 $0xFFFFF086;
	s6 =	sadd.s32 @!p0 s3, s7;
	s7 =	simm.s32 @!p0 $0x108  }
0x21: {  	s3 =	sadd.s32 s3, s9;
	s6 =	sadd.s32 @!p0 $0x88, s6;
	s7 =	simm.s32 @p2 $0x1082  }
0x22: {  	[simem:s7], [sflag:s8] =	dma.local @!p0 [hbm:s6], $0xF7A  }
0x23: {  	s9 =	sor.u32 $0xD0000000, s2;
	s6 =	simm.s32 $0x108;
	_ =	swait.ge @!p0 [sflag:s8], $0x0  }
0x24: {  	s3 =	sadd.s32 $0x88, s3;
	s6 =	simm.s32 @!p1 $0x1082;
	[sflag:s4] =	ssyncset.s32 $0xFFFFF086  }
0x25: {  	[simem:s6], [sflag:s4] =	dma.local [hbm:s3], $0xF7A  }
0x26: {  	[smem:$0x3F91] =	sst s1;
	(tag) =	ssettag s2;
	_ =	strace s9  }
0x27: {  	s1 =	sld [smem:$0x3FA1]  }
0x28: {  	s2 =	sld [smem:$0x3FA2]  }
0x29: {  	s4 =	sld [smem:$0x3FA4]  }
0x2a: {  	p0 =	seq.s32 s5, $0x0;
	s5 =	sld [smem:$0x3FA5]  }
0x2b: {  	s6 =	sld [smem:$0x3FA6]  }
0x2c: {  	s7 =	sld [smem:$0x3FA7]  }
0x2d: {  	s3 =	simm.s32 $0x108;
	s8 =	sld [smem:$0x3FA8]  }
0x2e: {  	s3 =	simm.s32 @!p0 $0x1082;
	s9 =	sld [smem:$0x3FA9]  }
0x2f: {  	lr =	sadd.s32 s0, s3;
	s0 =	sld [smem:$0x3FA0]  }
0x30: {  	s3 =	sld [smem:$0x3FA3]  }
0x31: {  	[smem:$0x3FAC] =	sst s10  }
0x32: {  	s10 =	sld [smem:$0x3FAA];
	_ =	sdelay $0x3  }
0x33: {  	p0 =	seq.s32 s10, $0x1;
	s10 =	sld [smem:$0x3FAC];
	_ =	sdelay $0x3  }
0x34: {  	[smem:$0x3FAC] =	sst s10  }
0x35: {  	s10 =	sld [smem:$0x3FAB];
	_ =	sdelay $0x3  }
0x36: {  	p1 =	seq.s32 s10, $0x1;
	s10 =	sld [smem:$0x3FAC];
	_ =	sdelay $0x3  }
0x37: {  	[smem:$0x3FAC] =	sst s10  }
0x38: {  	s10 =	sld [smem:$0x3FAD]  }
0x39: {  	_ = 	snop;
	(pc) =	sbr.ind lr, $3  }
0x3a: {  	_ = 	snop  }
0x3b: {  	_ = 	snop  }
0x3c: {  	p2 =	seq.s32 s10, $0x1;
	s10 =	sld [smem:$0x3FAC]  }
0x3d: {  	_ =	shalt  }
0x3e: {  	_ =	shalt  }
0x3f: {  	_ =	shalt  }
0x40: {  	_ =	shalt  }
0x41: {  	_ =	shalt  }
0x42: {  	_ =	shalt  }
0x43: {  	_ =	shalt  }
0x44: {  	_ =	shalt  }
0x45: {  	_ =	shalt  }
0x46: {  	_ =	shalt  }
0x47: {  	_ =	shalt  }
0x48: {  	_ =	shalt  }
0x49: {  	_ =	shalt  }
0x4a: {  	_ =	shalt  }
0x4b: {  	_ =	shalt  }
0x4c: {  	_ =	shalt  }
0x4d: {  	_ =	shalt  }
0x4e: {  	_ =	shalt  }
0x4f: {  	_ =	shalt  }
0x50: {  	_ =	shalt  }
0x51: {  	_ =	shalt  }
0x52: {  	_ =	shalt  }
0x53: {  	_ =	shalt  }
0x54: {  	_ =	shalt  }
0x55: {  	_ =	shalt  }
0x56: {  	_ =	shalt  }
0x57: {  	_ =	shalt  }
0x58: {  	_ =	shalt  }
0x59: {  	_ =	shalt  }
0x5a: {  	_ =	shalt  }
0x5b: {  	_ =	shalt  }
0x5c: {  	_ =	shalt  }
0x5d: {  	_ =	shalt  }
0x5e: {  	_ =	shalt  }
0x5f: {  	_ =	shalt  }
0x60: {  	_ =	shalt  }
0x61: {  	_ =	shalt  }
0x62: {  	_ =	shalt  }
0x63: {  	_ =	shalt  }
0x64: {  	_ =	shalt  }
0x65: {  	_ =	shalt  }
0x66: {  	_ =	shalt  }
0x67: {  	_ =	shalt  }
0x68: {  	_ =	shalt  }
0x69: {  	_ =	shalt  }
0x6a: {  	_ =	shalt  }
0x6b: {  	_ =	shalt  }
0x6c: {  	_ =	shalt  }
0x6d: {  	_ =	shalt  }
0x6e: {  	_ =	shalt  }
0x6f: {  	_ =	shalt  }
0x70: {  	_ =	shalt  }
0x71: {  	_ =	shalt  }
0x72: {  	_ =	shalt  }
0x73: {  	_ =	shalt  }
0x74: {  	_ =	shalt  }
0x75: {  	_ =	shalt  }
0x76: {  	_ =	shalt  }
0x77: {  	_ =	shalt  }
0x78: {  	_ =	shalt  }
0x79: {  	_ =	shalt  }
0x7a: {  	_ =	shalt  }
0x7b: {  	_ =	shalt  }
0x7c: {  	_ =	shalt  }
0x7d: {  	_ =	shalt  }
0x7e: {  	_ =	shalt  }
0x7f: {  	_ =	shalt  }
0x80: {  	_ =	shalt  }
0x81: {  	_ =	shalt  }
0x82: {  	_ =	shalt  }
0x83: {  	_ =	shalt  }
0x84: {  	_ =	shalt  }
0x85: {  	_ =	shalt  }
0x86: {  	_ =	shalt  }
0x87: {  	_ =	shalt  }
.Lfunc_end0:
.L_simem_size_0:
called_computation.1_lowered:
.L_overlay_start_0:
0x88: {  	s2 =	sld [smem:$0x3FD9]  }
0x89: {  	s3 =	sld [smem:$0x3FFE];
	_ =	sdelay $0x1  }
0x8a: {  	s1 =	srdreg.scid  }
0x8b: {  	s0 =	sand.u32 $0x1, s1  }
0x8c: {  	s17 =	sshll.u32 s0, $0xA;
	s2 =	sadd.s32 s3, s2  }
0x8d: {  	s2 =	sadd.s32 s2, s17  }
0x8e: {  	[smem:$0x3FB8] =	sst s2  }
0x8f: {  	_ = 	snop  }
0x90: {  	s2 =	sld [smem:$0x3FD0];
	(tm) =	ssettm $0x1  }
0x91: {  	s18 =	sld [smem:$0x3FFB];
	_ =	sdelay $0x3  }
0x92: {  	_ =	strace s18  }
0x93: {  	s3 =	sld [smem:$0x3FFC];
	_ =	sdelay $0x3  }
0x94: {  	_ =	strace s3  }
0x95: {  	s3 =	sld [smem:$0x3FFD];
	_ =	sdelay $0x3  }
0x96: {  	_ =	strace s3  }
0x97: {  	_ =	strace $0x8FFFFFFF  }
0x98: {  	s19 =	sld [smem:$0x3FDB];
	_ =	sdelay $0x1  }
0x99: {  	s4 =	simm.s32 $_scs_section_size  }
0x9a: {  	s5 =	simm.s32 $_size__tile_overlayer_lowered;
	s6 =	simm.s32 $_tile_overlayer_lowered  }
0x9b: {  	s22 =	simm.s32 $0x1BFF;
	s21 =	sshll.u32 s6, $0x1;
	s3 =	sadd.s32 s4, s19  }
0x9c: {  	s7 =	simm.s32 $0x0;
	s20 =	sshll.u32 s5, $0x1;
	s5 =	sadd.s32 s21, s3  }
0x9d: {  	[timem:s7], [sflag:s22] =	dma.local [hbm:s5], s20  }
0x9e: {  	_ =	swait.ge [sflag:s22], s20  }
0x9f: {  	s4 =	ssub.s32 $0x0, s20;
	[sflag:s22] =	ssyncset.done $0x0  }
0xa0: {  	[sflag:s22] =	ssyncadd.s32 s4;
	_ =	sdelay $0x1  }
0xa1: {  	s23 =	simm.s32 $0x1B8B  }
0xa2: {  	_ =	swait.ge [sflag:s23], $0x1  }
0xa3: {  	[sflag:s23] =	ssyncset.done $0x0  }
0xa4: {  	s25 =	simm.s32 $0x1B8E;
	s24 =	sld [smem:$0x3FFE];
	[sflag:s23] =	ssyncadd.s32 $0xFFFFFFFF  }
0xa5: {  	s26 =	simm.s32 $execute0_lowered;
	[smem:$0x3FD2] =	sst s25  }
0xa6: {  	s5 =	sshll.u32 s26, $0x1;
	_ =	strace $0x80000049;
	[dreg:$0x1] =	wrdreg $0xFFFFFFFF  }
0xa7: {  	s28 =	simm.s32 $_size_execute0_lowered;
	s3 =	sadd.s32 s3, s5;
	[dreg:$0x0] =	wrdreg $0x0  }
0xa8: {  	s5 =	sshll.u32 s28, $0x1;
	[dreg:$0x2] =	wrdreg s3  }
0xa9: {  	[dreg:$0x3] =	wrdreg s5  }
0xaa: {  	[dreg:$0x4] =	wrdreg $0xC0  }
0xab: {  	_ =	task [dreg:s7], $0x5FFFF  }
0xac: {  	[dreg:$0x1] =	wrdreg $0xFFFFFFFF  }
0xad: {  	[dreg:$0x0] =	wrdreg $0x60  }
0xae: {  	[dreg:$0x2] =	wrdreg s24  }
0xaf: {  	[dreg:$0x3] =	wrdreg s2  }
0xb0: {  	[dreg:$0x4] =	wrdreg $0xB2200  }
0xb1: {  	[dreg:$0x5] =	wrdreg $0x9  }
0xb2: {  	_ =	task.clear_ibuf [dreg:s7], $0x6FFFF;
	_ =	strace $0x90000049  }
0xb3: {  	s29 =	simm.s32 $0x9;
	_ =	strace $0x8000004B  }
0xb4: {  	_ =	swait.ge [sflag:s29], $0x1  }
0xb5: {  	[sflag:s29] =	ssyncadd.s32 $0xFFFFFFFF  }
0xb6: {  	_ =	strace $0x9000004B  }
0xb7: {  	_ =	sfence  }
0xb8: {  	s30 =	sld [smem:$0x0];
	_ =	sdelay $0x2  }
0xb9: {  	s31 =	sshll.u32 s1, $0xD;
	s1 =	sshrl.u32 s1, $0x2  }
0xba: {  	s3 =	sand.u32 $0x4000, s31;
	s1 =	sadd.s32 s1, s30  }
0xbb: {  	s0 =	sor.u32 s3, s0;
	s1 =	sshll.u32 s1, $0x11  }
0xbc: {  	s0 =	sor.u32 s1, s0  }
0xbd: {  	s0 =	sadd.s32 $0x8F2B, s0  }
0xbe: {  	[sflag:s0] =	ssyncadd.remote.s32 $0x1  }
0xbf: {  	_ =	sfence.sel $0xFFFF  }
0xc0: {  	[dreg:$0x0] =	wrdreg $0xFFFFFFFF;
	(pc) =	sbr.abs _section_cstart, $3  }
0xc1: {  	[dreg:$0x1] =	wrdreg $0xFFFFFFFF  }
0xc2: {  	_ =	task.clear_ibuf [dreg:s7], $0x2FFFF;
	_ =	strace $0x9FFFFFFF  }
0xc3: {  	(tm) =	ssettm $0x7FFFFFFF  }
tec
execute0_lowered:
.L_overlay_start_1:
0x0: {  	(tag) =	ssettag $0x1  }
0x1: {  	s0 =	rddreg [dreg:$0x0]  }
0x2: {  	s3 =	rddreg [dreg:$0x2]  }
0x3: {  	s1 =	srdreg.scid;
	s9 =	stileid.u32;
	s4 =	simm.s32 $0x0  }
0x4: {  	s12 =	simm.s32 $0x1;
	s13 =	simm.s32 $0x2;
	s14 =	simm.s32 $0x28  }
0x5: {  	s15 =	simm.s32 $0x4E20;
	s16 =	simm.s32 $0x6220;
	s18 =	simm.s32 $0x7620  }
0x6: {  	s20 =	simm.s32 $0x8A20;
	s21 =	simm.s32 $0xA0;
	s22 =	simm.s32 $0x9E20  }
0x7: {  	s23 =	simm.s32 $0x6;
	s24 =	simm.s32 $0x3;
	s25 =	simm.s32 $0x4  }
0x8: {  	s28 =	simm.s32 $0x4D58;
	s29 =	simm.s32 $0x4D80;
	s30 =	simm.s32 $0x4DA8  }
0x9: {  	s31 =	simm.s32 $0x4DD0;
	s1 =	sand.u32 $0x1, s1;
	s8 =	smul.u32 $0x14000, s9  }
0xa: {  	[smem:$0x7FF] =	sst s4;
	s5 =	sadd.s32 $0x18200, s0;
	s2 =	sshll.u32 s1, $0x4  }
0xb: {  	s6 =	smul.u32 $0x140000, s1;
	_ =	strace $0x8000004A;
	s1 =	ssub.s32 $0x2, s1  }
0xc: {  	s2 =	sor.u32 s9, s2;
	s7 =	sshrl.u32 s1, $0x1;
	s26 =	sadd.s32 s8, s3  }
0xd: {  	s2 =	smul.u32 $0x9C4, s2;
	s6 =	sadd.s32 s8, s6;
	s1 =	ssub.s32 s1, s7  }
0xe: {  	s11 =	sshrl.u32 s26, $0x3;
	s26 =	simm.s32 $0x5;
	s6 =	sshrl.u32 s6, $0x3  }
0xf: {  	s10 =	smax.u32 s1, $0x1;
	s1 =	simm.s32 $0x0;
	s2 =	sadd.s32 s2, s0  }
0x10: {  	s0 =	sadd.s32 s6, s0;
	s6 =	sshll.u32 s9, $0x6;
	s7 =	sadd.s32 $0x4800, s2  }
0x11: {  	s8 =	sor.u32 $0x1C02, s6;
	s9 =	sadd.s32 $0x3F400, s0;
	s0 =	simm.s32 $0x4DF8  }
.LBB2_1:
0x12: {  	[tilespmem:s4], [sflag:$0x1] =	stream.linear.gather [hbm4b:s7+s4], $0x4E20, $0x38;
	[tilespmem:$0x1F220] =	vst v63  }
0x13: {  	s2 =	rddreg [dreg:$0x1]  }
0x14: {  	[spmem:s11], [sflag:s8] =	dma.local [hbm:s2], $0x2800  }
0x15: {  	_ =	swait.ge [sflag:s12], $0x4E20  }
0x16: {  	[sflag:s12] =	ssyncset.done $0x0  }
0x17: {  	[sflag:s12] =	ssyncadd.s32 $0xFFFFB1E0  }
0x18: {  	_ =	swait.ge [sflag:s13], $0x2800  }
0x19: {  	[sflag:s13] =	ssyncset.done $0x0  }
0x1a: {  	[sflag:s13] =	ssyncadd.s32 $0xFFFFD800  }
0x1b: {  	[bflag:$0x0] =	sbarrier.arrive $0xFFFF  }
0x1c: {  	[tilespmem:s15], [sflag:$0x1] =	stream.indirect.gather [hbm4b:s5+s14], $0x80, s4, s14, $0xb8;
	[tilespmem:$0x1F220] =	vst v63  }
0x1d: {  	_ = 	snop  }
0x1e: {  	[tilespmem:s16], [sflag:$0x2] =	stream.indirect.gather [hbm4b:s5+s14], $0x80, s14, s14, $0xb8;
	[tilespmem:$0x1F220] =	vst v63  }
0x1f: {  	s19 =	simm.s32 $0x50  }
0x20: {  	[tilespmem:s18], [sflag:$0x3] =	stream.indirect.gather [hbm4b:s5+s14], $0x80, s19, s14, $0xb8;
	[tilespmem:$0x1F220] =	vst v63  }
0x21: {  	s17 =	simm.s32 $0x78  }
0x22: {  	[tilespmem:s20], [sflag:$0x4] =	stream.indirect.gather [hbm4b:s5+s14], $0x80, s17, s14, $0xb8;
	[tilespmem:$0x1F220] =	vst v63  }
0x23: {  	_ = 	snop  }
0x24: {  	[tilespmem:s22], [sflag:$0x5] =	stream.indirect.gather [hbm4b:s5+s14], $0x80, s21, s14, $0xb8;
	[tilespmem:$0x1F220] =	vst v63  }
0x25: {  	_ =	swait.ge [sflag:s12], $0x1400  }
0x26: {  	[sflag:s12] =	ssyncset.done $0x0  }
0x27: {  	s19 =	simm.s32 $0x2710;
	[sflag:s12] =	ssyncadd.s32 $0xFFFFEC00  }
0x28: {  	[spmem:s3] =	stream.indirect.scatter.add.f32 [tilespmem:s15], [sflag:$0x6], $0x80, s19, s14, $0xb8;
	[tilespmem:$0x1F220] =	vst v63  }
0x29: {  	_ =	swait.ge [sflag:s23], $0x1400  }
0x2a: {  	[sflag:s23] =	ssyncset.done $0x0  }
0x2b: {  	s17 =	simm.s32 $0xC8;
	[sflag:s23] =	ssyncadd.s32 $0xFFFFEC00  }
0x2c: {  	[tilespmem:s15], [sflag:$0x1] =	stream.indirect.gather [hbm4b:s5+s14], $0x80, s17, s14, $0xb8;
	[tilespmem:$0x1F220] =	vst v63  }
0x2d: {  	_ =	swait.ge [sflag:s13], $0x1400  }
0x2e: {  	[sflag:s13] =	ssyncset.done $0x0  }
0x2f: {  	s19 =	simm.s32 $0x2738;
	[sflag:s13] =	ssyncadd.s32 $0xFFFFEC00  }
0x30: {  	[spmem:s3] =	stream.indirect.scatter.add.f32 [tilespmem:s16], [sflag:$0x6], $0x80, s19, s14, $0xb8;
	[tilespmem:$0x1F220] =	vst v63  }
0x31: {  	_ =	swait.ge [sflag:s23], $0x1400  }
0x32: {  	[sflag:s23] =	ssyncset.done $0x0  }
0x33: {  	s17 =	simm.s32 $0xF0;
	[sflag:s23] =	ssyncadd.s32 $0xFFFFEC00  }
0x34: {  	[tilespmem:s16], [sflag:$0x2] =	stream.indirect.gather [hbm4b:s5+s14], $0x80, s17, s14, $0xb8;
	[tilespmem:$0x1F220] =	vst v63  }
0x35: {  	_ =	swait.ge [sflag:s24], $0x1400  }
0x36: {  	[sflag:s24] =	ssyncset.done $0x0  }
0x37: {  	s19 =	simm.s32 $0x2760;
	[sflag:s24] =	ssyncadd.s32 $0xFFFFEC00  }
0x38: {  	[spmem:s3] =	stream.indirect.scatter.add.f32 [tilespmem:s18], [sflag:$0x6], $0x80, s19, s14, $0xb8;
	[tilespmem:$0x1F220] =	vst v63  }
0x39: {  	_ =	swait.ge [sflag:s23], $0x1400  }
0x3a: {  	[sflag:s23] =	ssyncset.done $0x0  }
0x3b: {  	s17 =	simm.s32 $0x118;
	[sflag:s23] =	ssyncadd.s32 $0xFFFFEC00  }
0x3c: {  	[tilespmem:s18], [sflag:$0x3] =	stream.indirect.gather [hbm4b:s5+s14], $0x80, s17, s14, $0xb8;
	[tilespmem:$0x1F220] =	vst v63  }
0x3d: {  	_ =	swait.ge [sflag:s25], $0x1400  }
0x3e: {  	[sflag:s25] =	ssyncset.done $0x0  }
0x3f: {  	s19 =	simm.s32 $0x2788;
	[sflag:s25] =	ssyncadd.s32 $0xFFFFEC00  }
0x40: {  	[spmem:s3] =	stream.indirect.scatter.add.f32 [tilespmem:s20], [sflag:$0x6], $0x80, s19, s14, $0xb8;
	[tilespmem:$0x1F220] =	vst v63  }
0x41: {  	_ =	swait.ge [sflag:s23], $0x1400  }
0x42: {  	[sflag:s23] =	ssyncset.done $0x0  }
0x43: {  	s17 =	simm.s32 $0x140;
	[sflag:s23] =	ssyncadd.s32 $0xFFFFEC00  }
0x44: {  	[tilespmem:s20], [sflag:$0x4] =	stream.indirect.gather [hbm4b:s5+s14], $0x80, s17, s14, $0xb8;
	[tilespmem:$0x1F220] =	vst v63  }
0x45: {  	_ =	swait.ge [sflag:s26], $0x1400  }
0x46: {  	[sflag:s26] =	ssyncset.done $0x0  }
0x47: {  	s19 =	simm.s32 $0x27B0;
	[sflag:s26] =	ssyncadd.s32 $0xFFFFEC00  }
0x48: {  	[spmem:s3] =	stream.indirect.scatter.add.f32 [tilespmem:s22], [sflag:$0x6], $0x80, s19, s14, $0xb8;
	[tilespmem:$0x1F220] =	vst v63  }
0x49: {  	_ =	swait.ge [sflag:s23], $0x1400  }
0x4a: {  	[sflag:s23] =	ssyncset.done $0x0  }
0x4b: {  	s2 =	simm.s32 $0x320;
	s17 =	simm.s32 $0x168;
	[sflag:s23] =	ssyncadd.s32 $0xFFFFEC00  }
.LBB2_2:
0x4c: {  	[tilespmem:s22], [sflag:$0x5] =	stream.indirect.gather [hbm4b:s5+s14], $0x80, s17, s14, $0xb8;
	[tilespmem:$0x1F220] =	vst v63  }
0x4d: {  	s17 =	smov.u32 s2  }
0x4e: {  	p0 =	sne.s32 s2, $0x9600;
	s2 =	sadd.s32 $0x320, s2;
	_ =	swait.ge [sflag:s12], $0x1400  }
0x4f: {  	s17 =	sshra.s32 s17, $0x2;
	[sflag:s12] =	ssyncset.done $0x0  }
0x50: {  	s19 =	sadd.s32 $0x2710, s17;
	[sflag:s12] =	ssyncadd.s32 $0xFFFFEC00  }
0x51: {  	[spmem:s3] =	stream.indirect.scatter.add.f32 [tilespmem:s15], [sflag:$0x6], $0x80, s19, s14, $0xb8;
	[tilespmem:$0x1F220] =	vst v63  }
0x52: {  	_ =	swait.ge [sflag:s23], $0x1400  }
0x53: {  	[sflag:s23] =	ssyncset.done $0x0  }
0x54: {  	s19 =	sadd.s32 $0xC8, s17;
	[sflag:s23] =	ssyncadd.s32 $0xFFFFEC00  }
0x55: {  	[tilespmem:s15], [sflag:$0x1] =	stream.indirect.gather [hbm4b:s5+s14], $0x80, s19, s14, $0xb8;
	[tilespmem:$0x1F220] =	vst v63  }
0x56: {  	_ =	swait.ge [sflag:s13], $0x1400  }
0x57: {  	[sflag:s13] =	ssyncset.done $0x0  }
0x58: {  	s19 =	sadd.s32 $0x2738, s17;
	[sflag:s13] =	ssyncadd.s32 $0xFFFFEC00  }
0x59: {  	[spmem:s3] =	stream.indirect.scatter.add.f32 [tilespmem:s16], [sflag:$0x6], $0x80, s19, s14, $0xb8;
	[tilespmem:$0x1F220] =	vst v63  }
0x5a: {  	_ =	swait.ge [sflag:s23], $0x1400  }
0x5b: {  	[sflag:s23] =	ssyncset.done $0x0  }
0x5c: {  	s19 =	sadd.s32 $0xF0, s17;
	[sflag:s23] =	ssyncadd.s32 $0xFFFFEC00  }
0x5d: {  	[tilespmem:s16], [sflag:$0x2] =	stream.indirect.gather [hbm4b:s5+s14], $0x80, s19, s14, $0xb8;
	[tilespmem:$0x1F220] =	vst v63  }
0x5e: {  	_ =	swait.ge [sflag:s24], $0x1400  }
0x5f: {  	[sflag:s24] =	ssyncset.done $0x0  }
0x60: {  	s19 =	sadd.s32 $0x2760, s17;
	[sflag:s24] =	ssyncadd.s32 $0xFFFFEC00  }
0x61: {  	[spmem:s3] =	stream.indirect.scatter.add.f32 [tilespmem:s18], [sflag:$0x6], $0x80, s19, s14, $0xb8;
	[tilespmem:$0x1F220] =	vst v63  }
0x62: {  	_ =	swait.ge [sflag:s23], $0x1400  }
0x63: {  	[sflag:s23] =	ssyncset.done $0x0  }
0x64: {  	s19 =	sadd.s32 $0x118, s17;
	[sflag:s23] =	ssyncadd.s32 $0xFFFFEC00  }
0x65: {  	[tilespmem:s18], [sflag:$0x3] =	stream.indirect.gather [hbm4b:s5+s14], $0x80, s19, s14, $0xb8;
	[tilespmem:$0x1F220] =	vst v63  }
0x66: {  	_ =	swait.ge [sflag:s25], $0x1400  }
0x67: {  	[sflag:s25] =	ssyncset.done $0x0  }
0x68: {  	s19 =	sadd.s32 $0x2788, s17;
	[sflag:s25] =	ssyncadd.s32 $0xFFFFEC00  }
0x69: {  	[spmem:s3] =	stream.indirect.scatter.add.f32 [tilespmem:s20], [sflag:$0x6], $0x80, s19, s14, $0xb8;
	[tilespmem:$0x1F220] =	vst v63  }
0x6a: {  	_ =	swait.ge [sflag:s23], $0x1400  }
0x6b: {  	[sflag:s23] =	ssyncset.done $0x0  }
0x6c: {  	s19 =	sadd.s32 $0x140, s17;
	[sflag:s23] =	ssyncadd.s32 $0xFFFFEC00  }
0x6d: {  	[tilespmem:s20], [sflag:$0x4] =	stream.indirect.gather [hbm4b:s5+s14], $0x80, s19, s14, $0xb8;
	[tilespmem:$0x1F220] =	vst v63  }
0x6e: {  	_ =	swait.ge [sflag:s26], $0x1400  }
0x6f: {  	[sflag:s26] =	ssyncset.done $0x0  }
.Ltmp0:
0x70: {  	s19 =	sadd.s32 $0x27B0, s17;
	[sflag:s26] =	ssyncadd.s32 $0xFFFFEC00;
	(pc) =	sbr.rel @p0 .LBB2_2-.Ltmp0, $4  }
0x71: {  	[spmem:s3] =	stream.indirect.scatter.add.f32 [tilespmem:s22], [sflag:$0x6], $0x80, s19, s14, $0xb8;
	[tilespmem:$0x1F220] =	vst v63  }
0x72: {  	_ =	swait.ge [sflag:s23], $0x1400  }
0x73: {  	[sflag:s23] =	ssyncset.done $0x0  }
0x74: {  	s17 =	sadd.s32 $0x168, s17;
	[sflag:s23] =	ssyncadd.s32 $0xFFFFEC00  }
0x75: {  	[tilespmem:s22], [sflag:$0x5] =	stream.indirect.gather [hbm4b:s5+s14], $0x80, s17, s14, $0xb8;
	[tilespmem:$0x1F220] =	vst v63  }
0x76: {  	_ =	swait.ge [sflag:s12], $0x1400  }
0x77: {  	[sflag:s12] =	ssyncset.done $0x0  }
0x78: {  	[sflag:s12] =	ssyncadd.s32 $0xFFFFEC00  }
0x79: {  	[spmem:s3] =	stream.indirect.scatter.add.f32 [tilespmem:s15], [sflag:$0x6], $0x80, s28, s14, $0xb8;
	[tilespmem:$0x1F220] =	vst v63  }
0x7a: {  	_ =	swait.ge [sflag:s23], $0x1400  }
0x7b: {  	[sflag:s23] =	ssyncset.done $0x0  }
0x7c: {  	[sflag:s23] =	ssyncadd.s32 $0xFFFFEC00  }
0x7d: {  	_ =	swait.ge [sflag:s13], $0x1400  }
0x7e: {  	[sflag:s13] =	ssyncset.done $0x0  }
0x7f: {  	[sflag:s13] =	ssyncadd.s32 $0xFFFFEC00  }
0x80: {  	[spmem:s3] =	stream.indirect.scatter.add.f32 [tilespmem:s16], [sflag:$0x6], $0x80, s29, s14, $0xb8;
	[tilespmem:$0x1F220] =	vst v63  }
0x81: {  	_ =	swait.ge [sflag:s23], $0x1400  }
0x82: {  	[sflag:s23] =	ssyncset.done $0x0  }
0x83: {  	[sflag:s23] =	ssyncadd.s32 $0xFFFFEC00  }
0x84: {  	_ =	swait.ge [sflag:s24], $0x1400  }
0x85: {  	[sflag:s24] =	ssyncset.done $0x0  }
0x86: {  	[sflag:s24] =	ssyncadd.s32 $0xFFFFEC00  }
0x87: {  	[spmem:s3] =	stream.indirect.scatter.add.f32 [tilespmem:s18], [sflag:$0x6], $0x80, s30, s14, $0xb8;
	[tilespmem:$0x1F220] =	vst v63  }
0x88: {  	_ =	swait.ge [sflag:s23], $0x1400  }
0x89: {  	[sflag:s23] =	ssyncset.done $0x0  }
0x8a: {  	[sflag:s23] =	ssyncadd.s32 $0xFFFFEC00  }
0x8b: {  	_ =	swait.ge [sflag:s25], $0x1400  }
0x8c: {  	[sflag:s25] =	ssyncset.done $0x0  }
0x8d: {  	[sflag:s25] =	ssyncadd.s32 $0xFFFFEC00  }
0x8e: {  	[spmem:s3] =	stream.indirect.scatter.add.f32 [tilespmem:s20], [sflag:$0x6], $0x80, s31, s14, $0xb8;
	[tilespmem:$0x1F220] =	vst v63  }
0x8f: {  	_ =	swait.ge [sflag:s23], $0x1400  }
0x90: {  	[sflag:s23] =	ssyncset.done $0x0  }
0x91: {  	[sflag:s23] =	ssyncadd.s32 $0xFFFFEC00  }
0x92: {  	_ =	swait.ge [sflag:s26], $0x1400  }
0x93: {  	[sflag:s26] =	ssyncset.done $0x0  }
0x94: {  	[sflag:s26] =	ssyncadd.s32 $0xFFFFEC00  }
0x95: {  	[spmem:s3] =	stream.indirect.scatter.add.f32 [tilespmem:s22], [sflag:$0x6], $0x80, s0, s14, $0xb8;
	[tilespmem:$0x1F220] =	vst v63  }
0x96: {  	_ =	swait.ge [sflag:s23], $0x1400  }
0x97: {  	s1 =	sadd.s32 $0x1, s1;
	[sflag:s23] =	ssyncset.done $0x0  }
0x98: {  	p0 =	sne.s32 s1, s10;
	[sflag:s23] =	ssyncadd.s32 $0xFFFFEC00  }
.Ltmp1:
0x99: {  	s2 =	sor.u32 $0x1C06, s6;
	[bflag:$0x0] =	sbarrier.arrive $0xFFFF;
	(pc) =	sbr.rel @p0 .LBB2_1-.Ltmp1, $4  }
0x9a: {  	[hbm:s9], [sflag:s2] =	dma.local [spmem:s11], $0x2800  }
0x9b: {  	_ =	swait.ge [sflag:s23], $0x2800  }
0x9c: {  	[sflag:s23] =	ssyncset.done $0x0  }
0x9d: {  	[sflag:s23] =	ssyncadd.s32 $0xFFFFD800  }
0x9e: {  	_ =	sfence.sel $0x180000  }
0x9f: {  	[bflag:$0x0] =	sbarrier.arrive $0xFFFF  }
0xa0: {  	_ =	strace $0x9000004A  }
0xa1: {  	s0 =	stileid.u32;
	[bflag:$0x2] =	sbarrier.arrive $0xFFFF  }
0xa2: {  	p0 =	sne.s32 s0, $0x0;
	s0 =	rddreg [dreg:$0x3]  }
0xa3: {  	s0 =	sadd.s32 @!p0 $0x100000, s0  }
0xa4: {  	[sflag:s0] =	ssyncadd.tile.s32 @!p0 $0x1;
	_ =	shalt  }
.Lfunc_end2:
_tile_overlayer_lowered:
.L_overlay_start_2:
0xa5: {  	(tag) =	ssettag $0x2  }
0xa6: {  	s0 =	rddreg [dreg:$0x0];
	s2 =	stileid.u32  }
0xa7: {  	s1 =	rddreg [dreg:$0x1];
	p0 =	sne.s32 s2, $0x0  }
0xa8: {  	s3 =	rddreg [dreg:$0x2];
	[bflag:$0x3] =	sbarrier.arrive $0xFFFF;
	s2 =	simm.s32 @!p0 $0x1C06  }
0xa9: {  	[timem:s3], [sflag:s2] =	dma.local @!p0 [hbm:s0], s1  }
0xaa: {  	s0 =	simm.s32 @!p0 $0x6  }
0xab: {  	_ =	swait.ge @!p0 [sflag:s0], s1  }
0xac: {  	s1 =	ssub.s32 @!p0 $0x0, s1;
	[sflag:s0] =	ssyncset.done @!p0 $0x0  }
0xad: {  	[sflag:s0] =	ssyncadd.s32 @!p0 s1  }
0xae: {  	[bflag:$0x3] =	sbarrier.arrive $0xFFFF  }
0xaf: {  	_ =	shalt  }

// kernel: kernel.17.cloned.1.call-start
scs
__scs_entry_jumppad:
0x0: {  	(pc) =	sbr.rel $0x88, $3  }
0x1: {  	(tag) =	ssettag $0x0;
	lr =	simm.s32 $0x1  }
0x2: {  	[smem:$0x3F91] =	sst lr;
	_ =	strace $0xD0000000  }
0x3: {  	_ = 	snop  }
0x4: {  	_ = 	snop  }
0x5: {  	_ = 	snop  }
0x6: {  	_ = 	snop  }
0x7: {  	_ = 	snop  }
__scs_overlays_trampoline_lowered:
0x8: {  	[smem:$0x3FA0] =	sst s0  }
0x9: {  	[smem:$0x3FA1] =	sst s1  }
0xa: {  	[smem:$0x3FA2] =	sst s2  }
0xb: {  	[smem:$0x3FA3] =	sst s3  }
0xc: {  	[smem:$0x3FA4] =	sst s4  }
0xd: {  	[smem:$0x3FA5] =	sst s5  }
0xe: {  	[smem:$0x3FA6] =	sst s6  }
0xf: {  	[smem:$0x3FA7] =	sst s7  }
0x10: {  	[smem:$0x3FA8] =	sst s8  }
0x11: {  	[smem:$0x3FA9] =	sst s9;
	s0 =	simm.s32 @!p0 $0x0  }
0x12: {  	s1 =	sld [smem:$0x3F8F];
	s0 =	simm.s32 @p0 $0x1  }
0x13: {  	[smem:$0x3FAA] =	sst s0;
	s0 =	simm.s32 @!p1 $0x0  }
0x14: {  	s2 =	sld [smem:$0x3F8E];
	s0 =	simm.s32 @p1 $0x1  }
0x15: {  	[smem:$0x3FAB] =	sst s0;
	s0 =	simm.s32 @!p2 $0x0  }
0x16: {  	s3 =	sld [smem:$0x3FDB];
	s0 =	simm.s32 @p2 $0x1  }
0x17: {  	s4 =	simm.s32 $0x1BF5;
	[smem:$0x3FAD] =	sst s0  }
0x18: {  	s0 =	sld [smem:$0x3F90];
	_ =	swait.ge [sflag:s4], $0x0  }
0x19: {  	s7 =	sld [smem:$0x3F91]  }
0x1a: {  	s8 =	sadd.s32 $0xFFFFE003, lr  }
0x1b: {  	s9 =	sadd.s32 $0xFFFFFEF7, lr;
	s5 =	simm.s32 $0xFFFFFFFF;
	p2 =	slt.u32 s8, $0xFFFFF086  }
0x1c: {  	p1 =	slt.u32 s9, $0xF7A;
	s5 =	simm.s32 @!p2 $0x0  }
0x1d: {  	s5 =	simm.s32 @p1 $0x1;
	p0 =	seq.s32 s7, s2  }
0x1e: {  	s7 =	smul.u32 @!p0 $0xF7A, s2;
	p2 =	seq.s32 @!p0 s5, $0x0  }
0x1f: {  	s9 =	smul.u32 $0xF7A, s1;
	s8 =	simm.s32 @!p0 $0x1BF5;
	p2 =	por !p2, p0  }
0x20: {  	[sflag:s8] =	ssyncset.s32 @!p0 $0xFFFFF086;
	s6 =	sadd.s32 @!p0 s3, s7;
	s7 =	simm.s32 @!p0 $0x108  }
0x21: {  	s3 =	sadd.s32 s3, s9;
	s6 =	sadd.s32 @!p0 $0x88, s6;
	s7 =	simm.s32 @p2 $0x1082  }
0x22: {  	[simem:s7], [sflag:s8] =	dma.local @!p0 [hbm:s6], $0xF7A  }
0x23: {  	s9 =	sor.u32 $0xD0000000, s2;
	s6 =	simm.s32 $0x108;
	_ =	swait.ge @!p0 [sflag:s8], $0x0  }
0x24: {  	s3 =	sadd.s32 $0x88, s3;
	s6 =	simm.s32 @!p1 $0x1082;
	[sflag:s4] =	ssyncset.s32 $0xFFFFF086  }
0x25: {  	[simem:s6], [sflag:s4] =	dma.local [hbm:s3], $0xF7A  }
0x26: {  	[smem:$0x3F91] =	sst s1;
	(tag) =	ssettag s2;
	_ =	strace s9  }
0x27: {  	s1 =	sld [smem:$0x3FA1]  }
0x28: {  	s2 =	sld [smem:$0x3FA2]  }
0x29: {  	s4 =	sld [smem:$0x3FA4]  }
0x2a: {  	p0 =	seq.s32 s5, $0x0;
	s5 =	sld [smem:$0x3FA5]  }
0x2b: {  	s6 =	sld [smem:$0x3FA6]  }
0x2c: {  	s7 =	sld [smem:$0x3FA7]  }
0x2d: {  	s3 =	simm.s32 $0x108;
	s8 =	sld [smem:$0x3FA8]  }
0x2e: {  	s3 =	simm.s32 @!p0 $0x1082;
	s9 =	sld [smem:$0x3FA9]  }
0x2f: {  	lr =	sadd.s32 s0, s3;
	s0 =	sld [smem:$0x3FA0]  }
0x30: {  	s3 =	sld [smem:$0x3FA3]  }
0x31: {  	[smem:$0x3FAC] =	sst s10  }
0x32: {  	s10 =	sld [smem:$0x3FAA];
	_ =	sdelay $0x3  }
0x33: {  	p0 =	seq.s32 s10, $0x1;
	s10 =	sld [smem:$0x3FAC];
	_ =	sdelay $0x3  }
0x34: {  	[smem:$0x3FAC] =	sst s10  }
0x35: {  	s10 =	sld [smem:$0x3FAB];
	_ =	sdelay $0x3  }
0x36: {  	p1 =	seq.s32 s10, $0x1;
	s10 =	sld [smem:$0x3FAC];
	_ =	sdelay $0x3  }
0x37: {  	[smem:$0x3FAC] =	sst s10  }
0x38: {  	s10 =	sld [smem:$0x3FAD]  }
0x39: {  	_ = 	snop;
	(pc) =	sbr.ind lr, $3  }
0x3a: {  	_ = 	snop  }
0x3b: {  	_ = 	snop  }
0x3c: {  	p2 =	seq.s32 s10, $0x1;
	s10 =	sld [smem:$0x3FAC]  }
0x3d: {  	_ =	shalt  }
0x3e: {  	_ =	shalt  }
0x3f: {  	_ =	shalt  }
0x40: {  	_ =	shalt  }
0x41: {  	_ =	shalt  }
0x42: {  	_ =	shalt  }
0x43: {  	_ =	shalt  }
0x44: {  	_ =	shalt  }
0x45: {  	_ =	shalt  }
0x46: {  	_ =	shalt  }
0x47: {  	_ =	shalt  }
0x48: {  	_ =	shalt  }
0x49: {  	_ =	shalt  }
0x4a: {  	_ =	shalt  }
0x4b: {  	_ =	shalt  }
0x4c: {  	_ =	shalt  }
0x4d: {  	_ =	shalt  }
0x4e: {  	_ =	shalt  }
0x4f: {  	_ =	shalt  }
0x50: {  	_ =	shalt  }
0x51: {  	_ =	shalt  }
0x52: {  	_ =	shalt  }
0x53: {  	_ =	shalt  }
0x54: {  	_ =	shalt  }
0x55: {  	_ =	shalt  }
0x56: {  	_ =	shalt  }
0x57: {  	_ =	shalt  }
0x58: {  	_ =	shalt  }
0x59: {  	_ =	shalt  }
0x5a: {  	_ =	shalt  }
0x5b: {  	_ =	shalt  }
0x5c: {  	_ =	shalt  }
0x5d: {  	_ =	shalt  }
0x5e: {  	_ =	shalt  }
0x5f: {  	_ =	shalt  }
0x60: {  	_ =	shalt  }
0x61: {  	_ =	shalt  }
0x62: {  	_ =	shalt  }
0x63: {  	_ =	shalt  }
0x64: {  	_ =	shalt  }
0x65: {  	_ =	shalt  }
0x66: {  	_ =	shalt  }
0x67: {  	_ =	shalt  }
0x68: {  	_ =	shalt  }
0x69: {  	_ =	shalt  }
0x6a: {  	_ =	shalt  }
0x6b: {  	_ =	shalt  }
0x6c: {  	_ =	shalt  }
0x6d: {  	_ =	shalt  }
0x6e: {  	_ =	shalt  }
0x6f: {  	_ =	shalt  }
0x70: {  	_ =	shalt  }
0x71: {  	_ =	shalt  }
0x72: {  	_ =	shalt  }
0x73: {  	_ =	shalt  }
0x74: {  	_ =	shalt  }
0x75: {  	_ =	shalt  }
0x76: {  	_ =	shalt  }
0x77: {  	_ =	shalt  }
0x78: {  	_ =	shalt  }
0x79: {  	_ =	shalt  }
0x7a: {  	_ =	shalt  }
0x7b: {  	_ =	shalt  }
0x7c: {  	_ =	shalt  }
0x7d: {  	_ =	shalt  }
0x7e: {  	_ =	shalt  }
0x7f: {  	_ =	shalt  }
0x80: {  	_ =	shalt  }
0x81: {  	_ =	shalt  }
0x82: {  	_ =	shalt  }
0x83: {  	_ =	shalt  }
0x84: {  	_ =	shalt  }
0x85: {  	_ =	shalt  }
0x86: {  	_ =	shalt  }
0x87: {  	_ =	shalt  }
.Lfunc_end0:
.L_simem_size_0:
called_computation.2_lowered:
.L_overlay_start_0:
0x88: {  	s2 =	sld [smem:$0x3FD9]  }
0x89: {  	s3 =	sld [smem:$0x3FFE];
	_ =	sdelay $0x1  }
0x8a: {  	s1 =	srdreg.scid  }
0x8b: {  	s0 =	sand.u32 $0x1, s1  }
0x8c: {  	s17 =	sshll.u32 s0, $0xA;
	s2 =	sadd.s32 s3, s2  }
0x8d: {  	s2 =	sadd.s32 s2, s17  }
0x8e: {  	[smem:$0x3FB8] =	sst s2  }
0x8f: {  	_ = 	snop  }
0x90: {  	s2 =	sld [smem:$0x3FD0];
	(tm) =	ssettm $0x1  }
0x91: {  	s18 =	sld [smem:$0x3FFB];
	_ =	sdelay $0x3  }
0x92: {  	_ =	strace s18  }
0x93: {  	s3 =	sld [smem:$0x3FFC];
	_ =	sdelay $0x3  }
0x94: {  	_ =	strace s3  }
0x95: {  	s3 =	sld [smem:$0x3FFD];
	_ =	sdelay $0x3  }
0x96: {  	_ =	strace s3  }
0x97: {  	_ =	strace $0x8FFFFFFF  }
0x98: {  	s19 =	sld [smem:$0x3FDB];
	_ =	sdelay $0x1  }
0x99: {  	s4 =	simm.s32 $_scs_section_size  }
0x9a: {  	s5 =	simm.s32 $_size__tile_overlayer_lowered;
	s6 =	simm.s32 $_tile_overlayer_lowered  }
0x9b: {  	s22 =	simm.s32 $0x1BFF;
	s21 =	sshll.u32 s6, $0x1;
	s3 =	sadd.s32 s4, s19  }
0x9c: {  	s7 =	simm.s32 $0x0;
	s20 =	sshll.u32 s5, $0x1;
	s5 =	sadd.s32 s21, s3  }
0x9d: {  	[timem:s7], [sflag:s22] =	dma.local [hbm:s5], s20  }
0x9e: {  	_ =	swait.ge [sflag:s22], s20  }
0x9f: {  	s4 =	ssub.s32 $0x0, s20;
	[sflag:s22] =	ssyncset.done $0x0  }
0xa0: {  	[sflag:s22] =	ssyncadd.s32 s4;
	_ =	sdelay $0x1  }
0xa1: {  	s23 =	simm.s32 $0x1B8B  }
0xa2: {  	_ =	swait.ge [sflag:s23], $0x1  }
0xa3: {  	[sflag:s23] =	ssyncset.done $0x0  }
0xa4: {  	s25 =	simm.s32 $0x1B8E;
	s24 =	sld [smem:$0x3FFE];
	[sflag:s23] =	ssyncadd.s32 $0xFFFFFFFF  }
0xa5: {  	s26 =	simm.s32 $execute0_lowered;
	[smem:$0x3FD2] =	sst s25  }
0xa6: {  	s5 =	sshll.u32 s26, $0x1;
	_ =	strace $0x8000004C;
	[dreg:$0x1] =	wrdreg $0xFFFFFFFF  }
0xa7: {  	s28 =	simm.s32 $_size_execute0_lowered;
	s3 =	sadd.s32 s3, s5;
	[dreg:$0x0] =	wrdreg $0x0  }
0xa8: {  	s5 =	sshll.u32 s28, $0x1;
	[dreg:$0x2] =	wrdreg s3  }
0xa9: {  	[dreg:$0x3] =	wrdreg s5  }
0xaa: {  	[dreg:$0x4] =	wrdreg $0xC0  }
0xab: {  	_ =	task [dreg:s7], $0x5FFFF  }
0xac: {  	[dreg:$0x1] =	wrdreg $0xFFFFFFFF  }
0xad: {  	[dreg:$0x0] =	wrdreg $0x60  }
0xae: {  	[dreg:$0x2] =	wrdreg s24  }
0xaf: {  	[dreg:$0x3] =	wrdreg s2  }
0xb0: {  	[dreg:$0x4] =	wrdreg $0xB2200  }
0xb1: {  	[dreg:$0x5] =	wrdreg $0x9  }
0xb2: {  	_ =	task.clear_ibuf [dreg:s7], $0x6FFFF;
	_ =	strace $0x9000004C  }
0xb3: {  	s29 =	simm.s32 $0x9;
	_ =	strace $0x8000004E  }
0xb4: {  	_ =	swait.ge [sflag:s29], $0x1  }
0xb5: {  	[sflag:s29] =	ssyncadd.s32 $0xFFFFFFFF  }
0xb6: {  	_ =	strace $0x9000004E  }
0xb7: {  	_ =	sfence  }
0xb8: {  	s30 =	sld [smem:$0x0];
	_ =	sdelay $0x2  }
0xb9: {  	s31 =	sshll.u32 s1, $0xD;
	s1 =	sshrl.u32 s1, $0x2  }
0xba: {  	s3 =	sand.u32 $0x4000, s31;
	s1 =	sadd.s32 s1, s30  }
0xbb: {  	s0 =	sor.u32 s3, s0;
	s1 =	sshll.u32 s1, $0x11  }
0xbc: {  	s0 =	sor.u32 s1, s0  }
0xbd: {  	s0 =	sadd.s32 $0x8F2B, s0  }
0xbe: {  	[sflag:s0] =	ssyncadd.remote.s32 $0x1  }
0xbf: {  	_ =	sfence.sel $0xFFFF  }
0xc0: {  	[dreg:$0x0] =	wrdreg $0xFFFFFFFF;
	(pc) =	sbr.abs _section_cstart, $3  }
0xc1: {  	[dreg:$0x1] =	wrdreg $0xFFFFFFFF  }
0xc2: {  	_ =	task.clear_ibuf [dreg:s7], $0x2FFFF;
	_ =	strace $0x9FFFFFFF  }
0xc3: {  	(tm) =	ssettm $0x7FFFFFFF  }
tec
execute0_lowered:
.L_overlay_start_1:
0x0: {  	(tag) =	ssettag $0x1  }
0x1: {  	s0 =	rddreg [dreg:$0x0]  }
0x2: {  	s3 =	rddreg [dreg:$0x2]  }
0x3: {  	s1 =	srdreg.scid;
	s9 =	stileid.u32;
	s4 =	simm.s32 $0x0  }
0x4: {  	s12 =	simm.s32 $0x1;
	s13 =	simm.s32 $0x2;
	s14 =	simm.s32 $0x28  }
0x5: {  	s15 =	simm.s32 $0x4E20;
	s16 =	simm.s32 $0x6220;
	s18 =	simm.s32 $0x7620  }
0x6: {  	s20 =	simm.s32 $0x8A20;
	s21 =	simm.s32 $0xA0;
	s22 =	simm.s32 $0x9E20  }
0x7: {  	s23 =	simm.s32 $0x6;
	s24 =	simm.s32 $0x3;
	s25 =	simm.s32 $0x4  }
0x8: {  	s28 =	simm.s32 $0x4D58;
	s29 =	simm.s32 $0x4D80;
	s30 =	simm.s32 $0x4DA8  }
0x9: {  	s31 =	simm.s32 $0x4DD0;
	s1 =	sand.u32 $0x1, s1;
	s8 =	smul.u32 $0x14000, s9  }
0xa: {  	[smem:$0x7FF] =	sst s4;
	s5 =	sadd.s32 $0x18200, s0;
	s2 =	sshll.u32 s1, $0x4  }
0xb: {  	s6 =	smul.u32 $0x140000, s1;
	_ =	strace $0x8000004D;
	s1 =	ssub.s32 $0x2, s1  }
0xc: {  	s2 =	sor.u32 s9, s2;
	s7 =	sshrl.u32 s1, $0x1;
	s26 =	sadd.s32 s8, s3  }
0xd: {  	s2 =	smul.u32 $0x9C4, s2;
	s6 =	sadd.s32 s8, s6;
	s1 =	ssub.s32 s1, s7  }
0xe: {  	s11 =	sshrl.u32 s26, $0x3;
	s26 =	simm.s32 $0x5;
	s6 =	sshrl.u32 s6, $0x3  }
0xf: {  	s10 =	smax.u32 s1, $0x1;
	s1 =	simm.s32 $0x0;
	s2 =	sadd.s32 s2, s0  }
0x10: {  	s0 =	sadd.s32 s6, s0;
	s6 =	sshll.u32 s9, $0x6;
	s7 =	sadd.s32 $0x4800, s2  }
0x11: {  	s8 =	sor.u32 $0x1C02, s6;
	s9 =	sadd.s32 $0x3F400, s0;
	s0 =	simm.s32 $0x4DF8  }
.LBB2_1:
0x12: {  	[tilespmem:s4], [sflag:$0x1] =	stream.linear.gather [hbm4b:s7+s4], $0x4E20, $0x38;
	[tilespmem:$0x1F220] =	vst v63  }
0x13: {  	s2 =	rddreg [dreg:$0x1]  }
0x14: {  	[spmem:s11], [sflag:s8] =	dma.local [hbm:s2], $0x2800  }
0x15: {  	_ =	swait.ge [sflag:s12], $0x4E20  }
0x16: {  	[sflag:s12] =	ssyncset.done $0x0  }
0x17: {  	[sflag:s12] =	ssyncadd.s32 $0xFFFFB1E0  }
0x18: {  	_ =	swait.ge [sflag:s13], $0x2800  }
0x19: {  	[sflag:s13] =	ssyncset.done $0x0  }
0x1a: {  	[sflag:s13] =	ssyncadd.s32 $0xFFFFD800  }
0x1b: {  	[bflag:$0x0] =	sbarrier.arrive $0xFFFF  }
0x1c: {  	[tilespmem:s15], [sflag:$0x1] =	stream.indirect.gather [hbm4b:s5+s14], $0x80, s4, s14, $0xb8;
	[tilespmem:$0x1F220] =	vst v63  }
0x1d: {  	_ = 	snop  }
0x1e: {  	[tilespmem:s16], [sflag:$0x2] =	stream.indirect.gather [hbm4b:s5+s14], $0x80, s14, s14, $0xb8;
	[tilespmem:$0x1F220] =	vst v63  }
0x1f: {  	s19 =	simm.s32 $0x50  }
0x20: {  	[tilespmem:s18], [sflag:$0x3] =	stream.indirect.gather [hbm4b:s5+s14], $0x80, s19, s14, $0xb8;
	[tilespmem:$0x1F220] =	vst v63  }
0x21: {  	s17 =	simm.s32 $0x78  }
0x22: {  	[tilespmem:s20], [sflag:$0x4] =	stream.indirect.gather [hbm4b:s5+s14], $0x80, s17, s14, $0xb8;
	[tilespmem:$0x1F220] =	vst v63  }
0x23: {  	_ = 	snop  }
0x24: {  	[tilespmem:s22], [sflag:$0x5] =	stream.indirect.gather [hbm4b:s5+s14], $0x80, s21, s14, $0xb8;
	[tilespmem:$0x1F220] =	vst v63  }
0x25: {  	_ =	swait.ge [sflag:s12], $0x1400  }
0x26: {  	[sflag:s12] =	ssyncset.done $0x0  }
0x27: {  	s19 =	simm.s32 $0x2710;
	[sflag:s12] =	ssyncadd.s32 $0xFFFFEC00  }
0x28: {  	[spmem:s3] =	stream.indirect.scatter.add.f32 [tilespmem:s15], [sflag:$0x6], $0x80, s19, s14, $0xb8;
	[tilespmem:$0x1F220] =	vst v63  }
0x29: {  	_ =	swait.ge [sflag:s23], $0x1400  }
0x2a: {  	[sflag:s23] =	ssyncset.done $0x0  }
0x2b: {  	s17 =	simm.s32 $0xC8;
	[sflag:s23] =	ssyncadd.s32 $0xFFFFEC00  }
0x2c: {  	[tilespmem:s15], [sflag:$0x1] =	stream.indirect.gather [hbm4b:s5+s14], $0x80, s17, s14, $0xb8;
	[tilespmem:$0x1F220] =	vst v63  }
0x2d: {  	_ =	swait.ge [sflag:s13], $0x1400  }
0x2e: {  	[sflag:s13] =	ssyncset.done $0x0  }
0x2f: {  	s19 =	simm.s32 $0x2738;
	[sflag:s13] =	ssyncadd.s32 $0xFFFFEC00  }
0x30: {  	[spmem:s3] =	stream.indirect.scatter.add.f32 [tilespmem:s16], [sflag:$0x6], $0x80, s19, s14, $0xb8;
	[tilespmem:$0x1F220] =	vst v63  }
0x31: {  	_ =	swait.ge [sflag:s23], $0x1400  }
0x32: {  	[sflag:s23] =	ssyncset.done $0x0  }
0x33: {  	s17 =	simm.s32 $0xF0;
	[sflag:s23] =	ssyncadd.s32 $0xFFFFEC00  }
0x34: {  	[tilespmem:s16], [sflag:$0x2] =	stream.indirect.gather [hbm4b:s5+s14], $0x80, s17, s14, $0xb8;
	[tilespmem:$0x1F220] =	vst v63  }
0x35: {  	_ =	swait.ge [sflag:s24], $0x1400  }
0x36: {  	[sflag:s24] =	ssyncset.done $0x0  }
0x37: {  	s19 =	simm.s32 $0x2760;
	[sflag:s24] =	ssyncadd.s32 $0xFFFFEC00  }
0x38: {  	[spmem:s3] =	stream.indirect.scatter.add.f32 [tilespmem:s18], [sflag:$0x6], $0x80, s19, s14, $0xb8;
	[tilespmem:$0x1F220] =	vst v63  }
0x39: {  	_ =	swait.ge [sflag:s23], $0x1400  }
0x3a: {  	[sflag:s23] =	ssyncset.done $0x0  }
0x3b: {  	s17 =	simm.s32 $0x118;
	[sflag:s23] =	ssyncadd.s32 $0xFFFFEC00  }
0x3c: {  	[tilespmem:s18], [sflag:$0x3] =	stream.indirect.gather [hbm4b:s5+s14], $0x80, s17, s14, $0xb8;
	[tilespmem:$0x1F220] =	vst v63  }
0x3d: {  	_ =	swait.ge [sflag:s25], $0x1400  }
0x3e: {  	[sflag:s25] =	ssyncset.done $0x0  }
0x3f: {  	s19 =	simm.s32 $0x2788;
	[sflag:s25] =	ssyncadd.s32 $0xFFFFEC00  }
0x40: {  	[spmem:s3] =	stream.indirect.scatter.add.f32 [tilespmem:s20], [sflag:$0x6], $0x80, s19, s14, $0xb8;
	[tilespmem:$0x1F220] =	vst v63  }
0x41: {  	_ =	swait.ge [sflag:s23], $0x1400  }
0x42: {  	[sflag:s23] =	ssyncset.done $0x0  }
0x43: {  	s17 =	simm.s32 $0x140;
	[sflag:s23] =	ssyncadd.s32 $0xFFFFEC00  }
0x44: {  	[tilespmem:s20], [sflag:$0x4] =	stream.indirect.gather [hbm4b:s5+s14], $0x80, s17, s14, $0xb8;
	[tilespmem:$0x1F220] =	vst v63  }
0x45: {  	_ =	swait.ge [sflag:s26], $0x1400  }
0x46: {  	[sflag:s26] =	ssyncset.done $0x0  }
0x47: {  	s19 =	simm.s32 $0x27B0;
	[sflag:s26] =	ssyncadd.s32 $0xFFFFEC00  }
0x48: {  	[spmem:s3] =	stream.indirect.scatter.add.f32 [tilespmem:s22], [sflag:$0x6], $0x80, s19, s14, $0xb8;
	[tilespmem:$0x1F220] =	vst v63  }
0x49: {  	_ =	swait.ge [sflag:s23], $0x1400  }
0x4a: {  	[sflag:s23] =	ssyncset.done $0x0  }
0x4b: {  	s2 =	simm.s32 $0x320;
	s17 =	simm.s32 $0x168;
	[sflag:s23] =	ssyncadd.s32 $0xFFFFEC00  }
.LBB2_2:
0x4c: {  	[tilespmem:s22], [sflag:$0x5] =	stream.indirect.gather [hbm4b:s5+s14], $0x80, s17, s14, $0xb8;
	[tilespmem:$0x1F220] =	vst v63  }
0x4d: {  	s17 =	smov.u32 s2  }
0x4e: {  	p0 =	sne.s32 s2, $0x9600;
	s2 =	sadd.s32 $0x320, s2;
	_ =	swait.ge [sflag:s12], $0x1400  }
0x4f: {  	s17 =	sshra.s32 s17, $0x2;
	[sflag:s12] =	ssyncset.done $0x0  }
0x50: {  	s19 =	sadd.s32 $0x2710, s17;
	[sflag:s12] =	ssyncadd.s32 $0xFFFFEC00  }
0x51: {  	[spmem:s3] =	stream.indirect.scatter.add.f32 [tilespmem:s15], [sflag:$0x6], $0x80, s19, s14, $0xb8;
	[tilespmem:$0x1F220] =	vst v63  }
0x52: {  	_ =	swait.ge [sflag:s23], $0x1400  }
0x53: {  	[sflag:s23] =	ssyncset.done $0x0  }
0x54: {  	s19 =	sadd.s32 $0xC8, s17;
	[sflag:s23] =	ssyncadd.s32 $0xFFFFEC00  }
0x55: {  	[tilespmem:s15], [sflag:$0x1] =	stream.indirect.gather [hbm4b:s5+s14], $0x80, s19, s14, $0xb8;
	[tilespmem:$0x1F220] =	vst v63  }
0x56: {  	_ =	swait.ge [sflag:s13], $0x1400  }
0x57: {  	[sflag:s13] =	ssyncset.done $0x0  }
0x58: {  	s19 =	sadd.s32 $0x2738, s17;
	[sflag:s13] =	ssyncadd.s32 $0xFFFFEC00  }
0x59: {  	[spmem:s3] =	stream.indirect.scatter.add.f32 [tilespmem:s16], [sflag:$0x6], $0x80, s19, s14, $0xb8;
	[tilespmem:$0x1F220] =	vst v63  }
0x5a: {  	_ =	swait.ge [sflag:s23], $0x1400  }
0x5b: {  	[sflag:s23] =	ssyncset.done $0x0  }
0x5c: {  	s19 =	sadd.s32 $0xF0, s17;
	[sflag:s23] =	ssyncadd.s32 $0xFFFFEC00  }
0x5d: {  	[tilespmem:s16], [sflag:$0x2] =	stream.indirect.gather [hbm4b:s5+s14], $0x80, s19, s14, $0xb8;
	[tilespmem:$0x1F220] =	vst v63  }
0x5e: {  	_ =	swait.ge [sflag:s24], $0x1400  }
0x5f: {  	[sflag:s24] =	ssyncset.done $0x0  }
0x60: {  	s19 =	sadd.s32 $0x2760, s17;
	[sflag:s24] =	ssyncadd.s32 $0xFFFFEC00  }
0x61: {  	[spmem:s3] =	stream.indirect.scatter.add.f32 [tilespmem:s18], [sflag:$0x6], $0x80, s19, s14, $0xb8;
	[tilespmem:$0x1F220] =	vst v63  }
0x62: {  	_ =	swait.ge [sflag:s23], $0x1400  }
0x63: {  	[sflag:s23] =	ssyncset.done $0x0  }
0x64: {  	s19 =	sadd.s32 $0x118, s17;
	[sflag:s23] =	ssyncadd.s32 $0xFFFFEC00  }
0x65: {  	[tilespmem:s18], [sflag:$0x3] =	stream.indirect.gather [hbm4b:s5+s14], $0x80, s19, s14, $0xb8;
	[tilespmem:$0x1F220] =	vst v63  }
0x66: {  	_ =	swait.ge [sflag:s25], $0x1400  }
0x67: {  	[sflag:s25] =	ssyncset.done $0x0  }
0x68: {  	s19 =	sadd.s32 $0x2788, s17;
	[sflag:s25] =	ssyncadd.s32 $0xFFFFEC00  }
0x69: {  	[spmem:s3] =	stream.indirect.scatter.add.f32 [tilespmem:s20], [sflag:$0x6], $0x80, s19, s14, $0xb8;
	[tilespmem:$0x1F220] =	vst v63  }
0x6a: {  	_ =	swait.ge [sflag:s23], $0x1400  }
0x6b: {  	[sflag:s23] =	ssyncset.done $0x0  }
0x6c: {  	s19 =	sadd.s32 $0x140, s17;
	[sflag:s23] =	ssyncadd.s32 $0xFFFFEC00  }
0x6d: {  	[tilespmem:s20], [sflag:$0x4] =	stream.indirect.gather [hbm4b:s5+s14], $0x80, s19, s14, $0xb8;
	[tilespmem:$0x1F220] =	vst v63  }
0x6e: {  	_ =	swait.ge [sflag:s26], $0x1400  }
0x6f: {  	[sflag:s26] =	ssyncset.done $0x0  }
.Ltmp0:
0x70: {  	s19 =	sadd.s32 $0x27B0, s17;
	[sflag:s26] =	ssyncadd.s32 $0xFFFFEC00;
	(pc) =	sbr.rel @p0 .LBB2_2-.Ltmp0, $4  }
0x71: {  	[spmem:s3] =	stream.indirect.scatter.add.f32 [tilespmem:s22], [sflag:$0x6], $0x80, s19, s14, $0xb8;
	[tilespmem:$0x1F220] =	vst v63  }
0x72: {  	_ =	swait.ge [sflag:s23], $0x1400  }
0x73: {  	[sflag:s23] =	ssyncset.done $0x0  }
0x74: {  	s17 =	sadd.s32 $0x168, s17;
	[sflag:s23] =	ssyncadd.s32 $0xFFFFEC00  }
0x75: {  	[tilespmem:s22], [sflag:$0x5] =	stream.indirect.gather [hbm4b:s5+s14], $0x80, s17, s14, $0xb8;
	[tilespmem:$0x1F220] =	vst v63  }
0x76: {  	_ =	swait.ge [sflag:s12], $0x1400  }
0x77: {  	[sflag:s12] =	ssyncset.done $0x0  }
0x78: {  	[sflag:s12] =	ssyncadd.s32 $0xFFFFEC00  }
0x79: {  	[spmem:s3] =	stream.indirect.scatter.add.f32 [tilespmem:s15], [sflag:$0x6], $0x80, s28, s14, $0xb8;
	[tilespmem:$0x1F220] =	vst v63  }
0x7a: {  	_ =	swait.ge [sflag:s23], $0x1400  }
0x7b: {  	[sflag:s23] =	ssyncset.done $0x0  }
0x7c: {  	[sflag:s23] =	ssyncadd.s32 $0xFFFFEC00  }
0x7d: {  	_ =	swait.ge [sflag:s13], $0x1400  }
0x7e: {  	[sflag:s13] =	ssyncset.done $0x0  }
0x7f: {  	[sflag:s13] =	ssyncadd.s32 $0xFFFFEC00  }
0x80: {  	[spmem:s3] =	stream.indirect.scatter.add.f32 [tilespmem:s16], [sflag:$0x6], $0x80, s29, s14, $0xb8;
	[tilespmem:$0x1F220] =	vst v63  }
0x81: {  	_ =	swait.ge [sflag:s23], $0x1400  }
0x82: {  	[sflag:s23] =	ssyncset.done $0x0  }
0x83: {  	[sflag:s23] =	ssyncadd.s32 $0xFFFFEC00  }
0x84: {  	_ =	swait.ge [sflag:s24], $0x1400  }
0x85: {  	[sflag:s24] =	ssyncset.done $0x0  }
0x86: {  	[sflag:s24] =	ssyncadd.s32 $0xFFFFEC00  }
0x87: {  	[spmem:s3] =	stream.indirect.scatter.add.f32 [tilespmem:s18], [sflag:$0x6], $0x80, s30, s14, $0xb8;
	[tilespmem:$0x1F220] =	vst v63  }
0x88: {  	_ =	swait.ge [sflag:s23], $0x1400  }
0x89: {  	[sflag:s23] =	ssyncset.done $0x0  }
0x8a: {  	[sflag:s23] =	ssyncadd.s32 $0xFFFFEC00  }
0x8b: {  	_ =	swait.ge [sflag:s25], $0x1400  }
0x8c: {  	[sflag:s25] =	ssyncset.done $0x0  }
0x8d: {  	[sflag:s25] =	ssyncadd.s32 $0xFFFFEC00  }
0x8e: {  	[spmem:s3] =	stream.indirect.scatter.add.f32 [tilespmem:s20], [sflag:$0x6], $0x80, s31, s14, $0xb8;
	[tilespmem:$0x1F220] =	vst v63  }
0x8f: {  	_ =	swait.ge [sflag:s23], $0x1400  }
0x90: {  	[sflag:s23] =	ssyncset.done $0x0  }
0x91: {  	[sflag:s23] =	ssyncadd.s32 $0xFFFFEC00  }
0x92: {  	_ =	swait.ge [sflag:s26], $0x1400  }
0x93: {  	[sflag:s26] =	ssyncset.done $0x0  }
0x94: {  	[sflag:s26] =	ssyncadd.s32 $0xFFFFEC00  }
0x95: {  	[spmem:s3] =	stream.indirect.scatter.add.f32 [tilespmem:s22], [sflag:$0x6], $0x80, s0, s14, $0xb8;
	[tilespmem:$0x1F220] =	vst v63  }
0x96: {  	_ =	swait.ge [sflag:s23], $0x1400  }
0x97: {  	s1 =	sadd.s32 $0x1, s1;
	[sflag:s23] =	ssyncset.done $0x0  }
0x98: {  	p0 =	sne.s32 s1, s10;
	[sflag:s23] =	ssyncadd.s32 $0xFFFFEC00  }
.Ltmp1:
0x99: {  	s2 =	sor.u32 $0x1C06, s6;
	[bflag:$0x0] =	sbarrier.arrive $0xFFFF;
	(pc) =	sbr.rel @p0 .LBB2_1-.Ltmp1, $4  }
0x9a: {  	[hbm:s9], [sflag:s2] =	dma.local [spmem:s11], $0x2800  }
0x9b: {  	_ =	swait.ge [sflag:s23], $0x2800  }
0x9c: {  	[sflag:s23] =	ssyncset.done $0x0  }
0x9d: {  	[sflag:s23] =	ssyncadd.s32 $0xFFFFD800  }
0x9e: {  	_ =	sfence.sel $0x180000  }
0x9f: {  	[bflag:$0x0] =	sbarrier.arrive $0xFFFF  }
0xa0: {  	_ =	strace $0x9000004D  }
0xa1: {  	s0 =	stileid.u32;
	[bflag:$0x2] =	sbarrier.arrive $0xFFFF  }
0xa2: {  	p0 =	sne.s32 s0, $0x0;
	s0 =	rddreg [dreg:$0x3]  }
0xa3: {  	s0 =	sadd.s32 @!p0 $0x100000, s0  }
0xa4: {  	[sflag:s0] =	ssyncadd.tile.s32 @!p0 $0x1;
	_ =	shalt  }
.Lfunc_end2:
_tile_overlayer_lowered:
.L_overlay_start_2:
0xa5: {  	(tag) =	ssettag $0x2  }
0xa6: {  	s0 =	rddreg [dreg:$0x0];
	s2 =	stileid.u32  }
0xa7: {  	s1 =	rddreg [dreg:$0x1];
	p0 =	sne.s32 s2, $0x0  }
0xa8: {  	s3 =	rddreg [dreg:$0x2];
	[bflag:$0x3] =	sbarrier.arrive $0xFFFF;
	s2 =	simm.s32 @!p0 $0x1C06  }
0xa9: {  	[timem:s3], [sflag:s2] =	dma.local @!p0 [hbm:s0], s1  }
0xaa: {  	s0 =	simm.s32 @!p0 $0x6  }
0xab: {  	_ =	swait.ge @!p0 [sflag:s0], s1  }
0xac: {  	s1 =	ssub.s32 @!p0 $0x0, s1;
	[sflag:s0] =	ssyncset.done @!p0 $0x0  }
0xad: {  	[sflag:s0] =	ssyncadd.s32 @!p0 s1  }
0xae: {  	[bflag:$0x3] =	sbarrier.arrive $0xFFFF  }
0xaf: {  	_ =	shalt  }

// kernel: kernel.20.cloned.1.call-start
scs
__scs_entry_jumppad:
0x0: {  	(pc) =	sbr.rel $0x88, $3  }
0x1: {  	(tag) =	ssettag $0x0;
	lr =	simm.s32 $0x1  }
0x2: {  	[smem:$0x3F91] =	sst lr;
	_ =	strace $0xD0000000  }
0x3: {  	_ = 	snop  }
0x4: {  	_ = 	snop  }
0x5: {  	_ = 	snop  }
0x6: {  	_ = 	snop  }
0x7: {  	_ = 	snop  }
__scs_overlays_trampoline_lowered:
0x8: {  	[smem:$0x3FA0] =	sst s0  }
0x9: {  	[smem:$0x3FA1] =	sst s1  }
0xa: {  	[smem:$0x3FA2] =	sst s2  }
0xb: {  	[smem:$0x3FA3] =	sst s3  }
0xc: {  	[smem:$0x3FA4] =	sst s4  }
0xd: {  	[smem:$0x3FA5] =	sst s5  }
0xe: {  	[smem:$0x3FA6] =	sst s6  }
0xf: {  	[smem:$0x3FA7] =	sst s7  }
0x10: {  	[smem:$0x3FA8] =	sst s8  }
0x11: {  	[smem:$0x3FA9] =	sst s9;
	s0 =	simm.s32 @!p0 $0x0  }
0x12: {  	s1 =	sld [smem:$0x3F8F];
	s0 =	simm.s32 @p0 $0x1  }
0x13: {  	[smem:$0x3FAA] =	sst s0;
	s0 =	simm.s32 @!p1 $0x0  }
0x14: {  	s2 =	sld [smem:$0x3F8E];
	s0 =	simm.s32 @p1 $0x1  }
0x15: {  	[smem:$0x3FAB] =	sst s0;
	s0 =	simm.s32 @!p2 $0x0  }
0x16: {  	s3 =	sld [smem:$0x3FDB];
	s0 =	simm.s32 @p2 $0x1  }
0x17: {  	s4 =	simm.s32 $0x1BF5;
	[smem:$0x3FAD] =	sst s0  }
0x18: {  	s0 =	sld [smem:$0x3F90];
	_ =	swait.ge [sflag:s4], $0x0  }
0x19: {  	s7 =	sld [smem:$0x3F91]  }
0x1a: {  	s8 =	sadd.s32 $0xFFFFE003, lr  }
0x1b: {  	s9 =	sadd.s32 $0xFFFFFEF7, lr;
	s5 =	simm.s32 $0xFFFFFFFF;
	p2 =	slt.u32 s8, $0xFFFFF086  }
0x1c: {  	p1 =	slt.u32 s9, $0xF7A;
	s5 =	simm.s32 @!p2 $0x0  }
0x1d: {  	s5 =	simm.s32 @p1 $0x1;
	p0 =	seq.s32 s7, s2  }
0x1e: {  	s7 =	smul.u32 @!p0 $0xF7A, s2;
	p2 =	seq.s32 @!p0 s5, $0x0  }
0x1f: {  	s9 =	smul.u32 $0xF7A, s1;
	s8 =	simm.s32 @!p0 $0x1BF5;
	p2 =	por !p2, p0  }
0x20: {  	[sflag:s8] =	ssyncset.s32 @!p0 $0xFFFFF086;
	s6 =	sadd.s32 @!p0 s3, s7;
	s7 =	simm.s32 @!p0 $0x108  }
0x21: {  	s3 =	sadd.s32 s3, s9;
	s6 =	sadd.s32 @!p0 $0x88, s6;
	s7 =	simm.s32 @p2 $0x1082  }
0x22: {  	[simem:s7], [sflag:s8] =	dma.local @!p0 [hbm:s6], $0xF7A  }
0x23: {  	s9 =	sor.u32 $0xD0000000, s2;
	s6 =	simm.s32 $0x108;
	_ =	swait.ge @!p0 [sflag:s8], $0x0  }
0x24: {  	s3 =	sadd.s32 $0x88, s3;
	s6 =	simm.s32 @!p1 $0x1082;
	[sflag:s4] =	ssyncset.s32 $0xFFFFF086  }
0x25: {  	[simem:s6], [sflag:s4] =	dma.local [hbm:s3], $0xF7A  }
0x26: {  	[smem:$0x3F91] =	sst s1;
	(tag) =	ssettag s2;
	_ =	strace s9  }
0x27: {  	s1 =	sld [smem:$0x3FA1]  }
0x28: {  	s2 =	sld [smem:$0x3FA2]  }
0x29: {  	s4 =	sld [smem:$0x3FA4]  }
0x2a: {  	p0 =	seq.s32 s5, $0x0;
	s5 =	sld [smem:$0x3FA5]  }
0x2b: {  	s6 =	sld [smem:$0x3FA6]  }
0x2c: {  	s7 =	sld [smem:$0x3FA7]  }
0x2d: {  	s3 =	simm.s32 $0x108;
	s8 =	sld [smem:$0x3FA8]  }
0x2e: {  	s3 =	simm.s32 @!p0 $0x1082;
	s9 =	sld [smem:$0x3FA9]  }
0x2f: {  	lr =	sadd.s32 s0, s3;
	s0 =	sld [smem:$0x3FA0]  }
0x30: {  	s3 =	sld [smem:$0x3FA3]  }
0x31: {  	[smem:$0x3FAC] =	sst s10  }
0x32: {  	s10 =	sld [smem:$0x3FAA];
	_ =	sdelay $0x3  }
0x33: {  	p0 =	seq.s32 s10, $0x1;
	s10 =	sld [smem:$0x3FAC];
	_ =	sdelay $0x3  }
0x34: {  	[smem:$0x3FAC] =	sst s10  }
0x35: {  	s10 =	sld [smem:$0x3FAB];
	_ =	sdelay $0x3  }
0x36: {  	p1 =	seq.s32 s10, $0x1;
	s10 =	sld [smem:$0x3FAC];
	_ =	sdelay $0x3  }
0x37: {  	[smem:$0x3FAC] =	sst s10  }
0x38: {  	s10 =	sld [smem:$0x3FAD]  }
0x39: {  	_ = 	snop;
	(pc) =	sbr.ind lr, $3  }
0x3a: {  	_ = 	snop  }
0x3b: {  	_ = 	snop  }
0x3c: {  	p2 =	seq.s32 s10, $0x1;
	s10 =	sld [smem:$0x3FAC]  }
0x3d: {  	_ =	shalt  }
0x3e: {  	_ =	shalt  }
0x3f: {  	_ =	shalt  }
0x40: {  	_ =	shalt  }
0x41: {  	_ =	shalt  }
0x42: {  	_ =	shalt  }
0x43: {  	_ =	shalt  }
0x44: {  	_ =	shalt  }
0x45: {  	_ =	shalt  }
0x46: {  	_ =	shalt  }
0x47: {  	_ =	shalt  }
0x48: {  	_ =	shalt  }
0x49: {  	_ =	shalt  }
0x4a: {  	_ =	shalt  }
0x4b: {  	_ =	shalt  }
0x4c: {  	_ =	shalt  }
0x4d: {  	_ =	shalt  }
0x4e: {  	_ =	shalt  }
0x4f: {  	_ =	shalt  }
0x50: {  	_ =	shalt  }
0x51: {  	_ =	shalt  }
0x52: {  	_ =	shalt  }
0x53: {  	_ =	shalt  }
0x54: {  	_ =	shalt  }
0x55: {  	_ =	shalt  }
0x56: {  	_ =	shalt  }
0x57: {  	_ =	shalt  }
0x58: {  	_ =	shalt  }
0x59: {  	_ =	shalt  }
0x5a: {  	_ =	shalt  }
0x5b: {  	_ =	shalt  }
0x5c: {  	_ =	shalt  }
0x5d: {  	_ =	shalt  }
0x5e: {  	_ =	shalt  }
0x5f: {  	_ =	shalt  }
0x60: {  	_ =	shalt  }
0x61: {  	_ =	shalt  }
0x62: {  	_ =	shalt  }
0x63: {  	_ =	shalt  }
0x64: {  	_ =	shalt  }
0x65: {  	_ =	shalt  }
0x66: {  	_ =	shalt  }
0x67: {  	_ =	shalt  }
0x68: {  	_ =	shalt  }
0x69: {  	_ =	shalt  }
0x6a: {  	_ =	shalt  }
0x6b: {  	_ =	shalt  }
0x6c: {  	_ =	shalt  }
0x6d: {  	_ =	shalt  }
0x6e: {  	_ =	shalt  }
0x6f: {  	_ =	shalt  }
0x70: {  	_ =	shalt  }
0x71: {  	_ =	shalt  }
0x72: {  	_ =	shalt  }
0x73: {  	_ =	shalt  }
0x74: {  	_ =	shalt  }
0x75: {  	_ =	shalt  }
0x76: {  	_ =	shalt  }
0x77: {  	_ =	shalt  }
0x78: {  	_ =	shalt  }
0x79: {  	_ =	shalt  }
0x7a: {  	_ =	shalt  }
0x7b: {  	_ =	shalt  }
0x7c: {  	_ =	shalt  }
0x7d: {  	_ =	shalt  }
0x7e: {  	_ =	shalt  }
0x7f: {  	_ =	shalt  }
0x80: {  	_ =	shalt  }
0x81: {  	_ =	shalt  }
0x82: {  	_ =	shalt  }
0x83: {  	_ =	shalt  }
0x84: {  	_ =	shalt  }
0x85: {  	_ =	shalt  }
0x86: {  	_ =	shalt  }
0x87: {  	_ =	shalt  }
.Lfunc_end0:
.L_simem_size_0:
called_computation.3_lowered:
.L_overlay_start_0:
0x88: {  	s2 =	sld [smem:$0x3FD9]  }
0x89: {  	s3 =	sld [smem:$0x3FFE];
	_ =	sdelay $0x1  }
0x8a: {  	s1 =	srdreg.scid  }
0x8b: {  	s0 =	sand.u32 $0x1, s1  }
0x8c: {  	s17 =	sshll.u32 s0, $0xA;
	s2 =	sadd.s32 s3, s2  }
0x8d: {  	s2 =	sadd.s32 s2, s17  }
0x8e: {  	[smem:$0x3FB8] =	sst s2  }
0x8f: {  	_ = 	snop  }
0x90: {  	s2 =	sld [smem:$0x3FD0];
	(tm) =	ssettm $0x1  }
0x91: {  	s18 =	sld [smem:$0x3FFB];
	_ =	sdelay $0x3  }
0x92: {  	_ =	strace s18  }
0x93: {  	s3 =	sld [smem:$0x3FFC];
	_ =	sdelay $0x3  }
0x94: {  	_ =	strace s3  }
0x95: {  	s3 =	sld [smem:$0x3FFD];
	_ =	sdelay $0x3  }
0x96: {  	_ =	strace s3  }
0x97: {  	_ =	strace $0x8FFFFFFF  }
0x98: {  	s19 =	sld [smem:$0x3FDB];
	_ =	sdelay $0x1  }
0x99: {  	s4 =	simm.s32 $_scs_section_size  }
0x9a: {  	s5 =	simm.s32 $_size__tile_overlayer_lowered;
	s6 =	simm.s32 $_tile_overlayer_lowered  }
0x9b: {  	s22 =	simm.s32 $0x1BFF;
	s21 =	sshll.u32 s6, $0x1;
	s3 =	sadd.s32 s4, s19  }
0x9c: {  	s7 =	simm.s32 $0x0;
	s20 =	sshll.u32 s5, $0x1;
	s5 =	sadd.s32 s21, s3  }
0x9d: {  	[timem:s7], [sflag:s22] =	dma.local [hbm:s5], s20  }
0x9e: {  	_ =	swait.ge [sflag:s22], s20  }
0x9f: {  	s4 =	ssub.s32 $0x0, s20;
	[sflag:s22] =	ssyncset.done $0x0  }
0xa0: {  	[sflag:s22] =	ssyncadd.s32 s4;
	_ =	sdelay $0x1  }
0xa1: {  	s23 =	simm.s32 $0x1B8B  }
0xa2: {  	_ =	swait.ge [sflag:s23], $0x1  }
0xa3: {  	[sflag:s23] =	ssyncset.done $0x0  }
0xa4: {  	s25 =	simm.s32 $0x1B8E;
	s24 =	sld [smem:$0x3FFE];
	[sflag:s23] =	ssyncadd.s32 $0xFFFFFFFF  }
0xa5: {  	s26 =	simm.s32 $execute0_lowered;
	[smem:$0x3FD2] =	sst s25  }
0xa6: {  	s5 =	sshll.u32 s26, $0x1;
	_ =	strace $0x8000004F;
	[dreg:$0x1] =	wrdreg $0xFFFFFFFF  }
0xa7: {  	s28 =	simm.s32 $_size_execute0_lowered;
	s3 =	sadd.s32 s3, s5;
	[dreg:$0x0] =	wrdreg $0x0  }
0xa8: {  	s5 =	sshll.u32 s28, $0x1;
	[dreg:$0x2] =	wrdreg s3  }
0xa9: {  	[dreg:$0x3] =	wrdreg s5  }
0xaa: {  	[dreg:$0x4] =	wrdreg $0xC0  }
0xab: {  	_ =	task [dreg:s7], $0x5FFFF  }
0xac: {  	[dreg:$0x1] =	wrdreg $0xFFFFFFFF  }
0xad: {  	[dreg:$0x0] =	wrdreg $0x60  }
0xae: {  	[dreg:$0x2] =	wrdreg s24  }
0xaf: {  	[dreg:$0x3] =	wrdreg s2  }
0xb0: {  	[dreg:$0x4] =	wrdreg $0xB2200  }
0xb1: {  	[dreg:$0x5] =	wrdreg $0x9  }
0xb2: {  	_ =	task.clear_ibuf [dreg:s7], $0x6FFFF;
	_ =	strace $0x9000004F  }
0xb3: {  	s29 =	simm.s32 $0x9;
	_ =	strace $0x80000051  }
0xb4: {  	_ =	swait.ge [sflag:s29], $0x1  }
0xb5: {  	[sflag:s29] =	ssyncadd.s32 $0xFFFFFFFF  }
0xb6: {  	_ =	strace $0x90000051  }
0xb7: {  	_ =	sfence  }
0xb8: {  	s30 =	sld [smem:$0x0];
	_ =	sdelay $0x2  }
0xb9: {  	s31 =	sshll.u32 s1, $0xD;
	s1 =	sshrl.u32 s1, $0x2  }
0xba: {  	s3 =	sand.u32 $0x4000, s31;
	s1 =	sadd.s32 s1, s30  }
0xbb: {  	s0 =	sor.u32 s3, s0;
	s1 =	sshll.u32 s1, $0x11  }
0xbc: {  	s0 =	sor.u32 s1, s0  }
0xbd: {  	s0 =	sadd.s32 $0x8F2B, s0  }
0xbe: {  	[sflag:s0] =	ssyncadd.remote.s32 $0x1  }
0xbf: {  	_ =	sfence.sel $0xFFFF  }
0xc0: {  	[dreg:$0x0] =	wrdreg $0xFFFFFFFF;
	(pc) =	sbr.abs _section_cstart, $3  }
0xc1: {  	[dreg:$0x1] =	wrdreg $0xFFFFFFFF  }
0xc2: {  	_ =	task.clear_ibuf [dreg:s7], $0x2FFFF;
	_ =	strace $0x9FFFFFFF  }
0xc3: {  	(tm) =	ssettm $0x7FFFFFFF  }
tec
execute0_lowered:
.L_overlay_start_1:
0x0: {  	(tag) =	ssettag $0x1  }
0x1: {  	s0 =	rddreg [dreg:$0x0]  }
0x2: {  	s3 =	rddreg [dreg:$0x2]  }
0x3: {  	s1 =	srdreg.scid;
	s9 =	stileid.u32;
	s4 =	simm.s32 $0x0  }
0x4: {  	s12 =	simm.s32 $0x1;
	s13 =	simm.s32 $0x2;
	s14 =	simm.s32 $0x28  }
0x5: {  	s15 =	simm.s32 $0x4E20;
	s16 =	simm.s32 $0x6220;
	s18 =	simm.s32 $0x7620  }
0x6: {  	s20 =	simm.s32 $0x8A20;
	s21 =	simm.s32 $0xA0;
	s22 =	simm.s32 $0x9E20  }
0x7: {  	s23 =	simm.s32 $0x6;
	s24 =	simm.s32 $0x3;
	s25 =	simm.s32 $0x4  }
0x8: {  	s28 =	simm.s32 $0x4D58;
	s29 =	simm.s32 $0x4D80;
	s30 =	simm.s32 $0x4DA8  }
0x9: {  	s31 =	simm.s32 $0x4DD0;
	s1 =	sand.u32 $0x1, s1;
	s8 =	smul.u32 $0x14000, s9  }
0xa: {  	[smem:$0x7FF] =	sst s4;
	s5 =	sadd.s32 $0x18200, s0;
	s2 =	sshll.u32 s1, $0x4  }
0xb: {  	s6 =	smul.u32 $0x140000, s1;
	_ =	strace $0x80000050;
	s1 =	ssub.s32 $0x2, s1  }
0xc: {  	s2 =	sor.u32 s9, s2;
	s7 =	sshrl.u32 s1, $0x1;
	s26 =	sadd.s32 s8, s3  }
0xd: {  	s2 =	smul.u32 $0x9C4, s2;
	s6 =	sadd.s32 s8, s6;
	s1 =	ssub.s32 s1, s7  }
0xe: {  	s11 =	sshrl.u32 s26, $0x3;
	s26 =	simm.s32 $0x5;
	s6 =	sshrl.u32 s6, $0x3  }
0xf: {  	s10 =	smax.u32 s1, $0x1;
	s1 =	simm.s32 $0x0;
	s2 =	sadd.s32 s2, s0  }
0x10: {  	s0 =	sadd.s32 s6, s0;
	s6 =	sshll.u32 s9, $0x6;
	s7 =	sadd.s32 $0x4800, s2  }
0x11: {  	s8 =	sor.u32 $0x1C02, s6;
	s9 =	sadd.s32 $0x3F400, s0;
	s0 =	simm.s32 $0x4DF8  }
.LBB2_1:
0x12: {  	[tilespmem:s4], [sflag:$0x1] =	stream.linear.gather [hbm4b:s7+s4], $0x4E20, $0x38;
	[tilespmem:$0x1F220] =	vst v63  }
0x13: {  	s2 =	rddreg [dreg:$0x1]  }
0x14: {  	[spmem:s11], [sflag:s8] =	dma.local [hbm:s2], $0x2800  }
0x15: {  	_ =	swait.ge [sflag:s12], $0x4E20  }
0x16: {  	[sflag:s12] =	ssyncset.done $0x0  }
0x17: {  	[sflag:s12] =	ssyncadd.s32 $0xFFFFB1E0  }
0x18: {  	_ =	swait.ge [sflag:s13], $0x2800  }
0x19: {  	[sflag:s13] =	ssyncset.done $0x0  }
0x1a: {  	[sflag:s13] =	ssyncadd.s32 $0xFFFFD800  }
0x1b: {  	[bflag:$0x0] =	sbarrier.arrive $0xFFFF  }
0x1c: {  	[tilespmem:s15], [sflag:$0x1] =	stream.indirect.gather [hbm4b:s5+s14], $0x80, s4, s14, $0xb8;
	[tilespmem:$0x1F220] =	vst v63  }
0x1d: {  	_ = 	snop  }
0x1e: {  	[tilespmem:s16], [sflag:$0x2] =	stream.indirect.gather [hbm4b:s5+s14], $0x80, s14, s14, $0xb8;
	[tilespmem:$0x1F220] =	vst v63  }
0x1f: {  	s19 =	simm.s32 $0x50  }
0x20: {  	[tilespmem:s18], [sflag:$0x3] =	stream.indirect.gather [hbm4b:s5+s14], $0x80, s19, s14, $0xb8;
	[tilespmem:$0x1F220] =	vst v63  }
0x21: {  	s17 =	simm.s32 $0x78  }
0x22: {  	[tilespmem:s20], [sflag:$0x4] =	stream.indirect.gather [hbm4b:s5+s14], $0x80, s17, s14, $0xb8;
	[tilespmem:$0x1F220] =	vst v63  }
0x23: {  	_ = 	snop  }
0x24: {  	[tilespmem:s22], [sflag:$0x5] =	stream.indirect.gather [hbm4b:s5+s14], $0x80, s21, s14, $0xb8;
	[tilespmem:$0x1F220] =	vst v63  }
0x25: {  	_ =	swait.ge [sflag:s12], $0x1400  }
0x26: {  	[sflag:s12] =	ssyncset.done $0x0  }
0x27: {  	s19 =	simm.s32 $0x2710;
	[sflag:s12] =	ssyncadd.s32 $0xFFFFEC00  }
0x28: {  	[spmem:s3] =	stream.indirect.scatter.add.f32 [tilespmem:s15], [sflag:$0x6], $0x80, s19, s14, $0xb8;
	[tilespmem:$0x1F220] =	vst v63  }
0x29: {  	_ =	swait.ge [sflag:s23], $0x1400  }
0x2a: {  	[sflag:s23] =	ssyncset.done $0x0  }
0x2b: {  	s17 =	simm.s32 $0xC8;
	[sflag:s23] =	ssyncadd.s32 $0xFFFFEC00  }
0x2c: {  	[tilespmem:s15], [sflag:$0x1] =	stream.indirect.gather [hbm4b:s5+s14], $0x80, s17, s14, $0xb8;
	[tilespmem:$0x1F220] =	vst v63  }
0x2d: {  	_ =	swait.ge [sflag:s13], $0x1400  }
0x2e: {  	[sflag:s13] =	ssyncset.done $0x0  }
0x2f: {  	s19 =	simm.s32 $0x2738;
	[sflag:s13] =	ssyncadd.s32 $0xFFFFEC00  }
0x30: {  	[spmem:s3] =	stream.indirect.scatter.add.f32 [tilespmem:s16], [sflag:$0x6], $0x80, s19, s14, $0xb8;
	[tilespmem:$0x1F220] =	vst v63  }
0x31: {  	_ =	swait.ge [sflag:s23], $0x1400  }
0x32: {  	[sflag:s23] =	ssyncset.done $0x0  }
0x33: {  	s17 =	simm.s32 $0xF0;
	[sflag:s23] =	ssyncadd.s32 $0xFFFFEC00  }
0x34: {  	[tilespmem:s16], [sflag:$0x2] =	stream.indirect.gather [hbm4b:s5+s14], $0x80, s17, s14, $0xb8;
	[tilespmem:$0x1F220] =	vst v63  }
0x35: {  	_ =	swait.ge [sflag:s24], $0x1400  }
0x36: {  	[sflag:s24] =	ssyncset.done $0x0  }
0x37: {  	s19 =	simm.s32 $0x2760;
	[sflag:s24] =	ssyncadd.s32 $0xFFFFEC00  }
0x38: {  	[spmem:s3] =	stream.indirect.scatter.add.f32 [tilespmem:s18], [sflag:$0x6], $0x80, s19, s14, $0xb8;
	[tilespmem:$0x1F220] =	vst v63  }
0x39: {  	_ =	swait.ge [sflag:s23], $0x1400  }
0x3a: {  	[sflag:s23] =	ssyncset.done $0x0  }
0x3b: {  	s17 =	simm.s32 $0x118;
	[sflag:s23] =	ssyncadd.s32 $0xFFFFEC00  }
0x3c: {  	[tilespmem:s18], [sflag:$0x3] =	stream.indirect.gather [hbm4b:s5+s14], $0x80, s17, s14, $0xb8;
	[tilespmem:$0x1F220] =	vst v63  }
0x3d: {  	_ =	swait.ge [sflag:s25], $0x1400  }
0x3e: {  	[sflag:s25] =	ssyncset.done $0x0  }
0x3f: {  	s19 =	simm.s32 $0x2788;
	[sflag:s25] =	ssyncadd.s32 $0xFFFFEC00  }
0x40: {  	[spmem:s3] =	stream.indirect.scatter.add.f32 [tilespmem:s20], [sflag:$0x6], $0x80, s19, s14, $0xb8;
	[tilespmem:$0x1F220] =	vst v63  }
0x41: {  	_ =	swait.ge [sflag:s23], $0x1400  }
0x42: {  	[sflag:s23] =	ssyncset.done $0x0  }
0x43: {  	s17 =	simm.s32 $0x140;
	[sflag:s23] =	ssyncadd.s32 $0xFFFFEC00  }
0x44: {  	[tilespmem:s20], [sflag:$0x4] =	stream.indirect.gather [hbm4b:s5+s14], $0x80, s17, s14, $0xb8;
	[tilespmem:$0x1F220] =	vst v63  }
0x45: {  	_ =	swait.ge [sflag:s26], $0x1400  }
0x46: {  	[sflag:s26] =	ssyncset.done $0x0  }
0x47: {  	s19 =	simm.s32 $0x27B0;
	[sflag:s26] =	ssyncadd.s32 $0xFFFFEC00  }
0x48: {  	[spmem:s3] =	stream.indirect.scatter.add.f32 [tilespmem:s22], [sflag:$0x6], $0x80, s19, s14, $0xb8;
	[tilespmem:$0x1F220] =	vst v63  }
0x49: {  	_ =	swait.ge [sflag:s23], $0x1400  }
0x4a: {  	[sflag:s23] =	ssyncset.done $0x0  }
0x4b: {  	s2 =	simm.s32 $0x320;
	s17 =	simm.s32 $0x168;
	[sflag:s23] =	ssyncadd.s32 $0xFFFFEC00  }
.LBB2_2:
0x4c: {  	[tilespmem:s22], [sflag:$0x5] =	stream.indirect.gather [hbm4b:s5+s14], $0x80, s17, s14, $0xb8;
	[tilespmem:$0x1F220] =	vst v63  }
0x4d: {  	s17 =	smov.u32 s2  }
0x4e: {  	p0 =	sne.s32 s2, $0x9600;
	s2 =	sadd.s32 $0x320, s2;
	_ =	swait.ge [sflag:s12], $0x1400  }
0x4f: {  	s17 =	sshra.s32 s17, $0x2;
	[sflag:s12] =	ssyncset.done $0x0  }
0x50: {  	s19 =	sadd.s32 $0x2710, s17;
	[sflag:s12] =	ssyncadd.s32 $0xFFFFEC00  }
0x51: {  	[spmem:s3] =	stream.indirect.scatter.add.f32 [tilespmem:s15], [sflag:$0x6], $0x80, s19, s14, $0xb8;
	[tilespmem:$0x1F220] =	vst v63  }
0x52: {  	_ =	swait.ge [sflag:s23], $0x1400  }
0x53: {  	[sflag:s23] =	ssyncset.done $0x0  }
0x54: {  	s19 =	sadd.s32 $0xC8, s17;
	[sflag:s23] =	ssyncadd.s32 $0xFFFFEC00  }
0x55: {  	[tilespmem:s15], [sflag:$0x1] =	stream.indirect.gather [hbm4b:s5+s14], $0x80, s19, s14, $0xb8;
	[tilespmem:$0x1F220] =	vst v63  }
0x56: {  	_ =	swait.ge [sflag:s13], $0x1400  }
0x57: {  	[sflag:s13] =	ssyncset.done $0x0  }
0x58: {  	s19 =	sadd.s32 $0x2738, s17;
	[sflag:s13] =	ssyncadd.s32 $0xFFFFEC00  }
0x59: {  	[spmem:s3] =	stream.indirect.scatter.add.f32 [tilespmem:s16], [sflag:$0x6], $0x80, s19, s14, $0xb8;
	[tilespmem:$0x1F220] =	vst v63  }
0x5a: {  	_ =	swait.ge [sflag:s23], $0x1400  }
0x5b: {  	[sflag:s23] =	ssyncset.done $0x0  }
0x5c: {  	s19 =	sadd.s32 $0xF0, s17;
	[sflag:s23] =	ssyncadd.s32 $0xFFFFEC00  }
0x5d: {  	[tilespmem:s16], [sflag:$0x2] =	stream.indirect.gather [hbm4b:s5+s14], $0x80, s19, s14, $0xb8;
	[tilespmem:$0x1F220] =	vst v63  }
0x5e: {  	_ =	swait.ge [sflag:s24], $0x1400  }
0x5f: {  	[sflag:s24] =	ssyncset.done $0x0  }
0x60: {  	s19 =	sadd.s32 $0x2760, s17;
	[sflag:s24] =	ssyncadd.s32 $0xFFFFEC00  }
0x61: {  	[spmem:s3] =	stream.indirect.scatter.add.f32 [tilespmem:s18], [sflag:$0x6], $0x80, s19, s14, $0xb8;
	[tilespmem:$0x1F220] =	vst v63  }
0x62: {  	_ =	swait.ge [sflag:s23], $0x1400  }
0x63: {  	[sflag:s23] =	ssyncset.done $0x0  }
0x64: {  	s19 =	sadd.s32 $0x118, s17;
	[sflag:s23] =	ssyncadd.s32 $0xFFFFEC00  }
0x65: {  	[tilespmem:s18], [sflag:$0x3] =	stream.indirect.gather [hbm4b:s5+s14], $0x80, s19, s14, $0xb8;
	[tilespmem:$0x1F220] =	vst v63  }
0x66: {  	_ =	swait.ge [sflag:s25], $0x1400  }
0x67: {  	[sflag:s25] =	ssyncset.done $0x0  }
0x68: {  	s19 =	sadd.s32 $0x2788, s17;
	[sflag:s25] =	ssyncadd.s32 $0xFFFFEC00  }
0x69: {  	[spmem:s3] =	stream.indirect.scatter.add.f32 [tilespmem:s20], [sflag:$0x6], $0x80, s19, s14, $0xb8;
	[tilespmem:$0x1F220] =	vst v63  }
0x6a: {  	_ =	swait.ge [sflag:s23], $0x1400  }
0x6b: {  	[sflag:s23] =	ssyncset.done $0x0  }
0x6c: {  	s19 =	sadd.s32 $0x140, s17;
	[sflag:s23] =	ssyncadd.s32 $0xFFFFEC00  }
0x6d: {  	[tilespmem:s20], [sflag:$0x4] =	stream.indirect.gather [hbm4b:s5+s14], $0x80, s19, s14, $0xb8;
	[tilespmem:$0x1F220] =	vst v63  }
0x6e: {  	_ =	swait.ge [sflag:s26], $0x1400  }
0x6f: {  	[sflag:s26] =	ssyncset.done $0x0  }
.Ltmp0:
0x70: {  	s19 =	sadd.s32 $0x27B0, s17;
	[sflag:s26] =	ssyncadd.s32 $0xFFFFEC00;
	(pc) =	sbr.rel @p0 .LBB2_2-.Ltmp0, $4  }
0x71: {  	[spmem:s3] =	stream.indirect.scatter.add.f32 [tilespmem:s22], [sflag:$0x6], $0x80, s19, s14, $0xb8;
	[tilespmem:$0x1F220] =	vst v63  }
0x72: {  	_ =	swait.ge [sflag:s23], $0x1400  }
0x73: {  	[sflag:s23] =	ssyncset.done $0x0  }
0x74: {  	s17 =	sadd.s32 $0x168, s17;
	[sflag:s23] =	ssyncadd.s32 $0xFFFFEC00  }
0x75: {  	[tilespmem:s22], [sflag:$0x5] =	stream.indirect.gather [hbm4b:s5+s14], $0x80, s17, s14, $0xb8;
	[tilespmem:$0x1F220] =	vst v63  }
0x76: {  	_ =	swait.ge [sflag:s12], $0x1400  }
0x77: {  	[sflag:s12] =	ssyncset.done $0x0  }
0x78: {  	[sflag:s12] =	ssyncadd.s32 $0xFFFFEC00  }
0x79: {  	[spmem:s3] =	stream.indirect.scatter.add.f32 [tilespmem:s15], [sflag:$0x6], $0x80, s28, s14, $0xb8;
	[tilespmem:$0x1F220] =	vst v63  }
0x7a: {  	_ =	swait.ge [sflag:s23], $0x1400  }
0x7b: {  	[sflag:s23] =	ssyncset.done $0x0  }
0x7c: {  	[sflag:s23] =	ssyncadd.s32 $0xFFFFEC00  }
0x7d: {  	_ =	swait.ge [sflag:s13], $0x1400  }
0x7e: {  	[sflag:s13] =	ssyncset.done $0x0  }
0x7f: {  	[sflag:s13] =	ssyncadd.s32 $0xFFFFEC00  }
0x80: {  	[spmem:s3] =	stream.indirect.scatter.add.f32 [tilespmem:s16], [sflag:$0x6], $0x80, s29, s14, $0xb8;
	[tilespmem:$0x1F220] =	vst v63  }
0x81: {  	_ =	swait.ge [sflag:s23], $0x1400  }
0x82: {  	[sflag:s23] =	ssyncset.done $0x0  }
0x83: {  	[sflag:s23] =	ssyncadd.s32 $0xFFFFEC00  }
0x84: {  	_ =	swait.ge [sflag:s24], $0x1400  }
0x85: {  	[sflag:s24] =	ssyncset.done $0x0  }
0x86: {  	[sflag:s24] =	ssyncadd.s32 $0xFFFFEC00  }
0x87: {  	[spmem:s3] =	stream.indirect.scatter.add.f32 [tilespmem:s18], [sflag:$0x6], $0x80, s30, s14, $0xb8;
	[tilespmem:$0x1F220] =	vst v63  }
0x88: {  	_ =	swait.ge [sflag:s23], $0x1400  }
0x89: {  	[sflag:s23] =	ssyncset.done $0x0  }
0x8a: {  	[sflag:s23] =	ssyncadd.s32 $0xFFFFEC00  }
0x8b: {  	_ =	swait.ge [sflag:s25], $0x1400  }
0x8c: {  	[sflag:s25] =	ssyncset.done $0x0  }
0x8d: {  	[sflag:s25] =	ssyncadd.s32 $0xFFFFEC00  }
0x8e: {  	[spmem:s3] =	stream.indirect.scatter.add.f32 [tilespmem:s20], [sflag:$0x6], $0x80, s31, s14, $0xb8;
	[tilespmem:$0x1F220] =	vst v63  }
0x8f: {  	_ =	swait.ge [sflag:s23], $0x1400  }
0x90: {  	[sflag:s23] =	ssyncset.done $0x0  }
0x91: {  	[sflag:s23] =	ssyncadd.s32 $0xFFFFEC00  }
0x92: {  	_ =	swait.ge [sflag:s26], $0x1400  }
0x93: {  	[sflag:s26] =	ssyncset.done $0x0  }
0x94: {  	[sflag:s26] =	ssyncadd.s32 $0xFFFFEC00  }
0x95: {  	[spmem:s3] =	stream.indirect.scatter.add.f32 [tilespmem:s22], [sflag:$0x6], $0x80, s0, s14, $0xb8;
	[tilespmem:$0x1F220] =	vst v63  }
0x96: {  	_ =	swait.ge [sflag:s23], $0x1400  }
0x97: {  	s1 =	sadd.s32 $0x1, s1;
	[sflag:s23] =	ssyncset.done $0x0  }
0x98: {  	p0 =	sne.s32 s1, s10;
	[sflag:s23] =	ssyncadd.s32 $0xFFFFEC00  }
.Ltmp1:
0x99: {  	s2 =	sor.u32 $0x1C06, s6;
	[bflag:$0x0] =	sbarrier.arrive $0xFFFF;
	(pc) =	sbr.rel @p0 .LBB2_1-.Ltmp1, $4  }
0x9a: {  	[hbm:s9], [sflag:s2] =	dma.local [spmem:s11], $0x2800  }
0x9b: {  	_ =	swait.ge [sflag:s23], $0x2800  }
0x9c: {  	[sflag:s23] =	ssyncset.done $0x0  }
0x9d: {  	[sflag:s23] =	ssyncadd.s32 $0xFFFFD800  }
0x9e: {  	_ =	sfence.sel $0x180000  }
0x9f: {  	[bflag:$0x0] =	sbarrier.arrive $0xFFFF  }
0xa0: {  	_ =	strace $0x90000050  }
0xa1: {  	s0 =	stileid.u32;
	[bflag:$0x2] =	sbarrier.arrive $0xFFFF  }
0xa2: {  	p0 =	sne.s32 s0, $0x0;
	s0 =	rddreg [dreg:$0x3]  }
0xa3: {  	s0 =	sadd.s32 @!p0 $0x100000, s0  }
0xa4: {  	[sflag:s0] =	ssyncadd.tile.s32 @!p0 $0x1;
	_ =	shalt  }
.Lfunc_end2:
_tile_overlayer_lowered:
.L_overlay_start_2:
0xa5: {  	(tag) =	ssettag $0x2  }
0xa6: {  	s0 =	rddreg [dreg:$0x0];
	s2 =	stileid.u32  }
0xa7: {  	s1 =	rddreg [dreg:$0x1];
	p0 =	sne.s32 s2, $0x0  }
0xa8: {  	s3 =	rddreg [dreg:$0x2];
	[bflag:$0x3] =	sbarrier.arrive $0xFFFF;
	s2 =	simm.s32 @!p0 $0x1C06  }
0xa9: {  	[timem:s3], [sflag:s2] =	dma.local @!p0 [hbm:s0], s1  }
0xaa: {  	s0 =	simm.s32 @!p0 $0x6  }
0xab: {  	_ =	swait.ge @!p0 [sflag:s0], s1  }
0xac: {  	s1 =	ssub.s32 @!p0 $0x0, s1;
	[sflag:s0] =	ssyncset.done @!p0 $0x0  }
0xad: {  	[sflag:s0] =	ssyncadd.s32 @!p0 s1  }
0xae: {  	[bflag:$0x3] =	sbarrier.arrive $0xFFFF  }
0xaf: {  	_ =	shalt  }

</sc_bundles>
